<compile_context>
chip_gen: v7x
topology: tpu7x:2x2x1
jax: 0.10.2.dev20260603
libtpu: 0.0.44.dev20260713+nightly
codegen_flags: <defaults>
</compile_context>

<pallas_src>
import functools

import jax
import jax.numpy as jnp
from jax import lax
from jax.experimental import pallas as pl
from jax.experimental.pallas import tpu as pltpu
from jax.experimental.pallas import tpu_sc as plsc

NC = 2
NS = 16
LANES = 16
K = 80
ZB = 128
DEGW = 16
NB = 5


def _fill_loop(ref, rows, width, value):
  dt = ref.dtype
  lanes = 2 * LANES if dt == jnp.bfloat16 else LANES
  per_row = width // lanes

  def body(i, _):
    r = i // per_row
    g = i % per_row
    ref[r, pl.ds(g * lanes, lanes)] = jnp.full((lanes,), value, dt)
    return 0

  lax.fori_loop(0, rows * per_row, body, 0)


def _build_deg_kernel(n_pad, n_chunks):
  rows_per_sub = n_pad // NS
  chunks_per_worker = n_chunks // (NC * NS)
  mesh = plsc.VectorSubcoreMesh(core_axis_name="c", subcore_axis_name="s")
  out_t = (jax.ShapeDtypeStruct((n_pad, DEGW), jnp.float32),
           jax.ShapeDtypeStruct((n_pad, DEGW), jnp.float32))
  scratch = [
      pltpu.VMEM((chunks_per_worker, K), jnp.int32),
      pltpu.VMEM((K, DEGW), jnp.float32),
      pltpu.VMEM((ZB, DEGW), jnp.float32),
      pltpu.VMEM_SHARED((n_pad, DEGW), jnp.float32),
  ]

  @functools.partial(
      pl.kernel, out_type=out_t, mesh=mesh, scratch_types=scratch,
      compiler_params=pltpu.CompilerParams(use_tc_tiling_on_sc=False))
  def deg_kernel(dst3, deg0, deg1, dstv, ones, zbuf, acc):
    c = lax.axis_index("c")
    s = lax.axis_index("s")
    wid = s * NC + c
    _fill_loop(ones, K, DEGW, 1.0)
    _fill_loop(zbuf, ZB, DEGW, 0.0)
    row_base = s * rows_per_sub

    def zcopy(i, _):
      pltpu.sync_copy(zbuf, acc.at[pl.ds(row_base + i * ZB, ZB)])
      return 0

    lax.fori_loop(0, rows_per_sub // ZB, zcopy, 0)
    pltpu.sync_copy(dst3.at[wid], dstv)
    plsc.subcore_barrier()

    def body(j, _):
      pltpu.sync_copy(ones, acc.at[dstv.at[j]], add=True)
      return 0

    lax.fori_loop(0, chunks_per_worker, body, 0)
    plsc.subcore_barrier()

    @pl.when(c == 0)
    def _():
      pltpu.sync_copy(acc.at[pl.ds(row_base, rows_per_sub)],
                      deg0.at[pl.ds(row_base, rows_per_sub)])

    @pl.when(c == 1)
    def _():
      pltpu.sync_copy(acc.at[pl.ds(row_base, rows_per_sub)],
                      deg1.at[pl.ds(row_base, rows_per_sub)])

  return deg_kernel


def _build_segsum_kernel(n, n_pad, dhalf, n_chunks, dt):
  rows_per_sub = n_pad // NS
  chunks_per_sub = n_chunks // NS
  assert chunks_per_sub % NB == 0
  mesh = plsc.VectorSubcoreMesh(core_axis_name="c", subcore_axis_name="s")
  out_t = (jax.ShapeDtypeStruct((n_pad, dhalf), dt),
           jax.ShapeDtypeStruct((n_pad, dhalf), dt))
  scratch = [
      pltpu.VMEM((chunks_per_sub, K), jnp.int32),
      pltpu.VMEM((chunks_per_sub, K), jnp.int32),
      [pltpu.VMEM((K, dhalf), dt)] * NB,
      pltpu.VMEM((ZB, dhalf), dt),
      pltpu.VMEM_SHARED((n_pad, dhalf), dt),
      [pltpu.SemaphoreType.DMA] * NB,
  ]

  @functools.partial(
      pl.kernel, out_type=out_t, mesh=mesh, scratch_types=scratch,
      compiler_params=pltpu.CompilerParams(use_tc_tiling_on_sc=False))
  def segsum_kernel(pL, pR, src3, dst3, segL, segR,
                    srcv, dstv, bufs, zbuf, acc, sems):
    c = lax.axis_index("c")
    s = lax.axis_index("s")
    _fill_loop(zbuf, ZB, dhalf, 0.0)
    row_base = s * rows_per_sub

    def zcopy(i, _):
      pltpu.sync_copy(zbuf, acc.at[pl.ds(row_base + i * ZB, ZB)])
      return 0

    lax.fori_loop(0, rows_per_sub // ZB, zcopy, 0)
    pltpu.sync_copy(src3.at[s], srcv)
    pltpu.sync_copy(dst3.at[s], dstv)
    plsc.subcore_barrier()

    def core_body(p_ref):
      for b in range(NB):
        pltpu.async_copy(p_ref.at[srcv.at[b]], bufs[b], sems[b])

      def body(it, _):
        g = it * NB
        for b in range(NB):
          j = g + b
          pltpu.make_async_copy(p_ref.at[srcv.at[j]], bufs[b],
                                sems[b]).wait()
          pltpu.sync_copy(bufs[b], acc.at[dstv.at[j]], add=True)

          @pl.when(j + NB < chunks_per_sub)
          def _(b=b, j=j):
            pltpu.async_copy(p_ref.at[srcv.at[j + NB]], bufs[b], sems[b])

        return 0

      lax.fori_loop(0, chunks_per_sub // NB, body, 0)

    @pl.when(c == 0)
    def _():
      core_body(pL)

    @pl.when(c == 1)
    def _():
      core_body(pR)

    plsc.subcore_barrier()

    @pl.when(c == 0)
    def _():
      pltpu.sync_copy(acc.at[pl.ds(row_base, rows_per_sub)],
                      segL.at[pl.ds(row_base, rows_per_sub)])

    @pl.when(c == 1)
    def _():
      pltpu.sync_copy(acc.at[pl.ds(row_base, rows_per_sub)],
                      segR.at[pl.ds(row_base, rows_per_sub)])

  return segsum_kernel




def _prep_body(x_ref, d0_ref, d1_ref, w_ref, pl_ref, pr_ref, dis_ref):
  deg = jnp.sum(d0_ref[...] + d1_ref[...], axis=1, keepdims=True) / DEGW + 1.0
  dis = lax.rsqrt(deg)
  p = jnp.dot(x_ref[...], w_ref[...], preferred_element_type=jnp.float32) * dis
  half = p.shape[1] // 2
  pl_ref[...] = p[:, :half].astype(pl_ref.dtype)
  pr_ref[...] = p[:, half:].astype(pr_ref.dtype)
  dis_ref[...] = dis


def _layer_body(sl_ref, sr_ref, pl_in_ref, pr_in_ref, dis_ref, b_ref, w_ref,
                h_ref, pl_ref, pr_ref):
  dis = dis_ref[...]
  f32 = jnp.float32
  agg = jnp.concatenate(
      [sl_ref[...].astype(f32) + pl_in_ref[...].astype(f32),
       sr_ref[...].astype(f32) + pr_in_ref[...].astype(f32)], axis=1)
  h = jnp.maximum(dis * agg + b_ref[...], 0.0)
  h_ref[...] = h
  p = jnp.dot(h, w_ref[...], preferred_element_type=jnp.float32) * dis
  half = p.shape[1] // 2
  pl_ref[...] = p[:, :half].astype(pl_ref.dtype)
  pr_ref[...] = p[:, half:].astype(pr_ref.dtype)


def _final_body(sl_ref, sr_ref, pl_in_ref, pr_in_ref, dis_ref, b_ref,
                x_ref, h1_ref, h2_ref, wr_ref, br_ref, out_ref):
  dis = dis_ref[...]
  f32 = jnp.float32
  agg = jnp.concatenate(
      [sl_ref[...].astype(f32) + pl_in_ref[...].astype(f32),
       sr_ref[...].astype(f32) + pr_in_ref[...].astype(f32)], axis=1)
  h3 = jnp.maximum(dis * agg + b_ref[...], 0.0)
  d = x_ref.shape[1]
  wr = wr_ref[...]
  acc = jnp.dot(x_ref[...], wr[:d], preferred_element_type=jnp.float32)
  acc += jnp.dot(h1_ref[...], wr[d:2 * d], preferred_element_type=jnp.float32)
  acc += jnp.dot(h2_ref[...], wr[2 * d:3 * d],
                 preferred_element_type=jnp.float32)
  acc += jnp.dot(h3, wr[3 * d:], preferred_element_type=jnp.float32)
  out_ref[...] = acc + br_ref[...]


def _row_spec(r, cols):
  return pl.BlockSpec((r, cols), lambda i: (i, 0))


def _whole_spec(shape):
  return pl.BlockSpec(shape, lambda i: tuple(0 for _ in shape))


def kernel(x, edge_index, W0, b0, W1, b1, W2, b2, Wr, br):
  n, d = x.shape
  e = edge_index.shape[1]
  h_dim = W0.shape[1]
  c_out = Wr.shape[1]
  dhalf = h_dim // 2

  rows_per_sub = -(-n // (NS * ZB)) * ZB
  n_pad = NS * rows_per_sub

  epw = K * NC * NS * NB
  e_pad = -(-e // epw) * epw
  if e_pad != e:
    npad_rows = n_pad - n
    dummy_dst = n + jax.lax.iota(jnp.int32, e_pad - e) % npad_rows
    dummy = jnp.stack(
        [jnp.zeros((e_pad - e,), jnp.int32), dummy_dst], axis=0)
    edge_index = jnp.concatenate([edge_index, dummy], axis=1)
  n_chunks = e_pad // K

  src_ss = edge_index[0].reshape(NS, n_chunks // NS, K)
  dst_ss = edge_index[1].reshape(NS, n_chunks // NS, K)
  dst_dg = edge_index[1].reshape(NC * NS, n_chunks // (NC * NS), K)

  deg_kernel = _build_deg_kernel(n_pad, n_chunks)
  seg_dt = jnp.bfloat16
  segsum_kernel = _build_segsum_kernel(n, n_pad, dhalf, n_chunks, seg_dt)

  R = 2000
  grid = (n // R,)

  prep = pl.pallas_call(
      _prep_body,
      grid=grid,
      in_specs=[_row_spec(R, d), _row_spec(R, DEGW), _row_spec(R, DEGW),
                _whole_spec((d, h_dim))],
      out_specs=[_row_spec(R, dhalf), _row_spec(R, dhalf), _row_spec(R, 1)],
      out_shape=[jax.ShapeDtypeStruct((n, dhalf), seg_dt),
                 jax.ShapeDtypeStruct((n, dhalf), seg_dt),
                 jax.ShapeDtypeStruct((n, 1), jnp.float32)],
  )

  layer = pl.pallas_call(
      _layer_body,
      grid=grid,
      in_specs=[_row_spec(R, dhalf), _row_spec(R, dhalf),
                _row_spec(R, dhalf), _row_spec(R, dhalf),
                _row_spec(R, 1), _whole_spec((1, h_dim)),
                _whole_spec((h_dim, h_dim))],
      out_specs=[_row_spec(R, h_dim), _row_spec(R, dhalf),
                 _row_spec(R, dhalf)],
      out_shape=[jax.ShapeDtypeStruct((n, h_dim), jnp.float32),
                 jax.ShapeDtypeStruct((n, dhalf), seg_dt),
                 jax.ShapeDtypeStruct((n, dhalf), seg_dt)],
  )

  final = pl.pallas_call(
      _final_body,
      grid=grid,
      in_specs=[_row_spec(R, dhalf), _row_spec(R, dhalf),
                _row_spec(R, dhalf), _row_spec(R, dhalf),
                _row_spec(R, 1), _whole_spec((1, h_dim)),
                _row_spec(R, d), _row_spec(R, h_dim), _row_spec(R, h_dim),
                _whole_spec((d + 3 * h_dim, c_out)),
                _whole_spec((1, c_out))],
      out_specs=[_row_spec(R, c_out)],
      out_shape=[jax.ShapeDtypeStruct((n, c_out), jnp.float32)],
  )

  deg0, deg1 = deg_kernel(dst_dg)
  pL, pR, dis = prep(x, deg0, deg1, W0)
  b0r = b0.reshape(1, h_dim)
  b1r = b1.reshape(1, h_dim)
  b2r = b2.reshape(1, h_dim)
  brr = br.reshape(1, c_out)

  segL, segR = segsum_kernel(pL, pR, src_ss, dst_ss)
  h1, pL, pR = layer(segL, segR, pL, pR, dis, b0r, W1)
  segL, segR = segsum_kernel(pL, pR, src_ss, dst_ss)
  h2, pL, pR = layer(segL, segR, pL, pR, dis, b1r, W2)
  segL, segR = segsum_kernel(pL, pR, src_ss, dst_ss)
  (out,) = final(segL, segR, pL, pR, dis, b2r, x, h1, h2, Wr, brr)
  return out

# --- scband reference (transcript-rebuilt; emitter-appended) ---
"""Pipeline reference for scband-jknet-model-51754355917403 (READ-ONLY COPY).

The authoritative reference and input builder live on the scoring server;
editing this copy changes nothing except your own understanding.
"""

import jax, jax.numpy as jnp
import numpy as np

N = 10000
E = 320000
D = 128
H = 128
C = 40


def setup_inputs(seed: int = 0) -> dict:
    key = jax.random.key(seed)
    ks = jax.random.split(key, 12)
    x = jax.random.normal(ks[0], (N, D), dtype=jnp.float32)
    edge_index = jax.random.randint(ks[1], (2, E), 0, N, dtype=jnp.int32)
    s = 1.0 / np.sqrt(D)
    W0 = jax.random.normal(ks[2], (D, H), dtype=jnp.float32) * s
    b0 = jnp.zeros((H,), dtype=jnp.float32)
    W1 = jax.random.normal(ks[3], (H, H), dtype=jnp.float32) * (1.0 / np.sqrt(H))
    b1 = jnp.zeros((H,), dtype=jnp.float32)
    W2 = jax.random.normal(ks[4], (H, H), dtype=jnp.float32) * (1.0 / np.sqrt(H))
    b2 = jnp.zeros((H,), dtype=jnp.float32)
    Wr = jax.random.normal(ks[5], (D + 3 * H, C), dtype=jnp.float32) * (1.0 / np.sqrt(D + 3 * H))
    br = jnp.zeros((C,), dtype=jnp.float32)
    return {"x": x, "edge_index": edge_index, "W0": W0, "b0": b0, "W1": W1, "b1": b1, "W2": W2, "b2": b2, "Wr": Wr, "br": br}


def _gcn_layer(h, src, dst, dis, W, b):
    h = h @ W
    msg = h[src] * dis[src][:, None] * dis[dst][:, None]
    agg = jax.ops.segment_sum(msg, dst, num_segments=N)
    agg = agg + h * (dis * dis)[:, None]  # self-loop contribution
    return jax.nn.relu(agg + b)


def reference(x, edge_index, W0, b0, W1, b1, W2, b2, Wr, br):
    src = edge_index[0]
    dst = edge_index[1]
    deg = jnp.bincount(dst, length=N).astype(jnp.float32) + 1.0  # +1 for self loop
    dis = 1.0 / jnp.sqrt(deg)
    feats = [x]
    h = x
    for (W, b) in ((W0, b0), (W1, b1), (W2, b2)):
        h = _gcn_layer(h, src, dst, dis, W, b)
        feats.append(h)
    cat = jnp.concatenate(feats, axis=1)
    out = cat @ Wr + br  # readout dense (dropout is identity at eval)
    return out

if __name__ == "__main__":
    import jax
    _d = setup_inputs()
    print(jax.jit(kernel)(*tuple(_d.values())))

</pallas_src>

<mosaic_0001>
#map = affine_map<(d0, d1) -> (0, 0, 0)>
#map1 = affine_map<(d0, d1) -> (0, 0)>
module attributes {stable_mosaic.version = 14 : i64} {
  func.func @deg_kernel(%arg0: i32, %arg1: i32, %arg2: memref<32x125x80xi32, #tpu.memory_space<hbm>>, %arg3: memref<10240x16xf32, #tpu.memory_space<hbm>>, %arg4: memref<10240x16xf32, #tpu.memory_space<hbm>>, %arg5: memref<125x80xi32, #tpu.memory_space<vmem>>, %arg6: memref<80x16xf32, #tpu.memory_space<vmem>>, %arg7: memref<128x16xf32, #tpu.memory_space<vmem>>, %arg8: memref<10240x16xf32, #tpu.memory_space<vmem_shared>>) attributes {dimension_semantics = [#tpu.dimension_semantics<core_parallel>, #tpu.dimension_semantics<subcore_parallel>], iteration_bounds = array<i64: 2, 16>, scalar_prefetch = 0 : i64, scratch_operands = 4 : i64, tpu.core_type = #tpu.core_type<sc_vector_subcore>, window_params = [{transform_indices = #map}, {transform_indices = #map1}, {transform_indices = #map1}]} {
    %mul3A = arith.constant 2 : i32
    %mul3A_0 = arith.muli %arg1, %mul3A : i32
    %add3A = arith.addi %mul3A_0, %arg0 : i32
    %scan3A = arith.constant 0 : i32
    %scan3A_1 = arith.constant 0 : i32
    %scan3A_2 = arith.constant 80 : i32
    %scan3A_3 = arith.addi %scan3A_1, %scan3A_2 : i32
    %scan3A_4 = arith.constant 1 : i32
    %scan3A_5 = scf.for %scan3A_38 = %scan3A_1 to %scan3A_3 step %scan3A_4 iter_args(%scan3A_39 = %scan3A) -> (i32)  : i32 {
      %jit3A = arith.constant 1 : i32
      %div3A = arith.divsi %scan3A_38, %jit3A : i32
      %sign3A = arith.constant 0 : i32
      %sign3A_40 = arith.cmpi sgt, %scan3A_38, %sign3A : i32
      %sign3A_41 = arith.extui %sign3A_40 : i1 to i32
      %sign3A_42 = arith.constant 0 : i32
      %sign3A_43 = arith.cmpi slt, %scan3A_38, %sign3A_42 : i32
      %sign3A_44 = arith.extui %sign3A_43 : i1 to i32
      %sign3A_45 = arith.subi %sign3A_41, %sign3A_44 : i32
      %sign3A_46 = arith.constant 0 : i32
      %sign3A_47 = arith.cmpi sgt, %jit3A, %sign3A_46 : i32
      %sign3A_48 = arith.extui %sign3A_47 : i1 to i32
      %sign3A_49 = arith.constant 0 : i32
      %sign3A_50 = arith.cmpi slt, %jit3A, %sign3A_49 : i32
      %sign3A_51 = arith.extui %sign3A_50 : i1 to i32
      %sign3A_52 = arith.subi %sign3A_48, %sign3A_51 : i32
      %ne3A = arith.cmpi ne, %sign3A_45, %sign3A_52 : i32
      %rem3A = arith.remsi %scan3A_38, %jit3A : i32
      %ne3A_53 = arith.constant 0 : i32
      %ne3A_54 = arith.cmpi ne, %rem3A, %ne3A_53 : i32
      %and3A = arith.andi %ne3A, %ne3A_54 : i1
      %sub3A = arith.constant 1 : i32
      %sub3A_55 = arith.subi %div3A, %sub3A : i32
      %select_n3A = arith.select %and3A, %sub3A_55, %div3A : i32
      %jit3A_56 = arith.constant 1 : i32
      %eq3A_57 = arith.constant 0 : i32
      %eq3A_58 = arith.cmpi eq, %jit3A_56, %eq3A_57 : i32
      %jit3A_59 = arith.constant 1 : i32
      %select_n3A_60 = arith.select %eq3A_58, %jit3A_59, %jit3A_56 : i32
      %rem3A_61 = arith.remsi %scan3A_38, %select_n3A_60 : i32
      %ne3A_62 = arith.constant 0 : i32
      %ne3A_63 = arith.cmpi ne, %rem3A_61, %ne3A_62 : i32
      %lt3A = arith.constant 0 : i32
      %lt3A_64 = arith.cmpi slt, %rem3A_61, %lt3A : i32
      %lt3A_65 = arith.constant 0 : i32
      %lt3A_66 = arith.cmpi slt, %select_n3A_60, %lt3A_65 : i32
      %ne3A_67 = arith.xori %lt3A_64, %lt3A_66 : i1
      %and3A_68 = arith.andi %ne3A_67, %ne3A_63 : i1
      %add3A_69 = arith.addi %rem3A_61, %select_n3A_60 : i32
      %select_n3A_70 = arith.select %and3A_68, %add3A_69, %rem3A_61 : i32
      %broadcast_in_dim3A = arith.constant 1.000000e+00 : f32
      %broadcast_in_dim3A_71 = vector.broadcast %broadcast_in_dim3A : f32 to vector<16xf32>
      %mul3A_72 = arith.constant 16 : i32
      %mul3A_73 = arith.muli %select_n3A_70, %mul3A_72 : i32
      %swap3A = arith.index_cast %select_n3A : i32 to index
      %swap3A_74 = arith.index_cast %mul3A_73 : i32 to index
      %swap3A_75 = tpu.vector_load %arg6[%swap3A, %swap3A_74] {strides = array<i32>} : memref<80x16xf32, #tpu.memory_space<vmem>>, vector<1x16xf32>,
      %swap3A_76 = vector.shape_cast %swap3A_75 : vector<1x16xf32> to vector<16xf32>
      %swap3A_77 = vector.shape_cast %broadcast_in_dim3A_71 : vector<16xf32> to vector<1x16xf32>
      tpu.vector_store %arg6[%swap3A, %swap3A_74], %swap3A_77 {strides = array<i32>} : memref<80x16xf32, #tpu.memory_space<vmem>>, vector<1x16xf32>,
      %scan3A_78 = arith.constant 0 : i32
      scf.yield %scan3A_78 : i32
    }
    %scan3A_6 = arith.constant 80 : i32
    %scan3A_7 = arith.constant 0 : i32
    %scan3A_8 = arith.constant 0 : i32
    %scan3A_9 = arith.constant 128 : i32
    %scan3A_10 = arith.addi %scan3A_8, %scan3A_9 : i32
    %scan3A_11 = arith.constant 1 : i32
    %scan3A_12 = scf.for %scan3A_38 = %scan3A_8 to %scan3A_10 step %scan3A_11 iter_args(%scan3A_39 = %scan3A_7) -> (i32)  : i32 {
      %jit3A = arith.constant 1 : i32
      %div3A = arith.divsi %scan3A_38, %jit3A : i32
      %sign3A = arith.constant 0 : i32
      %sign3A_40 = arith.cmpi sgt, %scan3A_38, %sign3A : i32
      %sign3A_41 = arith.extui %sign3A_40 : i1 to i32
      %sign3A_42 = arith.constant 0 : i32
      %sign3A_43 = arith.cmpi slt, %scan3A_38, %sign3A_42 : i32
      %sign3A_44 = arith.extui %sign3A_43 : i1 to i32
      %sign3A_45 = arith.subi %sign3A_41, %sign3A_44 : i32
      %sign3A_46 = arith.constant 0 : i32
      %sign3A_47 = arith.cmpi sgt, %jit3A, %sign3A_46 : i32
      %sign3A_48 = arith.extui %sign3A_47 : i1 to i32
      %sign3A_49 = arith.constant 0 : i32
      %sign3A_50 = arith.cmpi slt, %jit3A, %sign3A_49 : i32
      %sign3A_51 = arith.extui %sign3A_50 : i1 to i32
      %sign3A_52 = arith.subi %sign3A_48, %sign3A_51 : i32
      %ne3A = arith.cmpi ne, %sign3A_45, %sign3A_52 : i32
      %rem3A = arith.remsi %scan3A_38, %jit3A : i32
      %ne3A_53 = arith.constant 0 : i32
      %ne3A_54 = arith.cmpi ne, %rem3A, %ne3A_53 : i32
      %and3A = arith.andi %ne3A, %ne3A_54 : i1
      %sub3A = arith.constant 1 : i32
      %sub3A_55 = arith.subi %div3A, %sub3A : i32
      %select_n3A = arith.select %and3A, %sub3A_55, %div3A : i32
      %jit3A_56 = arith.constant 1 : i32
      %eq3A_57 = arith.constant 0 : i32
      %eq3A_58 = arith.cmpi eq, %jit3A_56, %eq3A_57 : i32
      %jit3A_59 = arith.constant 1 : i32
      %select_n3A_60 = arith.select %eq3A_58, %jit3A_59, %jit3A_56 : i32
      %rem3A_61 = arith.remsi %scan3A_38, %select_n3A_60 : i32
      %ne3A_62 = arith.constant 0 : i32
      %ne3A_63 = arith.cmpi ne, %rem3A_61, %ne3A_62 : i32
      %lt3A = arith.constant 0 : i32
      %lt3A_64 = arith.cmpi slt, %rem3A_61, %lt3A : i32
      %lt3A_65 = arith.constant 0 : i32
      %lt3A_66 = arith.cmpi slt, %select_n3A_60, %lt3A_65 : i32
      %ne3A_67 = arith.xori %lt3A_64, %lt3A_66 : i1
      %and3A_68 = arith.andi %ne3A_67, %ne3A_63 : i1
      %add3A_69 = arith.addi %rem3A_61, %select_n3A_60 : i32
      %select_n3A_70 = arith.select %and3A_68, %add3A_69, %rem3A_61 : i32
      %broadcast_in_dim3A = arith.constant 0.000000e+00 : f32
      %broadcast_in_dim3A_71 = vector.broadcast %broadcast_in_dim3A : f32 to vector<16xf32>
      %mul3A_72 = arith.constant 16 : i32
      %mul3A_73 = arith.muli %select_n3A_70, %mul3A_72 : i32
      %swap3A = arith.index_cast %select_n3A : i32 to index
      %swap3A_74 = arith.index_cast %mul3A_73 : i32 to index
      %swap3A_75 = tpu.vector_load %arg7[%swap3A, %swap3A_74] {strides = array<i32>} : memref<128x16xf32, #tpu.memory_space<vmem>>, vector<1x16xf32>,
      %swap3A_76 = vector.shape_cast %swap3A_75 : vector<1x16xf32> to vector<16xf32>
      %swap3A_77 = vector.shape_cast %broadcast_in_dim3A_71 : vector<16xf32> to vector<1x16xf32>
      tpu.vector_store %arg7[%swap3A, %swap3A_74], %swap3A_77 {strides = array<i32>} : memref<128x16xf32, #tpu.memory_space<vmem>>, vector<1x16xf32>,
      %scan3A_78 = arith.constant 0 : i32
      scf.yield %scan3A_78 : i32
    }
    %scan3A_13 = arith.constant 128 : i32
    %mul3A_14 = arith.constant 640 : i32
    %mul3A_15 = arith.muli %arg1, %mul3A_14 : i32
    %scan3A_16 = arith.constant 0 : i32
    %scan3A_17 = arith.constant 0 : i32
    %scan3A_18 = arith.constant 5 : i32
    %scan3A_19 = arith.addi %scan3A_17, %scan3A_18 : i32
    %scan3A_20 = arith.constant 1 : i32
    %scan3A_21 = scf.for %scan3A_38 = %scan3A_17 to %scan3A_19 step %scan3A_20 iter_args(%scan3A_39 = %scan3A_16) -> (i32)  : i32 {
      %mul3A_40 = arith.constant 128 : i32
      %mul3A_41 = arith.muli %scan3A_38, %mul3A_40 : i32
      %add3A_42 = arith.addi %mul3A_15, %mul3A_41 : i32
      "tpu.region"() ({
        %run_scoped3A = tpu.sem_alloc : memref<!tpu.dma_semaphore, #tpu.memory_space<semaphore_mem>>
        %dma_start3A = arith.constant 0 : i32
        %dma_start3A_44 = tpu.memref_slice %arg8[%add3A_42, %dma_start3A] : memref<10240x16xf32, #tpu.memory_space<vmem_shared>> -> memref<128x16xf32, #tpu.memory_space<vmem_shared>>
        %dma_start3A_45 = arith.constant 0 : i32
        %dma_start3A_46 = tpu.memref_slice %arg8[%add3A_42, %dma_start3A_45] : memref<10240x16xf32, #tpu.memory_space<vmem_shared>> -> memref<128x16xf32, #tpu.memory_space<vmem_shared>>
        tpu.enqueue_dma source(%arg7 : memref<128x16xf32, #tpu.memory_space<vmem>>) target(%dma_start3A_46 : memref<128x16xf32, #tpu.memory_space<vmem_shared>>) target_semaphore(%run_scoped3A : memref<!tpu.dma_semaphore, #tpu.memory_space<semaphore_mem>>)
        %dma_wait3A = arith.constant 0 : i32
        %dma_wait3A_47 = tpu.memref_slice %arg8[%add3A_42, %dma_wait3A] : memref<10240x16xf32, #tpu.memory_space<vmem_shared>> -> memref<128x16xf32, #tpu.memory_space<vmem_shared>>
        %dma_wait3A_48 = arith.constant 0 : i32
        %dma_wait3A_49 = tpu.memref_slice %arg8[%add3A_42, %dma_wait3A_48] : memref<10240x16xf32, #tpu.memory_space<vmem_shared>> -> memref<128x16xf32, #tpu.memory_space<vmem_shared>>
        tpu.wait_dma2 semaphore(%run_scoped3A : memref<!tpu.dma_semaphore, #tpu.memory_space<semaphore_mem>>) src(%arg7 : memref<128x16xf32, #tpu.memory_space<vmem>>) dst(%dma_wait3A_49 : memref<128x16xf32, #tpu.memory_space<vmem_shared>>)
        tpu.yield
      }) : () -> ()
      %scan3A_43 = arith.constant 0 : i32
      scf.yield %scan3A_43 : i32
    }
    %scan3A_22 = arith.constant 5 : i32
    "tpu.region"() ({
      %run_scoped3A = tpu.sem_alloc : memref<!tpu.dma_semaphore, #tpu.memory_space<semaphore_mem>>
      %dma_start3A = arith.constant 0 : i32
      %dma_start3A_38 = arith.constant 0 : i32
      %dma_start3A_39 = tpu.memref_slice %arg2[%add3A, %dma_start3A, %dma_start3A_38] : memref<32x125x80xi32, #tpu.memory_space<hbm>> -> memref<1x125x80xi32, #tpu.memory_space<hbm>>
      %dma_start3A_40 = tpu.memref_squeeze %dma_start3A_39 : memref<1x125x80xi32, #tpu.memory_space<hbm>> -> memref<125x80xi32, #tpu.memory_space<hbm>>
      %dma_start3A_41 = arith.constant 0 : i32
      %dma_start3A_42 = arith.constant 0 : i32
      %dma_start3A_43 = tpu.memref_slice %arg2[%add3A, %dma_start3A_41, %dma_start3A_42] : memref<32x125x80xi32, #tpu.memory_space<hbm>> -> memref<1x125x80xi32, #tpu.memory_space<hbm>>
      %dma_start3A_44 = tpu.memref_squeeze %dma_start3A_43 : memref<1x125x80xi32, #tpu.memory_space<hbm>> -> memref<125x80xi32, #tpu.memory_space<hbm>>
      tpu.enqueue_dma source(%dma_start3A_44 : memref<125x80xi32, #tpu.memory_space<hbm>>) target(%arg5 : memref<125x80xi32, #tpu.memory_space<vmem>>) target_semaphore(%run_scoped3A : memref<!tpu.dma_semaphore, #tpu.memory_space<semaphore_mem>>)
      %dma_wait3A = arith.constant 0 : i32
      %dma_wait3A_45 = arith.constant 0 : i32
      %dma_wait3A_46 = tpu.memref_slice %arg2[%add3A, %dma_wait3A, %dma_wait3A_45] : memref<32x125x80xi32, #tpu.memory_space<hbm>> -> memref<1x125x80xi32, #tpu.memory_space<hbm>>
      %dma_wait3A_47 = tpu.memref_squeeze %dma_wait3A_46 : memref<1x125x80xi32, #tpu.memory_space<hbm>> -> memref<125x80xi32, #tpu.memory_space<hbm>>
      %dma_wait3A_48 = arith.constant 0 : i32
      %dma_wait3A_49 = arith.constant 0 : i32
      %dma_wait3A_50 = tpu.memref_slice %arg2[%add3A, %dma_wait3A_48, %dma_wait3A_49] : memref<32x125x80xi32, #tpu.memory_space<hbm>> -> memref<1x125x80xi32, #tpu.memory_space<hbm>>
      %dma_wait3A_51 = tpu.memref_squeeze %dma_wait3A_50 : memref<1x125x80xi32, #tpu.memory_space<hbm>> -> memref<125x80xi32, #tpu.memory_space<hbm>>
      tpu.wait_dma2 semaphore(%run_scoped3A : memref<!tpu.dma_semaphore, #tpu.memory_space<semaphore_mem>>) src(%dma_wait3A_51 : memref<125x80xi32, #tpu.memory_space<hbm>>) dst(%arg5 : memref<125x80xi32, #tpu.memory_space<vmem>>)
      tpu.yield
    }) : () -> ()
    %barrier3A = arith.constant 0 : index
    tpu.barrier barrier_id(%barrier3A)
    %scan3A_23 = arith.constant 0 : i32
    %scan3A_24 = arith.constant 0 : i32
    %scan3A_25 = arith.constant 125 : i32
    %scan3A_26 = arith.addi %scan3A_24, %scan3A_25 : i32
    %scan3A_27 = arith.constant 1 : i32
    %scan3A_28 = scf.for %scan3A_38 = %scan3A_24 to %scan3A_26 step %scan3A_27 iter_args(%scan3A_39 = %scan3A_23) -> (i32)  : i32 {
      "tpu.region"() ({
        %run_scoped3A = tpu.sem_alloc : memref<!tpu.dma_semaphore, #tpu.memory_space<semaphore_mem>>
        %dma_start3A = arith.constant 0 : i32
        %dma_start3A_41 = tpu.memref_slice %arg5[%scan3A_38, %dma_start3A] : memref<125x80xi32, #tpu.memory_space<vmem>> -> memref<1x80xi32, #tpu.memory_space<vmem>>
        %dma_start3A_42 = tpu.memref_squeeze %dma_start3A_41 : memref<1x80xi32, #tpu.memory_space<vmem>> -> memref<80xi32, #tpu.memory_space<vmem>>
        %dma_start3A_43 = arith.constant 0 : i32
        %dma_start3A_44 = arith.constant 0 : i32
        %dma_start3A_45 = tpu.memref_slice %arg8[%dma_start3A_43, %dma_start3A_44] : memref<10240x16xf32, #tpu.memory_space<vmem_shared>> -> memref<10240x16xf32, #tpu.memory_space<vmem_shared>>
        tpu.enqueue_indirect_dma source(%arg6 : memref<80x16xf32, #tpu.memory_space<vmem>>) target(%dma_start3A_45 : memref<10240x16xf32, #tpu.memory_space<vmem_shared>>) offsets(%dma_start3A_42 : memref<80xi32, #tpu.memory_space<vmem>>) semaphore(%run_scoped3A : memref<!tpu.dma_semaphore, #tpu.memory_space<semaphore_mem>>) {add = true}
        %dma_wait3A = arith.constant 0 : i32
        %dma_wait3A_46 = tpu.memref_slice %arg5[%scan3A_38, %dma_wait3A] : memref<125x80xi32, #tpu.memory_space<vmem>> -> memref<1x80xi32, #tpu.memory_space<vmem>>
        %dma_wait3A_47 = tpu.memref_squeeze %dma_wait3A_46 : memref<1x80xi32, #tpu.memory_space<vmem>> -> memref<80xi32, #tpu.memory_space<vmem>>
        %dma_wait3A_48 = arith.constant 0 : i32
        %dma_wait3A_49 = arith.constant 0 : i32
        %dma_wait3A_50 = tpu.memref_slice %arg8[%dma_wait3A_48, %dma_wait3A_49] : memref<10240x16xf32, #tpu.memory_space<vmem_shared>> -> memref<10240x16xf32, #tpu.memory_space<vmem_shared>>
        tpu.wait_indirect_dma semaphore(%run_scoped3A : memref<!tpu.dma_semaphore, #tpu.memory_space<semaphore_mem>>) src(%arg6 : memref<80x16xf32, #tpu.memory_space<vmem>>) dst(%dma_wait3A_50 : memref<10240x16xf32, #tpu.memory_space<vmem_shared>>)
        tpu.yield
      }) : () -> ()
      %scan3A_40 = arith.constant 0 : i32
      scf.yield %scan3A_40 : i32
    }
    %scan3A_29 = arith.constant 125 : i32
    %barrier3A_30 = arith.constant 0 : index
    tpu.barrier barrier_id(%barrier3A_30)
    %eq3A = arith.constant 0 : i32
    %eq3A_31 = arith.cmpi eq, %arg0, %eq3A : i32
    %convert_element_type3A = arith.extui %eq3A_31 : i1 to i32
    %cond3A = arith.constant 0 : i32
    %cond3A_32 = arith.cmpi ne, %convert_element_type3A, %cond3A : i32
    scf.if %cond3A_32 {
      "tpu.region"() ({
        %run_scoped3A = tpu.sem_alloc : memref<!tpu.dma_semaphore, #tpu.memory_space<semaphore_mem>>
        %dma_start3A = arith.constant 0 : i32
        %dma_start3A_38 = tpu.memref_slice %arg3[%mul3A_15, %dma_start3A] : memref<10240x16xf32, #tpu.memory_space<hbm>> -> memref<640x16xf32, #tpu.memory_space<hbm>>
        %dma_start3A_39 = arith.constant 0 : i32
        %dma_start3A_40 = tpu.memref_slice %arg8[%mul3A_15, %dma_start3A_39] : memref<10240x16xf32, #tpu.memory_space<vmem_shared>> -> memref<640x16xf32, #tpu.memory_space<vmem_shared>>
        tpu.enqueue_dma source(%dma_start3A_40 : memref<640x16xf32, #tpu.memory_space<vmem_shared>>) target(%dma_start3A_38 : memref<640x16xf32, #tpu.memory_space<hbm>>) target_semaphore(%run_scoped3A : memref<!tpu.dma_semaphore, #tpu.memory_space<semaphore_mem>>)
        %dma_wait3A = arith.constant 0 : i32
        %dma_wait3A_41 = tpu.memref_slice %arg3[%mul3A_15, %dma_wait3A] : memref<10240x16xf32, #tpu.memory_space<hbm>> -> memref<640x16xf32, #tpu.memory_space<hbm>>
        %dma_wait3A_42 = arith.constant 0 : i32
        %dma_wait3A_43 = tpu.memref_slice %arg8[%mul3A_15, %dma_wait3A_42] : memref<10240x16xf32, #tpu.memory_space<vmem_shared>> -> memref<640x16xf32, #tpu.memory_space<vmem_shared>>
        tpu.wait_dma2 semaphore(%run_scoped3A : memref<!tpu.dma_semaphore, #tpu.memory_space<semaphore_mem>>) src(%dma_wait3A_43 : memref<640x16xf32, #tpu.memory_space<vmem_shared>>) dst(%dma_wait3A_41 : memref<640x16xf32, #tpu.memory_space<hbm>>)
        tpu.yield
      }) : () -> ()
    } else {
    }
    %eq3A_33 = arith.constant 1 : i32
    %eq3A_34 = arith.cmpi eq, %arg0, %eq3A_33 : i32
    %convert_element_type3A_35 = arith.extui %eq3A_34 : i1 to i32
    %cond3A_36 = arith.constant 0 : i32
    %cond3A_37 = arith.cmpi ne, %convert_element_type3A_35, %cond3A_36 : i32
    scf.if %cond3A_37 {
      "tpu.region"() ({
        %run_scoped3A = tpu.sem_alloc : memref<!tpu.dma_semaphore, #tpu.memory_space<semaphore_mem>>
        %dma_start3A = arith.constant 0 : i32
        %dma_start3A_38 = tpu.memref_slice %arg4[%mul3A_15, %dma_start3A] : memref<10240x16xf32, #tpu.memory_space<hbm>> -> memref<640x16xf32, #tpu.memory_space<hbm>>
        %dma_start3A_39 = arith.constant 0 : i32
        %dma_start3A_40 = tpu.memref_slice %arg8[%mul3A_15, %dma_start3A_39] : memref<10240x16xf32, #tpu.memory_space<vmem_shared>> -> memref<640x16xf32, #tpu.memory_space<vmem_shared>>
        tpu.enqueue_dma source(%dma_start3A_40 : memref<640x16xf32, #tpu.memory_space<vmem_shared>>) target(%dma_start3A_38 : memref<640x16xf32, #tpu.memory_space<hbm>>) target_semaphore(%run_scoped3A : memref<!tpu.dma_semaphore, #tpu.memory_space<semaphore_mem>>)
        %dma_wait3A = arith.constant 0 : i32
        %dma_wait3A_41 = tpu.memref_slice %arg4[%mul3A_15, %dma_wait3A] : memref<10240x16xf32, #tpu.memory_space<hbm>> -> memref<640x16xf32, #tpu.memory_space<hbm>>
        %dma_wait3A_42 = arith.constant 0 : i32
        %dma_wait3A_43 = tpu.memref_slice %arg8[%mul3A_15, %dma_wait3A_42] : memref<10240x16xf32, #tpu.memory_space<vmem_shared>> -> memref<640x16xf32, #tpu.memory_space<vmem_shared>>
        tpu.wait_dma2 semaphore(%run_scoped3A : memref<!tpu.dma_semaphore, #tpu.memory_space<semaphore_mem>>) src(%dma_wait3A_43 : memref<640x16xf32, #tpu.memory_space<vmem_shared>>) dst(%dma_wait3A_41 : memref<640x16xf32, #tpu.memory_space<hbm>>)
        tpu.yield
      }) : () -> ()
    } else {
    }
    return
  }
}

#map = affine_map<(d0, d1) -> (0, 0)>
#map1 = affine_map<(d0, d1) -> (0, 0, 0)>
module attributes {stable_mosaic.version = 14 : i64} {
  func.func @segsum_kernel(%arg0: i32, %arg1: i32, %arg2: memref<10000x64xbf16, #tpu.memory_space<hbm>>, %arg3: memref<10000x64xbf16, #tpu.memory_space<hbm>>, %arg4: memref<16x250x80xi32, #tpu.memory_space<hbm>>, %arg5: memref<16x250x80xi32, #tpu.memory_space<hbm>>, %arg6: memref<10240x64xbf16, #tpu.memory_space<hbm>>, %arg7: memref<10240x64xbf16, #tpu.memory_space<hbm>>, %arg8: memref<250x80xi32, #tpu.memory_space<vmem>>, %arg9: memref<250x80xi32, #tpu.memory_space<vmem>>, %arg10: memref<80x64xbf16, #tpu.memory_space<vmem>>, %arg11: memref<80x64xbf16, #tpu.memory_space<vmem>>, %arg12: memref<80x64xbf16, #tpu.memory_space<vmem>>, %arg13: memref<80x64xbf16, #tpu.memory_space<vmem>>, %arg14: memref<80x64xbf16, #tpu.memory_space<vmem>>, %arg15: memref<128x64xbf16, #tpu.memory_space<vmem>>, %arg16: memref<10240x64xbf16, #tpu.memory_space<vmem_shared>>, %arg17: memref<!tpu.dma_semaphore, #tpu.memory_space<semaphore_mem>>, %arg18: memref<!tpu.dma_semaphore, #tpu.memory_space<semaphore_mem>>, %arg19: memref<!tpu.dma_semaphore, #tpu.memory_space<semaphore_mem>>, %arg20: memref<!tpu.dma_semaphore, #tpu.memory_space<semaphore_mem>>, %arg21: memref<!tpu.dma_semaphore, #tpu.memory_space<semaphore_mem>>) attributes {dimension_semantics = [#tpu.dimension_semantics<core_parallel>, #tpu.dimension_semantics<subcore_parallel>], iteration_bounds = array<i64: 2, 16>, scalar_prefetch = 0 : i64, scratch_operands = 14 : i64, tpu.core_type = #tpu.core_type<sc_vector_subcore>, window_params = [{transform_indices = #map}, {transform_indices = #map}, {transform_indices = #map1}, {transform_indices = #map1}, {transform_indices = #map}, {transform_indices = #map}]} {
    %scan3A = arith.constant 0 : i32
    %scan3A_0 = arith.constant 0 : i32
    %scan3A_1 = arith.constant 256 : i32
    %scan3A_2 = arith.addi %scan3A_0, %scan3A_1 : i32
    %scan3A_3 = arith.constant 1 : i32
    %scan3A_4 = scf.for %scan3A_32 = %scan3A_0 to %scan3A_2 step %scan3A_3 iter_args(%scan3A_33 = %scan3A) -> (i32)  : i32 {
      %jit3A = arith.constant 2 : i32
      %div3A = arith.divsi %scan3A_32, %jit3A : i32
      %sign3A = arith.constant 0 : i32
      %sign3A_34 = arith.cmpi sgt, %scan3A_32, %sign3A : i32
      %sign3A_35 = arith.extui %sign3A_34 : i1 to i32
      %sign3A_36 = arith.constant 0 : i32
      %sign3A_37 = arith.cmpi slt, %scan3A_32, %sign3A_36 : i32
      %sign3A_38 = arith.extui %sign3A_37 : i1 to i32
      %sign3A_39 = arith.subi %sign3A_35, %sign3A_38 : i32
      %sign3A_40 = arith.constant 0 : i32
      %sign3A_41 = arith.cmpi sgt, %jit3A, %sign3A_40 : i32
      %sign3A_42 = arith.extui %sign3A_41 : i1 to i32
      %sign3A_43 = arith.constant 0 : i32
      %sign3A_44 = arith.cmpi slt, %jit3A, %sign3A_43 : i32
      %sign3A_45 = arith.extui %sign3A_44 : i1 to i32
      %sign3A_46 = arith.subi %sign3A_42, %sign3A_45 : i32
      %ne3A = arith.cmpi ne, %sign3A_39, %sign3A_46 : i32
      %rem3A = arith.remsi %scan3A_32, %jit3A : i32
      %ne3A_47 = arith.constant 0 : i32
      %ne3A_48 = arith.cmpi ne, %rem3A, %ne3A_47 : i32
      %and3A = arith.andi %ne3A, %ne3A_48 : i1
      %sub3A = arith.constant 1 : i32
      %sub3A_49 = arith.subi %div3A, %sub3A : i32
      %select_n3A = arith.select %and3A, %sub3A_49, %div3A : i32
      %jit3A_50 = arith.constant 2 : i32
      %eq3A_51 = arith.constant 0 : i32
      %eq3A_52 = arith.cmpi eq, %jit3A_50, %eq3A_51 : i32
      %jit3A_53 = arith.constant 1 : i32
      %select_n3A_54 = arith.select %eq3A_52, %jit3A_53, %jit3A_50 : i32
      %rem3A_55 = arith.remsi %scan3A_32, %select_n3A_54 : i32
      %ne3A_56 = arith.constant 0 : i32
      %ne3A_57 = arith.cmpi ne, %rem3A_55, %ne3A_56 : i32
      %lt3A = arith.constant 0 : i32
      %lt3A_58 = arith.cmpi slt, %rem3A_55, %lt3A : i32
      %lt3A_59 = arith.constant 0 : i32
      %lt3A_60 = arith.cmpi slt, %select_n3A_54, %lt3A_59 : i32
      %ne3A_61 = arith.xori %lt3A_58, %lt3A_60 : i1
      %and3A_62 = arith.andi %ne3A_61, %ne3A_57 : i1
      %add3A = arith.addi %rem3A_55, %select_n3A_54 : i32
      %select_n3A_63 = arith.select %and3A_62, %add3A, %rem3A_55 : i32
      %broadcast_in_dim3A = arith.constant 0.000000e+00 : bf16
      %broadcast_in_dim3A_64 = vector.broadcast %broadcast_in_dim3A : bf16 to vector<32xbf16>
      %mul3A_65 = arith.constant 32 : i32
      %mul3A_66 = arith.muli %select_n3A_63, %mul3A_65 : i32
      %swap3A = arith.index_cast %select_n3A : i32 to index
      %swap3A_67 = arith.index_cast %mul3A_66 : i32 to index
      %swap3A_68 = tpu.vector_load %arg15[%swap3A, %swap3A_67] {strides = array<i32>} : memref<128x64xbf16, #tpu.memory_space<vmem>>, vector<1x32xbf16>,
      %swap3A_69 = vector.shape_cast %swap3A_68 : vector<1x32xbf16> to vector<32xbf16>
      %swap3A_70 = vector.shape_cast %broadcast_in_dim3A_64 : vector<32xbf16> to vector<1x32xbf16>
      tpu.vector_store %arg15[%swap3A, %swap3A_67], %swap3A_70 {strides = array<i32>} : memref<128x64xbf16, #tpu.memory_space<vmem>>, vector<1x32xbf16>,
      %scan3A_71 = arith.constant 0 : i32
      scf.yield %scan3A_71 : i32
    }
    %scan3A_5 = arith.constant 256 : i32
    %mul3A = arith.constant 640 : i32
    %mul3A_6 = arith.muli %arg1, %mul3A : i32
    %scan3A_7 = arith.constant 0 : i32
    %scan3A_8 = arith.constant 0 : i32
    %scan3A_9 = arith.constant 5 : i32
    %scan3A_10 = arith.addi %scan3A_8, %scan3A_9 : i32
    %scan3A_11 = arith.constant 1 : i32
    %scan3A_12 = scf.for %scan3A_32 = %scan3A_8 to %scan3A_10 step %scan3A_11 iter_args(%scan3A_33 = %scan3A_7) -> (i32)  : i32 {
      %mul3A_34 = arith.constant 128 : i32
      %mul3A_35 = arith.muli %scan3A_32, %mul3A_34 : i32
      %add3A = arith.addi %mul3A_6, %mul3A_35 : i32
      "tpu.region"() ({
        %run_scoped3A = tpu.sem_alloc : memref<!tpu.dma_semaphore, #tpu.memory_space<semaphore_mem>>
        %dma_start3A = arith.constant 0 : i32
        %dma_start3A_37 = tpu.memref_slice %arg16[%add3A, %dma_start3A] : memref<10240x64xbf16, #tpu.memory_space<vmem_shared>> -> memref<128x64xbf16, #tpu.memory_space<vmem_shared>>
        %dma_start3A_38 = arith.constant 0 : i32
        %dma_start3A_39 = tpu.memref_slice %arg16[%add3A, %dma_start3A_38] : memref<10240x64xbf16, #tpu.memory_space<vmem_shared>> -> memref<128x64xbf16, #tpu.memory_space<vmem_shared>>
        tpu.enqueue_dma source(%arg15 : memref<128x64xbf16, #tpu.memory_space<vmem>>) target(%dma_start3A_39 : memref<128x64xbf16, #tpu.memory_space<vmem_shared>>) target_semaphore(%run_scoped3A : memref<!tpu.dma_semaphore, #tpu.memory_space<semaphore_mem>>)
        %dma_wait3A = arith.constant 0 : i32
        %dma_wait3A_40 = tpu.memref_slice %arg16[%add3A, %dma_wait3A] : memref<10240x64xbf16, #tpu.memory_space<vmem_shared>> -> memref<128x64xbf16, #tpu.memory_space<vmem_shared>>
        %dma_wait3A_41 = arith.constant 0 : i32
        %dma_wait3A_42 = tpu.memref_slice %arg16[%add3A, %dma_wait3A_41] : memref<10240x64xbf16, #tpu.memory_space<vmem_shared>> -> memref<128x64xbf16, #tpu.memory_space<vmem_shared>>
        tpu.wait_dma2 semaphore(%run_scoped3A : memref<!tpu.dma_semaphore, #tpu.memory_space<semaphore_mem>>) src(%arg15 : memref<128x64xbf16, #tpu.memory_space<vmem>>) dst(%dma_wait3A_42 : memref<128x64xbf16, #tpu.memory_space<vmem_shared>>)
        tpu.yield
      }) : () -> ()
      %scan3A_36 = arith.constant 0 : i32
      scf.yield %scan3A_36 : i32
    }
    %scan3A_13 = arith.constant 5 : i32
    "tpu.region"() ({
      %run_scoped3A = tpu.sem_alloc : memref<!tpu.dma_semaphore, #tpu.memory_space<semaphore_mem>>
      %dma_start3A = arith.constant 0 : i32
      %dma_start3A_32 = arith.constant 0 : i32
      %dma_start3A_33 = tpu.memref_slice %arg4[%arg1, %dma_start3A, %dma_start3A_32] : memref<16x250x80xi32, #tpu.memory_space<hbm>> -> memref<1x250x80xi32, #tpu.memory_space<hbm>>
      %dma_start3A_34 = tpu.memref_squeeze %dma_start3A_33 : memref<1x250x80xi32, #tpu.memory_space<hbm>> -> memref<250x80xi32, #tpu.memory_space<hbm>>
      %dma_start3A_35 = arith.constant 0 : i32
      %dma_start3A_36 = arith.constant 0 : i32
      %dma_start3A_37 = tpu.memref_slice %arg4[%arg1, %dma_start3A_35, %dma_start3A_36] : memref<16x250x80xi32, #tpu.memory_space<hbm>> -> memref<1x250x80xi32, #tpu.memory_space<hbm>>
      %dma_start3A_38 = tpu.memref_squeeze %dma_start3A_37 : memref<1x250x80xi32, #tpu.memory_space<hbm>> -> memref<250x80xi32, #tpu.memory_space<hbm>>
      tpu.enqueue_dma source(%dma_start3A_38 : memref<250x80xi32, #tpu.memory_space<hbm>>) target(%arg8 : memref<250x80xi32, #tpu.memory_space<vmem>>) target_semaphore(%run_scoped3A : memref<!tpu.dma_semaphore, #tpu.memory_space<semaphore_mem>>)
      %dma_wait3A = arith.constant 0 : i32
      %dma_wait3A_39 = arith.constant 0 : i32
      %dma_wait3A_40 = tpu.memref_slice %arg4[%arg1, %dma_wait3A, %dma_wait3A_39] : memref<16x250x80xi32, #tpu.memory_space<hbm>> -> memref<1x250x80xi32, #tpu.memory_space<hbm>>
      %dma_wait3A_41 = tpu.memref_squeeze %dma_wait3A_40 : memref<1x250x80xi32, #tpu.memory_space<hbm>> -> memref<250x80xi32, #tpu.memory_space<hbm>>
      %dma_wait3A_42 = arith.constant 0 : i32
      %dma_wait3A_43 = arith.constant 0 : i32
      %dma_wait3A_44 = tpu.memref_slice %arg4[%arg1, %dma_wait3A_42, %dma_wait3A_43] : memref<16x250x80xi32, #tpu.memory_space<hbm>> -> memref<1x250x80xi32, #tpu.memory_space<hbm>>
      %dma_wait3A_45 = tpu.memref_squeeze %dma_wait3A_44 : memref<1x250x80xi32, #tpu.memory_space<hbm>> -> memref<250x80xi32, #tpu.memory_space<hbm>>
      tpu.wait_dma2 semaphore(%run_scoped3A : memref<!tpu.dma_semaphore, #tpu.memory_space<semaphore_mem>>) src(%dma_wait3A_45 : memref<250x80xi32, #tpu.memory_space<hbm>>) dst(%arg8 : memref<250x80xi32, #tpu.memory_space<vmem>>)
      tpu.yield
    }) : () -> ()
    "tpu.region"() ({
      %run_scoped3A = tpu.sem_alloc : memref<!tpu.dma_semaphore, #tpu.memory_space<semaphore_mem>>
      %dma_start3A = arith.constant 0 : i32
      %dma_start3A_32 = arith.constant 0 : i32
      %dma_start3A_33 = tpu.memref_slice %arg5[%arg1, %dma_start3A, %dma_start3A_32] : memref<16x250x80xi32, #tpu.memory_space<hbm>> -> memref<1x250x80xi32, #tpu.memory_space<hbm>>
      %dma_start3A_34 = tpu.memref_squeeze %dma_start3A_33 : memref<1x250x80xi32, #tpu.memory_space<hbm>> -> memref<250x80xi32, #tpu.memory_space<hbm>>
      %dma_start3A_35 = arith.constant 0 : i32
      %dma_start3A_36 = arith.constant 0 : i32
      %dma_start3A_37 = tpu.memref_slice %arg5[%arg1, %dma_start3A_35, %dma_start3A_36] : memref<16x250x80xi32, #tpu.memory_space<hbm>> -> memref<1x250x80xi32, #tpu.memory_space<hbm>>
      %dma_start3A_38 = tpu.memref_squeeze %dma_start3A_37 : memref<1x250x80xi32, #tpu.memory_space<hbm>> -> memref<250x80xi32, #tpu.memory_space<hbm>>
      tpu.enqueue_dma source(%dma_start3A_38 : memref<250x80xi32, #tpu.memory_space<hbm>>) target(%arg9 : memref<250x80xi32, #tpu.memory_space<vmem>>) target_semaphore(%run_scoped3A : memref<!tpu.dma_semaphore, #tpu.memory_space<semaphore_mem>>)
      %dma_wait3A = arith.constant 0 : i32
      %dma_wait3A_39 = arith.constant 0 : i32
      %dma_wait3A_40 = tpu.memref_slice %arg5[%arg1, %dma_wait3A, %dma_wait3A_39] : memref<16x250x80xi32, #tpu.memory_space<hbm>> -> memref<1x250x80xi32, #tpu.memory_space<hbm>>
      %dma_wait3A_41 = tpu.memref_squeeze %dma_wait3A_40 : memref<1x250x80xi32, #tpu.memory_space<hbm>> -> memref<250x80xi32, #tpu.memory_space<hbm>>
      %dma_wait3A_42 = arith.constant 0 : i32
      %dma_wait3A_43 = arith.constant 0 : i32
      %dma_wait3A_44 = tpu.memref_slice %arg5[%arg1, %dma_wait3A_42, %dma_wait3A_43] : memref<16x250x80xi32, #tpu.memory_space<hbm>> -> memref<1x250x80xi32, #tpu.memory_space<hbm>>
      %dma_wait3A_45 = tpu.memref_squeeze %dma_wait3A_44 : memref<1x250x80xi32, #tpu.memory_space<hbm>> -> memref<250x80xi32, #tpu.memory_space<hbm>>
      tpu.wait_dma2 semaphore(%run_scoped3A : memref<!tpu.dma_semaphore, #tpu.memory_space<semaphore_mem>>) src(%dma_wait3A_45 : memref<250x80xi32, #tpu.memory_space<hbm>>) dst(%arg9 : memref<250x80xi32, #tpu.memory_space<vmem>>)
      tpu.yield
    }) : () -> ()
    %barrier3A = arith.constant 0 : index
    tpu.barrier barrier_id(%barrier3A)
    %eq3A = arith.constant 0 : i32
    %eq3A_14 = arith.cmpi eq, %arg0, %eq3A : i32
    %convert_element_type3A = arith.extui %eq3A_14 : i1 to i32
    %cond3A = arith.constant 0 : i32
    %cond3A_15 = arith.cmpi ne, %convert_element_type3A, %cond3A : i32
    scf.if %cond3A_15 {
      %dma_start3A = arith.constant 0 : i32
      %dma_start3A_32 = arith.constant 0 : i32
      %dma_start3A_33 = tpu.memref_slice %arg8[%dma_start3A, %dma_start3A_32] : memref<250x80xi32, #tpu.memory_space<vmem>> -> memref<1x80xi32, #tpu.memory_space<vmem>>
      %dma_start3A_34 = tpu.memref_squeeze %dma_start3A_33 : memref<1x80xi32, #tpu.memory_space<vmem>> -> memref<80xi32, #tpu.memory_space<vmem>>
      %dma_start3A_35 = arith.constant 0 : i32
      %dma_start3A_36 = arith.constant 0 : i32
      %dma_start3A_37 = tpu.memref_slice %arg2[%dma_start3A_35, %dma_start3A_36] : memref<10000x64xbf16, #tpu.memory_space<hbm>> -> memref<10000x64xbf16, #tpu.memory_space<hbm>>
      tpu.enqueue_indirect_dma source(%dma_start3A_37 : memref<10000x64xbf16, #tpu.memory_space<hbm>>) target(%arg10 : memref<80x64xbf16, #tpu.memory_space<vmem>>) offsets(%dma_start3A_34 : memref<80xi32, #tpu.memory_space<vmem>>) semaphore(%arg17 : memref<!tpu.dma_semaphore, #tpu.memory_space<semaphore_mem>>)
      %dma_start3A_38 = arith.constant 1 : i32
      %dma_start3A_39 = arith.constant 0 : i32
      %dma_start3A_40 = tpu.memref_slice %arg8[%dma_start3A_38, %dma_start3A_39] : memref<250x80xi32, #tpu.memory_space<vmem>> -> memref<1x80xi32, #tpu.memory_space<vmem>>
      %dma_start3A_41 = tpu.memref_squeeze %dma_start3A_40 : memref<1x80xi32, #tpu.memory_space<vmem>> -> memref<80xi32, #tpu.memory_space<vmem>>
      %dma_start3A_42 = arith.constant 0 : i32
      %dma_start3A_43 = arith.constant 0 : i32
      %dma_start3A_44 = tpu.memref_slice %arg2[%dma_start3A_42, %dma_start3A_43] : memref<10000x64xbf16, #tpu.memory_space<hbm>> -> memref<10000x64xbf16, #tpu.memory_space<hbm>>
      tpu.enqueue_indirect_dma source(%dma_start3A_44 : memref<10000x64xbf16, #tpu.memory_space<hbm>>) target(%arg11 : memref<80x64xbf16, #tpu.memory_space<vmem>>) offsets(%dma_start3A_41 : memref<80xi32, #tpu.memory_space<vmem>>) semaphore(%arg18 : memref<!tpu.dma_semaphore, #tpu.memory_space<semaphore_mem>>)
      %dma_start3A_45 = arith.constant 2 : i32
      %dma_start3A_46 = arith.constant 0 : i32
      %dma_start3A_47 = tpu.memref_slice %arg8[%dma_start3A_45, %dma_start3A_46] : memref<250x80xi32, #tpu.memory_space<vmem>> -> memref<1x80xi32, #tpu.memory_space<vmem>>
      %dma_start3A_48 = tpu.memref_squeeze %dma_start3A_47 : memref<1x80xi32, #tpu.memory_space<vmem>> -> memref<80xi32, #tpu.memory_space<vmem>>
      %dma_start3A_49 = arith.constant 0 : i32
      %dma_start3A_50 = arith.constant 0 : i32
      %dma_start3A_51 = tpu.memref_slice %arg2[%dma_start3A_49, %dma_start3A_50] : memref<10000x64xbf16, #tpu.memory_space<hbm>> -> memref<10000x64xbf16, #tpu.memory_space<hbm>>
      tpu.enqueue_indirect_dma source(%dma_start3A_51 : memref<10000x64xbf16, #tpu.memory_space<hbm>>) target(%arg12 : memref<80x64xbf16, #tpu.memory_space<vmem>>) offsets(%dma_start3A_48 : memref<80xi32, #tpu.memory_space<vmem>>) semaphore(%arg19 : memref<!tpu.dma_semaphore, #tpu.memory_space<semaphore_mem>>)
      %dma_start3A_52 = arith.constant 3 : i32
      %dma_start3A_53 = arith.constant 0 : i32
      %dma_start3A_54 = tpu.memref_slice %arg8[%dma_start3A_52, %dma_start3A_53] : memref<250x80xi32, #tpu.memory_space<vmem>> -> memref<1x80xi32, #tpu.memory_space<vmem>>
      %dma_start3A_55 = tpu.memref_squeeze %dma_start3A_54 : memref<1x80xi32, #tpu.memory_space<vmem>> -> memref<80xi32, #tpu.memory_space<vmem>>
      %dma_start3A_56 = arith.constant 0 : i32
      %dma_start3A_57 = arith.constant 0 : i32
      %dma_start3A_58 = tpu.memref_slice %arg2[%dma_start3A_56, %dma_start3A_57] : memref<10000x64xbf16, #tpu.memory_space<hbm>> -> memref<10000x64xbf16, #tpu.memory_space<hbm>>
      tpu.enqueue_indirect_dma source(%dma_start3A_58 : memref<10000x64xbf16, #tpu.memory_space<hbm>>) target(%arg13 : memref<80x64xbf16, #tpu.memory_space<vmem>>) offsets(%dma_start3A_55 : memref<80xi32, #tpu.memory_space<vmem>>) semaphore(%arg20 : memref<!tpu.dma_semaphore, #tpu.memory_space<semaphore_mem>>)
      %dma_start3A_59 = arith.constant 4 : i32
      %dma_start3A_60 = arith.constant 0 : i32
      %dma_start3A_61 = tpu.memref_slice %arg8[%dma_start3A_59, %dma_start3A_60] : memref<250x80xi32, #tpu.memory_space<vmem>> -> memref<1x80xi32, #tpu.memory_space<vmem>>
      %dma_start3A_62 = tpu.memref_squeeze %dma_start3A_61 : memref<1x80xi32, #tpu.memory_space<vmem>> -> memref<80xi32, #tpu.memory_space<vmem>>
      %dma_start3A_63 = arith.constant 0 : i32
      %dma_start3A_64 = arith.constant 0 : i32
      %dma_start3A_65 = tpu.memref_slice %arg2[%dma_start3A_63, %dma_start3A_64] : memref<10000x64xbf16, #tpu.memory_space<hbm>> -> memref<10000x64xbf16, #tpu.memory_space<hbm>>
      tpu.enqueue_indirect_dma source(%dma_start3A_65 : memref<10000x64xbf16, #tpu.memory_space<hbm>>) target(%arg14 : memref<80x64xbf16, #tpu.memory_space<vmem>>) offsets(%dma_start3A_62 : memref<80xi32, #tpu.memory_space<vmem>>) semaphore(%arg21 : memref<!tpu.dma_semaphore, #tpu.memory_space<semaphore_mem>>)
      %scan3A_66 = arith.constant 0 : i32
      %scan3A_67 = arith.constant 0 : i32
      %scan3A_68 = arith.constant 50 : i32
      %scan3A_69 = arith.addi %scan3A_67, %scan3A_68 : i32
      %scan3A_70 = arith.constant 1 : i32
      %scan3A_71 = scf.for %scan3A_73 = %scan3A_67 to %scan3A_69 step %scan3A_70 iter_args(%scan3A_74 = %scan3A_66) -> (i32)  : i32 {
        %mul3A_75 = arith.constant 5 : i32
        %mul3A_76 = arith.muli %scan3A_73, %mul3A_75 : i32
        %add3A = arith.constant 0 : i32
        %add3A_77 = arith.addi %mul3A_76, %add3A : i32
        %dma_wait3A = arith.constant 0 : i32
        %dma_wait3A_78 = tpu.memref_slice %arg8[%add3A_77, %dma_wait3A] : memref<250x80xi32, #tpu.memory_space<vmem>> -> memref<1x80xi32, #tpu.memory_space<vmem>>
        %dma_wait3A_79 = tpu.memref_squeeze %dma_wait3A_78 : memref<1x80xi32, #tpu.memory_space<vmem>> -> memref<80xi32, #tpu.memory_space<vmem>>
        %dma_wait3A_80 = arith.constant 0 : i32
        %dma_wait3A_81 = arith.constant 0 : i32
        %dma_wait3A_82 = tpu.memref_slice %arg2[%dma_wait3A_80, %dma_wait3A_81] : memref<10000x64xbf16, #tpu.memory_space<hbm>> -> memref<10000x64xbf16, #tpu.memory_space<hbm>>
        tpu.wait_indirect_dma semaphore(%arg17 : memref<!tpu.dma_semaphore, #tpu.memory_space<semaphore_mem>>) src(%dma_wait3A_82 : memref<10000x64xbf16, #tpu.memory_space<hbm>>) dst(%arg10 : memref<80x64xbf16, #tpu.memory_space<vmem>>)
        "tpu.region"() ({
          %run_scoped3A = tpu.sem_alloc : memref<!tpu.dma_semaphore, #tpu.memory_space<semaphore_mem>>
          %dma_start3A_150 = arith.constant 0 : i32
          %dma_start3A_151 = tpu.memref_slice %arg9[%add3A_77, %dma_start3A_150] : memref<250x80xi32, #tpu.memory_space<vmem>> -> memref<1x80xi32, #tpu.memory_space<vmem>>
          %dma_start3A_152 = tpu.memref_squeeze %dma_start3A_151 : memref<1x80xi32, #tpu.memory_space<vmem>> -> memref<80xi32, #tpu.memory_space<vmem>>
          %dma_start3A_153 = arith.constant 0 : i32
          %dma_start3A_154 = arith.constant 0 : i32
          %dma_start3A_155 = tpu.memref_slice %arg16[%dma_start3A_153, %dma_start3A_154] : memref<10240x64xbf16, #tpu.memory_space<vmem_shared>> -> memref<10240x64xbf16, #tpu.memory_space<vmem_shared>>
          tpu.enqueue_indirect_dma source(%arg10 : memref<80x64xbf16, #tpu.memory_space<vmem>>) target(%dma_start3A_155 : memref<10240x64xbf16, #tpu.memory_space<vmem_shared>>) offsets(%dma_start3A_152 : memref<80xi32, #tpu.memory_space<vmem>>) semaphore(%run_scoped3A : memref<!tpu.dma_semaphore, #tpu.memory_space<semaphore_mem>>) {add = true}
          %dma_wait3A_156 = arith.constant 0 : i32
          %dma_wait3A_157 = tpu.memref_slice %arg9[%add3A_77, %dma_wait3A_156] : memref<250x80xi32, #tpu.memory_space<vmem>> -> memref<1x80xi32, #tpu.memory_space<vmem>>
          %dma_wait3A_158 = tpu.memref_squeeze %dma_wait3A_157 : memref<1x80xi32, #tpu.memory_space<vmem>> -> memref<80xi32, #tpu.memory_space<vmem>>
          %dma_wait3A_159 = arith.constant 0 : i32
          %dma_wait3A_160 = arith.constant 0 : i32
          %dma_wait3A_161 = tpu.memref_slice %arg16[%dma_wait3A_159, %dma_wait3A_160] : memref<10240x64xbf16, #tpu.memory_space<vmem_shared>> -> memref<10240x64xbf16, #tpu.memory_space<vmem_shared>>
          tpu.wait_indirect_dma semaphore(%run_scoped3A : memref<!tpu.dma_semaphore, #tpu.memory_space<semaphore_mem>>) src(%arg10 : memref<80x64xbf16, #tpu.memory_space<vmem>>) dst(%dma_wait3A_161 : memref<10240x64xbf16, #tpu.memory_space<vmem_shared>>)
          tpu.yield
        }) : () -> ()
        %add3A_83 = arith.constant 5 : i32
        %add3A_84 = arith.addi %add3A_77, %add3A_83 : i32
        %lt3A = arith.constant 250 : i32
        %lt3A_85 = arith.cmpi slt, %add3A_84, %lt3A : i32
        %convert_element_type3A_86 = arith.extui %lt3A_85 : i1 to i32
        %cond3A_87 = arith.constant 0 : i32
        %cond3A_88 = arith.cmpi ne, %convert_element_type3A_86, %cond3A_87 : i32
        scf.if %cond3A_88 {
          %add3A_150 = arith.constant 5 : i32
          %add3A_151 = arith.addi %add3A_77, %add3A_150 : i32
          %dma_start3A_152 = arith.constant 0 : i32
          %dma_start3A_153 = tpu.memref_slice %arg8[%add3A_151, %dma_start3A_152] : memref<250x80xi32, #tpu.memory_space<vmem>> -> memref<1x80xi32, #tpu.memory_space<vmem>>
          %dma_start3A_154 = tpu.memref_squeeze %dma_start3A_153 : memref<1x80xi32, #tpu.memory_space<vmem>> -> memref<80xi32, #tpu.memory_space<vmem>>
          %dma_start3A_155 = arith.constant 0 : i32
          %dma_start3A_156 = arith.constant 0 : i32
          %dma_start3A_157 = tpu.memref_slice %arg2[%dma_start3A_155, %dma_start3A_156] : memref<10000x64xbf16, #tpu.memory_space<hbm>> -> memref<10000x64xbf16, #tpu.memory_space<hbm>>
          tpu.enqueue_indirect_dma source(%dma_start3A_157 : memref<10000x64xbf16, #tpu.memory_space<hbm>>) target(%arg10 : memref<80x64xbf16, #tpu.memory_space<vmem>>) offsets(%dma_start3A_154 : memref<80xi32, #tpu.memory_space<vmem>>) semaphore(%arg17 : memref<!tpu.dma_semaphore, #tpu.memory_space<semaphore_mem>>)
        } else {
        }
        %add3A_89 = arith.constant 1 : i32
        %add3A_90 = arith.addi %mul3A_76, %add3A_89 : i32
        %dma_wait3A_91 = arith.constant 0 : i32
        %dma_wait3A_92 = tpu.memref_slice %arg8[%add3A_90, %dma_wait3A_91] : memref<250x80xi32, #tpu.memory_space<vmem>> -> memref<1x80xi32, #tpu.memory_space<vmem>>
        %dma_wait3A_93 = tpu.memref_squeeze %dma_wait3A_92 : memref<1x80xi32, #tpu.memory_space<vmem>> -> memref<80xi32, #tpu.memory_space<vmem>>
        %dma_wait3A_94 = arith.constant 0 : i32
        %dma_wait3A_95 = arith.constant 0 : i32
        %dma_wait3A_96 = tpu.memref_slice %arg2[%dma_wait3A_94, %dma_wait3A_95] : memref<10000x64xbf16, #tpu.memory_space<hbm>> -> memref<10000x64xbf16, #tpu.memory_space<hbm>>
        tpu.wait_indirect_dma semaphore(%arg18 : memref<!tpu.dma_semaphore, #tpu.memory_space<semaphore_mem>>) src(%dma_wait3A_96 : memref<10000x64xbf16, #tpu.memory_space<hbm>>) dst(%arg11 : memref<80x64xbf16, #tpu.memory_space<vmem>>)
        "tpu.region"() ({
          %run_scoped3A = tpu.sem_alloc : memref<!tpu.dma_semaphore, #tpu.memory_space<semaphore_mem>>
          %dma_start3A_150 = arith.constant 0 : i32
          %dma_start3A_151 = tpu.memref_slice %arg9[%add3A_90, %dma_start3A_150] : memref<250x80xi32, #tpu.memory_space<vmem>> -> memref<1x80xi32, #tpu.memory_space<vmem>>
          %dma_start3A_152 = tpu.memref_squeeze %dma_start3A_151 : memref<1x80xi32, #tpu.memory_space<vmem>> -> memref<80xi32, #tpu.memory_space<vmem>>
          %dma_start3A_153 = arith.constant 0 : i32
          %dma_start3A_154 = arith.constant 0 : i32
          %dma_start3A_155 = tpu.memref_slice %arg16[%dma_start3A_153, %dma_start3A_154] : memref<10240x64xbf16, #tpu.memory_space<vmem_shared>> -> memref<10240x64xbf16, #tpu.memory_space<vmem_shared>>
          tpu.enqueue_indirect_dma source(%arg11 : memref<80x64xbf16, #tpu.memory_space<vmem>>) target(%dma_start3A_155 : memref<10240x64xbf16, #tpu.memory_space<vmem_shared>>) offsets(%dma_start3A_152 : memref<80xi32, #tpu.memory_space<vmem>>) semaphore(%run_scoped3A : memref<!tpu.dma_semaphore, #tpu.memory_space<semaphore_mem>>) {add = true}
          %dma_wait3A_156 = arith.constant 0 : i32
          %dma_wait3A_157 = tpu.memref_slice %arg9[%add3A_90, %dma_wait3A_156] : memref<250x80xi32, #tpu.memory_space<vmem>> -> memref<1x80xi32, #tpu.memory_space<vmem>>
          %dma_wait3A_158 = tpu.memref_squeeze %dma_wait3A_157 : memref<1x80xi32, #tpu.memory_space<vmem>> -> memref<80xi32, #tpu.memory_space<vmem>>
          %dma_wait3A_159 = arith.constant 0 : i32
          %dma_wait3A_160 = arith.constant 0 : i32
          %dma_wait3A_161 = tpu.memref_slice %arg16[%dma_wait3A_159, %dma_wait3A_160] : memref<10240x64xbf16, #tpu.memory_space<vmem_shared>> -> memref<10240x64xbf16, #tpu.memory_space<vmem_shared>>
          tpu.wait_indirect_dma semaphore(%run_scoped3A : memref<!tpu.dma_semaphore, #tpu.memory_space<semaphore_mem>>) src(%arg11 : memref<80x64xbf16, #tpu.memory_space<vmem>>) dst(%dma_wait3A_161 : memref<10240x64xbf16, #tpu.memory_space<vmem_shared>>)
          tpu.yield
        }) : () -> ()
        %add3A_97 = arith.constant 5 : i32
        %add3A_98 = arith.addi %add3A_90, %add3A_97 : i32
        %lt3A_99 = arith.constant 250 : i32
        %lt3A_100 = arith.cmpi slt, %add3A_98, %lt3A_99 : i32
        %convert_element_type3A_101 = arith.extui %lt3A_100 : i1 to i32
        %cond3A_102 = arith.constant 0 : i32
        %cond3A_103 = arith.cmpi ne, %convert_element_type3A_101, %cond3A_102 : i32
        scf.if %cond3A_103 {
          %add3A_150 = arith.constant 5 : i32
          %add3A_151 = arith.addi %add3A_90, %add3A_150 : i32
          %dma_start3A_152 = arith.constant 0 : i32
          %dma_start3A_153 = tpu.memref_slice %arg8[%add3A_151, %dma_start3A_152] : memref<250x80xi32, #tpu.memory_space<vmem>> -> memref<1x80xi32, #tpu.memory_space<vmem>>
          %dma_start3A_154 = tpu.memref_squeeze %dma_start3A_153 : memref<1x80xi32, #tpu.memory_space<vmem>> -> memref<80xi32, #tpu.memory_space<vmem>>
          %dma_start3A_155 = arith.constant 0 : i32
          %dma_start3A_156 = arith.constant 0 : i32
          %dma_start3A_157 = tpu.memref_slice %arg2[%dma_start3A_155, %dma_start3A_156] : memref<10000x64xbf16, #tpu.memory_space<hbm>> -> memref<10000x64xbf16, #tpu.memory_space<hbm>>
          tpu.enqueue_indirect_dma source(%dma_start3A_157 : memref<10000x64xbf16, #tpu.memory_space<hbm>>) target(%arg11 : memref<80x64xbf16, #tpu.memory_space<vmem>>) offsets(%dma_start3A_154 : memref<80xi32, #tpu.memory_space<vmem>>) semaphore(%arg18 : memref<!tpu.dma_semaphore, #tpu.memory_space<semaphore_mem>>)
        } else {
        }
        %add3A_104 = arith.constant 2 : i32
        %add3A_105 = arith.addi %mul3A_76, %add3A_104 : i32
        %dma_wait3A_106 = arith.constant 0 : i32
        %dma_wait3A_107 = tpu.memref_slice %arg8[%add3A_105, %dma_wait3A_106] : memref<250x80xi32, #tpu.memory_space<vmem>> -> memref<1x80xi32, #tpu.memory_space<vmem>>
        %dma_wait3A_108 = tpu.memref_squeeze %dma_wait3A_107 : memref<1x80xi32, #tpu.memory_space<vmem>> -> memref<80xi32, #tpu.memory_space<vmem>>
        %dma_wait3A_109 = arith.constant 0 : i32
        %dma_wait3A_110 = arith.constant 0 : i32
        %dma_wait3A_111 = tpu.memref_slice %arg2[%dma_wait3A_109, %dma_wait3A_110] : memref<10000x64xbf16, #tpu.memory_space<hbm>> -> memref<10000x64xbf16, #tpu.memory_space<hbm>>
        tpu.wait_indirect_dma semaphore(%arg19 : memref<!tpu.dma_semaphore, #tpu.memory_space<semaphore_mem>>) src(%dma_wait3A_111 : memref<10000x64xbf16, #tpu.memory_space<hbm>>) dst(%arg12 : memref<80x64xbf16, #tpu.memory_space<vmem>>)
        "tpu.region"() ({
          %run_scoped3A = tpu.sem_alloc : memref<!tpu.dma_semaphore, #tpu.memory_space<semaphore_mem>>
          %dma_start3A_150 = arith.constant 0 : i32
          %dma_start3A_151 = tpu.memref_slice %arg9[%add3A_105, %dma_start3A_150] : memref<250x80xi32, #tpu.memory_space<vmem>> -> memref<1x80xi32, #tpu.memory_space<vmem>>
          %dma_start3A_152 = tpu.memref_squeeze %dma_start3A_151 : memref<1x80xi32, #tpu.memory_space<vmem>> -> memref<80xi32, #tpu.memory_space<vmem>>
          %dma_start3A_153 = arith.constant 0 : i32
          %dma_start3A_154 = arith.constant 0 : i32
          %dma_start3A_155 = tpu.memref_slice %arg16[%dma_start3A_153, %dma_start3A_154] : memref<10240x64xbf16, #tpu.memory_space<vmem_shared>> -> memref<10240x64xbf16, #tpu.memory_space<vmem_shared>>
          tpu.enqueue_indirect_dma source(%arg12 : memref<80x64xbf16, #tpu.memory_space<vmem>>) target(%dma_start3A_155 : memref<10240x64xbf16, #tpu.memory_space<vmem_shared>>) offsets(%dma_start3A_152 : memref<80xi32, #tpu.memory_space<vmem>>) semaphore(%run_scoped3A : memref<!tpu.dma_semaphore, #tpu.memory_space<semaphore_mem>>) {add = true}
          %dma_wait3A_156 = arith.constant 0 : i32
          %dma_wait3A_157 = tpu.memref_slice %arg9[%add3A_105, %dma_wait3A_156] : memref<250x80xi32, #tpu.memory_space<vmem>> -> memref<1x80xi32, #tpu.memory_space<vmem>>
          %dma_wait3A_158 = tpu.memref_squeeze %dma_wait3A_157 : memref<1x80xi32, #tpu.memory_space<vmem>> -> memref<80xi32, #tpu.memory_space<vmem>>
          %dma_wait3A_159 = arith.constant 0 : i32
          %dma_wait3A_160 = arith.constant 0 : i32
          %dma_wait3A_161 = tpu.memref_slice %arg16[%dma_wait3A_159, %dma_wait3A_160] : memref<10240x64xbf16, #tpu.memory_space<vmem_shared>> -> memref<10240x64xbf16, #tpu.memory_space<vmem_shared>>
          tpu.wait_indirect_dma semaphore(%run_scoped3A : memref<!tpu.dma_semaphore, #tpu.memory_space<semaphore_mem>>) src(%arg12 : memref<80x64xbf16, #tpu.memory_space<vmem>>) dst(%dma_wait3A_161 : memref<10240x64xbf16, #tpu.memory_space<vmem_shared>>)
          tpu.yield
        }) : () -> ()
        %add3A_112 = arith.constant 5 : i32
        %add3A_113 = arith.addi %add3A_105, %add3A_112 : i32
        %lt3A_114 = arith.constant 250 : i32
        %lt3A_115 = arith.cmpi slt, %add3A_113, %lt3A_114 : i32
        %convert_element_type3A_116 = arith.extui %lt3A_115 : i1 to i32
        %cond3A_117 = arith.constant 0 : i32
        %cond3A_118 = arith.cmpi ne, %convert_element_type3A_116, %cond3A_117 : i32
        scf.if %cond3A_118 {
          %add3A_150 = arith.constant 5 : i32
          %add3A_151 = arith.addi %add3A_105, %add3A_150 : i32
          %dma_start3A_152 = arith.constant 0 : i32
          %dma_start3A_153 = tpu.memref_slice %arg8[%add3A_151, %dma_start3A_152] : memref<250x80xi32, #tpu.memory_space<vmem>> -> memref<1x80xi32, #tpu.memory_space<vmem>>
          %dma_start3A_154 = tpu.memref_squeeze %dma_start3A_153 : memref<1x80xi32, #tpu.memory_space<vmem>> -> memref<80xi32, #tpu.memory_space<vmem>>
          %dma_start3A_155 = arith.constant 0 : i32
          %dma_start3A_156 = arith.constant 0 : i32
          %dma_start3A_157 = tpu.memref_slice %arg2[%dma_start3A_155, %dma_start3A_156] : memref<10000x64xbf16, #tpu.memory_space<hbm>> -> memref<10000x64xbf16, #tpu.memory_space<hbm>>
          tpu.enqueue_indirect_dma source(%dma_start3A_157 : memref<10000x64xbf16, #tpu.memory_space<hbm>>) target(%arg12 : memref<80x64xbf16, #tpu.memory_space<vmem>>) offsets(%dma_start3A_154 : memref<80xi32, #tpu.memory_space<vmem>>) semaphore(%arg19 : memref<!tpu.dma_semaphore, #tpu.memory_space<semaphore_mem>>)
        } else {
        }
        %add3A_119 = arith.constant 3 : i32
        %add3A_120 = arith.addi %mul3A_76, %add3A_119 : i32
        %dma_wait3A_121 = arith.constant 0 : i32
        %dma_wait3A_122 = tpu.memref_slice %arg8[%add3A_120, %dma_wait3A_121] : memref<250x80xi32, #tpu.memory_space<vmem>> -> memref<1x80xi32, #tpu.memory_space<vmem>>
        %dma_wait3A_123 = tpu.memref_squeeze %dma_wait3A_122 : memref<1x80xi32, #tpu.memory_space<vmem>> -> memref<80xi32, #tpu.memory_space<vmem>>
        %dma_wait3A_124 = arith.constant 0 : i32
        %dma_wait3A_125 = arith.constant 0 : i32
        %dma_wait3A_126 = tpu.memref_slice %arg2[%dma_wait3A_124, %dma_wait3A_125] : memref<10000x64xbf16, #tpu.memory_space<hbm>> -> memref<10000x64xbf16, #tpu.memory_space<hbm>>
        tpu.wait_indirect_dma semaphore(%arg20 : memref<!tpu.dma_semaphore, #tpu.memory_space<semaphore_mem>>) src(%dma_wait3A_126 : memref<10000x64xbf16, #tpu.memory_space<hbm>>) dst(%arg13 : memref<80x64xbf16, #tpu.memory_space<vmem>>)
        "tpu.region"() ({
          %run_scoped3A = tpu.sem_alloc : memref<!tpu.dma_semaphore, #tpu.memory_space<semaphore_mem>>
          %dma_start3A_150 = arith.constant 0 : i32
          %dma_start3A_151 = tpu.memref_slice %arg9[%add3A_120, %dma_start3A_150] : memref<250x80xi32, #tpu.memory_space<vmem>> -> memref<1x80xi32, #tpu.memory_space<vmem>>
          %dma_start3A_152 = tpu.memref_squeeze %dma_start3A_151 : memref<1x80xi32, #tpu.memory_space<vmem>> -> memref<80xi32, #tpu.memory_space<vmem>>
          %dma_start3A_153 = arith.constant 0 : i32
          %dma_start3A_154 = arith.constant 0 : i32
          %dma_start3A_155 = tpu.memref_slice %arg16[%dma_start3A_153, %dma_start3A_154] : memref<10240x64xbf16, #tpu.memory_space<vmem_shared>> -> memref<10240x64xbf16, #tpu.memory_space<vmem_shared>>
          tpu.enqueue_indirect_dma source(%arg13 : memref<80x64xbf16, #tpu.memory_space<vmem>>) target(%dma_start3A_155 : memref<10240x64xbf16, #tpu.memory_space<vmem_shared>>) offsets(%dma_start3A_152 : memref<80xi32, #tpu.memory_space<vmem>>) semaphore(%run_scoped3A : memref<!tpu.dma_semaphore, #tpu.memory_space<semaphore_mem>>) {add = true}
          %dma_wait3A_156 = arith.constant 0 : i32
          %dma_wait3A_157 = tpu.memref_slice %arg9[%add3A_120, %dma_wait3A_156] : memref<250x80xi32, #tpu.memory_space<vmem>> -> memref<1x80xi32, #tpu.memory_space<vmem>>
          %dma_wait3A_158 = tpu.memref_squeeze %dma_wait3A_157 : memref<1x80xi32, #tpu.memory_space<vmem>> -> memref<80xi32, #tpu.memory_space<vmem>>
          %dma_wait3A_159 = arith.constant 0 : i32
          %dma_wait3A_160 = arith.constant 0 : i32
          %dma_wait3A_161 = tpu.memref_slice %arg16[%dma_wait3A_159, %dma_wait3A_160] : memref<10240x64xbf16, #tpu.memory_space<vmem_shared>> -> memref<10240x64xbf16, #tpu.memory_space<vmem_shared>>
          tpu.wait_indirect_dma semaphore(%run_scoped3A : memref<!tpu.dma_semaphore, #tpu.memory_space<semaphore_mem>>) src(%arg13 : memref<80x64xbf16, #tpu.memory_space<vmem>>) dst(%dma_wait3A_161 : memref<10240x64xbf16, #tpu.memory_space<vmem_shared>>)
          tpu.yield
        }) : () -> ()
        %add3A_127 = arith.constant 5 : i32
        %add3A_128 = arith.addi %add3A_120, %add3A_127 : i32
        %lt3A_129 = arith.constant 250 : i32
        %lt3A_130 = arith.cmpi slt, %add3A_128, %lt3A_129 : i32
        %convert_element_type3A_131 = arith.extui %lt3A_130 : i1 to i32
        %cond3A_132 = arith.constant 0 : i32
        %cond3A_133 = arith.cmpi ne, %convert_element_type3A_131, %cond3A_132 : i32
        scf.if %cond3A_133 {
          %add3A_150 = arith.constant 5 : i32
          %add3A_151 = arith.addi %add3A_120, %add3A_150 : i32
          %dma_start3A_152 = arith.constant 0 : i32
          %dma_start3A_153 = tpu.memref_slice %arg8[%add3A_151, %dma_start3A_152] : memref<250x80xi32, #tpu.memory_space<vmem>> -> memref<1x80xi32, #tpu.memory_space<vmem>>
          %dma_start3A_154 = tpu.memref_squeeze %dma_start3A_153 : memref<1x80xi32, #tpu.memory_space<vmem>> -> memref<80xi32, #tpu.memory_space<vmem>>
          %dma_start3A_155 = arith.constant 0 : i32
          %dma_start3A_156 = arith.constant 0 : i32
          %dma_start3A_157 = tpu.memref_slice %arg2[%dma_start3A_155, %dma_start3A_156] : memref<10000x64xbf16, #tpu.memory_space<hbm>> -> memref<10000x64xbf16, #tpu.memory_space<hbm>>
          tpu.enqueue_indirect_dma source(%dma_start3A_157 : memref<10000x64xbf16, #tpu.memory_space<hbm>>) target(%arg13 : memref<80x64xbf16, #tpu.memory_space<vmem>>) offsets(%dma_start3A_154 : memref<80xi32, #tpu.memory_space<vmem>>) semaphore(%arg20 : memref<!tpu.dma_semaphore, #tpu.memory_space<semaphore_mem>>)
        } else {
        }
        %add3A_134 = arith.constant 4 : i32
        %add3A_135 = arith.addi %mul3A_76, %add3A_134 : i32
        %dma_wait3A_136 = arith.constant 0 : i32
        %dma_wait3A_137 = tpu.memref_slice %arg8[%add3A_135, %dma_wait3A_136] : memref<250x80xi32, #tpu.memory_space<vmem>> -> memref<1x80xi32, #tpu.memory_space<vmem>>
        %dma_wait3A_138 = tpu.memref_squeeze %dma_wait3A_137 : memref<1x80xi32, #tpu.memory_space<vmem>> -> memref<80xi32, #tpu.memory_space<vmem>>
        %dma_wait3A_139 = arith.constant 0 : i32
        %dma_wait3A_140 = arith.constant 0 : i32
        %dma_wait3A_141 = tpu.memref_slice %arg2[%dma_wait3A_139, %dma_wait3A_140] : memref<10000x64xbf16, #tpu.memory_space<hbm>> -> memref<10000x64xbf16, #tpu.memory_space<hbm>>
        tpu.wait_indirect_dma semaphore(%arg21 : memref<!tpu.dma_semaphore, #tpu.memory_space<semaphore_mem>>) src(%dma_wait3A_141 : memref<10000x64xbf16, #tpu.memory_space<hbm>>) dst(%arg14 : memref<80x64xbf16, #tpu.memory_space<vmem>>)
        "tpu.region"() ({
          %run_scoped3A = tpu.sem_alloc : memref<!tpu.dma_semaphore, #tpu.memory_space<semaphore_mem>>
          %dma_start3A_150 = arith.constant 0 : i32
          %dma_start3A_151 = tpu.memref_slice %arg9[%add3A_135, %dma_start3A_150] : memref<250x80xi32, #tpu.memory_space<vmem>> -> memref<1x80xi32, #tpu.memory_space<vmem>>
          %dma_start3A_152 = tpu.memref_squeeze %dma_start3A_151 : memref<1x80xi32, #tpu.memory_space<vmem>> -> memref<80xi32, #tpu.memory_space<vmem>>
          %dma_start3A_153 = arith.constant 0 : i32
          %dma_start3A_154 = arith.constant 0 : i32
          %dma_start3A_155 = tpu.memref_slice %arg16[%dma_start3A_153, %dma_start3A_154] : memref<10240x64xbf16, #tpu.memory_space<vmem_shared>> -> memref<10240x64xbf16, #tpu.memory_space<vmem_shared>>
          tpu.enqueue_indirect_dma source(%arg14 : memref<80x64xbf16, #tpu.memory_space<vmem>>) target(%dma_start3A_155 : memref<10240x64xbf16, #tpu.memory_space<vmem_shared>>) offsets(%dma_start3A_152 : memref<80xi32, #tpu.memory_space<vmem>>) semaphore(%run_scoped3A : memref<!tpu.dma_semaphore, #tpu.memory_space<semaphore_mem>>) {add = true}
          %dma_wait3A_156 = arith.constant 0 : i32
          %dma_wait3A_157 = tpu.memref_slice %arg9[%add3A_135, %dma_wait3A_156] : memref<250x80xi32, #tpu.memory_space<vmem>> -> memref<1x80xi32, #tpu.memory_space<vmem>>
          %dma_wait3A_158 = tpu.memref_squeeze %dma_wait3A_157 : memref<1x80xi32, #tpu.memory_space<vmem>> -> memref<80xi32, #tpu.memory_space<vmem>>
          %dma_wait3A_159 = arith.constant 0 : i32
          %dma_wait3A_160 = arith.constant 0 : i32
          %dma_wait3A_161 = tpu.memref_slice %arg16[%dma_wait3A_159, %dma_wait3A_160] : memref<10240x64xbf16, #tpu.memory_space<vmem_shared>> -> memref<10240x64xbf16, #tpu.memory_space<vmem_shared>>
          tpu.wait_indirect_dma semaphore(%run_scoped3A : memref<!tpu.dma_semaphore, #tpu.memory_space<semaphore_mem>>) src(%arg14 : memref<80x64xbf16, #tpu.memory_space<vmem>>) dst(%dma_wait3A_161 : memref<10240x64xbf16, #tpu.memory_space<vmem_shared>>)
          tpu.yield
        }) : () -> ()
        %add3A_142 = arith.constant 5 : i32
        %add3A_143 = arith.addi %add3A_135, %add3A_142 : i32
        %lt3A_144 = arith.constant 250 : i32
        %lt3A_145 = arith.cmpi slt, %add3A_143, %lt3A_144 : i32
        %convert_element_type3A_146 = arith.extui %lt3A_145 : i1 to i32
        %cond3A_147 = arith.constant 0 : i32
        %cond3A_148 = arith.cmpi ne, %convert_element_type3A_146, %cond3A_147 : i32
        scf.if %cond3A_148 {
          %add3A_150 = arith.constant 5 : i32
          %add3A_151 = arith.addi %add3A_135, %add3A_150 : i32
          %dma_start3A_152 = arith.constant 0 : i32
          %dma_start3A_153 = tpu.memref_slice %arg8[%add3A_151, %dma_start3A_152] : memref<250x80xi32, #tpu.memory_space<vmem>> -> memref<1x80xi32, #tpu.memory_space<vmem>>
          %dma_start3A_154 = tpu.memref_squeeze %dma_start3A_153 : memref<1x80xi32, #tpu.memory_space<vmem>> -> memref<80xi32, #tpu.memory_space<vmem>>
          %dma_start3A_155 = arith.constant 0 : i32
          %dma_start3A_156 = arith.constant 0 : i32
          %dma_start3A_157 = tpu.memref_slice %arg2[%dma_start3A_155, %dma_start3A_156] : memref<10000x64xbf16, #tpu.memory_space<hbm>> -> memref<10000x64xbf16, #tpu.memory_space<hbm>>
          tpu.enqueue_indirect_dma source(%dma_start3A_157 : memref<10000x64xbf16, #tpu.memory_space<hbm>>) target(%arg14 : memref<80x64xbf16, #tpu.memory_space<vmem>>) offsets(%dma_start3A_154 : memref<80xi32, #tpu.memory_space<vmem>>) semaphore(%arg21 : memref<!tpu.dma_semaphore, #tpu.memory_space<semaphore_mem>>)
        } else {
        }
        %scan3A_149 = arith.constant 0 : i32
        scf.yield %scan3A_149 : i32
      }
      %scan3A_72 = arith.constant 50 : i32
    } else {
    }
    %eq3A_16 = arith.constant 1 : i32
    %eq3A_17 = arith.cmpi eq, %arg0, %eq3A_16 : i32
    %convert_element_type3A_18 = arith.extui %eq3A_17 : i1 to i32
    %cond3A_19 = arith.constant 0 : i32
    %cond3A_20 = arith.cmpi ne, %convert_element_type3A_18, %cond3A_19 : i32
    scf.if %cond3A_20 {
      %dma_start3A = arith.constant 0 : i32
      %dma_start3A_32 = arith.constant 0 : i32
      %dma_start3A_33 = tpu.memref_slice %arg8[%dma_start3A, %dma_start3A_32] : memref<250x80xi32, #tpu.memory_space<vmem>> -> memref<1x80xi32, #tpu.memory_space<vmem>>
      %dma_start3A_34 = tpu.memref_squeeze %dma_start3A_33 : memref<1x80xi32, #tpu.memory_space<vmem>> -> memref<80xi32, #tpu.memory_space<vmem>>
      %dma_start3A_35 = arith.constant 0 : i32
      %dma_start3A_36 = arith.constant 0 : i32
      %dma_start3A_37 = tpu.memref_slice %arg3[%dma_start3A_35, %dma_start3A_36] : memref<10000x64xbf16, #tpu.memory_space<hbm>> -> memref<10000x64xbf16, #tpu.memory_space<hbm>>
      tpu.enqueue_indirect_dma source(%dma_start3A_37 : memref<10000x64xbf16, #tpu.memory_space<hbm>>) target(%arg10 : memref<80x64xbf16, #tpu.memory_space<vmem>>) offsets(%dma_start3A_34 : memref<80xi32, #tpu.memory_space<vmem>>) semaphore(%arg17 : memref<!tpu.dma_semaphore, #tpu.memory_space<semaphore_mem>>)
      %dma_start3A_38 = arith.constant 1 : i32
      %dma_start3A_39 = arith.constant 0 : i32
      %dma_start3A_40 = tpu.memref_slice %arg8[%dma_start3A_38, %dma_start3A_39] : memref<250x80xi32, #tpu.memory_space<vmem>> -> memref<1x80xi32, #tpu.memory_space<vmem>>
      %dma_start3A_41 = tpu.memref_squeeze %dma_start3A_40 : memref<1x80xi32, #tpu.memory_space<vmem>> -> memref<80xi32, #tpu.memory_space<vmem>>
      %dma_start3A_42 = arith.constant 0 : i32
      %dma_start3A_43 = arith.constant 0 : i32
      %dma_start3A_44 = tpu.memref_slice %arg3[%dma_start3A_42, %dma_start3A_43] : memref<10000x64xbf16, #tpu.memory_space<hbm>> -> memref<10000x64xbf16, #tpu.memory_space<hbm>>
      tpu.enqueue_indirect_dma source(%dma_start3A_44 : memref<10000x64xbf16, #tpu.memory_space<hbm>>) target(%arg11 : memref<80x64xbf16, #tpu.memory_space<vmem>>) offsets(%dma_start3A_41 : memref<80xi32, #tpu.memory_space<vmem>>) semaphore(%arg18 : memref<!tpu.dma_semaphore, #tpu.memory_space<semaphore_mem>>)
      %dma_start3A_45 = arith.constant 2 : i32
      %dma_start3A_46 = arith.constant 0 : i32
      %dma_start3A_47 = tpu.memref_slice %arg8[%dma_start3A_45, %dma_start3A_46] : memref<250x80xi32, #tpu.memory_space<vmem>> -> memref<1x80xi32, #tpu.memory_space<vmem>>
      %dma_start3A_48 = tpu.memref_squeeze %dma_start3A_47 : memref<1x80xi32, #tpu.memory_space<vmem>> -> memref<80xi32, #tpu.memory_space<vmem>>
      %dma_start3A_49 = arith.constant 0 : i32
      %dma_start3A_50 = arith.constant 0 : i32
      %dma_start3A_51 = tpu.memref_slice %arg3[%dma_start3A_49, %dma_start3A_50] : memref<10000x64xbf16, #tpu.memory_space<hbm>> -> memref<10000x64xbf16, #tpu.memory_space<hbm>>
      tpu.enqueue_indirect_dma source(%dma_start3A_51 : memref<10000x64xbf16, #tpu.memory_space<hbm>>) target(%arg12 : memref<80x64xbf16, #tpu.memory_space<vmem>>) offsets(%dma_start3A_48 : memref<80xi32, #tpu.memory_space<vmem>>) semaphore(%arg19 : memref<!tpu.dma_semaphore, #tpu.memory_space<semaphore_mem>>)
      %dma_start3A_52 = arith.constant 3 : i32
      %dma_start3A_53 = arith.constant 0 : i32
      %dma_start3A_54 = tpu.memref_slice %arg8[%dma_start3A_52, %dma_start3A_53] : memref<250x80xi32, #tpu.memory_space<vmem>> -> memref<1x80xi32, #tpu.memory_space<vmem>>
      %dma_start3A_55 = tpu.memref_squeeze %dma_start3A_54 : memref<1x80xi32, #tpu.memory_space<vmem>> -> memref<80xi32, #tpu.memory_space<vmem>>
      %dma_start3A_56 = arith.constant 0 : i32
      %dma_start3A_57 = arith.constant 0 : i32
      %dma_start3A_58 = tpu.memref_slice %arg3[%dma_start3A_56, %dma_start3A_57] : memref<10000x64xbf16, #tpu.memory_space<hbm>> -> memref<10000x64xbf16, #tpu.memory_space<hbm>>
      tpu.enqueue_indirect_dma source(%dma_start3A_58 : memref<10000x64xbf16, #tpu.memory_space<hbm>>) target(%arg13 : memref<80x64xbf16, #tpu.memory_space<vmem>>) offsets(%dma_start3A_55 : memref<80xi32, #tpu.memory_space<vmem>>) semaphore(%arg20 : memref<!tpu.dma_semaphore, #tpu.memory_space<semaphore_mem>>)
      %dma_start3A_59 = arith.constant 4 : i32
      %dma_start3A_60 = arith.constant 0 : i32
      %dma_start3A_61 = tpu.memref_slice %arg8[%dma_start3A_59, %dma_start3A_60] : memref<250x80xi32, #tpu.memory_space<vmem>> -> memref<1x80xi32, #tpu.memory_space<vmem>>
      %dma_start3A_62 = tpu.memref_squeeze %dma_start3A_61 : memref<1x80xi32, #tpu.memory_space<vmem>> -> memref<80xi32, #tpu.memory_space<vmem>>
      %dma_start3A_63 = arith.constant 0 : i32
      %dma_start3A_64 = arith.constant 0 : i32
      %dma_start3A_65 = tpu.memref_slice %arg3[%dma_start3A_63, %dma_start3A_64] : memref<10000x64xbf16, #tpu.memory_space<hbm>> -> memref<10000x64xbf16, #tpu.memory_space<hbm>>
      tpu.enqueue_indirect_dma source(%dma_start3A_65 : memref<10000x64xbf16, #tpu.memory_space<hbm>>) target(%arg14 : memref<80x64xbf16, #tpu.memory_space<vmem>>) offsets(%dma_start3A_62 : memref<80xi32, #tpu.memory_space<vmem>>) semaphore(%arg21 : memref<!tpu.dma_semaphore, #tpu.memory_space<semaphore_mem>>)
      %scan3A_66 = arith.constant 0 : i32
      %scan3A_67 = arith.constant 0 : i32
      %scan3A_68 = arith.constant 50 : i32
      %scan3A_69 = arith.addi %scan3A_67, %scan3A_68 : i32
      %scan3A_70 = arith.constant 1 : i32
      %scan3A_71 = scf.for %scan3A_73 = %scan3A_67 to %scan3A_69 step %scan3A_70 iter_args(%scan3A_74 = %scan3A_66) -> (i32)  : i32 {
        %mul3A_75 = arith.constant 5 : i32
        %mul3A_76 = arith.muli %scan3A_73, %mul3A_75 : i32
        %add3A = arith.constant 0 : i32
        %add3A_77 = arith.addi %mul3A_76, %add3A : i32
        %dma_wait3A = arith.constant 0 : i32
        %dma_wait3A_78 = tpu.memref_slice %arg8[%add3A_77, %dma_wait3A] : memref<250x80xi32, #tpu.memory_space<vmem>> -> memref<1x80xi32, #tpu.memory_space<vmem>>
        %dma_wait3A_79 = tpu.memref_squeeze %dma_wait3A_78 : memref<1x80xi32, #tpu.memory_space<vmem>> -> memref<80xi32, #tpu.memory_space<vmem>>
        %dma_wait3A_80 = arith.constant 0 : i32
        %dma_wait3A_81 = arith.constant 0 : i32
        %dma_wait3A_82 = tpu.memref_slice %arg3[%dma_wait3A_80, %dma_wait3A_81] : memref<10000x64xbf16, #tpu.memory_space<hbm>> -> memref<10000x64xbf16, #tpu.memory_space<hbm>>
        tpu.wait_indirect_dma semaphore(%arg17 : memref<!tpu.dma_semaphore, #tpu.memory_space<semaphore_mem>>) src(%dma_wait3A_82 : memref<10000x64xbf16, #tpu.memory_space<hbm>>) dst(%arg10 : memref<80x64xbf16, #tpu.memory_space<vmem>>)
        "tpu.region"() ({
          %run_scoped3A = tpu.sem_alloc : memref<!tpu.dma_semaphore, #tpu.memory_space<semaphore_mem>>
          %dma_start3A_150 = arith.constant 0 : i32
          %dma_start3A_151 = tpu.memref_slice %arg9[%add3A_77, %dma_start3A_150] : memref<250x80xi32, #tpu.memory_space<vmem>> -> memref<1x80xi32, #tpu.memory_space<vmem>>
          %dma_start3A_152 = tpu.memref_squeeze %dma_start3A_151 : memref<1x80xi32, #tpu.memory_space<vmem>> -> memref<80xi32, #tpu.memory_space<vmem>>
          %dma_start3A_153 = arith.constant 0 : i32
          %dma_start3A_154 = arith.constant 0 : i32
          %dma_start3A_155 = tpu.memref_slice %arg16[%dma_start3A_153, %dma_start3A_154] : memref<10240x64xbf16, #tpu.memory_space<vmem_shared>> -> memref<10240x64xbf16, #tpu.memory_space<vmem_shared>>
          tpu.enqueue_indirect_dma source(%arg10 : memref<80x64xbf16, #tpu.memory_space<vmem>>) target(%dma_start3A_155 : memref<10240x64xbf16, #tpu.memory_space<vmem_shared>>) offsets(%dma_start3A_152 : memref<80xi32, #tpu.memory_space<vmem>>) semaphore(%run_scoped3A : memref<!tpu.dma_semaphore, #tpu.memory_space<semaphore_mem>>) {add = true}
          %dma_wait3A_156 = arith.constant 0 : i32
          %dma_wait3A_157 = tpu.memref_slice %arg9[%add3A_77, %dma_wait3A_156] : memref<250x80xi32, #tpu.memory_space<vmem>> -> memref<1x80xi32, #tpu.memory_space<vmem>>
          %dma_wait3A_158 = tpu.memref_squeeze %dma_wait3A_157 : memref<1x80xi32, #tpu.memory_space<vmem>> -> memref<80xi32, #tpu.memory_space<vmem>>
          %dma_wait3A_159 = arith.constant 0 : i32
          %dma_wait3A_160 = arith.constant 0 : i32
          %dma_wait3A_161 = tpu.memref_slice %arg16[%dma_wait3A_159, %dma_wait3A_160] : memref<10240x64xbf16, #tpu.memory_space<vmem_shared>> -> memref<10240x64xbf16, #tpu.memory_space<vmem_shared>>
          tpu.wait_indirect_dma semaphore(%run_scoped3A : memref<!tpu.dma_semaphore, #tpu.memory_space<semaphore_mem>>) src(%arg10 : memref<80x64xbf16, #tpu.memory_space<vmem>>) dst(%dma_wait3A_161 : memref<10240x64xbf16, #tpu.memory_space<vmem_shared>>)
          tpu.yield
        }) : () -> ()
        %add3A_83 = arith.constant 5 : i32
        %add3A_84 = arith.addi %add3A_77, %add3A_83 : i32
        %lt3A = arith.constant 250 : i32
        %lt3A_85 = arith.cmpi slt, %add3A_84, %lt3A : i32
        %convert_element_type3A_86 = arith.extui %lt3A_85 : i1 to i32
        %cond3A_87 = arith.constant 0 : i32
        %cond3A_88 = arith.cmpi ne, %convert_element_type3A_86, %cond3A_87 : i32
        scf.if %cond3A_88 {
          %add3A_150 = arith.constant 5 : i32
          %add3A_151 = arith.addi %add3A_77, %add3A_150 : i32
          %dma_start3A_152 = arith.constant 0 : i32
          %dma_start3A_153 = tpu.memref_slice %arg8[%add3A_151, %dma_start3A_152] : memref<250x80xi32, #tpu.memory_space<vmem>> -> memref<1x80xi32, #tpu.memory_space<vmem>>
          %dma_start3A_154 = tpu.memref_squeeze %dma_start3A_153 : memref<1x80xi32, #tpu.memory_space<vmem>> -> memref<80xi32, #tpu.memory_space<vmem>>
          %dma_start3A_155 = arith.constant 0 : i32
          %dma_start3A_156 = arith.constant 0 : i32
          %dma_start3A_157 = tpu.memref_slice %arg3[%dma_start3A_155, %dma_start3A_156] : memref<10000x64xbf16, #tpu.memory_space<hbm>> -> memref<10000x64xbf16, #tpu.memory_space<hbm>>
          tpu.enqueue_indirect_dma source(%dma_start3A_157 : memref<10000x64xbf16, #tpu.memory_space<hbm>>) target(%arg10 : memref<80x64xbf16, #tpu.memory_space<vmem>>) offsets(%dma_start3A_154 : memref<80xi32, #tpu.memory_space<vmem>>) semaphore(%arg17 : memref<!tpu.dma_semaphore, #tpu.memory_space<semaphore_mem>>)
        } else {
        }
        %add3A_89 = arith.constant 1 : i32
        %add3A_90 = arith.addi %mul3A_76, %add3A_89 : i32
        %dma_wait3A_91 = arith.constant 0 : i32
        %dma_wait3A_92 = tpu.memref_slice %arg8[%add3A_90, %dma_wait3A_91] : memref<250x80xi32, #tpu.memory_space<vmem>> -> memref<1x80xi32, #tpu.memory_space<vmem>>
        %dma_wait3A_93 = tpu.memref_squeeze %dma_wait3A_92 : memref<1x80xi32, #tpu.memory_space<vmem>> -> memref<80xi32, #tpu.memory_space<vmem>>
        %dma_wait3A_94 = arith.constant 0 : i32
        %dma_wait3A_95 = arith.constant 0 : i32
        %dma_wait3A_96 = tpu.memref_slice %arg3[%dma_wait3A_94, %dma_wait3A_95] : memref<10000x64xbf16, #tpu.memory_space<hbm>> -> memref<10000x64xbf16, #tpu.memory_space<hbm>>
        tpu.wait_indirect_dma semaphore(%arg18 : memref<!tpu.dma_semaphore, #tpu.memory_space<semaphore_mem>>) src(%dma_wait3A_96 : memref<10000x64xbf16, #tpu.memory_space<hbm>>) dst(%arg11 : memref<80x64xbf16, #tpu.memory_space<vmem>>)
        "tpu.region"() ({
          %run_scoped3A = tpu.sem_alloc : memref<!tpu.dma_semaphore, #tpu.memory_space<semaphore_mem>>
          %dma_start3A_150 = arith.constant 0 : i32
          %dma_start3A_151 = tpu.memref_slice %arg9[%add3A_90, %dma_start3A_150] : memref<250x80xi32, #tpu.memory_space<vmem>> -> memref<1x80xi32, #tpu.memory_space<vmem>>
          %dma_start3A_152 = tpu.memref_squeeze %dma_start3A_151 : memref<1x80xi32, #tpu.memory_space<vmem>> -> memref<80xi32, #tpu.memory_space<vmem>>
          %dma_start3A_153 = arith.constant 0 : i32
          %dma_start3A_154 = arith.constant 0 : i32
          %dma_start3A_155 = tpu.memref_slice %arg16[%dma_start3A_153, %dma_start3A_154] : memref<10240x64xbf16, #tpu.memory_space<vmem_shared>> -> memref<10240x64xbf16, #tpu.memory_space<vmem_shared>>
          tpu.enqueue_indirect_dma source(%arg11 : memref<80x64xbf16, #tpu.memory_space<vmem>>) target(%dma_start3A_155 : memref<10240x64xbf16, #tpu.memory_space<vmem_shared>>) offsets(%dma_start3A_152 : memref<80xi32, #tpu.memory_space<vmem>>) semaphore(%run_scoped3A : memref<!tpu.dma_semaphore, #tpu.memory_space<semaphore_mem>>) {add = true}
          %dma_wait3A_156 = arith.constant 0 : i32
          %dma_wait3A_157 = tpu.memref_slice %arg9[%add3A_90, %dma_wait3A_156] : memref<250x80xi32, #tpu.memory_space<vmem>> -> memref<1x80xi32, #tpu.memory_space<vmem>>
          %dma_wait3A_158 = tpu.memref_squeeze %dma_wait3A_157 : memref<1x80xi32, #tpu.memory_space<vmem>> -> memref<80xi32, #tpu.memory_space<vmem>>
          %dma_wait3A_159 = arith.constant 0 : i32
          %dma_wait3A_160 = arith.constant 0 : i32
          %dma_wait3A_161 = tpu.memref_slice %arg16[%dma_wait3A_159, %dma_wait3A_160] : memref<10240x64xbf16, #tpu.memory_space<vmem_shared>> -> memref<10240x64xbf16, #tpu.memory_space<vmem_shared>>
          tpu.wait_indirect_dma semaphore(%run_scoped3A : memref<!tpu.dma_semaphore, #tpu.memory_space<semaphore_mem>>) src(%arg11 : memref<80x64xbf16, #tpu.memory_space<vmem>>) dst(%dma_wait3A_161 : memref<10240x64xbf16, #tpu.memory_space<vmem_shared>>)
          tpu.yield
        }) : () -> ()
        %add3A_97 = arith.constant 5 : i32
        %add3A_98 = arith.addi %add3A_90, %add3A_97 : i32
        %lt3A_99 = arith.constant 250 : i32
        %lt3A_100 = arith.cmpi slt, %add3A_98, %lt3A_99 : i32
        %convert_element_type3A_101 = arith.extui %lt3A_100 : i1 to i32
        %cond3A_102 = arith.constant 0 : i32
        %cond3A_103 = arith.cmpi ne, %convert_element_type3A_101, %cond3A_102 : i32
        scf.if %cond3A_103 {
          %add3A_150 = arith.constant 5 : i32
          %add3A_151 = arith.addi %add3A_90, %add3A_150 : i32
          %dma_start3A_152 = arith.constant 0 : i32
          %dma_start3A_153 = tpu.memref_slice %arg8[%add3A_151, %dma_start3A_152] : memref<250x80xi32, #tpu.memory_space<vmem>> -> memref<1x80xi32, #tpu.memory_space<vmem>>
          %dma_start3A_154 = tpu.memref_squeeze %dma_start3A_153 : memref<1x80xi32, #tpu.memory_space<vmem>> -> memref<80xi32, #tpu.memory_space<vmem>>
          %dma_start3A_155 = arith.constant 0 : i32
          %dma_start3A_156 = arith.constant 0 : i32
          %dma_start3A_157 = tpu.memref_slice %arg3[%dma_start3A_155, %dma_start3A_156] : memref<10000x64xbf16, #tpu.memory_space<hbm>> -> memref<10000x64xbf16, #tpu.memory_space<hbm>>
          tpu.enqueue_indirect_dma source(%dma_start3A_157 : memref<10000x64xbf16, #tpu.memory_space<hbm>>) target(%arg11 : memref<80x64xbf16, #tpu.memory_space<vmem>>) offsets(%dma_start3A_154 : memref<80xi32, #tpu.memory_space<vmem>>) semaphore(%arg18 : memref<!tpu.dma_semaphore, #tpu.memory_space<semaphore_mem>>)
        } else {
        }
        %add3A_104 = arith.constant 2 : i32
        %add3A_105 = arith.addi %mul3A_76, %add3A_104 : i32
        %dma_wait3A_106 = arith.constant 0 : i32
        %dma_wait3A_107 = tpu.memref_slice %arg8[%add3A_105, %dma_wait3A_106] : memref<250x80xi32, #tpu.memory_space<vmem>> -> memref<1x80xi32, #tpu.memory_space<vmem>>
        %dma_wait3A_108 = tpu.memref_squeeze %dma_wait3A_107 : memref<1x80xi32, #tpu.memory_space<vmem>> -> memref<80xi32, #tpu.memory_space<vmem>>
        %dma_wait3A_109 = arith.constant 0 : i32
        %dma_wait3A_110 = arith.constant 0 : i32
        %dma_wait3A_111 = tpu.memref_slice %arg3[%dma_wait3A_109, %dma_wait3A_110] : memref<10000x64xbf16, #tpu.memory_space<hbm>> -> memref<10000x64xbf16, #tpu.memory_space<hbm>>
        tpu.wait_indirect_dma semaphore(%arg19 : memref<!tpu.dma_semaphore, #tpu.memory_space<semaphore_mem>>) src(%dma_wait3A_111 : memref<10000x64xbf16, #tpu.memory_space<hbm>>) dst(%arg12 : memref<80x64xbf16, #tpu.memory_space<vmem>>)
        "tpu.region"() ({
          %run_scoped3A = tpu.sem_alloc : memref<!tpu.dma_semaphore, #tpu.memory_space<semaphore_mem>>
          %dma_start3A_150 = arith.constant 0 : i32
          %dma_start3A_151 = tpu.memref_slice %arg9[%add3A_105, %dma_start3A_150] : memref<250x80xi32, #tpu.memory_space<vmem>> -> memref<1x80xi32, #tpu.memory_space<vmem>>
          %dma_start3A_152 = tpu.memref_squeeze %dma_start3A_151 : memref<1x80xi32, #tpu.memory_space<vmem>> -> memref<80xi32, #tpu.memory_space<vmem>>
          %dma_start3A_153 = arith.constant 0 : i32
          %dma_start3A_154 = arith.constant 0 : i32
          %dma_start3A_155 = tpu.memref_slice %arg16[%dma_start3A_153, %dma_start3A_154] : memref<10240x64xbf16, #tpu.memory_space<vmem_shared>> -> memref<10240x64xbf16, #tpu.memory_space<vmem_shared>>
          tpu.enqueue_indirect_dma source(%arg12 : memref<80x64xbf16, #tpu.memory_space<vmem>>) target(%dma_start3A_155 : memref<10240x64xbf16, #tpu.memory_space<vmem_shared>>) offsets(%dma_start3A_152 : memref<80xi32, #tpu.memory_space<vmem>>) semaphore(%run_scoped3A : memref<!tpu.dma_semaphore, #tpu.memory_space<semaphore_mem>>) {add = true}
          %dma_wait3A_156 = arith.constant 0 : i32
          %dma_wait3A_157 = tpu.memref_slice %arg9[%add3A_105, %dma_wait3A_156] : memref<250x80xi32, #tpu.memory_space<vmem>> -> memref<1x80xi32, #tpu.memory_space<vmem>>
          %dma_wait3A_158 = tpu.memref_squeeze %dma_wait3A_157 : memref<1x80xi32, #tpu.memory_space<vmem>> -> memref<80xi32, #tpu.memory_space<vmem>>
          %dma_wait3A_159 = arith.constant 0 : i32
          %dma_wait3A_160 = arith.constant 0 : i32
          %dma_wait3A_161 = tpu.memref_slice %arg16[%dma_wait3A_159, %dma_wait3A_160] : memref<10240x64xbf16, #tpu.memory_space<vmem_shared>> -> memref<10240x64xbf16, #tpu.memory_space<vmem_shared>>
          tpu.wait_indirect_dma semaphore(%run_scoped3A : memref<!tpu.dma_semaphore, #tpu.memory_space<semaphore_mem>>) src(%arg12 : memref<80x64xbf16, #tpu.memory_space<vmem>>) dst(%dma_wait3A_161 : memref<10240x64xbf16, #tpu.memory_space<vmem_shared>>)
          tpu.yield
        }) : () -> ()
        %add3A_112 = arith.constant 5 : i32
        %add3A_113 = arith.addi %add3A_105, %add3A_112 : i32
        %lt3A_114 = arith.constant 250 : i32
        %lt3A_115 = arith.cmpi slt, %add3A_113, %lt3A_114 : i32
        %convert_element_type3A_116 = arith.extui %lt3A_115 : i1 to i32
        %cond3A_117 = arith.constant 0 : i32
        %cond3A_118 = arith.cmpi ne, %convert_element_type3A_116, %cond3A_117 : i32
        scf.if %cond3A_118 {
          %add3A_150 = arith.constant 5 : i32
          %add3A_151 = arith.addi %add3A_105, %add3A_150 : i32
          %dma_start3A_152 = arith.constant 0 : i32
          %dma_start3A_153 = tpu.memref_slice %arg8[%add3A_151, %dma_start3A_152] : memref<250x80xi32, #tpu.memory_space<vmem>> -> memref<1x80xi32, #tpu.memory_space<vmem>>
          %dma_start3A_154 = tpu.memref_squeeze %dma_start3A_153 : memref<1x80xi32, #tpu.memory_space<vmem>> -> memref<80xi32, #tpu.memory_space<vmem>>
          %dma_start3A_155 = arith.constant 0 : i32
          %dma_start3A_156 = arith.constant 0 : i32
          %dma_start3A_157 = tpu.memref_slice %arg3[%dma_start3A_155, %dma_start3A_156] : memref<10000x64xbf16, #tpu.memory_space<hbm>> -> memref<10000x64xbf16, #tpu.memory_space<hbm>>
          tpu.enqueue_indirect_dma source(%dma_start3A_157 : memref<10000x64xbf16, #tpu.memory_space<hbm>>) target(%arg12 : memref<80x64xbf16, #tpu.memory_space<vmem>>) offsets(%dma_start3A_154 : memref<80xi32, #tpu.memory_space<vmem>>) semaphore(%arg19 : memref<!tpu.dma_semaphore, #tpu.memory_space<semaphore_mem>>)
        } else {
        }
        %add3A_119 = arith.constant 3 : i32
        %add3A_120 = arith.addi %mul3A_76, %add3A_119 : i32
        %dma_wait3A_121 = arith.constant 0 : i32
        %dma_wait3A_122 = tpu.memref_slice %arg8[%add3A_120, %dma_wait3A_121] : memref<250x80xi32, #tpu.memory_space<vmem>> -> memref<1x80xi32, #tpu.memory_space<vmem>>
        %dma_wait3A_123 = tpu.memref_squeeze %dma_wait3A_122 : memref<1x80xi32, #tpu.memory_space<vmem>> -> memref<80xi32, #tpu.memory_space<vmem>>
        %dma_wait3A_124 = arith.constant 0 : i32
        %dma_wait3A_125 = arith.constant 0 : i32
        %dma_wait3A_126 = tpu.memref_slice %arg3[%dma_wait3A_124, %dma_wait3A_125] : memref<10000x64xbf16, #tpu.memory_space<hbm>> -> memref<10000x64xbf16, #tpu.memory_space<hbm>>
        tpu.wait_indirect_dma semaphore(%arg20 : memref<!tpu.dma_semaphore, #tpu.memory_space<semaphore_mem>>) src(%dma_wait3A_126 : memref<10000x64xbf16, #tpu.memory_space<hbm>>) dst(%arg13 : memref<80x64xbf16, #tpu.memory_space<vmem>>)
        "tpu.region"() ({
          %run_scoped3A = tpu.sem_alloc : memref<!tpu.dma_semaphore, #tpu.memory_space<semaphore_mem>>
          %dma_start3A_150 = arith.constant 0 : i32
          %dma_start3A_151 = tpu.memref_slice %arg9[%add3A_120, %dma_start3A_150] : memref<250x80xi32, #tpu.memory_space<vmem>> -> memref<1x80xi32, #tpu.memory_space<vmem>>
          %dma_start3A_152 = tpu.memref_squeeze %dma_start3A_151 : memref<1x80xi32, #tpu.memory_space<vmem>> -> memref<80xi32, #tpu.memory_space<vmem>>
          %dma_start3A_153 = arith.constant 0 : i32
          %dma_start3A_154 = arith.constant 0 : i32
          %dma_start3A_155 = tpu.memref_slice %arg16[%dma_start3A_153, %dma_start3A_154] : memref<10240x64xbf16, #tpu.memory_space<vmem_shared>> -> memref<10240x64xbf16, #tpu.memory_space<vmem_shared>>
          tpu.enqueue_indirect_dma source(%arg13 : memref<80x64xbf16, #tpu.memory_space<vmem>>) target(%dma_start3A_155 : memref<10240x64xbf16, #tpu.memory_space<vmem_shared>>) offsets(%dma_start3A_152 : memref<80xi32, #tpu.memory_space<vmem>>) semaphore(%run_scoped3A : memref<!tpu.dma_semaphore, #tpu.memory_space<semaphore_mem>>) {add = true}
          %dma_wait3A_156 = arith.constant 0 : i32
          %dma_wait3A_157 = tpu.memref_slice %arg9[%add3A_120, %dma_wait3A_156] : memref<250x80xi32, #tpu.memory_space<vmem>> -> memref<1x80xi32, #tpu.memory_space<vmem>>
          %dma_wait3A_158 = tpu.memref_squeeze %dma_wait3A_157 : memref<1x80xi32, #tpu.memory_space<vmem>> -> memref<80xi32, #tpu.memory_space<vmem>>
          %dma_wait3A_159 = arith.constant 0 : i32
          %dma_wait3A_160 = arith.constant 0 : i32
          %dma_wait3A_161 = tpu.memref_slice %arg16[%dma_wait3A_159, %dma_wait3A_160] : memref<10240x64xbf16, #tpu.memory_space<vmem_shared>> -> memref<10240x64xbf16, #tpu.memory_space<vmem_shared>>
          tpu.wait_indirect_dma semaphore(%run_scoped3A : memref<!tpu.dma_semaphore, #tpu.memory_space<semaphore_mem>>) src(%arg13 : memref<80x64xbf16, #tpu.memory_space<vmem>>) dst(%dma_wait3A_161 : memref<10240x64xbf16, #tpu.memory_space<vmem_shared>>)
          tpu.yield
        }) : () -> ()
        %add3A_127 = arith.constant 5 : i32
        %add3A_128 = arith.addi %add3A_120, %add3A_127 : i32
        %lt3A_129 = arith.constant 250 : i32
        %lt3A_130 = arith.cmpi slt, %add3A_128, %lt3A_129 : i32
        %convert_element_type3A_131 = arith.extui %lt3A_130 : i1 to i32
        %cond3A_132 = arith.constant 0 : i32
        %cond3A_133 = arith.cmpi ne, %convert_element_type3A_131, %cond3A_132 : i32
        scf.if %cond3A_133 {
          %add3A_150 = arith.constant 5 : i32
          %add3A_151 = arith.addi %add3A_120, %add3A_150 : i32
          %dma_start3A_152 = arith.constant 0 : i32
          %dma_start3A_153 = tpu.memref_slice %arg8[%add3A_151, %dma_start3A_152] : memref<250x80xi32, #tpu.memory_space<vmem>> -> memref<1x80xi32, #tpu.memory_space<vmem>>
          %dma_start3A_154 = tpu.memref_squeeze %dma_start3A_153 : memref<1x80xi32, #tpu.memory_space<vmem>> -> memref<80xi32, #tpu.memory_space<vmem>>
          %dma_start3A_155 = arith.constant 0 : i32
          %dma_start3A_156 = arith.constant 0 : i32
          %dma_start3A_157 = tpu.memref_slice %arg3[%dma_start3A_155, %dma_start3A_156] : memref<10000x64xbf16, #tpu.memory_space<hbm>> -> memref<10000x64xbf16, #tpu.memory_space<hbm>>
          tpu.enqueue_indirect_dma source(%dma_start3A_157 : memref<10000x64xbf16, #tpu.memory_space<hbm>>) target(%arg13 : memref<80x64xbf16, #tpu.memory_space<vmem>>) offsets(%dma_start3A_154 : memref<80xi32, #tpu.memory_space<vmem>>) semaphore(%arg20 : memref<!tpu.dma_semaphore, #tpu.memory_space<semaphore_mem>>)
        } else {
        }
        %add3A_134 = arith.constant 4 : i32
        %add3A_135 = arith.addi %mul3A_76, %add3A_134 : i32
        %dma_wait3A_136 = arith.constant 0 : i32
        %dma_wait3A_137 = tpu.memref_slice %arg8[%add3A_135, %dma_wait3A_136] : memref<250x80xi32, #tpu.memory_space<vmem>> -> memref<1x80xi32, #tpu.memory_space<vmem>>
        %dma_wait3A_138 = tpu.memref_squeeze %dma_wait3A_137 : memref<1x80xi32, #tpu.memory_space<vmem>> -> memref<80xi32, #tpu.memory_space<vmem>>
        %dma_wait3A_139 = arith.constant 0 : i32
        %dma_wait3A_140 = arith.constant 0 : i32
        %dma_wait3A_141 = tpu.memref_slice %arg3[%dma_wait3A_139, %dma_wait3A_140] : memref<10000x64xbf16, #tpu.memory_space<hbm>> -> memref<10000x64xbf16, #tpu.memory_space<hbm>>
        tpu.wait_indirect_dma semaphore(%arg21 : memref<!tpu.dma_semaphore, #tpu.memory_space<semaphore_mem>>) src(%dma_wait3A_141 : memref<10000x64xbf16, #tpu.memory_space<hbm>>) dst(%arg14 : memref<80x64xbf16, #tpu.memory_space<vmem>>)
        "tpu.region"() ({
          %run_scoped3A = tpu.sem_alloc : memref<!tpu.dma_semaphore, #tpu.memory_space<semaphore_mem>>
          %dma_start3A_150 = arith.constant 0 : i32
          %dma_start3A_151 = tpu.memref_slice %arg9[%add3A_135, %dma_start3A_150] : memref<250x80xi32, #tpu.memory_space<vmem>> -> memref<1x80xi32, #tpu.memory_space<vmem>>
          %dma_start3A_152 = tpu.memref_squeeze %dma_start3A_151 : memref<1x80xi32, #tpu.memory_space<vmem>> -> memref<80xi32, #tpu.memory_space<vmem>>
          %dma_start3A_153 = arith.constant 0 : i32
          %dma_start3A_154 = arith.constant 0 : i32
          %dma_start3A_155 = tpu.memref_slice %arg16[%dma_start3A_153, %dma_start3A_154] : memref<10240x64xbf16, #tpu.memory_space<vmem_shared>> -> memref<10240x64xbf16, #tpu.memory_space<vmem_shared>>
          tpu.enqueue_indirect_dma source(%arg14 : memref<80x64xbf16, #tpu.memory_space<vmem>>) target(%dma_start3A_155 : memref<10240x64xbf16, #tpu.memory_space<vmem_shared>>) offsets(%dma_start3A_152 : memref<80xi32, #tpu.memory_space<vmem>>) semaphore(%run_scoped3A : memref<!tpu.dma_semaphore, #tpu.memory_space<semaphore_mem>>) {add = true}
          %dma_wait3A_156 = arith.constant 0 : i32
          %dma_wait3A_157 = tpu.memref_slice %arg9[%add3A_135, %dma_wait3A_156] : memref<250x80xi32, #tpu.memory_space<vmem>> -> memref<1x80xi32, #tpu.memory_space<vmem>>
          %dma_wait3A_158 = tpu.memref_squeeze %dma_wait3A_157 : memref<1x80xi32, #tpu.memory_space<vmem>> -> memref<80xi32, #tpu.memory_space<vmem>>
          %dma_wait3A_159 = arith.constant 0 : i32
          %dma_wait3A_160 = arith.constant 0 : i32
          %dma_wait3A_161 = tpu.memref_slice %arg16[%dma_wait3A_159, %dma_wait3A_160] : memref<10240x64xbf16, #tpu.memory_space<vmem_shared>> -> memref<10240x64xbf16, #tpu.memory_space<vmem_shared>>
          tpu.wait_indirect_dma semaphore(%run_scoped3A : memref<!tpu.dma_semaphore, #tpu.memory_space<semaphore_mem>>) src(%arg14 : memref<80x64xbf16, #tpu.memory_space<vmem>>) dst(%dma_wait3A_161 : memref<10240x64xbf16, #tpu.memory_space<vmem_shared>>)
          tpu.yield
        }) : () -> ()
        %add3A_142 = arith.constant 5 : i32
        %add3A_143 = arith.addi %add3A_135, %add3A_142 : i32
        %lt3A_144 = arith.constant 250 : i32
        %lt3A_145 = arith.cmpi slt, %add3A_143, %lt3A_144 : i32
        %convert_element_type3A_146 = arith.extui %lt3A_145 : i1 to i32
        %cond3A_147 = arith.constant 0 : i32
        %cond3A_148 = arith.cmpi ne, %convert_element_type3A_146, %cond3A_147 : i32
        scf.if %cond3A_148 {
          %add3A_150 = arith.constant 5 : i32
          %add3A_151 = arith.addi %add3A_135, %add3A_150 : i32
          %dma_start3A_152 = arith.constant 0 : i32
          %dma_start3A_153 = tpu.memref_slice %arg8[%add3A_151, %dma_start3A_152] : memref<250x80xi32, #tpu.memory_space<vmem>> -> memref<1x80xi32, #tpu.memory_space<vmem>>
          %dma_start3A_154 = tpu.memref_squeeze %dma_start3A_153 : memref<1x80xi32, #tpu.memory_space<vmem>> -> memref<80xi32, #tpu.memory_space<vmem>>
          %dma_start3A_155 = arith.constant 0 : i32
          %dma_start3A_156 = arith.constant 0 : i32
          %dma_start3A_157 = tpu.memref_slice %arg3[%dma_start3A_155, %dma_start3A_156] : memref<10000x64xbf16, #tpu.memory_space<hbm>> -> memref<10000x64xbf16, #tpu.memory_space<hbm>>
          tpu.enqueue_indirect_dma source(%dma_start3A_157 : memref<10000x64xbf16, #tpu.memory_space<hbm>>) target(%arg14 : memref<80x64xbf16, #tpu.memory_space<vmem>>) offsets(%dma_start3A_154 : memref<80xi32, #tpu.memory_space<vmem>>) semaphore(%arg21 : memref<!tpu.dma_semaphore, #tpu.memory_space<semaphore_mem>>)
        } else {
        }
        %scan3A_149 = arith.constant 0 : i32
        scf.yield %scan3A_149 : i32
      }
      %scan3A_72 = arith.constant 50 : i32
    } else {
    }
    %barrier3A_21 = arith.constant 0 : index
    tpu.barrier barrier_id(%barrier3A_21)
    %eq3A_22 = arith.constant 0 : i32
    %eq3A_23 = arith.cmpi eq, %arg0, %eq3A_22 : i32
    %convert_element_type3A_24 = arith.extui %eq3A_23 : i1 to i32
    %cond3A_25 = arith.constant 0 : i32
    %cond3A_26 = arith.cmpi ne, %convert_element_type3A_24, %cond3A_25 : i32
    scf.if %cond3A_26 {
      "tpu.region"() ({
        %run_scoped3A = tpu.sem_alloc : memref<!tpu.dma_semaphore, #tpu.memory_space<semaphore_mem>>
        %dma_start3A = arith.constant 0 : i32
        %dma_start3A_32 = tpu.memref_slice %arg6[%mul3A_6, %dma_start3A] : memref<10240x64xbf16, #tpu.memory_space<hbm>> -> memref<640x64xbf16, #tpu.memory_space<hbm>>
        %dma_start3A_33 = arith.constant 0 : i32
        %dma_start3A_34 = tpu.memref_slice %arg16[%mul3A_6, %dma_start3A_33] : memref<10240x64xbf16, #tpu.memory_space<vmem_shared>> -> memref<640x64xbf16, #tpu.memory_space<vmem_shared>>
        tpu.enqueue_dma source(%dma_start3A_34 : memref<640x64xbf16, #tpu.memory_space<vmem_shared>>) target(%dma_start3A_32 : memref<640x64xbf16, #tpu.memory_space<hbm>>) target_semaphore(%run_scoped3A : memref<!tpu.dma_semaphore, #tpu.memory_space<semaphore_mem>>)
        %dma_wait3A = arith.constant 0 : i32
        %dma_wait3A_35 = tpu.memref_slice %arg6[%mul3A_6, %dma_wait3A] : memref<10240x64xbf16, #tpu.memory_space<hbm>> -> memref<640x64xbf16, #tpu.memory_space<hbm>>
        %dma_wait3A_36 = arith.constant 0 : i32
        %dma_wait3A_37 = tpu.memref_slice %arg16[%mul3A_6, %dma_wait3A_36] : memref<10240x64xbf16, #tpu.memory_space<vmem_shared>> -> memref<640x64xbf16, #tpu.memory_space<vmem_shared>>
        tpu.wait_dma2 semaphore(%run_scoped3A : memref<!tpu.dma_semaphore, #tpu.memory_space<semaphore_mem>>) src(%dma_wait3A_37 : memref<640x64xbf16, #tpu.memory_space<vmem_shared>>) dst(%dma_wait3A_35 : memref<640x64xbf16, #tpu.memory_space<hbm>>)
        tpu.yield
      }) : () -> ()
    } else {
    }
    %eq3A_27 = arith.constant 1 : i32
    %eq3A_28 = arith.cmpi eq, %arg0, %eq3A_27 : i32
    %convert_element_type3A_29 = arith.extui %eq3A_28 : i1 to i32
    %cond3A_30 = arith.constant 0 : i32
    %cond3A_31 = arith.cmpi ne, %convert_element_type3A_29, %cond3A_30 : i32
    scf.if %cond3A_31 {
      "tpu.region"() ({
        %run_scoped3A = tpu.sem_alloc : memref<!tpu.dma_semaphore, #tpu.memory_space<semaphore_mem>>
        %dma_start3A = arith.constant 0 : i32
        %dma_start3A_32 = tpu.memref_slice %arg7[%mul3A_6, %dma_start3A] : memref<10240x64xbf16, #tpu.memory_space<hbm>> -> memref<640x64xbf16, #tpu.memory_space<hbm>>
        %dma_start3A_33 = arith.constant 0 : i32
        %dma_start3A_34 = tpu.memref_slice %arg16[%mul3A_6, %dma_start3A_33] : memref<10240x64xbf16, #tpu.memory_space<vmem_shared>> -> memref<640x64xbf16, #tpu.memory_space<vmem_shared>>
        tpu.enqueue_dma source(%dma_start3A_34 : memref<640x64xbf16, #tpu.memory_space<vmem_shared>>) target(%dma_start3A_32 : memref<640x64xbf16, #tpu.memory_space<hbm>>) target_semaphore(%run_scoped3A : memref<!tpu.dma_semaphore, #tpu.memory_space<semaphore_mem>>)
        %dma_wait3A = arith.constant 0 : i32
        %dma_wait3A_35 = tpu.memref_slice %arg7[%mul3A_6, %dma_wait3A] : memref<10240x64xbf16, #tpu.memory_space<hbm>> -> memref<640x64xbf16, #tpu.memory_space<hbm>>
        %dma_wait3A_36 = arith.constant 0 : i32
        %dma_wait3A_37 = tpu.memref_slice %arg16[%mul3A_6, %dma_wait3A_36] : memref<10240x64xbf16, #tpu.memory_space<vmem_shared>> -> memref<640x64xbf16, #tpu.memory_space<vmem_shared>>
        tpu.wait_dma2 semaphore(%run_scoped3A : memref<!tpu.dma_semaphore, #tpu.memory_space<semaphore_mem>>) src(%dma_wait3A_37 : memref<640x64xbf16, #tpu.memory_space<vmem_shared>>) dst(%dma_wait3A_35 : memref<640x64xbf16, #tpu.memory_space<hbm>>)
        tpu.yield
      }) : () -> ()
    } else {
    }
    return
  }
}

#map = affine_map<(d0, d1) -> (0, 0)>
#map1 = affine_map<(d0, d1) -> (0, 0, 0)>
module attributes {stable_mosaic.version = 14 : i64} {
  func.func @segsum_kernel(%arg0: i32, %arg1: i32, %arg2: memref<10000x64xbf16, #tpu.memory_space<hbm>>, %arg3: memref<10000x64xbf16, #tpu.memory_space<hbm>>, %arg4: memref<16x250x80xi32, #tpu.memory_space<hbm>>, %arg5: memref<16x250x80xi32, #tpu.memory_space<hbm>>, %arg6: memref<10240x64xbf16, #tpu.memory_space<hbm>>, %arg7: memref<10240x64xbf16, #tpu.memory_space<hbm>>, %arg8: memref<250x80xi32, #tpu.memory_space<vmem>>, %arg9: memref<250x80xi32, #tpu.memory_space<vmem>>, %arg10: memref<80x64xbf16, #tpu.memory_space<vmem>>, %arg11: memref<80x64xbf16, #tpu.memory_space<vmem>>, %arg12: memref<80x64xbf16, #tpu.memory_space<vmem>>, %arg13: memref<80x64xbf16, #tpu.memory_space<vmem>>, %arg14: memref<80x64xbf16, #tpu.memory_space<vmem>>, %arg15: memref<128x64xbf16, #tpu.memory_space<vmem>>, %arg16: memref<10240x64xbf16, #tpu.memory_space<vmem_shared>>, %arg17: memref<!tpu.dma_semaphore, #tpu.memory_space<semaphore_mem>>, %arg18: memref<!tpu.dma_semaphore, #tpu.memory_space<semaphore_mem>>, %arg19: memref<!tpu.dma_semaphore, #tpu.memory_space<semaphore_mem>>, %arg20: memref<!tpu.dma_semaphore, #tpu.memory_space<semaphore_mem>>, %arg21: memref<!tpu.dma_semaphore, #tpu.memory_space<semaphore_mem>>) attributes {dimension_semantics = [#tpu.dimension_semantics<core_parallel>, #tpu.dimension_semantics<subcore_parallel>], iteration_bounds = array<i64: 2, 16>, scalar_prefetch = 0 : i64, scratch_operands = 14 : i64, tpu.core_type = #tpu.core_type<sc_vector_subcore>, window_params = [{transform_indices = #map}, {transform_indices = #map}, {transform_indices = #map1}, {transform_indices = #map1}, {transform_indices = #map}, {transform_indices = #map}]} {
    %scan3A = arith.constant 0 : i32
    %scan3A_0 = arith.constant 0 : i32
    %scan3A_1 = arith.constant 256 : i32
    %scan3A_2 = arith.addi %scan3A_0, %scan3A_1 : i32
    %scan3A_3 = arith.constant 1 : i32
    %scan3A_4 = scf.for %scan3A_32 = %scan3A_0 to %scan3A_2 step %scan3A_3 iter_args(%scan3A_33 = %scan3A) -> (i32)  : i32 {
      %jit3A = arith.constant 2 : i32
      %div3A = arith.divsi %scan3A_32, %jit3A : i32
      %sign3A = arith.constant 0 : i32
      %sign3A_34 = arith.cmpi sgt, %scan3A_32, %sign3A : i32
      %sign3A_35 = arith.extui %sign3A_34 : i1 to i32
      %sign3A_36 = arith.constant 0 : i32
      %sign3A_37 = arith.cmpi slt, %scan3A_32, %sign3A_36 : i32
      %sign3A_38 = arith.extui %sign3A_37 : i1 to i32
      %sign3A_39 = arith.subi %sign3A_35, %sign3A_38 : i32
      %sign3A_40 = arith.constant 0 : i32
      %sign3A_41 = arith.cmpi sgt, %jit3A, %sign3A_40 : i32
      %sign3A_42 = arith.extui %sign3A_41 : i1 to i32
      %sign3A_43 = arith.constant 0 : i32
      %sign3A_44 = arith.cmpi slt, %jit3A, %sign3A_43 : i32
      %sign3A_45 = arith.extui %sign3A_44 : i1 to i32
      %sign3A_46 = arith.subi %sign3A_42, %sign3A_45 : i32
      %ne3A = arith.cmpi ne, %sign3A_39, %sign3A_46 : i32
      %rem3A = arith.remsi %scan3A_32, %jit3A : i32
      %ne3A_47 = arith.constant 0 : i32
      %ne3A_48 = arith.cmpi ne, %rem3A, %ne3A_47 : i32
      %and3A = arith.andi %ne3A, %ne3A_48 : i1
      %sub3A = arith.constant 1 : i32
      %sub3A_49 = arith.subi %div3A, %sub3A : i32
      %select_n3A = arith.select %and3A, %sub3A_49, %div3A : i32
      %jit3A_50 = arith.constant 2 : i32
      %eq3A_51 = arith.constant 0 : i32
      %eq3A_52 = arith.cmpi eq, %jit3A_50, %eq3A_51 : i32
      %jit3A_53 = arith.constant 1 : i32
      %select_n3A_54 = arith.select %eq3A_52, %jit3A_53, %jit3A_50 : i32
      %rem3A_55 = arith.remsi %scan3A_32, %select_n3A_54 : i32
      %ne3A_56 = arith.constant 0 : i32
      %ne3A_57 = arith.cmpi ne, %rem3A_55, %ne3A_56 : i32
      %lt3A = arith.constant 0 : i32
      %lt3A_58 = arith.cmpi slt, %rem3A_55, %lt3A : i32
      %lt3A_59 = arith.constant 0 : i32
      %lt3A_60 = arith.cmpi slt, %select_n3A_54, %lt3A_59 : i32
      %ne3A_61 = arith.xori %lt3A_58, %lt3A_60 : i1
      %and3A_62 = arith.andi %ne3A_61, %ne3A_57 : i1
      %add3A = arith.addi %rem3A_55, %select_n3A_54 : i32
      %select_n3A_63 = arith.select %and3A_62, %add3A, %rem3A_55 : i32
      %broadcast_in_dim3A = arith.constant 0.000000e+00 : bf16
      %broadcast_in_dim3A_64 = vector.broadcast %broadcast_in_dim3A : bf16 to vector<32xbf16>
      %mul3A_65 = arith.constant 32 : i32
      %mul3A_66 = arith.muli %select_n3A_63, %mul3A_65 : i32
      %swap3A = arith.index_cast %select_n3A : i32 to index
      %swap3A_67 = arith.index_cast %mul3A_66 : i32 to index
      %swap3A_68 = tpu.vector_load %arg15[%swap3A, %swap3A_67] {strides = array<i32>} : memref<128x64xbf16, #tpu.memory_space<vmem>>, vector<1x32xbf16>,
      %swap3A_69 = vector.shape_cast %swap3A_68 : vector<1x32xbf16> to vector<32xbf16>
      %swap3A_70 = vector.shape_cast %broadcast_in_dim3A_64 : vector<32xbf16> to vector<1x32xbf16>
      tpu.vector_store %arg15[%swap3A, %swap3A_67], %swap3A_70 {strides = array<i32>} : memref<128x64xbf16, #tpu.memory_space<vmem>>, vector<1x32xbf16>,
      %scan3A_71 = arith.constant 0 : i32
      scf.yield %scan3A_71 : i32
    }
    %scan3A_5 = arith.constant 256 : i32
    %mul3A = arith.constant 640 : i32
    %mul3A_6 = arith.muli %arg1, %mul3A : i32
    %scan3A_7 = arith.constant 0 : i32
    %scan3A_8 = arith.constant 0 : i32
    %scan3A_9 = arith.constant 5 : i32
    %scan3A_10 = arith.addi %scan3A_8, %scan3A_9 : i32
    %scan3A_11 = arith.constant 1 : i32
    %scan3A_12 = scf.for %scan3A_32 = %scan3A_8 to %scan3A_10 step %scan3A_11 iter_args(%scan3A_33 = %scan3A_7) -> (i32)  : i32 {
      %mul3A_34 = arith.constant 128 : i32
      %mul3A_35 = arith.muli %scan3A_32, %mul3A_34 : i32
      %add3A = arith.addi %mul3A_6, %mul3A_35 : i32
      "tpu.region"() ({
        %run_scoped3A = tpu.sem_alloc : memref<!tpu.dma_semaphore, #tpu.memory_space<semaphore_mem>>
        %dma_start3A = arith.constant 0 : i32
        %dma_start3A_37 = tpu.memref_slice %arg16[%add3A, %dma_start3A] : memref<10240x64xbf16, #tpu.memory_space<vmem_shared>> -> memref<128x64xbf16, #tpu.memory_space<vmem_shared>>
        %dma_start3A_38 = arith.constant 0 : i32
        %dma_start3A_39 = tpu.memref_slice %arg16[%add3A, %dma_start3A_38] : memref<10240x64xbf16, #tpu.memory_space<vmem_shared>> -> memref<128x64xbf16, #tpu.memory_space<vmem_shared>>
        tpu.enqueue_dma source(%arg15 : memref<128x64xbf16, #tpu.memory_space<vmem>>) target(%dma_start3A_39 : memref<128x64xbf16, #tpu.memory_space<vmem_shared>>) target_semaphore(%run_scoped3A : memref<!tpu.dma_semaphore, #tpu.memory_space<semaphore_mem>>)
        %dma_wait3A = arith.constant 0 : i32
        %dma_wait3A_40 = tpu.memref_slice %arg16[%add3A, %dma_wait3A] : memref<10240x64xbf16, #tpu.memory_space<vmem_shared>> -> memref<128x64xbf16, #tpu.memory_space<vmem_shared>>
        %dma_wait3A_41 = arith.constant 0 : i32
        %dma_wait3A_42 = tpu.memref_slice %arg16[%add3A, %dma_wait3A_41] : memref<10240x64xbf16, #tpu.memory_space<vmem_shared>> -> memref<128x64xbf16, #tpu.memory_space<vmem_shared>>
        tpu.wait_dma2 semaphore(%run_scoped3A : memref<!tpu.dma_semaphore, #tpu.memory_space<semaphore_mem>>) src(%arg15 : memref<128x64xbf16, #tpu.memory_space<vmem>>) dst(%dma_wait3A_42 : memref<128x64xbf16, #tpu.memory_space<vmem_shared>>)
        tpu.yield
      }) : () -> ()
      %scan3A_36 = arith.constant 0 : i32
      scf.yield %scan3A_36 : i32
    }
    %scan3A_13 = arith.constant 5 : i32
    "tpu.region"() ({
      %run_scoped3A = tpu.sem_alloc : memref<!tpu.dma_semaphore, #tpu.memory_space<semaphore_mem>>
      %dma_start3A = arith.constant 0 : i32
      %dma_start3A_32 = arith.constant 0 : i32
      %dma_start3A_33 = tpu.memref_slice %arg4[%arg1, %dma_start3A, %dma_start3A_32] : memref<16x250x80xi32, #tpu.memory_space<hbm>> -> memref<1x250x80xi32, #tpu.memory_space<hbm>>
      %dma_start3A_34 = tpu.memref_squeeze %dma_start3A_33 : memref<1x250x80xi32, #tpu.memory_space<hbm>> -> memref<250x80xi32, #tpu.memory_space<hbm>>
      %dma_start3A_35 = arith.constant 0 : i32
      %dma_start3A_36 = arith.constant 0 : i32
      %dma_start3A_37 = tpu.memref_slice %arg4[%arg1, %dma_start3A_35, %dma_start3A_36] : memref<16x250x80xi32, #tpu.memory_space<hbm>> -> memref<1x250x80xi32, #tpu.memory_space<hbm>>
      %dma_start3A_38 = tpu.memref_squeeze %dma_start3A_37 : memref<1x250x80xi32, #tpu.memory_space<hbm>> -> memref<250x80xi32, #tpu.memory_space<hbm>>
      tpu.enqueue_dma source(%dma_start3A_38 : memref<250x80xi32, #tpu.memory_space<hbm>>) target(%arg8 : memref<250x80xi32, #tpu.memory_space<vmem>>) target_semaphore(%run_scoped3A : memref<!tpu.dma_semaphore, #tpu.memory_space<semaphore_mem>>)
      %dma_wait3A = arith.constant 0 : i32
      %dma_wait3A_39 = arith.constant 0 : i32
      %dma_wait3A_40 = tpu.memref_slice %arg4[%arg1, %dma_wait3A, %dma_wait3A_39] : memref<16x250x80xi32, #tpu.memory_space<hbm>> -> memref<1x250x80xi32, #tpu.memory_space<hbm>>
      %dma_wait3A_41 = tpu.memref_squeeze %dma_wait3A_40 : memref<1x250x80xi32, #tpu.memory_space<hbm>> -> memref<250x80xi32, #tpu.memory_space<hbm>>
      %dma_wait3A_42 = arith.constant 0 : i32
      %dma_wait3A_43 = arith.constant 0 : i32
      %dma_wait3A_44 = tpu.memref_slice %arg4[%arg1, %dma_wait3A_42, %dma_wait3A_43] : memref<16x250x80xi32, #tpu.memory_space<hbm>> -> memref<1x250x80xi32, #tpu.memory_space<hbm>>
      %dma_wait3A_45 = tpu.memref_squeeze %dma_wait3A_44 : memref<1x250x80xi32, #tpu.memory_space<hbm>> -> memref<250x80xi32, #tpu.memory_space<hbm>>
      tpu.wait_dma2 semaphore(%run_scoped3A : memref<!tpu.dma_semaphore, #tpu.memory_space<semaphore_mem>>) src(%dma_wait3A_45 : memref<250x80xi32, #tpu.memory_space<hbm>>) dst(%arg8 : memref<250x80xi32, #tpu.memory_space<vmem>>)
      tpu.yield
    }) : () -> ()
    "tpu.region"() ({
      %run_scoped3A = tpu.sem_alloc : memref<!tpu.dma_semaphore, #tpu.memory_space<semaphore_mem>>
      %dma_start3A = arith.constant 0 : i32
      %dma_start3A_32 = arith.constant 0 : i32
      %dma_start3A_33 = tpu.memref_slice %arg5[%arg1, %dma_start3A, %dma_start3A_32] : memref<16x250x80xi32, #tpu.memory_space<hbm>> -> memref<1x250x80xi32, #tpu.memory_space<hbm>>
      %dma_start3A_34 = tpu.memref_squeeze %dma_start3A_33 : memref<1x250x80xi32, #tpu.memory_space<hbm>> -> memref<250x80xi32, #tpu.memory_space<hbm>>
      %dma_start3A_35 = arith.constant 0 : i32
      %dma_start3A_36 = arith.constant 0 : i32
      %dma_start3A_37 = tpu.memref_slice %arg5[%arg1, %dma_start3A_35, %dma_start3A_36] : memref<16x250x80xi32, #tpu.memory_space<hbm>> -> memref<1x250x80xi32, #tpu.memory_space<hbm>>
      %dma_start3A_38 = tpu.memref_squeeze %dma_start3A_37 : memref<1x250x80xi32, #tpu.memory_space<hbm>> -> memref<250x80xi32, #tpu.memory_space<hbm>>
      tpu.enqueue_dma source(%dma_start3A_38 : memref<250x80xi32, #tpu.memory_space<hbm>>) target(%arg9 : memref<250x80xi32, #tpu.memory_space<vmem>>) target_semaphore(%run_scoped3A : memref<!tpu.dma_semaphore, #tpu.memory_space<semaphore_mem>>)
      %dma_wait3A = arith.constant 0 : i32
      %dma_wait3A_39 = arith.constant 0 : i32
      %dma_wait3A_40 = tpu.memref_slice %arg5[%arg1, %dma_wait3A, %dma_wait3A_39] : memref<16x250x80xi32, #tpu.memory_space<hbm>> -> memref<1x250x80xi32, #tpu.memory_space<hbm>>
      %dma_wait3A_41 = tpu.memref_squeeze %dma_wait3A_40 : memref<1x250x80xi32, #tpu.memory_space<hbm>> -> memref<250x80xi32, #tpu.memory_space<hbm>>
      %dma_wait3A_42 = arith.constant 0 : i32
      %dma_wait3A_43 = arith.constant 0 : i32
      %dma_wait3A_44 = tpu.memref_slice %arg5[%arg1, %dma_wait3A_42, %dma_wait3A_43] : memref<16x250x80xi32, #tpu.memory_space<hbm>> -> memref<1x250x80xi32, #tpu.memory_space<hbm>>
      %dma_wait3A_45 = tpu.memref_squeeze %dma_wait3A_44 : memref<1x250x80xi32, #tpu.memory_space<hbm>> -> memref<250x80xi32, #tpu.memory_space<hbm>>
      tpu.wait_dma2 semaphore(%run_scoped3A : memref<!tpu.dma_semaphore, #tpu.memory_space<semaphore_mem>>) src(%dma_wait3A_45 : memref<250x80xi32, #tpu.memory_space<hbm>>) dst(%arg9 : memref<250x80xi32, #tpu.memory_space<vmem>>)
      tpu.yield
    }) : () -> ()
    %barrier3A = arith.constant 0 : index
    tpu.barrier barrier_id(%barrier3A)
    %eq3A = arith.constant 0 : i32
    %eq3A_14 = arith.cmpi eq, %arg0, %eq3A : i32
    %convert_element_type3A = arith.extui %eq3A_14 : i1 to i32
    %cond3A = arith.constant 0 : i32
    %cond3A_15 = arith.cmpi ne, %convert_element_type3A, %cond3A : i32
    scf.if %cond3A_15 {
      %dma_start3A = arith.constant 0 : i32
      %dma_start3A_32 = arith.constant 0 : i32
      %dma_start3A_33 = tpu.memref_slice %arg8[%dma_start3A, %dma_start3A_32] : memref<250x80xi32, #tpu.memory_space<vmem>> -> memref<1x80xi32, #tpu.memory_space<vmem>>
      %dma_start3A_34 = tpu.memref_squeeze %dma_start3A_33 : memref<1x80xi32, #tpu.memory_space<vmem>> -> memref<80xi32, #tpu.memory_space<vmem>>
      %dma_start3A_35 = arith.constant 0 : i32
      %dma_start3A_36 = arith.constant 0 : i32
      %dma_start3A_37 = tpu.memref_slice %arg2[%dma_start3A_35, %dma_start3A_36] : memref<10000x64xbf16, #tpu.memory_space<hbm>> -> memref<10000x64xbf16, #tpu.memory_space<hbm>>
      tpu.enqueue_indirect_dma source(%dma_start3A_37 : memref<10000x64xbf16, #tpu.memory_space<hbm>>) target(%arg10 : memref<80x64xbf16, #tpu.memory_space<vmem>>) offsets(%dma_start3A_34 : memref<80xi32, #tpu.memory_space<vmem>>) semaphore(%arg17 : memref<!tpu.dma_semaphore, #tpu.memory_space<semaphore_mem>>)
      %dma_start3A_38 = arith.constant 1 : i32
      %dma_start3A_39 = arith.constant 0 : i32
      %dma_start3A_40 = tpu.memref_slice %arg8[%dma_start3A_38, %dma_start3A_39] : memref<250x80xi32, #tpu.memory_space<vmem>> -> memref<1x80xi32, #tpu.memory_space<vmem>>
      %dma_start3A_41 = tpu.memref_squeeze %dma_start3A_40 : memref<1x80xi32, #tpu.memory_space<vmem>> -> memref<80xi32, #tpu.memory_space<vmem>>
      %dma_start3A_42 = arith.constant 0 : i32
      %dma_start3A_43 = arith.constant 0 : i32
      %dma_start3A_44 = tpu.memref_slice %arg2[%dma_start3A_42, %dma_start3A_43] : memref<10000x64xbf16, #tpu.memory_space<hbm>> -> memref<10000x64xbf16, #tpu.memory_space<hbm>>
      tpu.enqueue_indirect_dma source(%dma_start3A_44 : memref<10000x64xbf16, #tpu.memory_space<hbm>>) target(%arg11 : memref<80x64xbf16, #tpu.memory_space<vmem>>) offsets(%dma_start3A_41 : memref<80xi32, #tpu.memory_space<vmem>>) semaphore(%arg18 : memref<!tpu.dma_semaphore, #tpu.memory_space<semaphore_mem>>)
      %dma_start3A_45 = arith.constant 2 : i32
      %dma_start3A_46 = arith.constant 0 : i32
      %dma_start3A_47 = tpu.memref_slice %arg8[%dma_start3A_45, %dma_start3A_46] : memref<250x80xi32, #tpu.memory_space<vmem>> -> memref<1x80xi32, #tpu.memory_space<vmem>>
      %dma_start3A_48 = tpu.memref_squeeze %dma_start3A_47 : memref<1x80xi32, #tpu.memory_space<vmem>> -> memref<80xi32, #tpu.memory_space<vmem>>
      %dma_start3A_49 = arith.constant 0 : i32
      %dma_start3A_50 = arith.constant 0 : i32
      %dma_start3A_51 = tpu.memref_slice %arg2[%dma_start3A_49, %dma_start3A_50] : memref<10000x64xbf16, #tpu.memory_space<hbm>> -> memref<10000x64xbf16, #tpu.memory_space<hbm>>
      tpu.enqueue_indirect_dma source(%dma_start3A_51 : memref<10000x64xbf16, #tpu.memory_space<hbm>>) target(%arg12 : memref<80x64xbf16, #tpu.memory_space<vmem>>) offsets(%dma_start3A_48 : memref<80xi32, #tpu.memory_space<vmem>>) semaphore(%arg19 : memref<!tpu.dma_semaphore, #tpu.memory_space<semaphore_mem>>)
      %dma_start3A_52 = arith.constant 3 : i32
      %dma_start3A_53 = arith.constant 0 : i32
      %dma_start3A_54 = tpu.memref_slice %arg8[%dma_start3A_52, %dma_start3A_53] : memref<250x80xi32, #tpu.memory_space<vmem>> -> memref<1x80xi32, #tpu.memory_space<vmem>>
      %dma_start3A_55 = tpu.memref_squeeze %dma_start3A_54 : memref<1x80xi32, #tpu.memory_space<vmem>> -> memref<80xi32, #tpu.memory_space<vmem>>
      %dma_start3A_56 = arith.constant 0 : i32
      %dma_start3A_57 = arith.constant 0 : i32
      %dma_start3A_58 = tpu.memref_slice %arg2[%dma_start3A_56, %dma_start3A_57] : memref<10000x64xbf16, #tpu.memory_space<hbm>> -> memref<10000x64xbf16, #tpu.memory_space<hbm>>
      tpu.enqueue_indirect_dma source(%dma_start3A_58 : memref<10000x64xbf16, #tpu.memory_space<hbm>>) target(%arg13 : memref<80x64xbf16, #tpu.memory_space<vmem>>) offsets(%dma_start3A_55 : memref<80xi32, #tpu.memory_space<vmem>>) semaphore(%arg20 : memref<!tpu.dma_semaphore, #tpu.memory_space<semaphore_mem>>)
      %dma_start3A_59 = arith.constant 4 : i32
      %dma_start3A_60 = arith.constant 0 : i32
      %dma_start3A_61 = tpu.memref_slice %arg8[%dma_start3A_59, %dma_start3A_60] : memref<250x80xi32, #tpu.memory_space<vmem>> -> memref<1x80xi32, #tpu.memory_space<vmem>>
      %dma_start3A_62 = tpu.memref_squeeze %dma_start3A_61 : memref<1x80xi32, #tpu.memory_space<vmem>> -> memref<80xi32, #tpu.memory_space<vmem>>
      %dma_start3A_63 = arith.constant 0 : i32
      %dma_start3A_64 = arith.constant 0 : i32
      %dma_start3A_65 = tpu.memref_slice %arg2[%dma_start3A_63, %dma_start3A_64] : memref<10000x64xbf16, #tpu.memory_space<hbm>> -> memref<10000x64xbf16, #tpu.memory_space<hbm>>
      tpu.enqueue_indirect_dma source(%dma_start3A_65 : memref<10000x64xbf16, #tpu.memory_space<hbm>>) target(%arg14 : memref<80x64xbf16, #tpu.memory_space<vmem>>) offsets(%dma_start3A_62 : memref<80xi32, #tpu.memory_space<vmem>>) semaphore(%arg21 : memref<!tpu.dma_semaphore, #tpu.memory_space<semaphore_mem>>)
      %scan3A_66 = arith.constant 0 : i32
      %scan3A_67 = arith.constant 0 : i32
      %scan3A_68 = arith.constant 50 : i32
      %scan3A_69 = arith.addi %scan3A_67, %scan3A_68 : i32
      %scan3A_70 = arith.constant 1 : i32
      %scan3A_71 = scf.for %scan3A_73 = %scan3A_67 to %scan3A_69 step %scan3A_70 iter_args(%scan3A_74 = %scan3A_66) -> (i32)  : i32 {
        %mul3A_75 = arith.constant 5 : i32
        %mul3A_76 = arith.muli %scan3A_73, %mul3A_75 : i32
        %add3A = arith.constant 0 : i32
        %add3A_77 = arith.addi %mul3A_76, %add3A : i32
        %dma_wait3A = arith.constant 0 : i32
        %dma_wait3A_78 = tpu.memref_slice %arg8[%add3A_77, %dma_wait3A] : memref<250x80xi32, #tpu.memory_space<vmem>> -> memref<1x80xi32, #tpu.memory_space<vmem>>
        %dma_wait3A_79 = tpu.memref_squeeze %dma_wait3A_78 : memref<1x80xi32, #tpu.memory_space<vmem>> -> memref<80xi32, #tpu.memory_space<vmem>>
        %dma_wait3A_80 = arith.constant 0 : i32
        %dma_wait3A_81 = arith.constant 0 : i32
        %dma_wait3A_82 = tpu.memref_slice %arg2[%dma_wait3A_80, %dma_wait3A_81] : memref<10000x64xbf16, #tpu.memory_space<hbm>> -> memref<10000x64xbf16, #tpu.memory_space<hbm>>
        tpu.wait_indirect_dma semaphore(%arg17 : memref<!tpu.dma_semaphore, #tpu.memory_space<semaphore_mem>>) src(%dma_wait3A_82 : memref<10000x64xbf16, #tpu.memory_space<hbm>>) dst(%arg10 : memref<80x64xbf16, #tpu.memory_space<vmem>>)
        "tpu.region"() ({
          %run_scoped3A = tpu.sem_alloc : memref<!tpu.dma_semaphore, #tpu.memory_space<semaphore_mem>>
          %dma_start3A_150 = arith.constant 0 : i32
          %dma_start3A_151 = tpu.memref_slice %arg9[%add3A_77, %dma_start3A_150] : memref<250x80xi32, #tpu.memory_space<vmem>> -> memref<1x80xi32, #tpu.memory_space<vmem>>
          %dma_start3A_152 = tpu.memref_squeeze %dma_start3A_151 : memref<1x80xi32, #tpu.memory_space<vmem>> -> memref<80xi32, #tpu.memory_space<vmem>>
          %dma_start3A_153 = arith.constant 0 : i32
          %dma_start3A_154 = arith.constant 0 : i32
          %dma_start3A_155 = tpu.memref_slice %arg16[%dma_start3A_153, %dma_start3A_154] : memref<10240x64xbf16, #tpu.memory_space<vmem_shared>> -> memref<10240x64xbf16, #tpu.memory_space<vmem_shared>>
          tpu.enqueue_indirect_dma source(%arg10 : memref<80x64xbf16, #tpu.memory_space<vmem>>) target(%dma_start3A_155 : memref<10240x64xbf16, #tpu.memory_space<vmem_shared>>) offsets(%dma_start3A_152 : memref<80xi32, #tpu.memory_space<vmem>>) semaphore(%run_scoped3A : memref<!tpu.dma_semaphore, #tpu.memory_space<semaphore_mem>>) {add = true}
          %dma_wait3A_156 = arith.constant 0 : i32
          %dma_wait3A_157 = tpu.memref_slice %arg9[%add3A_77, %dma_wait3A_156] : memref<250x80xi32, #tpu.memory_space<vmem>> -> memref<1x80xi32, #tpu.memory_space<vmem>>
          %dma_wait3A_158 = tpu.memref_squeeze %dma_wait3A_157 : memref<1x80xi32, #tpu.memory_space<vmem>> -> memref<80xi32, #tpu.memory_space<vmem>>
          %dma_wait3A_159 = arith.constant 0 : i32
          %dma_wait3A_160 = arith.constant 0 : i32
          %dma_wait3A_161 = tpu.memref_slice %arg16[%dma_wait3A_159, %dma_wait3A_160] : memref<10240x64xbf16, #tpu.memory_space<vmem_shared>> -> memref<10240x64xbf16, #tpu.memory_space<vmem_shared>>
          tpu.wait_indirect_dma semaphore(%run_scoped3A : memref<!tpu.dma_semaphore, #tpu.memory_space<semaphore_mem>>) src(%arg10 : memref<80x64xbf16, #tpu.memory_space<vmem>>) dst(%dma_wait3A_161 : memref<10240x64xbf16, #tpu.memory_space<vmem_shared>>)
          tpu.yield
        }) : () -> ()
        %add3A_83 = arith.constant 5 : i32
        %add3A_84 = arith.addi %add3A_77, %add3A_83 : i32
        %lt3A = arith.constant 250 : i32
        %lt3A_85 = arith.cmpi slt, %add3A_84, %lt3A : i32
        %convert_element_type3A_86 = arith.extui %lt3A_85 : i1 to i32
        %cond3A_87 = arith.constant 0 : i32
        %cond3A_88 = arith.cmpi ne, %convert_element_type3A_86, %cond3A_87 : i32
        scf.if %cond3A_88 {
          %add3A_150 = arith.constant 5 : i32
          %add3A_151 = arith.addi %add3A_77, %add3A_150 : i32
          %dma_start3A_152 = arith.constant 0 : i32
          %dma_start3A_153 = tpu.memref_slice %arg8[%add3A_151, %dma_start3A_152] : memref<250x80xi32, #tpu.memory_space<vmem>> -> memref<1x80xi32, #tpu.memory_space<vmem>>
          %dma_start3A_154 = tpu.memref_squeeze %dma_start3A_153 : memref<1x80xi32, #tpu.memory_space<vmem>> -> memref<80xi32, #tpu.memory_space<vmem>>
          %dma_start3A_155 = arith.constant 0 : i32
          %dma_start3A_156 = arith.constant 0 : i32
          %dma_start3A_157 = tpu.memref_slice %arg2[%dma_start3A_155, %dma_start3A_156] : memref<10000x64xbf16, #tpu.memory_space<hbm>> -> memref<10000x64xbf16, #tpu.memory_space<hbm>>
          tpu.enqueue_indirect_dma source(%dma_start3A_157 : memref<10000x64xbf16, #tpu.memory_space<hbm>>) target(%arg10 : memref<80x64xbf16, #tpu.memory_space<vmem>>) offsets(%dma_start3A_154 : memref<80xi32, #tpu.memory_space<vmem>>) semaphore(%arg17 : memref<!tpu.dma_semaphore, #tpu.memory_space<semaphore_mem>>)
        } else {
        }
        %add3A_89 = arith.constant 1 : i32
        %add3A_90 = arith.addi %mul3A_76, %add3A_89 : i32
        %dma_wait3A_91 = arith.constant 0 : i32
        %dma_wait3A_92 = tpu.memref_slice %arg8[%add3A_90, %dma_wait3A_91] : memref<250x80xi32, #tpu.memory_space<vmem>> -> memref<1x80xi32, #tpu.memory_space<vmem>>
        %dma_wait3A_93 = tpu.memref_squeeze %dma_wait3A_92 : memref<1x80xi32, #tpu.memory_space<vmem>> -> memref<80xi32, #tpu.memory_space<vmem>>
        %dma_wait3A_94 = arith.constant 0 : i32
        %dma_wait3A_95 = arith.constant 0 : i32
        %dma_wait3A_96 = tpu.memref_slice %arg2[%dma_wait3A_94, %dma_wait3A_95] : memref<10000x64xbf16, #tpu.memory_space<hbm>> -> memref<10000x64xbf16, #tpu.memory_space<hbm>>
        tpu.wait_indirect_dma semaphore(%arg18 : memref<!tpu.dma_semaphore, #tpu.memory_space<semaphore_mem>>) src(%dma_wait3A_96 : memref<10000x64xbf16, #tpu.memory_space<hbm>>) dst(%arg11 : memref<80x64xbf16, #tpu.memory_space<vmem>>)
        "tpu.region"() ({
          %run_scoped3A = tpu.sem_alloc : memref<!tpu.dma_semaphore, #tpu.memory_space<semaphore_mem>>
          %dma_start3A_150 = arith.constant 0 : i32
          %dma_start3A_151 = tpu.memref_slice %arg9[%add3A_90, %dma_start3A_150] : memref<250x80xi32, #tpu.memory_space<vmem>> -> memref<1x80xi32, #tpu.memory_space<vmem>>
          %dma_start3A_152 = tpu.memref_squeeze %dma_start3A_151 : memref<1x80xi32, #tpu.memory_space<vmem>> -> memref<80xi32, #tpu.memory_space<vmem>>
          %dma_start3A_153 = arith.constant 0 : i32
          %dma_start3A_154 = arith.constant 0 : i32
          %dma_start3A_155 = tpu.memref_slice %arg16[%dma_start3A_153, %dma_start3A_154] : memref<10240x64xbf16, #tpu.memory_space<vmem_shared>> -> memref<10240x64xbf16, #tpu.memory_space<vmem_shared>>
          tpu.enqueue_indirect_dma source(%arg11 : memref<80x64xbf16, #tpu.memory_space<vmem>>) target(%dma_start3A_155 : memref<10240x64xbf16, #tpu.memory_space<vmem_shared>>) offsets(%dma_start3A_152 : memref<80xi32, #tpu.memory_space<vmem>>) semaphore(%run_scoped3A : memref<!tpu.dma_semaphore, #tpu.memory_space<semaphore_mem>>) {add = true}
          %dma_wait3A_156 = arith.constant 0 : i32
          %dma_wait3A_157 = tpu.memref_slice %arg9[%add3A_90, %dma_wait3A_156] : memref<250x80xi32, #tpu.memory_space<vmem>> -> memref<1x80xi32, #tpu.memory_space<vmem>>
          %dma_wait3A_158 = tpu.memref_squeeze %dma_wait3A_157 : memref<1x80xi32, #tpu.memory_space<vmem>> -> memref<80xi32, #tpu.memory_space<vmem>>
          %dma_wait3A_159 = arith.constant 0 : i32
          %dma_wait3A_160 = arith.constant 0 : i32
          %dma_wait3A_161 = tpu.memref_slice %arg16[%dma_wait3A_159, %dma_wait3A_160] : memref<10240x64xbf16, #tpu.memory_space<vmem_shared>> -> memref<10240x64xbf16, #tpu.memory_space<vmem_shared>>
          tpu.wait_indirect_dma semaphore(%run_scoped3A : memref<!tpu.dma_semaphore, #tpu.memory_space<semaphore_mem>>) src(%arg11 : memref<80x64xbf16, #tpu.memory_space<vmem>>) dst(%dma_wait3A_161 : memref<10240x64xbf16, #tpu.memory_space<vmem_shared>>)
          tpu.yield
        }) : () -> ()
        %add3A_97 = arith.constant 5 : i32
        %add3A_98 = arith.addi %add3A_90, %add3A_97 : i32
        %lt3A_99 = arith.constant 250 : i32
        %lt3A_100 = arith.cmpi slt, %add3A_98, %lt3A_99 : i32
        %convert_element_type3A_101 = arith.extui %lt3A_100 : i1 to i32
        %cond3A_102 = arith.constant 0 : i32
        %cond3A_103 = arith.cmpi ne, %convert_element_type3A_101, %cond3A_102 : i32
        scf.if %cond3A_103 {
          %add3A_150 = arith.constant 5 : i32
          %add3A_151 = arith.addi %add3A_90, %add3A_150 : i32
          %dma_start3A_152 = arith.constant 0 : i32
          %dma_start3A_153 = tpu.memref_slice %arg8[%add3A_151, %dma_start3A_152] : memref<250x80xi32, #tpu.memory_space<vmem>> -> memref<1x80xi32, #tpu.memory_space<vmem>>
          %dma_start3A_154 = tpu.memref_squeeze %dma_start3A_153 : memref<1x80xi32, #tpu.memory_space<vmem>> -> memref<80xi32, #tpu.memory_space<vmem>>
          %dma_start3A_155 = arith.constant 0 : i32
          %dma_start3A_156 = arith.constant 0 : i32
          %dma_start3A_157 = tpu.memref_slice %arg2[%dma_start3A_155, %dma_start3A_156] : memref<10000x64xbf16, #tpu.memory_space<hbm>> -> memref<10000x64xbf16, #tpu.memory_space<hbm>>
          tpu.enqueue_indirect_dma source(%dma_start3A_157 : memref<10000x64xbf16, #tpu.memory_space<hbm>>) target(%arg11 : memref<80x64xbf16, #tpu.memory_space<vmem>>) offsets(%dma_start3A_154 : memref<80xi32, #tpu.memory_space<vmem>>) semaphore(%arg18 : memref<!tpu.dma_semaphore, #tpu.memory_space<semaphore_mem>>)
        } else {
        }
        %add3A_104 = arith.constant 2 : i32
        %add3A_105 = arith.addi %mul3A_76, %add3A_104 : i32
        %dma_wait3A_106 = arith.constant 0 : i32
        %dma_wait3A_107 = tpu.memref_slice %arg8[%add3A_105, %dma_wait3A_106] : memref<250x80xi32, #tpu.memory_space<vmem>> -> memref<1x80xi32, #tpu.memory_space<vmem>>
        %dma_wait3A_108 = tpu.memref_squeeze %dma_wait3A_107 : memref<1x80xi32, #tpu.memory_space<vmem>> -> memref<80xi32, #tpu.memory_space<vmem>>
        %dma_wait3A_109 = arith.constant 0 : i32
        %dma_wait3A_110 = arith.constant 0 : i32
        %dma_wait3A_111 = tpu.memref_slice %arg2[%dma_wait3A_109, %dma_wait3A_110] : memref<10000x64xbf16, #tpu.memory_space<hbm>> -> memref<10000x64xbf16, #tpu.memory_space<hbm>>
        tpu.wait_indirect_dma semaphore(%arg19 : memref<!tpu.dma_semaphore, #tpu.memory_space<semaphore_mem>>) src(%dma_wait3A_111 : memref<10000x64xbf16, #tpu.memory_space<hbm>>) dst(%arg12 : memref<80x64xbf16, #tpu.memory_space<vmem>>)
        "tpu.region"() ({
          %run_scoped3A = tpu.sem_alloc : memref<!tpu.dma_semaphore, #tpu.memory_space<semaphore_mem>>
          %dma_start3A_150 = arith.constant 0 : i32
          %dma_start3A_151 = tpu.memref_slice %arg9[%add3A_105, %dma_start3A_150] : memref<250x80xi32, #tpu.memory_space<vmem>> -> memref<1x80xi32, #tpu.memory_space<vmem>>
          %dma_start3A_152 = tpu.memref_squeeze %dma_start3A_151 : memref<1x80xi32, #tpu.memory_space<vmem>> -> memref<80xi32, #tpu.memory_space<vmem>>
          %dma_start3A_153 = arith.constant 0 : i32
          %dma_start3A_154 = arith.constant 0 : i32
          %dma_start3A_155 = tpu.memref_slice %arg16[%dma_start3A_153, %dma_start3A_154] : memref<10240x64xbf16, #tpu.memory_space<vmem_shared>> -> memref<10240x64xbf16, #tpu.memory_space<vmem_shared>>
          tpu.enqueue_indirect_dma source(%arg12 : memref<80x64xbf16, #tpu.memory_space<vmem>>) target(%dma_start3A_155 : memref<10240x64xbf16, #tpu.memory_space<vmem_shared>>) offsets(%dma_start3A_152 : memref<80xi32, #tpu.memory_space<vmem>>) semaphore(%run_scoped3A : memref<!tpu.dma_semaphore, #tpu.memory_space<semaphore_mem>>) {add = true}
          %dma_wait3A_156 = arith.constant 0 : i32
          %dma_wait3A_157 = tpu.memref_slice %arg9[%add3A_105, %dma_wait3A_156] : memref<250x80xi32, #tpu.memory_space<vmem>> -> memref<1x80xi32, #tpu.memory_space<vmem>>
          %dma_wait3A_158 = tpu.memref_squeeze %dma_wait3A_157 : memref<1x80xi32, #tpu.memory_space<vmem>> -> memref<80xi32, #tpu.memory_space<vmem>>
          %dma_wait3A_159 = arith.constant 0 : i32
          %dma_wait3A_160 = arith.constant 0 : i32
          %dma_wait3A_161 = tpu.memref_slice %arg16[%dma_wait3A_159, %dma_wait3A_160] : memref<10240x64xbf16, #tpu.memory_space<vmem_shared>> -> memref<10240x64xbf16, #tpu.memory_space<vmem_shared>>
          tpu.wait_indirect_dma semaphore(%run_scoped3A : memref<!tpu.dma_semaphore, #tpu.memory_space<semaphore_mem>>) src(%arg12 : memref<80x64xbf16, #tpu.memory_space<vmem>>) dst(%dma_wait3A_161 : memref<10240x64xbf16, #tpu.memory_space<vmem_shared>>)
          tpu.yield
        }) : () -> ()
        %add3A_112 = arith.constant 5 : i32
        %add3A_113 = arith.addi %add3A_105, %add3A_112 : i32
        %lt3A_114 = arith.constant 250 : i32
        %lt3A_115 = arith.cmpi slt, %add3A_113, %lt3A_114 : i32
        %convert_element_type3A_116 = arith.extui %lt3A_115 : i1 to i32
        %cond3A_117 = arith.constant 0 : i32
        %cond3A_118 = arith.cmpi ne, %convert_element_type3A_116, %cond3A_117 : i32
        scf.if %cond3A_118 {
          %add3A_150 = arith.constant 5 : i32
          %add3A_151 = arith.addi %add3A_105, %add3A_150 : i32
          %dma_start3A_152 = arith.constant 0 : i32
          %dma_start3A_153 = tpu.memref_slice %arg8[%add3A_151, %dma_start3A_152] : memref<250x80xi32, #tpu.memory_space<vmem>> -> memref<1x80xi32, #tpu.memory_space<vmem>>
          %dma_start3A_154 = tpu.memref_squeeze %dma_start3A_153 : memref<1x80xi32, #tpu.memory_space<vmem>> -> memref<80xi32, #tpu.memory_space<vmem>>
          %dma_start3A_155 = arith.constant 0 : i32
          %dma_start3A_156 = arith.constant 0 : i32
          %dma_start3A_157 = tpu.memref_slice %arg2[%dma_start3A_155, %dma_start3A_156] : memref<10000x64xbf16, #tpu.memory_space<hbm>> -> memref<10000x64xbf16, #tpu.memory_space<hbm>>
          tpu.enqueue_indirect_dma source(%dma_start3A_157 : memref<10000x64xbf16, #tpu.memory_space<hbm>>) target(%arg12 : memref<80x64xbf16, #tpu.memory_space<vmem>>) offsets(%dma_start3A_154 : memref<80xi32, #tpu.memory_space<vmem>>) semaphore(%arg19 : memref<!tpu.dma_semaphore, #tpu.memory_space<semaphore_mem>>)
        } else {
        }
        %add3A_119 = arith.constant 3 : i32
        %add3A_120 = arith.addi %mul3A_76, %add3A_119 : i32
        %dma_wait3A_121 = arith.constant 0 : i32
        %dma_wait3A_122 = tpu.memref_slice %arg8[%add3A_120, %dma_wait3A_121] : memref<250x80xi32, #tpu.memory_space<vmem>> -> memref<1x80xi32, #tpu.memory_space<vmem>>
        %dma_wait3A_123 = tpu.memref_squeeze %dma_wait3A_122 : memref<1x80xi32, #tpu.memory_space<vmem>> -> memref<80xi32, #tpu.memory_space<vmem>>
        %dma_wait3A_124 = arith.constant 0 : i32
        %dma_wait3A_125 = arith.constant 0 : i32
        %dma_wait3A_126 = tpu.memref_slice %arg2[%dma_wait3A_124, %dma_wait3A_125] : memref<10000x64xbf16, #tpu.memory_space<hbm>> -> memref<10000x64xbf16, #tpu.memory_space<hbm>>
        tpu.wait_indirect_dma semaphore(%arg20 : memref<!tpu.dma_semaphore, #tpu.memory_space<semaphore_mem>>) src(%dma_wait3A_126 : memref<10000x64xbf16, #tpu.memory_space<hbm>>) dst(%arg13 : memref<80x64xbf16, #tpu.memory_space<vmem>>)
        "tpu.region"() ({
          %run_scoped3A = tpu.sem_alloc : memref<!tpu.dma_semaphore, #tpu.memory_space<semaphore_mem>>
          %dma_start3A_150 = arith.constant 0 : i32
          %dma_start3A_151 = tpu.memref_slice %arg9[%add3A_120, %dma_start3A_150] : memref<250x80xi32, #tpu.memory_space<vmem>> -> memref<1x80xi32, #tpu.memory_space<vmem>>
          %dma_start3A_152 = tpu.memref_squeeze %dma_start3A_151 : memref<1x80xi32, #tpu.memory_space<vmem>> -> memref<80xi32, #tpu.memory_space<vmem>>
          %dma_start3A_153 = arith.constant 0 : i32
          %dma_start3A_154 = arith.constant 0 : i32
          %dma_start3A_155 = tpu.memref_slice %arg16[%dma_start3A_153, %dma_start3A_154] : memref<10240x64xbf16, #tpu.memory_space<vmem_shared>> -> memref<10240x64xbf16, #tpu.memory_space<vmem_shared>>
          tpu.enqueue_indirect_dma source(%arg13 : memref<80x64xbf16, #tpu.memory_space<vmem>>) target(%dma_start3A_155 : memref<10240x64xbf16, #tpu.memory_space<vmem_shared>>) offsets(%dma_start3A_152 : memref<80xi32, #tpu.memory_space<vmem>>) semaphore(%run_scoped3A : memref<!tpu.dma_semaphore, #tpu.memory_space<semaphore_mem>>) {add = true}
          %dma_wait3A_156 = arith.constant 0 : i32
          %dma_wait3A_157 = tpu.memref_slice %arg9[%add3A_120, %dma_wait3A_156] : memref<250x80xi32, #tpu.memory_space<vmem>> -> memref<1x80xi32, #tpu.memory_space<vmem>>
          %dma_wait3A_158 = tpu.memref_squeeze %dma_wait3A_157 : memref<1x80xi32, #tpu.memory_space<vmem>> -> memref<80xi32, #tpu.memory_space<vmem>>
          %dma_wait3A_159 = arith.constant 0 : i32
          %dma_wait3A_160 = arith.constant 0 : i32
          %dma_wait3A_161 = tpu.memref_slice %arg16[%dma_wait3A_159, %dma_wait3A_160] : memref<10240x64xbf16, #tpu.memory_space<vmem_shared>> -> memref<10240x64xbf16, #tpu.memory_space<vmem_shared>>
          tpu.wait_indirect_dma semaphore(%run_scoped3A : memref<!tpu.dma_semaphore, #tpu.memory_space<semaphore_mem>>) src(%arg13 : memref<80x64xbf16, #tpu.memory_space<vmem>>) dst(%dma_wait3A_161 : memref<10240x64xbf16, #tpu.memory_space<vmem_shared>>)
          tpu.yield
        }) : () -> ()
        %add3A_127 = arith.constant 5 : i32
        %add3A_128 = arith.addi %add3A_120, %add3A_127 : i32
        %lt3A_129 = arith.constant 250 : i32
        %lt3A_130 = arith.cmpi slt, %add3A_128, %lt3A_129 : i32
        %convert_element_type3A_131 = arith.extui %lt3A_130 : i1 to i32
        %cond3A_132 = arith.constant 0 : i32
        %cond3A_133 = arith.cmpi ne, %convert_element_type3A_131, %cond3A_132 : i32
        scf.if %cond3A_133 {
          %add3A_150 = arith.constant 5 : i32
          %add3A_151 = arith.addi %add3A_120, %add3A_150 : i32
          %dma_start3A_152 = arith.constant 0 : i32
          %dma_start3A_153 = tpu.memref_slice %arg8[%add3A_151, %dma_start3A_152] : memref<250x80xi32, #tpu.memory_space<vmem>> -> memref<1x80xi32, #tpu.memory_space<vmem>>
          %dma_start3A_154 = tpu.memref_squeeze %dma_start3A_153 : memref<1x80xi32, #tpu.memory_space<vmem>> -> memref<80xi32, #tpu.memory_space<vmem>>
          %dma_start3A_155 = arith.constant 0 : i32
          %dma_start3A_156 = arith.constant 0 : i32
          %dma_start3A_157 = tpu.memref_slice %arg2[%dma_start3A_155, %dma_start3A_156] : memref<10000x64xbf16, #tpu.memory_space<hbm>> -> memref<10000x64xbf16, #tpu.memory_space<hbm>>
          tpu.enqueue_indirect_dma source(%dma_start3A_157 : memref<10000x64xbf16, #tpu.memory_space<hbm>>) target(%arg13 : memref<80x64xbf16, #tpu.memory_space<vmem>>) offsets(%dma_start3A_154 : memref<80xi32, #tpu.memory_space<vmem>>) semaphore(%arg20 : memref<!tpu.dma_semaphore, #tpu.memory_space<semaphore_mem>>)
        } else {
        }
        %add3A_134 = arith.constant 4 : i32
        %add3A_135 = arith.addi %mul3A_76, %add3A_134 : i32
        %dma_wait3A_136 = arith.constant 0 : i32
        %dma_wait3A_137 = tpu.memref_slice %arg8[%add3A_135, %dma_wait3A_136] : memref<250x80xi32, #tpu.memory_space<vmem>> -> memref<1x80xi32, #tpu.memory_space<vmem>>
        %dma_wait3A_138 = tpu.memref_squeeze %dma_wait3A_137 : memref<1x80xi32, #tpu.memory_space<vmem>> -> memref<80xi32, #tpu.memory_space<vmem>>
        %dma_wait3A_139 = arith.constant 0 : i32
        %dma_wait3A_140 = arith.constant 0 : i32
        %dma_wait3A_141 = tpu.memref_slice %arg2[%dma_wait3A_139, %dma_wait3A_140] : memref<10000x64xbf16, #tpu.memory_space<hbm>> -> memref<10000x64xbf16, #tpu.memory_space<hbm>>
        tpu.wait_indirect_dma semaphore(%arg21 : memref<!tpu.dma_semaphore, #tpu.memory_space<semaphore_mem>>) src(%dma_wait3A_141 : memref<10000x64xbf16, #tpu.memory_space<hbm>>) dst(%arg14 : memref<80x64xbf16, #tpu.memory_space<vmem>>)
        "tpu.region"() ({
          %run_scoped3A = tpu.sem_alloc : memref<!tpu.dma_semaphore, #tpu.memory_space<semaphore_mem>>
          %dma_start3A_150 = arith.constant 0 : i32
          %dma_start3A_151 = tpu.memref_slice %arg9[%add3A_135, %dma_start3A_150] : memref<250x80xi32, #tpu.memory_space<vmem>> -> memref<1x80xi32, #tpu.memory_space<vmem>>
          %dma_start3A_152 = tpu.memref_squeeze %dma_start3A_151 : memref<1x80xi32, #tpu.memory_space<vmem>> -> memref<80xi32, #tpu.memory_space<vmem>>
          %dma_start3A_153 = arith.constant 0 : i32
          %dma_start3A_154 = arith.constant 0 : i32
          %dma_start3A_155 = tpu.memref_slice %arg16[%dma_start3A_153, %dma_start3A_154] : memref<10240x64xbf16, #tpu.memory_space<vmem_shared>> -> memref<10240x64xbf16, #tpu.memory_space<vmem_shared>>
          tpu.enqueue_indirect_dma source(%arg14 : memref<80x64xbf16, #tpu.memory_space<vmem>>) target(%dma_start3A_155 : memref<10240x64xbf16, #tpu.memory_space<vmem_shared>>) offsets(%dma_start3A_152 : memref<80xi32, #tpu.memory_space<vmem>>) semaphore(%run_scoped3A : memref<!tpu.dma_semaphore, #tpu.memory_space<semaphore_mem>>) {add = true}
          %dma_wait3A_156 = arith.constant 0 : i32
          %dma_wait3A_157 = tpu.memref_slice %arg9[%add3A_135, %dma_wait3A_156] : memref<250x80xi32, #tpu.memory_space<vmem>> -> memref<1x80xi32, #tpu.memory_space<vmem>>
          %dma_wait3A_158 = tpu.memref_squeeze %dma_wait3A_157 : memref<1x80xi32, #tpu.memory_space<vmem>> -> memref<80xi32, #tpu.memory_space<vmem>>
          %dma_wait3A_159 = arith.constant 0 : i32
          %dma_wait3A_160 = arith.constant 0 : i32
          %dma_wait3A_161 = tpu.memref_slice %arg16[%dma_wait3A_159, %dma_wait3A_160] : memref<10240x64xbf16, #tpu.memory_space<vmem_shared>> -> memref<10240x64xbf16, #tpu.memory_space<vmem_shared>>
          tpu.wait_indirect_dma semaphore(%run_scoped3A : memref<!tpu.dma_semaphore, #tpu.memory_space<semaphore_mem>>) src(%arg14 : memref<80x64xbf16, #tpu.memory_space<vmem>>) dst(%dma_wait3A_161 : memref<10240x64xbf16, #tpu.memory_space<vmem_shared>>)
          tpu.yield
        }) : () -> ()
        %add3A_142 = arith.constant 5 : i32
        %add3A_143 = arith.addi %add3A_135, %add3A_142 : i32
        %lt3A_144 = arith.constant 250 : i32
        %lt3A_145 = arith.cmpi slt, %add3A_143, %lt3A_144 : i32
        %convert_element_type3A_146 = arith.extui %lt3A_145 : i1 to i32
        %cond3A_147 = arith.constant 0 : i32
        %cond3A_148 = arith.cmpi ne, %convert_element_type3A_146, %cond3A_147 : i32
        scf.if %cond3A_148 {
          %add3A_150 = arith.constant 5 : i32
          %add3A_151 = arith.addi %add3A_135, %add3A_150 : i32
          %dma_start3A_152 = arith.constant 0 : i32
          %dma_start3A_153 = tpu.memref_slice %arg8[%add3A_151, %dma_start3A_152] : memref<250x80xi32, #tpu.memory_space<vmem>> -> memref<1x80xi32, #tpu.memory_space<vmem>>
          %dma_start3A_154 = tpu.memref_squeeze %dma_start3A_153 : memref<1x80xi32, #tpu.memory_space<vmem>> -> memref<80xi32, #tpu.memory_space<vmem>>
          %dma_start3A_155 = arith.constant 0 : i32
          %dma_start3A_156 = arith.constant 0 : i32
          %dma_start3A_157 = tpu.memref_slice %arg2[%dma_start3A_155, %dma_start3A_156] : memref<10000x64xbf16, #tpu.memory_space<hbm>> -> memref<10000x64xbf16, #tpu.memory_space<hbm>>
          tpu.enqueue_indirect_dma source(%dma_start3A_157 : memref<10000x64xbf16, #tpu.memory_space<hbm>>) target(%arg14 : memref<80x64xbf16, #tpu.memory_space<vmem>>) offsets(%dma_start3A_154 : memref<80xi32, #tpu.memory_space<vmem>>) semaphore(%arg21 : memref<!tpu.dma_semaphore, #tpu.memory_space<semaphore_mem>>)
        } else {
        }
        %scan3A_149 = arith.constant 0 : i32
        scf.yield %scan3A_149 : i32
      }
      %scan3A_72 = arith.constant 50 : i32
    } else {
    }
    %eq3A_16 = arith.constant 1 : i32
    %eq3A_17 = arith.cmpi eq, %arg0, %eq3A_16 : i32
    %convert_element_type3A_18 = arith.extui %eq3A_17 : i1 to i32
    %cond3A_19 = arith.constant 0 : i32
    %cond3A_20 = arith.cmpi ne, %convert_element_type3A_18, %cond3A_19 : i32
    scf.if %cond3A_20 {
      %dma_start3A = arith.constant 0 : i32
      %dma_start3A_32 = arith.constant 0 : i32
      %dma_start3A_33 = tpu.memref_slice %arg8[%dma_start3A, %dma_start3A_32] : memref<250x80xi32, #tpu.memory_space<vmem>> -> memref<1x80xi32, #tpu.memory_space<vmem>>
      %dma_start3A_34 = tpu.memref_squeeze %dma_start3A_33 : memref<1x80xi32, #tpu.memory_space<vmem>> -> memref<80xi32, #tpu.memory_space<vmem>>
      %dma_start3A_35 = arith.constant 0 : i32
      %dma_start3A_36 = arith.constant 0 : i32
      %dma_start3A_37 = tpu.memref_slice %arg3[%dma_start3A_35, %dma_start3A_36] : memref<10000x64xbf16, #tpu.memory_space<hbm>> -> memref<10000x64xbf16, #tpu.memory_space<hbm>>
      tpu.enqueue_indirect_dma source(%dma_start3A_37 : memref<10000x64xbf16, #tpu.memory_space<hbm>>) target(%arg10 : memref<80x64xbf16, #tpu.memory_space<vmem>>) offsets(%dma_start3A_34 : memref<80xi32, #tpu.memory_space<vmem>>) semaphore(%arg17 : memref<!tpu.dma_semaphore, #tpu.memory_space<semaphore_mem>>)
      %dma_start3A_38 = arith.constant 1 : i32
      %dma_start3A_39 = arith.constant 0 : i32
      %dma_start3A_40 = tpu.memref_slice %arg8[%dma_start3A_38, %dma_start3A_39] : memref<250x80xi32, #tpu.memory_space<vmem>> -> memref<1x80xi32, #tpu.memory_space<vmem>>
      %dma_start3A_41 = tpu.memref_squeeze %dma_start3A_40 : memref<1x80xi32, #tpu.memory_space<vmem>> -> memref<80xi32, #tpu.memory_space<vmem>>
      %dma_start3A_42 = arith.constant 0 : i32
      %dma_start3A_43 = arith.constant 0 : i32
      %dma_start3A_44 = tpu.memref_slice %arg3[%dma_start3A_42, %dma_start3A_43] : memref<10000x64xbf16, #tpu.memory_space<hbm>> -> memref<10000x64xbf16, #tpu.memory_space<hbm>>
      tpu.enqueue_indirect_dma source(%dma_start3A_44 : memref<10000x64xbf16, #tpu.memory_space<hbm>>) target(%arg11 : memref<80x64xbf16, #tpu.memory_space<vmem>>) offsets(%dma_start3A_41 : memref<80xi32, #tpu.memory_space<vmem>>) semaphore(%arg18 : memref<!tpu.dma_semaphore, #tpu.memory_space<semaphore_mem>>)
      %dma_start3A_45 = arith.constant 2 : i32
      %dma_start3A_46 = arith.constant 0 : i32
      %dma_start3A_47 = tpu.memref_slice %arg8[%dma_start3A_45, %dma_start3A_46] : memref<250x80xi32, #tpu.memory_space<vmem>> -> memref<1x80xi32, #tpu.memory_space<vmem>>
      %dma_start3A_48 = tpu.memref_squeeze %dma_start3A_47 : memref<1x80xi32, #tpu.memory_space<vmem>> -> memref<80xi32, #tpu.memory_space<vmem>>
      %dma_start3A_49 = arith.constant 0 : i32
      %dma_start3A_50 = arith.constant 0 : i32
      %dma_start3A_51 = tpu.memref_slice %arg3[%dma_start3A_49, %dma_start3A_50] : memref<10000x64xbf16, #tpu.memory_space<hbm>> -> memref<10000x64xbf16, #tpu.memory_space<hbm>>
      tpu.enqueue_indirect_dma source(%dma_start3A_51 : memref<10000x64xbf16, #tpu.memory_space<hbm>>) target(%arg12 : memref<80x64xbf16, #tpu.memory_space<vmem>>) offsets(%dma_start3A_48 : memref<80xi32, #tpu.memory_space<vmem>>) semaphore(%arg19 : memref<!tpu.dma_semaphore, #tpu.memory_space<semaphore_mem>>)
      %dma_start3A_52 = arith.constant 3 : i32
      %dma_start3A_53 = arith.constant 0 : i32
      %dma_start3A_54 = tpu.memref_slice %arg8[%dma_start3A_52, %dma_start3A_53] : memref<250x80xi32, #tpu.memory_space<vmem>> -> memref<1x80xi32, #tpu.memory_space<vmem>>
      %dma_start3A_55 = tpu.memref_squeeze %dma_start3A_54 : memref<1x80xi32, #tpu.memory_space<vmem>> -> memref<80xi32, #tpu.memory_space<vmem>>
      %dma_start3A_56 = arith.constant 0 : i32
      %dma_start3A_57 = arith.constant 0 : i32
      %dma_start3A_58 = tpu.memref_slice %arg3[%dma_start3A_56, %dma_start3A_57] : memref<10000x64xbf16, #tpu.memory_space<hbm>> -> memref<10000x64xbf16, #tpu.memory_space<hbm>>
      tpu.enqueue_indirect_dma source(%dma_start3A_58 : memref<10000x64xbf16, #tpu.memory_space<hbm>>) target(%arg13 : memref<80x64xbf16, #tpu.memory_space<vmem>>) offsets(%dma_start3A_55 : memref<80xi32, #tpu.memory_space<vmem>>) semaphore(%arg20 : memref<!tpu.dma_semaphore, #tpu.memory_space<semaphore_mem>>)
      %dma_start3A_59 = arith.constant 4 : i32
      %dma_start3A_60 = arith.constant 0 : i32
      %dma_start3A_61 = tpu.memref_slice %arg8[%dma_start3A_59, %dma_start3A_60] : memref<250x80xi32, #tpu.memory_space<vmem>> -> memref<1x80xi32, #tpu.memory_space<vmem>>
      %dma_start3A_62 = tpu.memref_squeeze %dma_start3A_61 : memref<1x80xi32, #tpu.memory_space<vmem>> -> memref<80xi32, #tpu.memory_space<vmem>>
      %dma_start3A_63 = arith.constant 0 : i32
      %dma_start3A_64 = arith.constant 0 : i32
      %dma_start3A_65 = tpu.memref_slice %arg3[%dma_start3A_63, %dma_start3A_64] : memref<10000x64xbf16, #tpu.memory_space<hbm>> -> memref<10000x64xbf16, #tpu.memory_space<hbm>>
      tpu.enqueue_indirect_dma source(%dma_start3A_65 : memref<10000x64xbf16, #tpu.memory_space<hbm>>) target(%arg14 : memref<80x64xbf16, #tpu.memory_space<vmem>>) offsets(%dma_start3A_62 : memref<80xi32, #tpu.memory_space<vmem>>) semaphore(%arg21 : memref<!tpu.dma_semaphore, #tpu.memory_space<semaphore_mem>>)
      %scan3A_66 = arith.constant 0 : i32
      %scan3A_67 = arith.constant 0 : i32
      %scan3A_68 = arith.constant 50 : i32
      %scan3A_69 = arith.addi %scan3A_67, %scan3A_68 : i32
      %scan3A_70 = arith.constant 1 : i32
      %scan3A_71 = scf.for %scan3A_73 = %scan3A_67 to %scan3A_69 step %scan3A_70 iter_args(%scan3A_74 = %scan3A_66) -> (i32)  : i32 {
        %mul3A_75 = arith.constant 5 : i32
        %mul3A_76 = arith.muli %scan3A_73, %mul3A_75 : i32
        %add3A = arith.constant 0 : i32
        %add3A_77 = arith.addi %mul3A_76, %add3A : i32
        %dma_wait3A = arith.constant 0 : i32
        %dma_wait3A_78 = tpu.memref_slice %arg8[%add3A_77, %dma_wait3A] : memref<250x80xi32, #tpu.memory_space<vmem>> -> memref<1x80xi32, #tpu.memory_space<vmem>>
        %dma_wait3A_79 = tpu.memref_squeeze %dma_wait3A_78 : memref<1x80xi32, #tpu.memory_space<vmem>> -> memref<80xi32, #tpu.memory_space<vmem>>
        %dma_wait3A_80 = arith.constant 0 : i32
        %dma_wait3A_81 = arith.constant 0 : i32
        %dma_wait3A_82 = tpu.memref_slice %arg3[%dma_wait3A_80, %dma_wait3A_81] : memref<10000x64xbf16, #tpu.memory_space<hbm>> -> memref<10000x64xbf16, #tpu.memory_space<hbm>>
        tpu.wait_indirect_dma semaphore(%arg17 : memref<!tpu.dma_semaphore, #tpu.memory_space<semaphore_mem>>) src(%dma_wait3A_82 : memref<10000x64xbf16, #tpu.memory_space<hbm>>) dst(%arg10 : memref<80x64xbf16, #tpu.memory_space<vmem>>)
        "tpu.region"() ({
          %run_scoped3A = tpu.sem_alloc : memref<!tpu.dma_semaphore, #tpu.memory_space<semaphore_mem>>
          %dma_start3A_150 = arith.constant 0 : i32
          %dma_start3A_151 = tpu.memref_slice %arg9[%add3A_77, %dma_start3A_150] : memref<250x80xi32, #tpu.memory_space<vmem>> -> memref<1x80xi32, #tpu.memory_space<vmem>>
          %dma_start3A_152 = tpu.memref_squeeze %dma_start3A_151 : memref<1x80xi32, #tpu.memory_space<vmem>> -> memref<80xi32, #tpu.memory_space<vmem>>
          %dma_start3A_153 = arith.constant 0 : i32
          %dma_start3A_154 = arith.constant 0 : i32
          %dma_start3A_155 = tpu.memref_slice %arg16[%dma_start3A_153, %dma_start3A_154] : memref<10240x64xbf16, #tpu.memory_space<vmem_shared>> -> memref<10240x64xbf16, #tpu.memory_space<vmem_shared>>
          tpu.enqueue_indirect_dma source(%arg10 : memref<80x64xbf16, #tpu.memory_space<vmem>>) target(%dma_start3A_155 : memref<10240x64xbf16, #tpu.memory_space<vmem_shared>>) offsets(%dma_start3A_152 : memref<80xi32, #tpu.memory_space<vmem>>) semaphore(%run_scoped3A : memref<!tpu.dma_semaphore, #tpu.memory_space<semaphore_mem>>) {add = true}
          %dma_wait3A_156 = arith.constant 0 : i32
          %dma_wait3A_157 = tpu.memref_slice %arg9[%add3A_77, %dma_wait3A_156] : memref<250x80xi32, #tpu.memory_space<vmem>> -> memref<1x80xi32, #tpu.memory_space<vmem>>
          %dma_wait3A_158 = tpu.memref_squeeze %dma_wait3A_157 : memref<1x80xi32, #tpu.memory_space<vmem>> -> memref<80xi32, #tpu.memory_space<vmem>>
          %dma_wait3A_159 = arith.constant 0 : i32
          %dma_wait3A_160 = arith.constant 0 : i32
          %dma_wait3A_161 = tpu.memref_slice %arg16[%dma_wait3A_159, %dma_wait3A_160] : memref<10240x64xbf16, #tpu.memory_space<vmem_shared>> -> memref<10240x64xbf16, #tpu.memory_space<vmem_shared>>
          tpu.wait_indirect_dma semaphore(%run_scoped3A : memref<!tpu.dma_semaphore, #tpu.memory_space<semaphore_mem>>) src(%arg10 : memref<80x64xbf16, #tpu.memory_space<vmem>>) dst(%dma_wait3A_161 : memref<10240x64xbf16, #tpu.memory_space<vmem_shared>>)
          tpu.yield
        }) : () -> ()
        %add3A_83 = arith.constant 5 : i32
        %add3A_84 = arith.addi %add3A_77, %add3A_83 : i32
        %lt3A = arith.constant 250 : i32
        %lt3A_85 = arith.cmpi slt, %add3A_84, %lt3A : i32
        %convert_element_type3A_86 = arith.extui %lt3A_85 : i1 to i32
        %cond3A_87 = arith.constant 0 : i32
        %cond3A_88 = arith.cmpi ne, %convert_element_type3A_86, %cond3A_87 : i32
        scf.if %cond3A_88 {
          %add3A_150 = arith.constant 5 : i32
          %add3A_151 = arith.addi %add3A_77, %add3A_150 : i32
          %dma_start3A_152 = arith.constant 0 : i32
          %dma_start3A_153 = tpu.memref_slice %arg8[%add3A_151, %dma_start3A_152] : memref<250x80xi32, #tpu.memory_space<vmem>> -> memref<1x80xi32, #tpu.memory_space<vmem>>
          %dma_start3A_154 = tpu.memref_squeeze %dma_start3A_153 : memref<1x80xi32, #tpu.memory_space<vmem>> -> memref<80xi32, #tpu.memory_space<vmem>>
          %dma_start3A_155 = arith.constant 0 : i32
          %dma_start3A_156 = arith.constant 0 : i32
          %dma_start3A_157 = tpu.memref_slice %arg3[%dma_start3A_155, %dma_start3A_156] : memref<10000x64xbf16, #tpu.memory_space<hbm>> -> memref<10000x64xbf16, #tpu.memory_space<hbm>>
          tpu.enqueue_indirect_dma source(%dma_start3A_157 : memref<10000x64xbf16, #tpu.memory_space<hbm>>) target(%arg10 : memref<80x64xbf16, #tpu.memory_space<vmem>>) offsets(%dma_start3A_154 : memref<80xi32, #tpu.memory_space<vmem>>) semaphore(%arg17 : memref<!tpu.dma_semaphore, #tpu.memory_space<semaphore_mem>>)
        } else {
        }
        %add3A_89 = arith.constant 1 : i32
        %add3A_90 = arith.addi %mul3A_76, %add3A_89 : i32
        %dma_wait3A_91 = arith.constant 0 : i32
        %dma_wait3A_92 = tpu.memref_slice %arg8[%add3A_90, %dma_wait3A_91] : memref<250x80xi32, #tpu.memory_space<vmem>> -> memref<1x80xi32, #tpu.memory_space<vmem>>
        %dma_wait3A_93 = tpu.memref_squeeze %dma_wait3A_92 : memref<1x80xi32, #tpu.memory_space<vmem>> -> memref<80xi32, #tpu.memory_space<vmem>>
        %dma_wait3A_94 = arith.constant 0 : i32
        %dma_wait3A_95 = arith.constant 0 : i32
        %dma_wait3A_96 = tpu.memref_slice %arg3[%dma_wait3A_94, %dma_wait3A_95] : memref<10000x64xbf16, #tpu.memory_space<hbm>> -> memref<10000x64xbf16, #tpu.memory_space<hbm>>
        tpu.wait_indirect_dma semaphore(%arg18 : memref<!tpu.dma_semaphore, #tpu.memory_space<semaphore_mem>>) src(%dma_wait3A_96 : memref<10000x64xbf16, #tpu.memory_space<hbm>>) dst(%arg11 : memref<80x64xbf16, #tpu.memory_space<vmem>>)
        "tpu.region"() ({
          %run_scoped3A = tpu.sem_alloc : memref<!tpu.dma_semaphore, #tpu.memory_space<semaphore_mem>>
          %dma_start3A_150 = arith.constant 0 : i32
          %dma_start3A_151 = tpu.memref_slice %arg9[%add3A_90, %dma_start3A_150] : memref<250x80xi32, #tpu.memory_space<vmem>> -> memref<1x80xi32, #tpu.memory_space<vmem>>
          %dma_start3A_152 = tpu.memref_squeeze %dma_start3A_151 : memref<1x80xi32, #tpu.memory_space<vmem>> -> memref<80xi32, #tpu.memory_space<vmem>>
          %dma_start3A_153 = arith.constant 0 : i32
          %dma_start3A_154 = arith.constant 0 : i32
          %dma_start3A_155 = tpu.memref_slice %arg16[%dma_start3A_153, %dma_start3A_154] : memref<10240x64xbf16, #tpu.memory_space<vmem_shared>> -> memref<10240x64xbf16, #tpu.memory_space<vmem_shared>>
          tpu.enqueue_indirect_dma source(%arg11 : memref<80x64xbf16, #tpu.memory_space<vmem>>) target(%dma_start3A_155 : memref<10240x64xbf16, #tpu.memory_space<vmem_shared>>) offsets(%dma_start3A_152 : memref<80xi32, #tpu.memory_space<vmem>>) semaphore(%run_scoped3A : memref<!tpu.dma_semaphore, #tpu.memory_space<semaphore_mem>>) {add = true}
          %dma_wait3A_156 = arith.constant 0 : i32
          %dma_wait3A_157 = tpu.memref_slice %arg9[%add3A_90, %dma_wait3A_156] : memref<250x80xi32, #tpu.memory_space<vmem>> -> memref<1x80xi32, #tpu.memory_space<vmem>>
          %dma_wait3A_158 = tpu.memref_squeeze %dma_wait3A_157 : memref<1x80xi32, #tpu.memory_space<vmem>> -> memref<80xi32, #tpu.memory_space<vmem>>
          %dma_wait3A_159 = arith.constant 0 : i32
          %dma_wait3A_160 = arith.constant 0 : i32
          %dma_wait3A_161 = tpu.memref_slice %arg16[%dma_wait3A_159, %dma_wait3A_160] : memref<10240x64xbf16, #tpu.memory_space<vmem_shared>> -> memref<10240x64xbf16, #tpu.memory_space<vmem_shared>>
          tpu.wait_indirect_dma semaphore(%run_scoped3A : memref<!tpu.dma_semaphore, #tpu.memory_space<semaphore_mem>>) src(%arg11 : memref<80x64xbf16, #tpu.memory_space<vmem>>) dst(%dma_wait3A_161 : memref<10240x64xbf16, #tpu.memory_space<vmem_shared>>)
          tpu.yield
        }) : () -> ()
        %add3A_97 = arith.constant 5 : i32
        %add3A_98 = arith.addi %add3A_90, %add3A_97 : i32
        %lt3A_99 = arith.constant 250 : i32
        %lt3A_100 = arith.cmpi slt, %add3A_98, %lt3A_99 : i32
        %convert_element_type3A_101 = arith.extui %lt3A_100 : i1 to i32
        %cond3A_102 = arith.constant 0 : i32
        %cond3A_103 = arith.cmpi ne, %convert_element_type3A_101, %cond3A_102 : i32
        scf.if %cond3A_103 {
          %add3A_150 = arith.constant 5 : i32
          %add3A_151 = arith.addi %add3A_90, %add3A_150 : i32
          %dma_start3A_152 = arith.constant 0 : i32
          %dma_start3A_153 = tpu.memref_slice %arg8[%add3A_151, %dma_start3A_152] : memref<250x80xi32, #tpu.memory_space<vmem>> -> memref<1x80xi32, #tpu.memory_space<vmem>>
          %dma_start3A_154 = tpu.memref_squeeze %dma_start3A_153 : memref<1x80xi32, #tpu.memory_space<vmem>> -> memref<80xi32, #tpu.memory_space<vmem>>
          %dma_start3A_155 = arith.constant 0 : i32
          %dma_start3A_156 = arith.constant 0 : i32
          %dma_start3A_157 = tpu.memref_slice %arg3[%dma_start3A_155, %dma_start3A_156] : memref<10000x64xbf16, #tpu.memory_space<hbm>> -> memref<10000x64xbf16, #tpu.memory_space<hbm>>
          tpu.enqueue_indirect_dma source(%dma_start3A_157 : memref<10000x64xbf16, #tpu.memory_space<hbm>>) target(%arg11 : memref<80x64xbf16, #tpu.memory_space<vmem>>) offsets(%dma_start3A_154 : memref<80xi32, #tpu.memory_space<vmem>>) semaphore(%arg18 : memref<!tpu.dma_semaphore, #tpu.memory_space<semaphore_mem>>)
        } else {
        }
        %add3A_104 = arith.constant 2 : i32
        %add3A_105 = arith.addi %mul3A_76, %add3A_104 : i32
        %dma_wait3A_106 = arith.constant 0 : i32
        %dma_wait3A_107 = tpu.memref_slice %arg8[%add3A_105, %dma_wait3A_106] : memref<250x80xi32, #tpu.memory_space<vmem>> -> memref<1x80xi32, #tpu.memory_space<vmem>>
        %dma_wait3A_108 = tpu.memref_squeeze %dma_wait3A_107 : memref<1x80xi32, #tpu.memory_space<vmem>> -> memref<80xi32, #tpu.memory_space<vmem>>
        %dma_wait3A_109 = arith.constant 0 : i32
        %dma_wait3A_110 = arith.constant 0 : i32
        %dma_wait3A_111 = tpu.memref_slice %arg3[%dma_wait3A_109, %dma_wait3A_110] : memref<10000x64xbf16, #tpu.memory_space<hbm>> -> memref<10000x64xbf16, #tpu.memory_space<hbm>>
        tpu.wait_indirect_dma semaphore(%arg19 : memref<!tpu.dma_semaphore, #tpu.memory_space<semaphore_mem>>) src(%dma_wait3A_111 : memref<10000x64xbf16, #tpu.memory_space<hbm>>) dst(%arg12 : memref<80x64xbf16, #tpu.memory_space<vmem>>)
        "tpu.region"() ({
          %run_scoped3A = tpu.sem_alloc : memref<!tpu.dma_semaphore, #tpu.memory_space<semaphore_mem>>
          %dma_start3A_150 = arith.constant 0 : i32
          %dma_start3A_151 = tpu.memref_slice %arg9[%add3A_105, %dma_start3A_150] : memref<250x80xi32, #tpu.memory_space<vmem>> -> memref<1x80xi32, #tpu.memory_space<vmem>>
          %dma_start3A_152 = tpu.memref_squeeze %dma_start3A_151 : memref<1x80xi32, #tpu.memory_space<vmem>> -> memref<80xi32, #tpu.memory_space<vmem>>
          %dma_start3A_153 = arith.constant 0 : i32
          %dma_start3A_154 = arith.constant 0 : i32
          %dma_start3A_155 = tpu.memref_slice %arg16[%dma_start3A_153, %dma_start3A_154] : memref<10240x64xbf16, #tpu.memory_space<vmem_shared>> -> memref<10240x64xbf16, #tpu.memory_space<vmem_shared>>
          tpu.enqueue_indirect_dma source(%arg12 : memref<80x64xbf16, #tpu.memory_space<vmem>>) target(%dma_start3A_155 : memref<10240x64xbf16, #tpu.memory_space<vmem_shared>>) offsets(%dma_start3A_152 : memref<80xi32, #tpu.memory_space<vmem>>) semaphore(%run_scoped3A : memref<!tpu.dma_semaphore, #tpu.memory_space<semaphore_mem>>) {add = true}
          %dma_wait3A_156 = arith.constant 0 : i32
          %dma_wait3A_157 = tpu.memref_slice %arg9[%add3A_105, %dma_wait3A_156] : memref<250x80xi32, #tpu.memory_space<vmem>> -> memref<1x80xi32, #tpu.memory_space<vmem>>
          %dma_wait3A_158 = tpu.memref_squeeze %dma_wait3A_157 : memref<1x80xi32, #tpu.memory_space<vmem>> -> memref<80xi32, #tpu.memory_space<vmem>>
          %dma_wait3A_159 = arith.constant 0 : i32
          %dma_wait3A_160 = arith.constant 0 : i32
          %dma_wait3A_161 = tpu.memref_slice %arg16[%dma_wait3A_159, %dma_wait3A_160] : memref<10240x64xbf16, #tpu.memory_space<vmem_shared>> -> memref<10240x64xbf16, #tpu.memory_space<vmem_shared>>
          tpu.wait_indirect_dma semaphore(%run_scoped3A : memref<!tpu.dma_semaphore, #tpu.memory_space<semaphore_mem>>) src(%arg12 : memref<80x64xbf16, #tpu.memory_space<vmem>>) dst(%dma_wait3A_161 : memref<10240x64xbf16, #tpu.memory_space<vmem_shared>>)
          tpu.yield
        }) : () -> ()
        %add3A_112 = arith.constant 5 : i32
        %add3A_113 = arith.addi %add3A_105, %add3A_112 : i32
        %lt3A_114 = arith.constant 250 : i32
        %lt3A_115 = arith.cmpi slt, %add3A_113, %lt3A_114 : i32
        %convert_element_type3A_116 = arith.extui %lt3A_115 : i1 to i32
        %cond3A_117 = arith.constant 0 : i32
        %cond3A_118 = arith.cmpi ne, %convert_element_type3A_116, %cond3A_117 : i32
        scf.if %cond3A_118 {
          %add3A_150 = arith.constant 5 : i32
          %add3A_151 = arith.addi %add3A_105, %add3A_150 : i32
          %dma_start3A_152 = arith.constant 0 : i32
          %dma_start3A_153 = tpu.memref_slice %arg8[%add3A_151, %dma_start3A_152] : memref<250x80xi32, #tpu.memory_space<vmem>> -> memref<1x80xi32, #tpu.memory_space<vmem>>
          %dma_start3A_154 = tpu.memref_squeeze %dma_start3A_153 : memref<1x80xi32, #tpu.memory_space<vmem>> -> memref<80xi32, #tpu.memory_space<vmem>>
          %dma_start3A_155 = arith.constant 0 : i32
          %dma_start3A_156 = arith.constant 0 : i32
          %dma_start3A_157 = tpu.memref_slice %arg3[%dma_start3A_155, %dma_start3A_156] : memref<10000x64xbf16, #tpu.memory_space<hbm>> -> memref<10000x64xbf16, #tpu.memory_space<hbm>>
          tpu.enqueue_indirect_dma source(%dma_start3A_157 : memref<10000x64xbf16, #tpu.memory_space<hbm>>) target(%arg12 : memref<80x64xbf16, #tpu.memory_space<vmem>>) offsets(%dma_start3A_154 : memref<80xi32, #tpu.memory_space<vmem>>) semaphore(%arg19 : memref<!tpu.dma_semaphore, #tpu.memory_space<semaphore_mem>>)
        } else {
        }
        %add3A_119 = arith.constant 3 : i32
        %add3A_120 = arith.addi %mul3A_76, %add3A_119 : i32
        %dma_wait3A_121 = arith.constant 0 : i32
        %dma_wait3A_122 = tpu.memref_slice %arg8[%add3A_120, %dma_wait3A_121] : memref<250x80xi32, #tpu.memory_space<vmem>> -> memref<1x80xi32, #tpu.memory_space<vmem>>
        %dma_wait3A_123 = tpu.memref_squeeze %dma_wait3A_122 : memref<1x80xi32, #tpu.memory_space<vmem>> -> memref<80xi32, #tpu.memory_space<vmem>>
        %dma_wait3A_124 = arith.constant 0 : i32
        %dma_wait3A_125 = arith.constant 0 : i32
        %dma_wait3A_126 = tpu.memref_slice %arg3[%dma_wait3A_124, %dma_wait3A_125] : memref<10000x64xbf16, #tpu.memory_space<hbm>> -> memref<10000x64xbf16, #tpu.memory_space<hbm>>
        tpu.wait_indirect_dma semaphore(%arg20 : memref<!tpu.dma_semaphore, #tpu.memory_space<semaphore_mem>>) src(%dma_wait3A_126 : memref<10000x64xbf16, #tpu.memory_space<hbm>>) dst(%arg13 : memref<80x64xbf16, #tpu.memory_space<vmem>>)
        "tpu.region"() ({
          %run_scoped3A = tpu.sem_alloc : memref<!tpu.dma_semaphore, #tpu.memory_space<semaphore_mem>>
          %dma_start3A_150 = arith.constant 0 : i32
          %dma_start3A_151 = tpu.memref_slice %arg9[%add3A_120, %dma_start3A_150] : memref<250x80xi32, #tpu.memory_space<vmem>> -> memref<1x80xi32, #tpu.memory_space<vmem>>
          %dma_start3A_152 = tpu.memref_squeeze %dma_start3A_151 : memref<1x80xi32, #tpu.memory_space<vmem>> -> memref<80xi32, #tpu.memory_space<vmem>>
          %dma_start3A_153 = arith.constant 0 : i32
          %dma_start3A_154 = arith.constant 0 : i32
          %dma_start3A_155 = tpu.memref_slice %arg16[%dma_start3A_153, %dma_start3A_154] : memref<10240x64xbf16, #tpu.memory_space<vmem_shared>> -> memref<10240x64xbf16, #tpu.memory_space<vmem_shared>>
          tpu.enqueue_indirect_dma source(%arg13 : memref<80x64xbf16, #tpu.memory_space<vmem>>) target(%dma_start3A_155 : memref<10240x64xbf16, #tpu.memory_space<vmem_shared>>) offsets(%dma_start3A_152 : memref<80xi32, #tpu.memory_space<vmem>>) semaphore(%run_scoped3A : memref<!tpu.dma_semaphore, #tpu.memory_space<semaphore_mem>>) {add = true}
          %dma_wait3A_156 = arith.constant 0 : i32
          %dma_wait3A_157 = tpu.memref_slice %arg9[%add3A_120, %dma_wait3A_156] : memref<250x80xi32, #tpu.memory_space<vmem>> -> memref<1x80xi32, #tpu.memory_space<vmem>>
          %dma_wait3A_158 = tpu.memref_squeeze %dma_wait3A_157 : memref<1x80xi32, #tpu.memory_space<vmem>> -> memref<80xi32, #tpu.memory_space<vmem>>
          %dma_wait3A_159 = arith.constant 0 : i32
          %dma_wait3A_160 = arith.constant 0 : i32
          %dma_wait3A_161 = tpu.memref_slice %arg16[%dma_wait3A_159, %dma_wait3A_160] : memref<10240x64xbf16, #tpu.memory_space<vmem_shared>> -> memref<10240x64xbf16, #tpu.memory_space<vmem_shared>>
          tpu.wait_indirect_dma semaphore(%run_scoped3A : memref<!tpu.dma_semaphore, #tpu.memory_space<semaphore_mem>>) src(%arg13 : memref<80x64xbf16, #tpu.memory_space<vmem>>) dst(%dma_wait3A_161 : memref<10240x64xbf16, #tpu.memory_space<vmem_shared>>)
          tpu.yield
        }) : () -> ()
        %add3A_127 = arith.constant 5 : i32
        %add3A_128 = arith.addi %add3A_120, %add3A_127 : i32
        %lt3A_129 = arith.constant 250 : i32
        %lt3A_130 = arith.cmpi slt, %add3A_128, %lt3A_129 : i32
        %convert_element_type3A_131 = arith.extui %lt3A_130 : i1 to i32
        %cond3A_132 = arith.constant 0 : i32
        %cond3A_133 = arith.cmpi ne, %convert_element_type3A_131, %cond3A_132 : i32
        scf.if %cond3A_133 {
          %add3A_150 = arith.constant 5 : i32
          %add3A_151 = arith.addi %add3A_120, %add3A_150 : i32
          %dma_start3A_152 = arith.constant 0 : i32
          %dma_start3A_153 = tpu.memref_slice %arg8[%add3A_151, %dma_start3A_152] : memref<250x80xi32, #tpu.memory_space<vmem>> -> memref<1x80xi32, #tpu.memory_space<vmem>>
          %dma_start3A_154 = tpu.memref_squeeze %dma_start3A_153 : memref<1x80xi32, #tpu.memory_space<vmem>> -> memref<80xi32, #tpu.memory_space<vmem>>
          %dma_start3A_155 = arith.constant 0 : i32
          %dma_start3A_156 = arith.constant 0 : i32
          %dma_start3A_157 = tpu.memref_slice %arg3[%dma_start3A_155, %dma_start3A_156] : memref<10000x64xbf16, #tpu.memory_space<hbm>> -> memref<10000x64xbf16, #tpu.memory_space<hbm>>
          tpu.enqueue_indirect_dma source(%dma_start3A_157 : memref<10000x64xbf16, #tpu.memory_space<hbm>>) target(%arg13 : memref<80x64xbf16, #tpu.memory_space<vmem>>) offsets(%dma_start3A_154 : memref<80xi32, #tpu.memory_space<vmem>>) semaphore(%arg20 : memref<!tpu.dma_semaphore, #tpu.memory_space<semaphore_mem>>)
        } else {
        }
        %add3A_134 = arith.constant 4 : i32
        %add3A_135 = arith.addi %mul3A_76, %add3A_134 : i32
        %dma_wait3A_136 = arith.constant 0 : i32
        %dma_wait3A_137 = tpu.memref_slice %arg8[%add3A_135, %dma_wait3A_136] : memref<250x80xi32, #tpu.memory_space<vmem>> -> memref<1x80xi32, #tpu.memory_space<vmem>>
        %dma_wait3A_138 = tpu.memref_squeeze %dma_wait3A_137 : memref<1x80xi32, #tpu.memory_space<vmem>> -> memref<80xi32, #tpu.memory_space<vmem>>
        %dma_wait3A_139 = arith.constant 0 : i32
        %dma_wait3A_140 = arith.constant 0 : i32
        %dma_wait3A_141 = tpu.memref_slice %arg3[%dma_wait3A_139, %dma_wait3A_140] : memref<10000x64xbf16, #tpu.memory_space<hbm>> -> memref<10000x64xbf16, #tpu.memory_space<hbm>>
        tpu.wait_indirect_dma semaphore(%arg21 : memref<!tpu.dma_semaphore, #tpu.memory_space<semaphore_mem>>) src(%dma_wait3A_141 : memref<10000x64xbf16, #tpu.memory_space<hbm>>) dst(%arg14 : memref<80x64xbf16, #tpu.memory_space<vmem>>)
        "tpu.region"() ({
          %run_scoped3A = tpu.sem_alloc : memref<!tpu.dma_semaphore, #tpu.memory_space<semaphore_mem>>
          %dma_start3A_150 = arith.constant 0 : i32
          %dma_start3A_151 = tpu.memref_slice %arg9[%add3A_135, %dma_start3A_150] : memref<250x80xi32, #tpu.memory_space<vmem>> -> memref<1x80xi32, #tpu.memory_space<vmem>>
          %dma_start3A_152 = tpu.memref_squeeze %dma_start3A_151 : memref<1x80xi32, #tpu.memory_space<vmem>> -> memref<80xi32, #tpu.memory_space<vmem>>
          %dma_start3A_153 = arith.constant 0 : i32
          %dma_start3A_154 = arith.constant 0 : i32
          %dma_start3A_155 = tpu.memref_slice %arg16[%dma_start3A_153, %dma_start3A_154] : memref<10240x64xbf16, #tpu.memory_space<vmem_shared>> -> memref<10240x64xbf16, #tpu.memory_space<vmem_shared>>
          tpu.enqueue_indirect_dma source(%arg14 : memref<80x64xbf16, #tpu.memory_space<vmem>>) target(%dma_start3A_155 : memref<10240x64xbf16, #tpu.memory_space<vmem_shared>>) offsets(%dma_start3A_152 : memref<80xi32, #tpu.memory_space<vmem>>) semaphore(%run_scoped3A : memref<!tpu.dma_semaphore, #tpu.memory_space<semaphore_mem>>) {add = true}
          %dma_wait3A_156 = arith.constant 0 : i32
          %dma_wait3A_157 = tpu.memref_slice %arg9[%add3A_135, %dma_wait3A_156] : memref<250x80xi32, #tpu.memory_space<vmem>> -> memref<1x80xi32, #tpu.memory_space<vmem>>
          %dma_wait3A_158 = tpu.memref_squeeze %dma_wait3A_157 : memref<1x80xi32, #tpu.memory_space<vmem>> -> memref<80xi32, #tpu.memory_space<vmem>>
          %dma_wait3A_159 = arith.constant 0 : i32
          %dma_wait3A_160 = arith.constant 0 : i32
          %dma_wait3A_161 = tpu.memref_slice %arg16[%dma_wait3A_159, %dma_wait3A_160] : memref<10240x64xbf16, #tpu.memory_space<vmem_shared>> -> memref<10240x64xbf16, #tpu.memory_space<vmem_shared>>
          tpu.wait_indirect_dma semaphore(%run_scoped3A : memref<!tpu.dma_semaphore, #tpu.memory_space<semaphore_mem>>) src(%arg14 : memref<80x64xbf16, #tpu.memory_space<vmem>>) dst(%dma_wait3A_161 : memref<10240x64xbf16, #tpu.memory_space<vmem_shared>>)
          tpu.yield
        }) : () -> ()
        %add3A_142 = arith.constant 5 : i32
        %add3A_143 = arith.addi %add3A_135, %add3A_142 : i32
        %lt3A_144 = arith.constant 250 : i32
        %lt3A_145 = arith.cmpi slt, %add3A_143, %lt3A_144 : i32
        %convert_element_type3A_146 = arith.extui %lt3A_145 : i1 to i32
        %cond3A_147 = arith.constant 0 : i32
        %cond3A_148 = arith.cmpi ne, %convert_element_type3A_146, %cond3A_147 : i32
        scf.if %cond3A_148 {
          %add3A_150 = arith.constant 5 : i32
          %add3A_151 = arith.addi %add3A_135, %add3A_150 : i32
          %dma_start3A_152 = arith.constant 0 : i32
          %dma_start3A_153 = tpu.memref_slice %arg8[%add3A_151, %dma_start3A_152] : memref<250x80xi32, #tpu.memory_space<vmem>> -> memref<1x80xi32, #tpu.memory_space<vmem>>
          %dma_start3A_154 = tpu.memref_squeeze %dma_start3A_153 : memref<1x80xi32, #tpu.memory_space<vmem>> -> memref<80xi32, #tpu.memory_space<vmem>>
          %dma_start3A_155 = arith.constant 0 : i32
          %dma_start3A_156 = arith.constant 0 : i32
          %dma_start3A_157 = tpu.memref_slice %arg3[%dma_start3A_155, %dma_start3A_156] : memref<10000x64xbf16, #tpu.memory_space<hbm>> -> memref<10000x64xbf16, #tpu.memory_space<hbm>>
          tpu.enqueue_indirect_dma source(%dma_start3A_157 : memref<10000x64xbf16, #tpu.memory_space<hbm>>) target(%arg14 : memref<80x64xbf16, #tpu.memory_space<vmem>>) offsets(%dma_start3A_154 : memref<80xi32, #tpu.memory_space<vmem>>) semaphore(%arg21 : memref<!tpu.dma_semaphore, #tpu.memory_space<semaphore_mem>>)
        } else {
        }
        %scan3A_149 = arith.constant 0 : i32
        scf.yield %scan3A_149 : i32
      }
      %scan3A_72 = arith.constant 50 : i32
    } else {
    }
    %barrier3A_21 = arith.constant 0 : index
    tpu.barrier barrier_id(%barrier3A_21)
    %eq3A_22 = arith.constant 0 : i32
    %eq3A_23 = arith.cmpi eq, %arg0, %eq3A_22 : i32
    %convert_element_type3A_24 = arith.extui %eq3A_23 : i1 to i32
    %cond3A_25 = arith.constant 0 : i32
    %cond3A_26 = arith.cmpi ne, %convert_element_type3A_24, %cond3A_25 : i32
    scf.if %cond3A_26 {
      "tpu.region"() ({
        %run_scoped3A = tpu.sem_alloc : memref<!tpu.dma_semaphore, #tpu.memory_space<semaphore_mem>>
        %dma_start3A = arith.constant 0 : i32
        %dma_start3A_32 = tpu.memref_slice %arg6[%mul3A_6, %dma_start3A] : memref<10240x64xbf16, #tpu.memory_space<hbm>> -> memref<640x64xbf16, #tpu.memory_space<hbm>>
        %dma_start3A_33 = arith.constant 0 : i32
        %dma_start3A_34 = tpu.memref_slice %arg16[%mul3A_6, %dma_start3A_33] : memref<10240x64xbf16, #tpu.memory_space<vmem_shared>> -> memref<640x64xbf16, #tpu.memory_space<vmem_shared>>
        tpu.enqueue_dma source(%dma_start3A_34 : memref<640x64xbf16, #tpu.memory_space<vmem_shared>>) target(%dma_start3A_32 : memref<640x64xbf16, #tpu.memory_space<hbm>>) target_semaphore(%run_scoped3A : memref<!tpu.dma_semaphore, #tpu.memory_space<semaphore_mem>>)
        %dma_wait3A = arith.constant 0 : i32
        %dma_wait3A_35 = tpu.memref_slice %arg6[%mul3A_6, %dma_wait3A] : memref<10240x64xbf16, #tpu.memory_space<hbm>> -> memref<640x64xbf16, #tpu.memory_space<hbm>>
        %dma_wait3A_36 = arith.constant 0 : i32
        %dma_wait3A_37 = tpu.memref_slice %arg16[%mul3A_6, %dma_wait3A_36] : memref<10240x64xbf16, #tpu.memory_space<vmem_shared>> -> memref<640x64xbf16, #tpu.memory_space<vmem_shared>>
        tpu.wait_dma2 semaphore(%run_scoped3A : memref<!tpu.dma_semaphore, #tpu.memory_space<semaphore_mem>>) src(%dma_wait3A_37 : memref<640x64xbf16, #tpu.memory_space<vmem_shared>>) dst(%dma_wait3A_35 : memref<640x64xbf16, #tpu.memory_space<hbm>>)
        tpu.yield
      }) : () -> ()
    } else {
    }
    %eq3A_27 = arith.constant 1 : i32
    %eq3A_28 = arith.cmpi eq, %arg0, %eq3A_27 : i32
    %convert_element_type3A_29 = arith.extui %eq3A_28 : i1 to i32
    %cond3A_30 = arith.constant 0 : i32
    %cond3A_31 = arith.cmpi ne, %convert_element_type3A_29, %cond3A_30 : i32
    scf.if %cond3A_31 {
      "tpu.region"() ({
        %run_scoped3A = tpu.sem_alloc : memref<!tpu.dma_semaphore, #tpu.memory_space<semaphore_mem>>
        %dma_start3A = arith.constant 0 : i32
        %dma_start3A_32 = tpu.memref_slice %arg7[%mul3A_6, %dma_start3A] : memref<10240x64xbf16, #tpu.memory_space<hbm>> -> memref<640x64xbf16, #tpu.memory_space<hbm>>
        %dma_start3A_33 = arith.constant 0 : i32
        %dma_start3A_34 = tpu.memref_slice %arg16[%mul3A_6, %dma_start3A_33] : memref<10240x64xbf16, #tpu.memory_space<vmem_shared>> -> memref<640x64xbf16, #tpu.memory_space<vmem_shared>>
        tpu.enqueue_dma source(%dma_start3A_34 : memref<640x64xbf16, #tpu.memory_space<vmem_shared>>) target(%dma_start3A_32 : memref<640x64xbf16, #tpu.memory_space<hbm>>) target_semaphore(%run_scoped3A : memref<!tpu.dma_semaphore, #tpu.memory_space<semaphore_mem>>)
        %dma_wait3A = arith.constant 0 : i32
        %dma_wait3A_35 = tpu.memref_slice %arg7[%mul3A_6, %dma_wait3A] : memref<10240x64xbf16, #tpu.memory_space<hbm>> -> memref<640x64xbf16, #tpu.memory_space<hbm>>
        %dma_wait3A_36 = arith.constant 0 : i32
        %dma_wait3A_37 = tpu.memref_slice %arg16[%mul3A_6, %dma_wait3A_36] : memref<10240x64xbf16, #tpu.memory_space<vmem_shared>> -> memref<640x64xbf16, #tpu.memory_space<vmem_shared>>
        tpu.wait_dma2 semaphore(%run_scoped3A : memref<!tpu.dma_semaphore, #tpu.memory_space<semaphore_mem>>) src(%dma_wait3A_37 : memref<640x64xbf16, #tpu.memory_space<vmem_shared>>) dst(%dma_wait3A_35 : memref<640x64xbf16, #tpu.memory_space<hbm>>)
        tpu.yield
      }) : () -> ()
    } else {
    }
    return
  }
}

#map = affine_map<(d0, d1) -> (0, 0)>
#map1 = affine_map<(d0, d1) -> (0, 0, 0)>
module attributes {stable_mosaic.version = 14 : i64} {
  func.func @segsum_kernel(%arg0: i32, %arg1: i32, %arg2: memref<10000x64xbf16, #tpu.memory_space<hbm>>, %arg3: memref<10000x64xbf16, #tpu.memory_space<hbm>>, %arg4: memref<16x250x80xi32, #tpu.memory_space<hbm>>, %arg5: memref<16x250x80xi32, #tpu.memory_space<hbm>>, %arg6: memref<10240x64xbf16, #tpu.memory_space<hbm>>, %arg7: memref<10240x64xbf16, #tpu.memory_space<hbm>>, %arg8: memref<250x80xi32, #tpu.memory_space<vmem>>, %arg9: memref<250x80xi32, #tpu.memory_space<vmem>>, %arg10: memref<80x64xbf16, #tpu.memory_space<vmem>>, %arg11: memref<80x64xbf16, #tpu.memory_space<vmem>>, %arg12: memref<80x64xbf16, #tpu.memory_space<vmem>>, %arg13: memref<80x64xbf16, #tpu.memory_space<vmem>>, %arg14: memref<80x64xbf16, #tpu.memory_space<vmem>>, %arg15: memref<128x64xbf16, #tpu.memory_space<vmem>>, %arg16: memref<10240x64xbf16, #tpu.memory_space<vmem_shared>>, %arg17: memref<!tpu.dma_semaphore, #tpu.memory_space<semaphore_mem>>, %arg18: memref<!tpu.dma_semaphore, #tpu.memory_space<semaphore_mem>>, %arg19: memref<!tpu.dma_semaphore, #tpu.memory_space<semaphore_mem>>, %arg20: memref<!tpu.dma_semaphore, #tpu.memory_space<semaphore_mem>>, %arg21: memref<!tpu.dma_semaphore, #tpu.memory_space<semaphore_mem>>) attributes {dimension_semantics = [#tpu.dimension_semantics<core_parallel>, #tpu.dimension_semantics<subcore_parallel>], iteration_bounds = array<i64: 2, 16>, scalar_prefetch = 0 : i64, scratch_operands = 14 : i64, tpu.core_type = #tpu.core_type<sc_vector_subcore>, window_params = [{transform_indices = #map}, {transform_indices = #map}, {transform_indices = #map1}, {transform_indices = #map1}, {transform_indices = #map}, {transform_indices = #map}]} {
    %scan3A = arith.constant 0 : i32
    %scan3A_0 = arith.constant 0 : i32
    %scan3A_1 = arith.constant 256 : i32
    %scan3A_2 = arith.addi %scan3A_0, %scan3A_1 : i32
    %scan3A_3 = arith.constant 1 : i32
    %scan3A_4 = scf.for %scan3A_32 = %scan3A_0 to %scan3A_2 step %scan3A_3 iter_args(%scan3A_33 = %scan3A) -> (i32)  : i32 {
      %jit3A = arith.constant 2 : i32
      %div3A = arith.divsi %scan3A_32, %jit3A : i32
      %sign3A = arith.constant 0 : i32
      %sign3A_34 = arith.cmpi sgt, %scan3A_32, %sign3A : i32
      %sign3A_35 = arith.extui %sign3A_34 : i1 to i32
      %sign3A_36 = arith.constant 0 : i32
      %sign3A_37 = arith.cmpi slt, %scan3A_32, %sign3A_36 : i32
      %sign3A_38 = arith.extui %sign3A_37 : i1 to i32
      %sign3A_39 = arith.subi %sign3A_35, %sign3A_38 : i32
      %sign3A_40 = arith.constant 0 : i32
      %sign3A_41 = arith.cmpi sgt, %jit3A, %sign3A_40 : i32
      %sign3A_42 = arith.extui %sign3A_41 : i1 to i32
      %sign3A_43 = arith.constant 0 : i32
      %sign3A_44 = arith.cmpi slt, %jit3A, %sign3A_43 : i32
      %sign3A_45 = arith.extui %sign3A_44 : i1 to i32
      %sign3A_46 = arith.subi %sign3A_42, %sign3A_45 : i32
      %ne3A = arith.cmpi ne, %sign3A_39, %sign3A_46 : i32
      %rem3A = arith.remsi %scan3A_32, %jit3A : i32
      %ne3A_47 = arith.constant 0 : i32
      %ne3A_48 = arith.cmpi ne, %rem3A, %ne3A_47 : i32
      %and3A = arith.andi %ne3A, %ne3A_48 : i1
      %sub3A = arith.constant 1 : i32
      %sub3A_49 = arith.subi %div3A, %sub3A : i32
      %select_n3A = arith.select %and3A, %sub3A_49, %div3A : i32
      %jit3A_50 = arith.constant 2 : i32
      %eq3A_51 = arith.constant 0 : i32
      %eq3A_52 = arith.cmpi eq, %jit3A_50, %eq3A_51 : i32
      %jit3A_53 = arith.constant 1 : i32
      %select_n3A_54 = arith.select %eq3A_52, %jit3A_53, %jit3A_50 : i32
      %rem3A_55 = arith.remsi %scan3A_32, %select_n3A_54 : i32
      %ne3A_56 = arith.constant 0 : i32
      %ne3A_57 = arith.cmpi ne, %rem3A_55, %ne3A_56 : i32
      %lt3A = arith.constant 0 : i32
      %lt3A_58 = arith.cmpi slt, %rem3A_55, %lt3A : i32
      %lt3A_59 = arith.constant 0 : i32
      %lt3A_60 = arith.cmpi slt, %select_n3A_54, %lt3A_59 : i32
      %ne3A_61 = arith.xori %lt3A_58, %lt3A_60 : i1
      %and3A_62 = arith.andi %ne3A_61, %ne3A_57 : i1
      %add3A = arith.addi %rem3A_55, %select_n3A_54 : i32
      %select_n3A_63 = arith.select %and3A_62, %add3A, %rem3A_55 : i32
      %broadcast_in_dim3A = arith.constant 0.000000e+00 : bf16
      %broadcast_in_dim3A_64 = vector.broadcast %broadcast_in_dim3A : bf16 to vector<32xbf16>
      %mul3A_65 = arith.constant 32 : i32
      %mul3A_66 = arith.muli %select_n3A_63, %mul3A_65 : i32
      %swap3A = arith.index_cast %select_n3A : i32 to index
      %swap3A_67 = arith.index_cast %mul3A_66 : i32 to index
      %swap3A_68 = tpu.vector_load %arg15[%swap3A, %swap3A_67] {strides = array<i32>} : memref<128x64xbf16, #tpu.memory_space<vmem>>, vector<1x32xbf16>,
      %swap3A_69 = vector.shape_cast %swap3A_68 : vector<1x32xbf16> to vector<32xbf16>
      %swap3A_70 = vector.shape_cast %broadcast_in_dim3A_64 : vector<32xbf16> to vector<1x32xbf16>
      tpu.vector_store %arg15[%swap3A, %swap3A_67], %swap3A_70 {strides = array<i32>} : memref<128x64xbf16, #tpu.memory_space<vmem>>, vector<1x32xbf16>,
      %scan3A_71 = arith.constant 0 : i32
      scf.yield %scan3A_71 : i32
    }
    %scan3A_5 = arith.constant 256 : i32
    %mul3A = arith.constant 640 : i32
    %mul3A_6 = arith.muli %arg1, %mul3A : i32
    %scan3A_7 = arith.constant 0 : i32
    %scan3A_8 = arith.constant 0 : i32
    %scan3A_9 = arith.constant 5 : i32
    %scan3A_10 = arith.addi %scan3A_8, %scan3A_9 : i32
    %scan3A_11 = arith.constant 1 : i32
    %scan3A_12 = scf.for %scan3A_32 = %scan3A_8 to %scan3A_10 step %scan3A_11 iter_args(%scan3A_33 = %scan3A_7) -> (i32)  : i32 {
      %mul3A_34 = arith.constant 128 : i32
      %mul3A_35 = arith.muli %scan3A_32, %mul3A_34 : i32
      %add3A = arith.addi %mul3A_6, %mul3A_35 : i32
      "tpu.region"() ({
        %run_scoped3A = tpu.sem_alloc : memref<!tpu.dma_semaphore, #tpu.memory_space<semaphore_mem>>
        %dma_start3A = arith.constant 0 : i32
        %dma_start3A_37 = tpu.memref_slice %arg16[%add3A, %dma_start3A] : memref<10240x64xbf16, #tpu.memory_space<vmem_shared>> -> memref<128x64xbf16, #tpu.memory_space<vmem_shared>>
        %dma_start3A_38 = arith.constant 0 : i32
        %dma_start3A_39 = tpu.memref_slice %arg16[%add3A, %dma_start3A_38] : memref<10240x64xbf16, #tpu.memory_space<vmem_shared>> -> memref<128x64xbf16, #tpu.memory_space<vmem_shared>>
        tpu.enqueue_dma source(%arg15 : memref<128x64xbf16, #tpu.memory_space<vmem>>) target(%dma_start3A_39 : memref<128x64xbf16, #tpu.memory_space<vmem_shared>>) target_semaphore(%run_scoped3A : memref<!tpu.dma_semaphore, #tpu.memory_space<semaphore_mem>>)
        %dma_wait3A = arith.constant 0 : i32
        %dma_wait3A_40 = tpu.memref_slice %arg16[%add3A, %dma_wait3A] : memref<10240x64xbf16, #tpu.memory_space<vmem_shared>> -> memref<128x64xbf16, #tpu.memory_space<vmem_shared>>
        %dma_wait3A_41 = arith.constant 0 : i32
        %dma_wait3A_42 = tpu.memref_slice %arg16[%add3A, %dma_wait3A_41] : memref<10240x64xbf16, #tpu.memory_space<vmem_shared>> -> memref<128x64xbf16, #tpu.memory_space<vmem_shared>>
        tpu.wait_dma2 semaphore(%run_scoped3A : memref<!tpu.dma_semaphore, #tpu.memory_space<semaphore_mem>>) src(%arg15 : memref<128x64xbf16, #tpu.memory_space<vmem>>) dst(%dma_wait3A_42 : memref<128x64xbf16, #tpu.memory_space<vmem_shared>>)
        tpu.yield
      }) : () -> ()
      %scan3A_36 = arith.constant 0 : i32
      scf.yield %scan3A_36 : i32
    }
    %scan3A_13 = arith.constant 5 : i32
    "tpu.region"() ({
      %run_scoped3A = tpu.sem_alloc : memref<!tpu.dma_semaphore, #tpu.memory_space<semaphore_mem>>
      %dma_start3A = arith.constant 0 : i32
      %dma_start3A_32 = arith.constant 0 : i32
      %dma_start3A_33 = tpu.memref_slice %arg4[%arg1, %dma_start3A, %dma_start3A_32] : memref<16x250x80xi32, #tpu.memory_space<hbm>> -> memref<1x250x80xi32, #tpu.memory_space<hbm>>
      %dma_start3A_34 = tpu.memref_squeeze %dma_start3A_33 : memref<1x250x80xi32, #tpu.memory_space<hbm>> -> memref<250x80xi32, #tpu.memory_space<hbm>>
      %dma_start3A_35 = arith.constant 0 : i32
      %dma_start3A_36 = arith.constant 0 : i32
      %dma_start3A_37 = tpu.memref_slice %arg4[%arg1, %dma_start3A_35, %dma_start3A_36] : memref<16x250x80xi32, #tpu.memory_space<hbm>> -> memref<1x250x80xi32, #tpu.memory_space<hbm>>
      %dma_start3A_38 = tpu.memref_squeeze %dma_start3A_37 : memref<1x250x80xi32, #tpu.memory_space<hbm>> -> memref<250x80xi32, #tpu.memory_space<hbm>>
      tpu.enqueue_dma source(%dma_start3A_38 : memref<250x80xi32, #tpu.memory_space<hbm>>) target(%arg8 : memref<250x80xi32, #tpu.memory_space<vmem>>) target_semaphore(%run_scoped3A : memref<!tpu.dma_semaphore, #tpu.memory_space<semaphore_mem>>)
      %dma_wait3A = arith.constant 0 : i32
      %dma_wait3A_39 = arith.constant 0 : i32
      %dma_wait3A_40 = tpu.memref_slice %arg4[%arg1, %dma_wait3A, %dma_wait3A_39] : memref<16x250x80xi32, #tpu.memory_space<hbm>> -> memref<1x250x80xi32, #tpu.memory_space<hbm>>
      %dma_wait3A_41 = tpu.memref_squeeze %dma_wait3A_40 : memref<1x250x80xi32, #tpu.memory_space<hbm>> -> memref<250x80xi32, #tpu.memory_space<hbm>>
      %dma_wait3A_42 = arith.constant 0 : i32
      %dma_wait3A_43 = arith.constant 0 : i32
      %dma_wait3A_44 = tpu.memref_slice %arg4[%arg1, %dma_wait3A_42, %dma_wait3A_43] : memref<16x250x80xi32, #tpu.memory_space<hbm>> -> memref<1x250x80xi32, #tpu.memory_space<hbm>>
      %dma_wait3A_45 = tpu.memref_squeeze %dma_wait3A_44 : memref<1x250x80xi32, #tpu.memory_space<hbm>> -> memref<250x80xi32, #tpu.memory_space<hbm>>
      tpu.wait_dma2 semaphore(%run_scoped3A : memref<!tpu.dma_semaphore, #tpu.memory_space<semaphore_mem>>) src(%dma_wait3A_45 : memref<250x80xi32, #tpu.memory_space<hbm>>) dst(%arg8 : memref<250x80xi32, #tpu.memory_space<vmem>>)
      tpu.yield
    }) : () -> ()
    "tpu.region"() ({
      %run_scoped3A = tpu.sem_alloc : memref<!tpu.dma_semaphore, #tpu.memory_space<semaphore_mem>>
      %dma_start3A = arith.constant 0 : i32
      %dma_start3A_32 = arith.constant 0 : i32
      %dma_start3A_33 = tpu.memref_slice %arg5[%arg1, %dma_start3A, %dma_start3A_32] : memref<16x250x80xi32, #tpu.memory_space<hbm>> -> memref<1x250x80xi32, #tpu.memory_space<hbm>>
      %dma_start3A_34 = tpu.memref_squeeze %dma_start3A_33 : memref<1x250x80xi32, #tpu.memory_space<hbm>> -> memref<250x80xi32, #tpu.memory_space<hbm>>
      %dma_start3A_35 = arith.constant 0 : i32
      %dma_start3A_36 = arith.constant 0 : i32
      %dma_start3A_37 = tpu.memref_slice %arg5[%arg1, %dma_start3A_35, %dma_start3A_36] : memref<16x250x80xi32, #tpu.memory_space<hbm>> -> memref<1x250x80xi32, #tpu.memory_space<hbm>>
      %dma_start3A_38 = tpu.memref_squeeze %dma_start3A_37 : memref<1x250x80xi32, #tpu.memory_space<hbm>> -> memref<250x80xi32, #tpu.memory_space<hbm>>
      tpu.enqueue_dma source(%dma_start3A_38 : memref<250x80xi32, #tpu.memory_space<hbm>>) target(%arg9 : memref<250x80xi32, #tpu.memory_space<vmem>>) target_semaphore(%run_scoped3A : memref<!tpu.dma_semaphore, #tpu.memory_space<semaphore_mem>>)
      %dma_wait3A = arith.constant 0 : i32
      %dma_wait3A_39 = arith.constant 0 : i32
      %dma_wait3A_40 = tpu.memref_slice %arg5[%arg1, %dma_wait3A, %dma_wait3A_39] : memref<16x250x80xi32, #tpu.memory_space<hbm>> -> memref<1x250x80xi32, #tpu.memory_space<hbm>>
      %dma_wait3A_41 = tpu.memref_squeeze %dma_wait3A_40 : memref<1x250x80xi32, #tpu.memory_space<hbm>> -> memref<250x80xi32, #tpu.memory_space<hbm>>
      %dma_wait3A_42 = arith.constant 0 : i32
      %dma_wait3A_43 = arith.constant 0 : i32
      %dma_wait3A_44 = tpu.memref_slice %arg5[%arg1, %dma_wait3A_42, %dma_wait3A_43] : memref<16x250x80xi32, #tpu.memory_space<hbm>> -> memref<1x250x80xi32, #tpu.memory_space<hbm>>
      %dma_wait3A_45 = tpu.memref_squeeze %dma_wait3A_44 : memref<1x250x80xi32, #tpu.memory_space<hbm>> -> memref<250x80xi32, #tpu.memory_space<hbm>>
      tpu.wait_dma2 semaphore(%run_scoped3A : memref<!tpu.dma_semaphore, #tpu.memory_space<semaphore_mem>>) src(%dma_wait3A_45 : memref<250x80xi32, #tpu.memory_space<hbm>>) dst(%arg9 : memref<250x80xi32, #tpu.memory_space<vmem>>)
      tpu.yield
    }) : () -> ()
    %barrier3A = arith.constant 0 : index
    tpu.barrier barrier_id(%barrier3A)
    %eq3A = arith.constant 0 : i32
    %eq3A_14 = arith.cmpi eq, %arg0, %eq3A : i32
    %convert_element_type3A = arith.extui %eq3A_14 : i1 to i32
    %cond3A = arith.constant 0 : i32
    %cond3A_15 = arith.cmpi ne, %convert_element_type3A, %cond3A : i32
    scf.if %cond3A_15 {
      %dma_start3A = arith.constant 0 : i32
      %dma_start3A_32 = arith.constant 0 : i32
      %dma_start3A_33 = tpu.memref_slice %arg8[%dma_start3A, %dma_start3A_32] : memref<250x80xi32, #tpu.memory_space<vmem>> -> memref<1x80xi32, #tpu.memory_space<vmem>>
      %dma_start3A_34 = tpu.memref_squeeze %dma_start3A_33 : memref<1x80xi32, #tpu.memory_space<vmem>> -> memref<80xi32, #tpu.memory_space<vmem>>
      %dma_start3A_35 = arith.constant 0 : i32
      %dma_start3A_36 = arith.constant 0 : i32
      %dma_start3A_37 = tpu.memref_slice %arg2[%dma_start3A_35, %dma_start3A_36] : memref<10000x64xbf16, #tpu.memory_space<hbm>> -> memref<10000x64xbf16, #tpu.memory_space<hbm>>
      tpu.enqueue_indirect_dma source(%dma_start3A_37 : memref<10000x64xbf16, #tpu.memory_space<hbm>>) target(%arg10 : memref<80x64xbf16, #tpu.memory_space<vmem>>) offsets(%dma_start3A_34 : memref<80xi32, #tpu.memory_space<vmem>>) semaphore(%arg17 : memref<!tpu.dma_semaphore, #tpu.memory_space<semaphore_mem>>)
      %dma_start3A_38 = arith.constant 1 : i32
      %dma_start3A_39 = arith.constant 0 : i32
      %dma_start3A_40 = tpu.memref_slice %arg8[%dma_start3A_38, %dma_start3A_39] : memref<250x80xi32, #tpu.memory_space<vmem>> -> memref<1x80xi32, #tpu.memory_space<vmem>>
      %dma_start3A_41 = tpu.memref_squeeze %dma_start3A_40 : memref<1x80xi32, #tpu.memory_space<vmem>> -> memref<80xi32, #tpu.memory_space<vmem>>
      %dma_start3A_42 = arith.constant 0 : i32
      %dma_start3A_43 = arith.constant 0 : i32
      %dma_start3A_44 = tpu.memref_slice %arg2[%dma_start3A_42, %dma_start3A_43] : memref<10000x64xbf16, #tpu.memory_space<hbm>> -> memref<10000x64xbf16, #tpu.memory_space<hbm>>
      tpu.enqueue_indirect_dma source(%dma_start3A_44 : memref<10000x64xbf16, #tpu.memory_space<hbm>>) target(%arg11 : memref<80x64xbf16, #tpu.memory_space<vmem>>) offsets(%dma_start3A_41 : memref<80xi32, #tpu.memory_space<vmem>>) semaphore(%arg18 : memref<!tpu.dma_semaphore, #tpu.memory_space<semaphore_mem>>)
      %dma_start3A_45 = arith.constant 2 : i32
      %dma_start3A_46 = arith.constant 0 : i32
      %dma_start3A_47 = tpu.memref_slice %arg8[%dma_start3A_45, %dma_start3A_46] : memref<250x80xi32, #tpu.memory_space<vmem>> -> memref<1x80xi32, #tpu.memory_space<vmem>>
      %dma_start3A_48 = tpu.memref_squeeze %dma_start3A_47 : memref<1x80xi32, #tpu.memory_space<vmem>> -> memref<80xi32, #tpu.memory_space<vmem>>
      %dma_start3A_49 = arith.constant 0 : i32
      %dma_start3A_50 = arith.constant 0 : i32
      %dma_start3A_51 = tpu.memref_slice %arg2[%dma_start3A_49, %dma_start3A_50] : memref<10000x64xbf16, #tpu.memory_space<hbm>> -> memref<10000x64xbf16, #tpu.memory_space<hbm>>
      tpu.enqueue_indirect_dma source(%dma_start3A_51 : memref<10000x64xbf16, #tpu.memory_space<hbm>>) target(%arg12 : memref<80x64xbf16, #tpu.memory_space<vmem>>) offsets(%dma_start3A_48 : memref<80xi32, #tpu.memory_space<vmem>>) semaphore(%arg19 : memref<!tpu.dma_semaphore, #tpu.memory_space<semaphore_mem>>)
      %dma_start3A_52 = arith.constant 3 : i32
      %dma_start3A_53 = arith.constant 0 : i32
      %dma_start3A_54 = tpu.memref_slice %arg8[%dma_start3A_52, %dma_start3A_53] : memref<250x80xi32, #tpu.memory_space<vmem>> -> memref<1x80xi32, #tpu.memory_space<vmem>>
      %dma_start3A_55 = tpu.memref_squeeze %dma_start3A_54 : memref<1x80xi32, #tpu.memory_space<vmem>> -> memref<80xi32, #tpu.memory_space<vmem>>
      %dma_start3A_56 = arith.constant 0 : i32
      %dma_start3A_57 = arith.constant 0 : i32
      %dma_start3A_58 = tpu.memref_slice %arg2[%dma_start3A_56, %dma_start3A_57] : memref<10000x64xbf16, #tpu.memory_space<hbm>> -> memref<10000x64xbf16, #tpu.memory_space<hbm>>
      tpu.enqueue_indirect_dma source(%dma_start3A_58 : memref<10000x64xbf16, #tpu.memory_space<hbm>>) target(%arg13 : memref<80x64xbf16, #tpu.memory_space<vmem>>) offsets(%dma_start3A_55 : memref<80xi32, #tpu.memory_space<vmem>>) semaphore(%arg20 : memref<!tpu.dma_semaphore, #tpu.memory_space<semaphore_mem>>)
      %dma_start3A_59 = arith.constant 4 : i32
      %dma_start3A_60 = arith.constant 0 : i32
      %dma_start3A_61 = tpu.memref_slice %arg8[%dma_start3A_59, %dma_start3A_60] : memref<250x80xi32, #tpu.memory_space<vmem>> -> memref<1x80xi32, #tpu.memory_space<vmem>>
      %dma_start3A_62 = tpu.memref_squeeze %dma_start3A_61 : memref<1x80xi32, #tpu.memory_space<vmem>> -> memref<80xi32, #tpu.memory_space<vmem>>
      %dma_start3A_63 = arith.constant 0 : i32
      %dma_start3A_64 = arith.constant 0 : i32
      %dma_start3A_65 = tpu.memref_slice %arg2[%dma_start3A_63, %dma_start3A_64] : memref<10000x64xbf16, #tpu.memory_space<hbm>> -> memref<10000x64xbf16, #tpu.memory_space<hbm>>
      tpu.enqueue_indirect_dma source(%dma_start3A_65 : memref<10000x64xbf16, #tpu.memory_space<hbm>>) target(%arg14 : memref<80x64xbf16, #tpu.memory_space<vmem>>) offsets(%dma_start3A_62 : memref<80xi32, #tpu.memory_space<vmem>>) semaphore(%arg21 : memref<!tpu.dma_semaphore, #tpu.memory_space<semaphore_mem>>)
      %scan3A_66 = arith.constant 0 : i32
      %scan3A_67 = arith.constant 0 : i32
      %scan3A_68 = arith.constant 50 : i32
      %scan3A_69 = arith.addi %scan3A_67, %scan3A_68 : i32
      %scan3A_70 = arith.constant 1 : i32
      %scan3A_71 = scf.for %scan3A_73 = %scan3A_67 to %scan3A_69 step %scan3A_70 iter_args(%scan3A_74 = %scan3A_66) -> (i32)  : i32 {
        %mul3A_75 = arith.constant 5 : i32
        %mul3A_76 = arith.muli %scan3A_73, %mul3A_75 : i32
        %add3A = arith.constant 0 : i32
        %add3A_77 = arith.addi %mul3A_76, %add3A : i32
        %dma_wait3A = arith.constant 0 : i32
        %dma_wait3A_78 = tpu.memref_slice %arg8[%add3A_77, %dma_wait3A] : memref<250x80xi32, #tpu.memory_space<vmem>> -> memref<1x80xi32, #tpu.memory_space<vmem>>
        %dma_wait3A_79 = tpu.memref_squeeze %dma_wait3A_78 : memref<1x80xi32, #tpu.memory_space<vmem>> -> memref<80xi32, #tpu.memory_space<vmem>>
        %dma_wait3A_80 = arith.constant 0 : i32
        %dma_wait3A_81 = arith.constant 0 : i32
        %dma_wait3A_82 = tpu.memref_slice %arg2[%dma_wait3A_80, %dma_wait3A_81] : memref<10000x64xbf16, #tpu.memory_space<hbm>> -> memref<10000x64xbf16, #tpu.memory_space<hbm>>
        tpu.wait_indirect_dma semaphore(%arg17 : memref<!tpu.dma_semaphore, #tpu.memory_space<semaphore_mem>>) src(%dma_wait3A_82 : memref<10000x64xbf16, #tpu.memory_space<hbm>>) dst(%arg10 : memref<80x64xbf16, #tpu.memory_space<vmem>>)
        "tpu.region"() ({
          %run_scoped3A = tpu.sem_alloc : memref<!tpu.dma_semaphore, #tpu.memory_space<semaphore_mem>>
          %dma_start3A_150 = arith.constant 0 : i32
          %dma_start3A_151 = tpu.memref_slice %arg9[%add3A_77, %dma_start3A_150] : memref<250x80xi32, #tpu.memory_space<vmem>> -> memref<1x80xi32, #tpu.memory_space<vmem>>
          %dma_start3A_152 = tpu.memref_squeeze %dma_start3A_151 : memref<1x80xi32, #tpu.memory_space<vmem>> -> memref<80xi32, #tpu.memory_space<vmem>>
          %dma_start3A_153 = arith.constant 0 : i32
          %dma_start3A_154 = arith.constant 0 : i32
          %dma_start3A_155 = tpu.memref_slice %arg16[%dma_start3A_153, %dma_start3A_154] : memref<10240x64xbf16, #tpu.memory_space<vmem_shared>> -> memref<10240x64xbf16, #tpu.memory_space<vmem_shared>>
          tpu.enqueue_indirect_dma source(%arg10 : memref<80x64xbf16, #tpu.memory_space<vmem>>) target(%dma_start3A_155 : memref<10240x64xbf16, #tpu.memory_space<vmem_shared>>) offsets(%dma_start3A_152 : memref<80xi32, #tpu.memory_space<vmem>>) semaphore(%run_scoped3A : memref<!tpu.dma_semaphore, #tpu.memory_space<semaphore_mem>>) {add = true}
          %dma_wait3A_156 = arith.constant 0 : i32
          %dma_wait3A_157 = tpu.memref_slice %arg9[%add3A_77, %dma_wait3A_156] : memref<250x80xi32, #tpu.memory_space<vmem>> -> memref<1x80xi32, #tpu.memory_space<vmem>>
          %dma_wait3A_158 = tpu.memref_squeeze %dma_wait3A_157 : memref<1x80xi32, #tpu.memory_space<vmem>> -> memref<80xi32, #tpu.memory_space<vmem>>
          %dma_wait3A_159 = arith.constant 0 : i32
          %dma_wait3A_160 = arith.constant 0 : i32
          %dma_wait3A_161 = tpu.memref_slice %arg16[%dma_wait3A_159, %dma_wait3A_160] : memref<10240x64xbf16, #tpu.memory_space<vmem_shared>> -> memref<10240x64xbf16, #tpu.memory_space<vmem_shared>>
          tpu.wait_indirect_dma semaphore(%run_scoped3A : memref<!tpu.dma_semaphore, #tpu.memory_space<semaphore_mem>>) src(%arg10 : memref<80x64xbf16, #tpu.memory_space<vmem>>) dst(%dma_wait3A_161 : memref<10240x64xbf16, #tpu.memory_space<vmem_shared>>)
          tpu.yield
        }) : () -> ()
        %add3A_83 = arith.constant 5 : i32
        %add3A_84 = arith.addi %add3A_77, %add3A_83 : i32
        %lt3A = arith.constant 250 : i32
        %lt3A_85 = arith.cmpi slt, %add3A_84, %lt3A : i32
        %convert_element_type3A_86 = arith.extui %lt3A_85 : i1 to i32
        %cond3A_87 = arith.constant 0 : i32
        %cond3A_88 = arith.cmpi ne, %convert_element_type3A_86, %cond3A_87 : i32
        scf.if %cond3A_88 {
          %add3A_150 = arith.constant 5 : i32
          %add3A_151 = arith.addi %add3A_77, %add3A_150 : i32
          %dma_start3A_152 = arith.constant 0 : i32
          %dma_start3A_153 = tpu.memref_slice %arg8[%add3A_151, %dma_start3A_152] : memref<250x80xi32, #tpu.memory_space<vmem>> -> memref<1x80xi32, #tpu.memory_space<vmem>>
          %dma_start3A_154 = tpu.memref_squeeze %dma_start3A_153 : memref<1x80xi32, #tpu.memory_space<vmem>> -> memref<80xi32, #tpu.memory_space<vmem>>
          %dma_start3A_155 = arith.constant 0 : i32
          %dma_start3A_156 = arith.constant 0 : i32
          %dma_start3A_157 = tpu.memref_slice %arg2[%dma_start3A_155, %dma_start3A_156] : memref<10000x64xbf16, #tpu.memory_space<hbm>> -> memref<10000x64xbf16, #tpu.memory_space<hbm>>
          tpu.enqueue_indirect_dma source(%dma_start3A_157 : memref<10000x64xbf16, #tpu.memory_space<hbm>>) target(%arg10 : memref<80x64xbf16, #tpu.memory_space<vmem>>) offsets(%dma_start3A_154 : memref<80xi32, #tpu.memory_space<vmem>>) semaphore(%arg17 : memref<!tpu.dma_semaphore, #tpu.memory_space<semaphore_mem>>)
        } else {
        }
        %add3A_89 = arith.constant 1 : i32
        %add3A_90 = arith.addi %mul3A_76, %add3A_89 : i32
        %dma_wait3A_91 = arith.constant 0 : i32
        %dma_wait3A_92 = tpu.memref_slice %arg8[%add3A_90, %dma_wait3A_91] : memref<250x80xi32, #tpu.memory_space<vmem>> -> memref<1x80xi32, #tpu.memory_space<vmem>>
        %dma_wait3A_93 = tpu.memref_squeeze %dma_wait3A_92 : memref<1x80xi32, #tpu.memory_space<vmem>> -> memref<80xi32, #tpu.memory_space<vmem>>
        %dma_wait3A_94 = arith.constant 0 : i32
        %dma_wait3A_95 = arith.constant 0 : i32
        %dma_wait3A_96 = tpu.memref_slice %arg2[%dma_wait3A_94, %dma_wait3A_95] : memref<10000x64xbf16, #tpu.memory_space<hbm>> -> memref<10000x64xbf16, #tpu.memory_space<hbm>>
        tpu.wait_indirect_dma semaphore(%arg18 : memref<!tpu.dma_semaphore, #tpu.memory_space<semaphore_mem>>) src(%dma_wait3A_96 : memref<10000x64xbf16, #tpu.memory_space<hbm>>) dst(%arg11 : memref<80x64xbf16, #tpu.memory_space<vmem>>)
        "tpu.region"() ({
          %run_scoped3A = tpu.sem_alloc : memref<!tpu.dma_semaphore, #tpu.memory_space<semaphore_mem>>
          %dma_start3A_150 = arith.constant 0 : i32
          %dma_start3A_151 = tpu.memref_slice %arg9[%add3A_90, %dma_start3A_150] : memref<250x80xi32, #tpu.memory_space<vmem>> -> memref<1x80xi32, #tpu.memory_space<vmem>>
          %dma_start3A_152 = tpu.memref_squeeze %dma_start3A_151 : memref<1x80xi32, #tpu.memory_space<vmem>> -> memref<80xi32, #tpu.memory_space<vmem>>
          %dma_start3A_153 = arith.constant 0 : i32
          %dma_start3A_154 = arith.constant 0 : i32
          %dma_start3A_155 = tpu.memref_slice %arg16[%dma_start3A_153, %dma_start3A_154] : memref<10240x64xbf16, #tpu.memory_space<vmem_shared>> -> memref<10240x64xbf16, #tpu.memory_space<vmem_shared>>
          tpu.enqueue_indirect_dma source(%arg11 : memref<80x64xbf16, #tpu.memory_space<vmem>>) target(%dma_start3A_155 : memref<10240x64xbf16, #tpu.memory_space<vmem_shared>>) offsets(%dma_start3A_152 : memref<80xi32, #tpu.memory_space<vmem>>) semaphore(%run_scoped3A : memref<!tpu.dma_semaphore, #tpu.memory_space<semaphore_mem>>) {add = true}
          %dma_wait3A_156 = arith.constant 0 : i32
          %dma_wait3A_157 = tpu.memref_slice %arg9[%add3A_90, %dma_wait3A_156] : memref<250x80xi32, #tpu.memory_space<vmem>> -> memref<1x80xi32, #tpu.memory_space<vmem>>
          %dma_wait3A_158 = tpu.memref_squeeze %dma_wait3A_157 : memref<1x80xi32, #tpu.memory_space<vmem>> -> memref<80xi32, #tpu.memory_space<vmem>>
          %dma_wait3A_159 = arith.constant 0 : i32
          %dma_wait3A_160 = arith.constant 0 : i32
          %dma_wait3A_161 = tpu.memref_slice %arg16[%dma_wait3A_159, %dma_wait3A_160] : memref<10240x64xbf16, #tpu.memory_space<vmem_shared>> -> memref<10240x64xbf16, #tpu.memory_space<vmem_shared>>
          tpu.wait_indirect_dma semaphore(%run_scoped3A : memref<!tpu.dma_semaphore, #tpu.memory_space<semaphore_mem>>) src(%arg11 : memref<80x64xbf16, #tpu.memory_space<vmem>>) dst(%dma_wait3A_161 : memref<10240x64xbf16, #tpu.memory_space<vmem_shared>>)
          tpu.yield
        }) : () -> ()
        %add3A_97 = arith.constant 5 : i32
        %add3A_98 = arith.addi %add3A_90, %add3A_97 : i32
        %lt3A_99 = arith.constant 250 : i32
        %lt3A_100 = arith.cmpi slt, %add3A_98, %lt3A_99 : i32
        %convert_element_type3A_101 = arith.extui %lt3A_100 : i1 to i32
        %cond3A_102 = arith.constant 0 : i32
        %cond3A_103 = arith.cmpi ne, %convert_element_type3A_101, %cond3A_102 : i32
        scf.if %cond3A_103 {
          %add3A_150 = arith.constant 5 : i32
          %add3A_151 = arith.addi %add3A_90, %add3A_150 : i32
          %dma_start3A_152 = arith.constant 0 : i32
          %dma_start3A_153 = tpu.memref_slice %arg8[%add3A_151, %dma_start3A_152] : memref<250x80xi32, #tpu.memory_space<vmem>> -> memref<1x80xi32, #tpu.memory_space<vmem>>
          %dma_start3A_154 = tpu.memref_squeeze %dma_start3A_153 : memref<1x80xi32, #tpu.memory_space<vmem>> -> memref<80xi32, #tpu.memory_space<vmem>>
          %dma_start3A_155 = arith.constant 0 : i32
          %dma_start3A_156 = arith.constant 0 : i32
          %dma_start3A_157 = tpu.memref_slice %arg2[%dma_start3A_155, %dma_start3A_156] : memref<10000x64xbf16, #tpu.memory_space<hbm>> -> memref<10000x64xbf16, #tpu.memory_space<hbm>>
          tpu.enqueue_indirect_dma source(%dma_start3A_157 : memref<10000x64xbf16, #tpu.memory_space<hbm>>) target(%arg11 : memref<80x64xbf16, #tpu.memory_space<vmem>>) offsets(%dma_start3A_154 : memref<80xi32, #tpu.memory_space<vmem>>) semaphore(%arg18 : memref<!tpu.dma_semaphore, #tpu.memory_space<semaphore_mem>>)
        } else {
        }
        %add3A_104 = arith.constant 2 : i32
        %add3A_105 = arith.addi %mul3A_76, %add3A_104 : i32
        %dma_wait3A_106 = arith.constant 0 : i32
        %dma_wait3A_107 = tpu.memref_slice %arg8[%add3A_105, %dma_wait3A_106] : memref<250x80xi32, #tpu.memory_space<vmem>> -> memref<1x80xi32, #tpu.memory_space<vmem>>
        %dma_wait3A_108 = tpu.memref_squeeze %dma_wait3A_107 : memref<1x80xi32, #tpu.memory_space<vmem>> -> memref<80xi32, #tpu.memory_space<vmem>>
        %dma_wait3A_109 = arith.constant 0 : i32
        %dma_wait3A_110 = arith.constant 0 : i32
        %dma_wait3A_111 = tpu.memref_slice %arg2[%dma_wait3A_109, %dma_wait3A_110] : memref<10000x64xbf16, #tpu.memory_space<hbm>> -> memref<10000x64xbf16, #tpu.memory_space<hbm>>
        tpu.wait_indirect_dma semaphore(%arg19 : memref<!tpu.dma_semaphore, #tpu.memory_space<semaphore_mem>>) src(%dma_wait3A_111 : memref<10000x64xbf16, #tpu.memory_space<hbm>>) dst(%arg12 : memref<80x64xbf16, #tpu.memory_space<vmem>>)
        "tpu.region"() ({
          %run_scoped3A = tpu.sem_alloc : memref<!tpu.dma_semaphore, #tpu.memory_space<semaphore_mem>>
          %dma_start3A_150 = arith.constant 0 : i32
          %dma_start3A_151 = tpu.memref_slice %arg9[%add3A_105, %dma_start3A_150] : memref<250x80xi32, #tpu.memory_space<vmem>> -> memref<1x80xi32, #tpu.memory_space<vmem>>
          %dma_start3A_152 = tpu.memref_squeeze %dma_start3A_151 : memref<1x80xi32, #tpu.memory_space<vmem>> -> memref<80xi32, #tpu.memory_space<vmem>>
          %dma_start3A_153 = arith.constant 0 : i32
          %dma_start3A_154 = arith.constant 0 : i32
          %dma_start3A_155 = tpu.memref_slice %arg16[%dma_start3A_153, %dma_start3A_154] : memref<10240x64xbf16, #tpu.memory_space<vmem_shared>> -> memref<10240x64xbf16, #tpu.memory_space<vmem_shared>>
          tpu.enqueue_indirect_dma source(%arg12 : memref<80x64xbf16, #tpu.memory_space<vmem>>) target(%dma_start3A_155 : memref<10240x64xbf16, #tpu.memory_space<vmem_shared>>) offsets(%dma_start3A_152 : memref<80xi32, #tpu.memory_space<vmem>>) semaphore(%run_scoped3A : memref<!tpu.dma_semaphore, #tpu.memory_space<semaphore_mem>>) {add = true}
          %dma_wait3A_156 = arith.constant 0 : i32
          %dma_wait3A_157 = tpu.memref_slice %arg9[%add3A_105, %dma_wait3A_156] : memref<250x80xi32, #tpu.memory_space<vmem>> -> memref<1x80xi32, #tpu.memory_space<vmem>>
          %dma_wait3A_158 = tpu.memref_squeeze %dma_wait3A_157 : memref<1x80xi32, #tpu.memory_space<vmem>> -> memref<80xi32, #tpu.memory_space<vmem>>
          %dma_wait3A_159 = arith.constant 0 : i32
          %dma_wait3A_160 = arith.constant 0 : i32
          %dma_wait3A_161 = tpu.memref_slice %arg16[%dma_wait3A_159, %dma_wait3A_160] : memref<10240x64xbf16, #tpu.memory_space<vmem_shared>> -> memref<10240x64xbf16, #tpu.memory_space<vmem_shared>>
          tpu.wait_indirect_dma semaphore(%run_scoped3A : memref<!tpu.dma_semaphore, #tpu.memory_space<semaphore_mem>>) src(%arg12 : memref<80x64xbf16, #tpu.memory_space<vmem>>) dst(%dma_wait3A_161 : memref<10240x64xbf16, #tpu.memory_space<vmem_shared>>)
          tpu.yield
        }) : () -> ()
        %add3A_112 = arith.constant 5 : i32
        %add3A_113 = arith.addi %add3A_105, %add3A_112 : i32
        %lt3A_114 = arith.constant 250 : i32
        %lt3A_115 = arith.cmpi slt, %add3A_113, %lt3A_114 : i32
        %convert_element_type3A_116 = arith.extui %lt3A_115 : i1 to i32
        %cond3A_117 = arith.constant 0 : i32
        %cond3A_118 = arith.cmpi ne, %convert_element_type3A_116, %cond3A_117 : i32
        scf.if %cond3A_118 {
          %add3A_150 = arith.constant 5 : i32
          %add3A_151 = arith.addi %add3A_105, %add3A_150 : i32
          %dma_start3A_152 = arith.constant 0 : i32
          %dma_start3A_153 = tpu.memref_slice %arg8[%add3A_151, %dma_start3A_152] : memref<250x80xi32, #tpu.memory_space<vmem>> -> memref<1x80xi32, #tpu.memory_space<vmem>>
          %dma_start3A_154 = tpu.memref_squeeze %dma_start3A_153 : memref<1x80xi32, #tpu.memory_space<vmem>> -> memref<80xi32, #tpu.memory_space<vmem>>
          %dma_start3A_155 = arith.constant 0 : i32
          %dma_start3A_156 = arith.constant 0 : i32
          %dma_start3A_157 = tpu.memref_slice %arg2[%dma_start3A_155, %dma_start3A_156] : memref<10000x64xbf16, #tpu.memory_space<hbm>> -> memref<10000x64xbf16, #tpu.memory_space<hbm>>
          tpu.enqueue_indirect_dma source(%dma_start3A_157 : memref<10000x64xbf16, #tpu.memory_space<hbm>>) target(%arg12 : memref<80x64xbf16, #tpu.memory_space<vmem>>) offsets(%dma_start3A_154 : memref<80xi32, #tpu.memory_space<vmem>>) semaphore(%arg19 : memref<!tpu.dma_semaphore, #tpu.memory_space<semaphore_mem>>)
        } else {
        }
        %add3A_119 = arith.constant 3 : i32
        %add3A_120 = arith.addi %mul3A_76, %add3A_119 : i32
        %dma_wait3A_121 = arith.constant 0 : i32
        %dma_wait3A_122 = tpu.memref_slice %arg8[%add3A_120, %dma_wait3A_121] : memref<250x80xi32, #tpu.memory_space<vmem>> -> memref<1x80xi32, #tpu.memory_space<vmem>>
        %dma_wait3A_123 = tpu.memref_squeeze %dma_wait3A_122 : memref<1x80xi32, #tpu.memory_space<vmem>> -> memref<80xi32, #tpu.memory_space<vmem>>
        %dma_wait3A_124 = arith.constant 0 : i32
        %dma_wait3A_125 = arith.constant 0 : i32
        %dma_wait3A_126 = tpu.memref_slice %arg2[%dma_wait3A_124, %dma_wait3A_125] : memref<10000x64xbf16, #tpu.memory_space<hbm>> -> memref<10000x64xbf16, #tpu.memory_space<hbm>>
        tpu.wait_indirect_dma semaphore(%arg20 : memref<!tpu.dma_semaphore, #tpu.memory_space<semaphore_mem>>) src(%dma_wait3A_126 : memref<10000x64xbf16, #tpu.memory_space<hbm>>) dst(%arg13 : memref<80x64xbf16, #tpu.memory_space<vmem>>)
        "tpu.region"() ({
          %run_scoped3A = tpu.sem_alloc : memref<!tpu.dma_semaphore, #tpu.memory_space<semaphore_mem>>
          %dma_start3A_150 = arith.constant 0 : i32
          %dma_start3A_151 = tpu.memref_slice %arg9[%add3A_120, %dma_start3A_150] : memref<250x80xi32, #tpu.memory_space<vmem>> -> memref<1x80xi32, #tpu.memory_space<vmem>>
          %dma_start3A_152 = tpu.memref_squeeze %dma_start3A_151 : memref<1x80xi32, #tpu.memory_space<vmem>> -> memref<80xi32, #tpu.memory_space<vmem>>
          %dma_start3A_153 = arith.constant 0 : i32
          %dma_start3A_154 = arith.constant 0 : i32
          %dma_start3A_155 = tpu.memref_slice %arg16[%dma_start3A_153, %dma_start3A_154] : memref<10240x64xbf16, #tpu.memory_space<vmem_shared>> -> memref<10240x64xbf16, #tpu.memory_space<vmem_shared>>
          tpu.enqueue_indirect_dma source(%arg13 : memref<80x64xbf16, #tpu.memory_space<vmem>>) target(%dma_start3A_155 : memref<10240x64xbf16, #tpu.memory_space<vmem_shared>>) offsets(%dma_start3A_152 : memref<80xi32, #tpu.memory_space<vmem>>) semaphore(%run_scoped3A : memref<!tpu.dma_semaphore, #tpu.memory_space<semaphore_mem>>) {add = true}
          %dma_wait3A_156 = arith.constant 0 : i32
          %dma_wait3A_157 = tpu.memref_slice %arg9[%add3A_120, %dma_wait3A_156] : memref<250x80xi32, #tpu.memory_space<vmem>> -> memref<1x80xi32, #tpu.memory_space<vmem>>
          %dma_wait3A_158 = tpu.memref_squeeze %dma_wait3A_157 : memref<1x80xi32, #tpu.memory_space<vmem>> -> memref<80xi32, #tpu.memory_space<vmem>>
          %dma_wait3A_159 = arith.constant 0 : i32
          %dma_wait3A_160 = arith.constant 0 : i32
          %dma_wait3A_161 = tpu.memref_slice %arg16[%dma_wait3A_159, %dma_wait3A_160] : memref<10240x64xbf16, #tpu.memory_space<vmem_shared>> -> memref<10240x64xbf16, #tpu.memory_space<vmem_shared>>
          tpu.wait_indirect_dma semaphore(%run_scoped3A : memref<!tpu.dma_semaphore, #tpu.memory_space<semaphore_mem>>) src(%arg13 : memref<80x64xbf16, #tpu.memory_space<vmem>>) dst(%dma_wait3A_161 : memref<10240x64xbf16, #tpu.memory_space<vmem_shared>>)
          tpu.yield
        }) : () -> ()
        %add3A_127 = arith.constant 5 : i32
        %add3A_128 = arith.addi %add3A_120, %add3A_127 : i32
        %lt3A_129 = arith.constant 250 : i32
        %lt3A_130 = arith.cmpi slt, %add3A_128, %lt3A_129 : i32
        %convert_element_type3A_131 = arith.extui %lt3A_130 : i1 to i32
        %cond3A_132 = arith.constant 0 : i32
        %cond3A_133 = arith.cmpi ne, %convert_element_type3A_131, %cond3A_132 : i32
        scf.if %cond3A_133 {
          %add3A_150 = arith.constant 5 : i32
          %add3A_151 = arith.addi %add3A_120, %add3A_150 : i32
          %dma_start3A_152 = arith.constant 0 : i32
          %dma_start3A_153 = tpu.memref_slice %arg8[%add3A_151, %dma_start3A_152] : memref<250x80xi32, #tpu.memory_space<vmem>> -> memref<1x80xi32, #tpu.memory_space<vmem>>
          %dma_start3A_154 = tpu.memref_squeeze %dma_start3A_153 : memref<1x80xi32, #tpu.memory_space<vmem>> -> memref<80xi32, #tpu.memory_space<vmem>>
          %dma_start3A_155 = arith.constant 0 : i32
          %dma_start3A_156 = arith.constant 0 : i32
          %dma_start3A_157 = tpu.memref_slice %arg2[%dma_start3A_155, %dma_start3A_156] : memref<10000x64xbf16, #tpu.memory_space<hbm>> -> memref<10000x64xbf16, #tpu.memory_space<hbm>>
          tpu.enqueue_indirect_dma source(%dma_start3A_157 : memref<10000x64xbf16, #tpu.memory_space<hbm>>) target(%arg13 : memref<80x64xbf16, #tpu.memory_space<vmem>>) offsets(%dma_start3A_154 : memref<80xi32, #tpu.memory_space<vmem>>) semaphore(%arg20 : memref<!tpu.dma_semaphore, #tpu.memory_space<semaphore_mem>>)
        } else {
        }
        %add3A_134 = arith.constant 4 : i32
        %add3A_135 = arith.addi %mul3A_76, %add3A_134 : i32
        %dma_wait3A_136 = arith.constant 0 : i32
        %dma_wait3A_137 = tpu.memref_slice %arg8[%add3A_135, %dma_wait3A_136] : memref<250x80xi32, #tpu.memory_space<vmem>> -> memref<1x80xi32, #tpu.memory_space<vmem>>
        %dma_wait3A_138 = tpu.memref_squeeze %dma_wait3A_137 : memref<1x80xi32, #tpu.memory_space<vmem>> -> memref<80xi32, #tpu.memory_space<vmem>>
        %dma_wait3A_139 = arith.constant 0 : i32
        %dma_wait3A_140 = arith.constant 0 : i32
        %dma_wait3A_141 = tpu.memref_slice %arg2[%dma_wait3A_139, %dma_wait3A_140] : memref<10000x64xbf16, #tpu.memory_space<hbm>> -> memref<10000x64xbf16, #tpu.memory_space<hbm>>
        tpu.wait_indirect_dma semaphore(%arg21 : memref<!tpu.dma_semaphore, #tpu.memory_space<semaphore_mem>>) src(%dma_wait3A_141 : memref<10000x64xbf16, #tpu.memory_space<hbm>>) dst(%arg14 : memref<80x64xbf16, #tpu.memory_space<vmem>>)
        "tpu.region"() ({
          %run_scoped3A = tpu.sem_alloc : memref<!tpu.dma_semaphore, #tpu.memory_space<semaphore_mem>>
          %dma_start3A_150 = arith.constant 0 : i32
          %dma_start3A_151 = tpu.memref_slice %arg9[%add3A_135, %dma_start3A_150] : memref<250x80xi32, #tpu.memory_space<vmem>> -> memref<1x80xi32, #tpu.memory_space<vmem>>
          %dma_start3A_152 = tpu.memref_squeeze %dma_start3A_151 : memref<1x80xi32, #tpu.memory_space<vmem>> -> memref<80xi32, #tpu.memory_space<vmem>>
          %dma_start3A_153 = arith.constant 0 : i32
          %dma_start3A_154 = arith.constant 0 : i32
          %dma_start3A_155 = tpu.memref_slice %arg16[%dma_start3A_153, %dma_start3A_154] : memref<10240x64xbf16, #tpu.memory_space<vmem_shared>> -> memref<10240x64xbf16, #tpu.memory_space<vmem_shared>>
          tpu.enqueue_indirect_dma source(%arg14 : memref<80x64xbf16, #tpu.memory_space<vmem>>) target(%dma_start3A_155 : memref<10240x64xbf16, #tpu.memory_space<vmem_shared>>) offsets(%dma_start3A_152 : memref<80xi32, #tpu.memory_space<vmem>>) semaphore(%run_scoped3A : memref<!tpu.dma_semaphore, #tpu.memory_space<semaphore_mem>>) {add = true}
          %dma_wait3A_156 = arith.constant 0 : i32
          %dma_wait3A_157 = tpu.memref_slice %arg9[%add3A_135, %dma_wait3A_156] : memref<250x80xi32, #tpu.memory_space<vmem>> -> memref<1x80xi32, #tpu.memory_space<vmem>>
          %dma_wait3A_158 = tpu.memref_squeeze %dma_wait3A_157 : memref<1x80xi32, #tpu.memory_space<vmem>> -> memref<80xi32, #tpu.memory_space<vmem>>
          %dma_wait3A_159 = arith.constant 0 : i32
          %dma_wait3A_160 = arith.constant 0 : i32
          %dma_wait3A_161 = tpu.memref_slice %arg16[%dma_wait3A_159, %dma_wait3A_160] : memref<10240x64xbf16, #tpu.memory_space<vmem_shared>> -> memref<10240x64xbf16, #tpu.memory_space<vmem_shared>>
          tpu.wait_indirect_dma semaphore(%run_scoped3A : memref<!tpu.dma_semaphore, #tpu.memory_space<semaphore_mem>>) src(%arg14 : memref<80x64xbf16, #tpu.memory_space<vmem>>) dst(%dma_wait3A_161 : memref<10240x64xbf16, #tpu.memory_space<vmem_shared>>)
          tpu.yield
        }) : () -> ()
        %add3A_142 = arith.constant 5 : i32
        %add3A_143 = arith.addi %add3A_135, %add3A_142 : i32
        %lt3A_144 = arith.constant 250 : i32
        %lt3A_145 = arith.cmpi slt, %add3A_143, %lt3A_144 : i32
        %convert_element_type3A_146 = arith.extui %lt3A_145 : i1 to i32
        %cond3A_147 = arith.constant 0 : i32
        %cond3A_148 = arith.cmpi ne, %convert_element_type3A_146, %cond3A_147 : i32
        scf.if %cond3A_148 {
          %add3A_150 = arith.constant 5 : i32
          %add3A_151 = arith.addi %add3A_135, %add3A_150 : i32
          %dma_start3A_152 = arith.constant 0 : i32
          %dma_start3A_153 = tpu.memref_slice %arg8[%add3A_151, %dma_start3A_152] : memref<250x80xi32, #tpu.memory_space<vmem>> -> memref<1x80xi32, #tpu.memory_space<vmem>>
          %dma_start3A_154 = tpu.memref_squeeze %dma_start3A_153 : memref<1x80xi32, #tpu.memory_space<vmem>> -> memref<80xi32, #tpu.memory_space<vmem>>
          %dma_start3A_155 = arith.constant 0 : i32
          %dma_start3A_156 = arith.constant 0 : i32
          %dma_start3A_157 = tpu.memref_slice %arg2[%dma_start3A_155, %dma_start3A_156] : memref<10000x64xbf16, #tpu.memory_space<hbm>> -> memref<10000x64xbf16, #tpu.memory_space<hbm>>
          tpu.enqueue_indirect_dma source(%dma_start3A_157 : memref<10000x64xbf16, #tpu.memory_space<hbm>>) target(%arg14 : memref<80x64xbf16, #tpu.memory_space<vmem>>) offsets(%dma_start3A_154 : memref<80xi32, #tpu.memory_space<vmem>>) semaphore(%arg21 : memref<!tpu.dma_semaphore, #tpu.memory_space<semaphore_mem>>)
        } else {
        }
        %scan3A_149 = arith.constant 0 : i32
        scf.yield %scan3A_149 : i32
      }
      %scan3A_72 = arith.constant 50 : i32
    } else {
    }
    %eq3A_16 = arith.constant 1 : i32
    %eq3A_17 = arith.cmpi eq, %arg0, %eq3A_16 : i32
    %convert_element_type3A_18 = arith.extui %eq3A_17 : i1 to i32
    %cond3A_19 = arith.constant 0 : i32
    %cond3A_20 = arith.cmpi ne, %convert_element_type3A_18, %cond3A_19 : i32
    scf.if %cond3A_20 {
      %dma_start3A = arith.constant 0 : i32
      %dma_start3A_32 = arith.constant 0 : i32
      %dma_start3A_33 = tpu.memref_slice %arg8[%dma_start3A, %dma_start3A_32] : memref<250x80xi32, #tpu.memory_space<vmem>> -> memref<1x80xi32, #tpu.memory_space<vmem>>
      %dma_start3A_34 = tpu.memref_squeeze %dma_start3A_33 : memref<1x80xi32, #tpu.memory_space<vmem>> -> memref<80xi32, #tpu.memory_space<vmem>>
      %dma_start3A_35 = arith.constant 0 : i32
      %dma_start3A_36 = arith.constant 0 : i32
      %dma_start3A_37 = tpu.memref_slice %arg3[%dma_start3A_35, %dma_start3A_36] : memref<10000x64xbf16, #tpu.memory_space<hbm>> -> memref<10000x64xbf16, #tpu.memory_space<hbm>>
      tpu.enqueue_indirect_dma source(%dma_start3A_37 : memref<10000x64xbf16, #tpu.memory_space<hbm>>) target(%arg10 : memref<80x64xbf16, #tpu.memory_space<vmem>>) offsets(%dma_start3A_34 : memref<80xi32, #tpu.memory_space<vmem>>) semaphore(%arg17 : memref<!tpu.dma_semaphore, #tpu.memory_space<semaphore_mem>>)
      %dma_start3A_38 = arith.constant 1 : i32
      %dma_start3A_39 = arith.constant 0 : i32
      %dma_start3A_40 = tpu.memref_slice %arg8[%dma_start3A_38, %dma_start3A_39] : memref<250x80xi32, #tpu.memory_space<vmem>> -> memref<1x80xi32, #tpu.memory_space<vmem>>
      %dma_start3A_41 = tpu.memref_squeeze %dma_start3A_40 : memref<1x80xi32, #tpu.memory_space<vmem>> -> memref<80xi32, #tpu.memory_space<vmem>>
      %dma_start3A_42 = arith.constant 0 : i32
      %dma_start3A_43 = arith.constant 0 : i32
      %dma_start3A_44 = tpu.memref_slice %arg3[%dma_start3A_42, %dma_start3A_43] : memref<10000x64xbf16, #tpu.memory_space<hbm>> -> memref<10000x64xbf16, #tpu.memory_space<hbm>>
      tpu.enqueue_indirect_dma source(%dma_start3A_44 : memref<10000x64xbf16, #tpu.memory_space<hbm>>) target(%arg11 : memref<80x64xbf16, #tpu.memory_space<vmem>>) offsets(%dma_start3A_41 : memref<80xi32, #tpu.memory_space<vmem>>) semaphore(%arg18 : memref<!tpu.dma_semaphore, #tpu.memory_space<semaphore_mem>>)
      %dma_start3A_45 = arith.constant 2 : i32
      %dma_start3A_46 = arith.constant 0 : i32
      %dma_start3A_47 = tpu.memref_slice %arg8[%dma_start3A_45, %dma_start3A_46] : memref<250x80xi32, #tpu.memory_space<vmem>> -> memref<1x80xi32, #tpu.memory_space<vmem>>
      %dma_start3A_48 = tpu.memref_squeeze %dma_start3A_47 : memref<1x80xi32, #tpu.memory_space<vmem>> -> memref<80xi32, #tpu.memory_space<vmem>>
      %dma_start3A_49 = arith.constant 0 : i32
      %dma_start3A_50 = arith.constant 0 : i32
      %dma_start3A_51 = tpu.memref_slice %arg3[%dma_start3A_49, %dma_start3A_50] : memref<10000x64xbf16, #tpu.memory_space<hbm>> -> memref<10000x64xbf16, #tpu.memory_space<hbm>>
      tpu.enqueue_indirect_dma source(%dma_start3A_51 : memref<10000x64xbf16, #tpu.memory_space<hbm>>) target(%arg12 : memref<80x64xbf16, #tpu.memory_space<vmem>>) offsets(%dma_start3A_48 : memref<80xi32, #tpu.memory_space<vmem>>) semaphore(%arg19 : memref<!tpu.dma_semaphore, #tpu.memory_space<semaphore_mem>>)
      %dma_start3A_52 = arith.constant 3 : i32
      %dma_start3A_53 = arith.constant 0 : i32
      %dma_start3A_54 = tpu.memref_slice %arg8[%dma_start3A_52, %dma_start3A_53] : memref<250x80xi32, #tpu.memory_space<vmem>> -> memref<1x80xi32, #tpu.memory_space<vmem>>
      %dma_start3A_55 = tpu.memref_squeeze %dma_start3A_54 : memref<1x80xi32, #tpu.memory_space<vmem>> -> memref<80xi32, #tpu.memory_space<vmem>>
      %dma_start3A_56 = arith.constant 0 : i32
      %dma_start3A_57 = arith.constant 0 : i32
      %dma_start3A_58 = tpu.memref_slice %arg3[%dma_start3A_56, %dma_start3A_57] : memref<10000x64xbf16, #tpu.memory_space<hbm>> -> memref<10000x64xbf16, #tpu.memory_space<hbm>>
      tpu.enqueue_indirect_dma source(%dma_start3A_58 : memref<10000x64xbf16, #tpu.memory_space<hbm>>) target(%arg13 : memref<80x64xbf16, #tpu.memory_space<vmem>>) offsets(%dma_start3A_55 : memref<80xi32, #tpu.memory_space<vmem>>) semaphore(%arg20 : memref<!tpu.dma_semaphore, #tpu.memory_space<semaphore_mem>>)
      %dma_start3A_59 = arith.constant 4 : i32
      %dma_start3A_60 = arith.constant 0 : i32
      %dma_start3A_61 = tpu.memref_slice %arg8[%dma_start3A_59, %dma_start3A_60] : memref<250x80xi32, #tpu.memory_space<vmem>> -> memref<1x80xi32, #tpu.memory_space<vmem>>
      %dma_start3A_62 = tpu.memref_squeeze %dma_start3A_61 : memref<1x80xi32, #tpu.memory_space<vmem>> -> memref<80xi32, #tpu.memory_space<vmem>>
      %dma_start3A_63 = arith.constant 0 : i32
      %dma_start3A_64 = arith.constant 0 : i32
      %dma_start3A_65 = tpu.memref_slice %arg3[%dma_start3A_63, %dma_start3A_64] : memref<10000x64xbf16, #tpu.memory_space<hbm>> -> memref<10000x64xbf16, #tpu.memory_space<hbm>>
      tpu.enqueue_indirect_dma source(%dma_start3A_65 : memref<10000x64xbf16, #tpu.memory_space<hbm>>) target(%arg14 : memref<80x64xbf16, #tpu.memory_space<vmem>>) offsets(%dma_start3A_62 : memref<80xi32, #tpu.memory_space<vmem>>) semaphore(%arg21 : memref<!tpu.dma_semaphore, #tpu.memory_space<semaphore_mem>>)
      %scan3A_66 = arith.constant 0 : i32
      %scan3A_67 = arith.constant 0 : i32
      %scan3A_68 = arith.constant 50 : i32
      %scan3A_69 = arith.addi %scan3A_67, %scan3A_68 : i32
      %scan3A_70 = arith.constant 1 : i32
      %scan3A_71 = scf.for %scan3A_73 = %scan3A_67 to %scan3A_69 step %scan3A_70 iter_args(%scan3A_74 = %scan3A_66) -> (i32)  : i32 {
        %mul3A_75 = arith.constant 5 : i32
        %mul3A_76 = arith.muli %scan3A_73, %mul3A_75 : i32
        %add3A = arith.constant 0 : i32
        %add3A_77 = arith.addi %mul3A_76, %add3A : i32
        %dma_wait3A = arith.constant 0 : i32
        %dma_wait3A_78 = tpu.memref_slice %arg8[%add3A_77, %dma_wait3A] : memref<250x80xi32, #tpu.memory_space<vmem>> -> memref<1x80xi32, #tpu.memory_space<vmem>>
        %dma_wait3A_79 = tpu.memref_squeeze %dma_wait3A_78 : memref<1x80xi32, #tpu.memory_space<vmem>> -> memref<80xi32, #tpu.memory_space<vmem>>
        %dma_wait3A_80 = arith.constant 0 : i32
        %dma_wait3A_81 = arith.constant 0 : i32
        %dma_wait3A_82 = tpu.memref_slice %arg3[%dma_wait3A_80, %dma_wait3A_81] : memref<10000x64xbf16, #tpu.memory_space<hbm>> -> memref<10000x64xbf16, #tpu.memory_space<hbm>>
        tpu.wait_indirect_dma semaphore(%arg17 : memref<!tpu.dma_semaphore, #tpu.memory_space<semaphore_mem>>) src(%dma_wait3A_82 : memref<10000x64xbf16, #tpu.memory_space<hbm>>) dst(%arg10 : memref<80x64xbf16, #tpu.memory_space<vmem>>)
        "tpu.region"() ({
          %run_scoped3A = tpu.sem_alloc : memref<!tpu.dma_semaphore, #tpu.memory_space<semaphore_mem>>
          %dma_start3A_150 = arith.constant 0 : i32
          %dma_start3A_151 = tpu.memref_slice %arg9[%add3A_77, %dma_start3A_150] : memref<250x80xi32, #tpu.memory_space<vmem>> -> memref<1x80xi32, #tpu.memory_space<vmem>>
          %dma_start3A_152 = tpu.memref_squeeze %dma_start3A_151 : memref<1x80xi32, #tpu.memory_space<vmem>> -> memref<80xi32, #tpu.memory_space<vmem>>
          %dma_start3A_153 = arith.constant 0 : i32
          %dma_start3A_154 = arith.constant 0 : i32
          %dma_start3A_155 = tpu.memref_slice %arg16[%dma_start3A_153, %dma_start3A_154] : memref<10240x64xbf16, #tpu.memory_space<vmem_shared>> -> memref<10240x64xbf16, #tpu.memory_space<vmem_shared>>
          tpu.enqueue_indirect_dma source(%arg10 : memref<80x64xbf16, #tpu.memory_space<vmem>>) target(%dma_start3A_155 : memref<10240x64xbf16, #tpu.memory_space<vmem_shared>>) offsets(%dma_start3A_152 : memref<80xi32, #tpu.memory_space<vmem>>) semaphore(%run_scoped3A : memref<!tpu.dma_semaphore, #tpu.memory_space<semaphore_mem>>) {add = true}
          %dma_wait3A_156 = arith.constant 0 : i32
          %dma_wait3A_157 = tpu.memref_slice %arg9[%add3A_77, %dma_wait3A_156] : memref<250x80xi32, #tpu.memory_space<vmem>> -> memref<1x80xi32, #tpu.memory_space<vmem>>
          %dma_wait3A_158 = tpu.memref_squeeze %dma_wait3A_157 : memref<1x80xi32, #tpu.memory_space<vmem>> -> memref<80xi32, #tpu.memory_space<vmem>>
          %dma_wait3A_159 = arith.constant 0 : i32
          %dma_wait3A_160 = arith.constant 0 : i32
          %dma_wait3A_161 = tpu.memref_slice %arg16[%dma_wait3A_159, %dma_wait3A_160] : memref<10240x64xbf16, #tpu.memory_space<vmem_shared>> -> memref<10240x64xbf16, #tpu.memory_space<vmem_shared>>
          tpu.wait_indirect_dma semaphore(%run_scoped3A : memref<!tpu.dma_semaphore, #tpu.memory_space<semaphore_mem>>) src(%arg10 : memref<80x64xbf16, #tpu.memory_space<vmem>>) dst(%dma_wait3A_161 : memref<10240x64xbf16, #tpu.memory_space<vmem_shared>>)
          tpu.yield
        }) : () -> ()
        %add3A_83 = arith.constant 5 : i32
        %add3A_84 = arith.addi %add3A_77, %add3A_83 : i32
        %lt3A = arith.constant 250 : i32
        %lt3A_85 = arith.cmpi slt, %add3A_84, %lt3A : i32
        %convert_element_type3A_86 = arith.extui %lt3A_85 : i1 to i32
        %cond3A_87 = arith.constant 0 : i32
        %cond3A_88 = arith.cmpi ne, %convert_element_type3A_86, %cond3A_87 : i32
        scf.if %cond3A_88 {
          %add3A_150 = arith.constant 5 : i32
          %add3A_151 = arith.addi %add3A_77, %add3A_150 : i32
          %dma_start3A_152 = arith.constant 0 : i32
          %dma_start3A_153 = tpu.memref_slice %arg8[%add3A_151, %dma_start3A_152] : memref<250x80xi32, #tpu.memory_space<vmem>> -> memref<1x80xi32, #tpu.memory_space<vmem>>
          %dma_start3A_154 = tpu.memref_squeeze %dma_start3A_153 : memref<1x80xi32, #tpu.memory_space<vmem>> -> memref<80xi32, #tpu.memory_space<vmem>>
          %dma_start3A_155 = arith.constant 0 : i32
          %dma_start3A_156 = arith.constant 0 : i32
          %dma_start3A_157 = tpu.memref_slice %arg3[%dma_start3A_155, %dma_start3A_156] : memref<10000x64xbf16, #tpu.memory_space<hbm>> -> memref<10000x64xbf16, #tpu.memory_space<hbm>>
          tpu.enqueue_indirect_dma source(%dma_start3A_157 : memref<10000x64xbf16, #tpu.memory_space<hbm>>) target(%arg10 : memref<80x64xbf16, #tpu.memory_space<vmem>>) offsets(%dma_start3A_154 : memref<80xi32, #tpu.memory_space<vmem>>) semaphore(%arg17 : memref<!tpu.dma_semaphore, #tpu.memory_space<semaphore_mem>>)
        } else {
        }
        %add3A_89 = arith.constant 1 : i32
        %add3A_90 = arith.addi %mul3A_76, %add3A_89 : i32
        %dma_wait3A_91 = arith.constant 0 : i32
        %dma_wait3A_92 = tpu.memref_slice %arg8[%add3A_90, %dma_wait3A_91] : memref<250x80xi32, #tpu.memory_space<vmem>> -> memref<1x80xi32, #tpu.memory_space<vmem>>
        %dma_wait3A_93 = tpu.memref_squeeze %dma_wait3A_92 : memref<1x80xi32, #tpu.memory_space<vmem>> -> memref<80xi32, #tpu.memory_space<vmem>>
        %dma_wait3A_94 = arith.constant 0 : i32
        %dma_wait3A_95 = arith.constant 0 : i32
        %dma_wait3A_96 = tpu.memref_slice %arg3[%dma_wait3A_94, %dma_wait3A_95] : memref<10000x64xbf16, #tpu.memory_space<hbm>> -> memref<10000x64xbf16, #tpu.memory_space<hbm>>
        tpu.wait_indirect_dma semaphore(%arg18 : memref<!tpu.dma_semaphore, #tpu.memory_space<semaphore_mem>>) src(%dma_wait3A_96 : memref<10000x64xbf16, #tpu.memory_space<hbm>>) dst(%arg11 : memref<80x64xbf16, #tpu.memory_space<vmem>>)
        "tpu.region"() ({
          %run_scoped3A = tpu.sem_alloc : memref<!tpu.dma_semaphore, #tpu.memory_space<semaphore_mem>>
          %dma_start3A_150 = arith.constant 0 : i32
          %dma_start3A_151 = tpu.memref_slice %arg9[%add3A_90, %dma_start3A_150] : memref<250x80xi32, #tpu.memory_space<vmem>> -> memref<1x80xi32, #tpu.memory_space<vmem>>
          %dma_start3A_152 = tpu.memref_squeeze %dma_start3A_151 : memref<1x80xi32, #tpu.memory_space<vmem>> -> memref<80xi32, #tpu.memory_space<vmem>>
          %dma_start3A_153 = arith.constant 0 : i32
          %dma_start3A_154 = arith.constant 0 : i32
          %dma_start3A_155 = tpu.memref_slice %arg16[%dma_start3A_153, %dma_start3A_154] : memref<10240x64xbf16, #tpu.memory_space<vmem_shared>> -> memref<10240x64xbf16, #tpu.memory_space<vmem_shared>>
          tpu.enqueue_indirect_dma source(%arg11 : memref<80x64xbf16, #tpu.memory_space<vmem>>) target(%dma_start3A_155 : memref<10240x64xbf16, #tpu.memory_space<vmem_shared>>) offsets(%dma_start3A_152 : memref<80xi32, #tpu.memory_space<vmem>>) semaphore(%run_scoped3A : memref<!tpu.dma_semaphore, #tpu.memory_space<semaphore_mem>>) {add = true}
          %dma_wait3A_156 = arith.constant 0 : i32
          %dma_wait3A_157 = tpu.memref_slice %arg9[%add3A_90, %dma_wait3A_156] : memref<250x80xi32, #tpu.memory_space<vmem>> -> memref<1x80xi32, #tpu.memory_space<vmem>>
          %dma_wait3A_158 = tpu.memref_squeeze %dma_wait3A_157 : memref<1x80xi32, #tpu.memory_space<vmem>> -> memref<80xi32, #tpu.memory_space<vmem>>
          %dma_wait3A_159 = arith.constant 0 : i32
          %dma_wait3A_160 = arith.constant 0 : i32
          %dma_wait3A_161 = tpu.memref_slice %arg16[%dma_wait3A_159, %dma_wait3A_160] : memref<10240x64xbf16, #tpu.memory_space<vmem_shared>> -> memref<10240x64xbf16, #tpu.memory_space<vmem_shared>>
          tpu.wait_indirect_dma semaphore(%run_scoped3A : memref<!tpu.dma_semaphore, #tpu.memory_space<semaphore_mem>>) src(%arg11 : memref<80x64xbf16, #tpu.memory_space<vmem>>) dst(%dma_wait3A_161 : memref<10240x64xbf16, #tpu.memory_space<vmem_shared>>)
          tpu.yield
        }) : () -> ()
        %add3A_97 = arith.constant 5 : i32
        %add3A_98 = arith.addi %add3A_90, %add3A_97 : i32
        %lt3A_99 = arith.constant 250 : i32
        %lt3A_100 = arith.cmpi slt, %add3A_98, %lt3A_99 : i32
        %convert_element_type3A_101 = arith.extui %lt3A_100 : i1 to i32
        %cond3A_102 = arith.constant 0 : i32
        %cond3A_103 = arith.cmpi ne, %convert_element_type3A_101, %cond3A_102 : i32
        scf.if %cond3A_103 {
          %add3A_150 = arith.constant 5 : i32
          %add3A_151 = arith.addi %add3A_90, %add3A_150 : i32
          %dma_start3A_152 = arith.constant 0 : i32
          %dma_start3A_153 = tpu.memref_slice %arg8[%add3A_151, %dma_start3A_152] : memref<250x80xi32, #tpu.memory_space<vmem>> -> memref<1x80xi32, #tpu.memory_space<vmem>>
          %dma_start3A_154 = tpu.memref_squeeze %dma_start3A_153 : memref<1x80xi32, #tpu.memory_space<vmem>> -> memref<80xi32, #tpu.memory_space<vmem>>
          %dma_start3A_155 = arith.constant 0 : i32
          %dma_start3A_156 = arith.constant 0 : i32
          %dma_start3A_157 = tpu.memref_slice %arg3[%dma_start3A_155, %dma_start3A_156] : memref<10000x64xbf16, #tpu.memory_space<hbm>> -> memref<10000x64xbf16, #tpu.memory_space<hbm>>
          tpu.enqueue_indirect_dma source(%dma_start3A_157 : memref<10000x64xbf16, #tpu.memory_space<hbm>>) target(%arg11 : memref<80x64xbf16, #tpu.memory_space<vmem>>) offsets(%dma_start3A_154 : memref<80xi32, #tpu.memory_space<vmem>>) semaphore(%arg18 : memref<!tpu.dma_semaphore, #tpu.memory_space<semaphore_mem>>)
        } else {
        }
        %add3A_104 = arith.constant 2 : i32
        %add3A_105 = arith.addi %mul3A_76, %add3A_104 : i32
        %dma_wait3A_106 = arith.constant 0 : i32
        %dma_wait3A_107 = tpu.memref_slice %arg8[%add3A_105, %dma_wait3A_106] : memref<250x80xi32, #tpu.memory_space<vmem>> -> memref<1x80xi32, #tpu.memory_space<vmem>>
        %dma_wait3A_108 = tpu.memref_squeeze %dma_wait3A_107 : memref<1x80xi32, #tpu.memory_space<vmem>> -> memref<80xi32, #tpu.memory_space<vmem>>
        %dma_wait3A_109 = arith.constant 0 : i32
        %dma_wait3A_110 = arith.constant 0 : i32
        %dma_wait3A_111 = tpu.memref_slice %arg3[%dma_wait3A_109, %dma_wait3A_110] : memref<10000x64xbf16, #tpu.memory_space<hbm>> -> memref<10000x64xbf16, #tpu.memory_space<hbm>>
        tpu.wait_indirect_dma semaphore(%arg19 : memref<!tpu.dma_semaphore, #tpu.memory_space<semaphore_mem>>) src(%dma_wait3A_111 : memref<10000x64xbf16, #tpu.memory_space<hbm>>) dst(%arg12 : memref<80x64xbf16, #tpu.memory_space<vmem>>)
        "tpu.region"() ({
          %run_scoped3A = tpu.sem_alloc : memref<!tpu.dma_semaphore, #tpu.memory_space<semaphore_mem>>
          %dma_start3A_150 = arith.constant 0 : i32
          %dma_start3A_151 = tpu.memref_slice %arg9[%add3A_105, %dma_start3A_150] : memref<250x80xi32, #tpu.memory_space<vmem>> -> memref<1x80xi32, #tpu.memory_space<vmem>>
          %dma_start3A_152 = tpu.memref_squeeze %dma_start3A_151 : memref<1x80xi32, #tpu.memory_space<vmem>> -> memref<80xi32, #tpu.memory_space<vmem>>
          %dma_start3A_153 = arith.constant 0 : i32
          %dma_start3A_154 = arith.constant 0 : i32
          %dma_start3A_155 = tpu.memref_slice %arg16[%dma_start3A_153, %dma_start3A_154] : memref<10240x64xbf16, #tpu.memory_space<vmem_shared>> -> memref<10240x64xbf16, #tpu.memory_space<vmem_shared>>
          tpu.enqueue_indirect_dma source(%arg12 : memref<80x64xbf16, #tpu.memory_space<vmem>>) target(%dma_start3A_155 : memref<10240x64xbf16, #tpu.memory_space<vmem_shared>>) offsets(%dma_start3A_152 : memref<80xi32, #tpu.memory_space<vmem>>) semaphore(%run_scoped3A : memref<!tpu.dma_semaphore, #tpu.memory_space<semaphore_mem>>) {add = true}
          %dma_wait3A_156 = arith.constant 0 : i32
          %dma_wait3A_157 = tpu.memref_slice %arg9[%add3A_105, %dma_wait3A_156] : memref<250x80xi32, #tpu.memory_space<vmem>> -> memref<1x80xi32, #tpu.memory_space<vmem>>
          %dma_wait3A_158 = tpu.memref_squeeze %dma_wait3A_157 : memref<1x80xi32, #tpu.memory_space<vmem>> -> memref<80xi32, #tpu.memory_space<vmem>>
          %dma_wait3A_159 = arith.constant 0 : i32
          %dma_wait3A_160 = arith.constant 0 : i32
          %dma_wait3A_161 = tpu.memref_slice %arg16[%dma_wait3A_159, %dma_wait3A_160] : memref<10240x64xbf16, #tpu.memory_space<vmem_shared>> -> memref<10240x64xbf16, #tpu.memory_space<vmem_shared>>
          tpu.wait_indirect_dma semaphore(%run_scoped3A : memref<!tpu.dma_semaphore, #tpu.memory_space<semaphore_mem>>) src(%arg12 : memref<80x64xbf16, #tpu.memory_space<vmem>>) dst(%dma_wait3A_161 : memref<10240x64xbf16, #tpu.memory_space<vmem_shared>>)
          tpu.yield
        }) : () -> ()
        %add3A_112 = arith.constant 5 : i32
        %add3A_113 = arith.addi %add3A_105, %add3A_112 : i32
        %lt3A_114 = arith.constant 250 : i32
        %lt3A_115 = arith.cmpi slt, %add3A_113, %lt3A_114 : i32
        %convert_element_type3A_116 = arith.extui %lt3A_115 : i1 to i32
        %cond3A_117 = arith.constant 0 : i32
        %cond3A_118 = arith.cmpi ne, %convert_element_type3A_116, %cond3A_117 : i32
        scf.if %cond3A_118 {
          %add3A_150 = arith.constant 5 : i32
          %add3A_151 = arith.addi %add3A_105, %add3A_150 : i32
          %dma_start3A_152 = arith.constant 0 : i32
          %dma_start3A_153 = tpu.memref_slice %arg8[%add3A_151, %dma_start3A_152] : memref<250x80xi32, #tpu.memory_space<vmem>> -> memref<1x80xi32, #tpu.memory_space<vmem>>
          %dma_start3A_154 = tpu.memref_squeeze %dma_start3A_153 : memref<1x80xi32, #tpu.memory_space<vmem>> -> memref<80xi32, #tpu.memory_space<vmem>>
          %dma_start3A_155 = arith.constant 0 : i32
          %dma_start3A_156 = arith.constant 0 : i32
          %dma_start3A_157 = tpu.memref_slice %arg3[%dma_start3A_155, %dma_start3A_156] : memref<10000x64xbf16, #tpu.memory_space<hbm>> -> memref<10000x64xbf16, #tpu.memory_space<hbm>>
          tpu.enqueue_indirect_dma source(%dma_start3A_157 : memref<10000x64xbf16, #tpu.memory_space<hbm>>) target(%arg12 : memref<80x64xbf16, #tpu.memory_space<vmem>>) offsets(%dma_start3A_154 : memref<80xi32, #tpu.memory_space<vmem>>) semaphore(%arg19 : memref<!tpu.dma_semaphore, #tpu.memory_space<semaphore_mem>>)
        } else {
        }
        %add3A_119 = arith.constant 3 : i32
        %add3A_120 = arith.addi %mul3A_76, %add3A_119 : i32
        %dma_wait3A_121 = arith.constant 0 : i32
        %dma_wait3A_122 = tpu.memref_slice %arg8[%add3A_120, %dma_wait3A_121] : memref<250x80xi32, #tpu.memory_space<vmem>> -> memref<1x80xi32, #tpu.memory_space<vmem>>
        %dma_wait3A_123 = tpu.memref_squeeze %dma_wait3A_122 : memref<1x80xi32, #tpu.memory_space<vmem>> -> memref<80xi32, #tpu.memory_space<vmem>>
        %dma_wait3A_124 = arith.constant 0 : i32
        %dma_wait3A_125 = arith.constant 0 : i32
        %dma_wait3A_126 = tpu.memref_slice %arg3[%dma_wait3A_124, %dma_wait3A_125] : memref<10000x64xbf16, #tpu.memory_space<hbm>> -> memref<10000x64xbf16, #tpu.memory_space<hbm>>
        tpu.wait_indirect_dma semaphore(%arg20 : memref<!tpu.dma_semaphore, #tpu.memory_space<semaphore_mem>>) src(%dma_wait3A_126 : memref<10000x64xbf16, #tpu.memory_space<hbm>>) dst(%arg13 : memref<80x64xbf16, #tpu.memory_space<vmem>>)
        "tpu.region"() ({
          %run_scoped3A = tpu.sem_alloc : memref<!tpu.dma_semaphore, #tpu.memory_space<semaphore_mem>>
          %dma_start3A_150 = arith.constant 0 : i32
          %dma_start3A_151 = tpu.memref_slice %arg9[%add3A_120, %dma_start3A_150] : memref<250x80xi32, #tpu.memory_space<vmem>> -> memref<1x80xi32, #tpu.memory_space<vmem>>
          %dma_start3A_152 = tpu.memref_squeeze %dma_start3A_151 : memref<1x80xi32, #tpu.memory_space<vmem>> -> memref<80xi32, #tpu.memory_space<vmem>>
          %dma_start3A_153 = arith.constant 0 : i32
          %dma_start3A_154 = arith.constant 0 : i32
          %dma_start3A_155 = tpu.memref_slice %arg16[%dma_start3A_153, %dma_start3A_154] : memref<10240x64xbf16, #tpu.memory_space<vmem_shared>> -> memref<10240x64xbf16, #tpu.memory_space<vmem_shared>>
          tpu.enqueue_indirect_dma source(%arg13 : memref<80x64xbf16, #tpu.memory_space<vmem>>) target(%dma_start3A_155 : memref<10240x64xbf16, #tpu.memory_space<vmem_shared>>) offsets(%dma_start3A_152 : memref<80xi32, #tpu.memory_space<vmem>>) semaphore(%run_scoped3A : memref<!tpu.dma_semaphore, #tpu.memory_space<semaphore_mem>>) {add = true}
          %dma_wait3A_156 = arith.constant 0 : i32
          %dma_wait3A_157 = tpu.memref_slice %arg9[%add3A_120, %dma_wait3A_156] : memref<250x80xi32, #tpu.memory_space<vmem>> -> memref<1x80xi32, #tpu.memory_space<vmem>>
          %dma_wait3A_158 = tpu.memref_squeeze %dma_wait3A_157 : memref<1x80xi32, #tpu.memory_space<vmem>> -> memref<80xi32, #tpu.memory_space<vmem>>
          %dma_wait3A_159 = arith.constant 0 : i32
          %dma_wait3A_160 = arith.constant 0 : i32
          %dma_wait3A_161 = tpu.memref_slice %arg16[%dma_wait3A_159, %dma_wait3A_160] : memref<10240x64xbf16, #tpu.memory_space<vmem_shared>> -> memref<10240x64xbf16, #tpu.memory_space<vmem_shared>>
          tpu.wait_indirect_dma semaphore(%run_scoped3A : memref<!tpu.dma_semaphore, #tpu.memory_space<semaphore_mem>>) src(%arg13 : memref<80x64xbf16, #tpu.memory_space<vmem>>) dst(%dma_wait3A_161 : memref<10240x64xbf16, #tpu.memory_space<vmem_shared>>)
          tpu.yield
        }) : () -> ()
        %add3A_127 = arith.constant 5 : i32
        %add3A_128 = arith.addi %add3A_120, %add3A_127 : i32
        %lt3A_129 = arith.constant 250 : i32
        %lt3A_130 = arith.cmpi slt, %add3A_128, %lt3A_129 : i32
        %convert_element_type3A_131 = arith.extui %lt3A_130 : i1 to i32
        %cond3A_132 = arith.constant 0 : i32
        %cond3A_133 = arith.cmpi ne, %convert_element_type3A_131, %cond3A_132 : i32
        scf.if %cond3A_133 {
          %add3A_150 = arith.constant 5 : i32
          %add3A_151 = arith.addi %add3A_120, %add3A_150 : i32
          %dma_start3A_152 = arith.constant 0 : i32
          %dma_start3A_153 = tpu.memref_slice %arg8[%add3A_151, %dma_start3A_152] : memref<250x80xi32, #tpu.memory_space<vmem>> -> memref<1x80xi32, #tpu.memory_space<vmem>>
          %dma_start3A_154 = tpu.memref_squeeze %dma_start3A_153 : memref<1x80xi32, #tpu.memory_space<vmem>> -> memref<80xi32, #tpu.memory_space<vmem>>
          %dma_start3A_155 = arith.constant 0 : i32
          %dma_start3A_156 = arith.constant 0 : i32
          %dma_start3A_157 = tpu.memref_slice %arg3[%dma_start3A_155, %dma_start3A_156] : memref<10000x64xbf16, #tpu.memory_space<hbm>> -> memref<10000x64xbf16, #tpu.memory_space<hbm>>
          tpu.enqueue_indirect_dma source(%dma_start3A_157 : memref<10000x64xbf16, #tpu.memory_space<hbm>>) target(%arg13 : memref<80x64xbf16, #tpu.memory_space<vmem>>) offsets(%dma_start3A_154 : memref<80xi32, #tpu.memory_space<vmem>>) semaphore(%arg20 : memref<!tpu.dma_semaphore, #tpu.memory_space<semaphore_mem>>)
        } else {
        }
        %add3A_134 = arith.constant 4 : i32
        %add3A_135 = arith.addi %mul3A_76, %add3A_134 : i32
        %dma_wait3A_136 = arith.constant 0 : i32
        %dma_wait3A_137 = tpu.memref_slice %arg8[%add3A_135, %dma_wait3A_136] : memref<250x80xi32, #tpu.memory_space<vmem>> -> memref<1x80xi32, #tpu.memory_space<vmem>>
        %dma_wait3A_138 = tpu.memref_squeeze %dma_wait3A_137 : memref<1x80xi32, #tpu.memory_space<vmem>> -> memref<80xi32, #tpu.memory_space<vmem>>
        %dma_wait3A_139 = arith.constant 0 : i32
        %dma_wait3A_140 = arith.constant 0 : i32
        %dma_wait3A_141 = tpu.memref_slice %arg3[%dma_wait3A_139, %dma_wait3A_140] : memref<10000x64xbf16, #tpu.memory_space<hbm>> -> memref<10000x64xbf16, #tpu.memory_space<hbm>>
        tpu.wait_indirect_dma semaphore(%arg21 : memref<!tpu.dma_semaphore, #tpu.memory_space<semaphore_mem>>) src(%dma_wait3A_141 : memref<10000x64xbf16, #tpu.memory_space<hbm>>) dst(%arg14 : memref<80x64xbf16, #tpu.memory_space<vmem>>)
        "tpu.region"() ({
          %run_scoped3A = tpu.sem_alloc : memref<!tpu.dma_semaphore, #tpu.memory_space<semaphore_mem>>
          %dma_start3A_150 = arith.constant 0 : i32
          %dma_start3A_151 = tpu.memref_slice %arg9[%add3A_135, %dma_start3A_150] : memref<250x80xi32, #tpu.memory_space<vmem>> -> memref<1x80xi32, #tpu.memory_space<vmem>>
          %dma_start3A_152 = tpu.memref_squeeze %dma_start3A_151 : memref<1x80xi32, #tpu.memory_space<vmem>> -> memref<80xi32, #tpu.memory_space<vmem>>
          %dma_start3A_153 = arith.constant 0 : i32
          %dma_start3A_154 = arith.constant 0 : i32
          %dma_start3A_155 = tpu.memref_slice %arg16[%dma_start3A_153, %dma_start3A_154] : memref<10240x64xbf16, #tpu.memory_space<vmem_shared>> -> memref<10240x64xbf16, #tpu.memory_space<vmem_shared>>
          tpu.enqueue_indirect_dma source(%arg14 : memref<80x64xbf16, #tpu.memory_space<vmem>>) target(%dma_start3A_155 : memref<10240x64xbf16, #tpu.memory_space<vmem_shared>>) offsets(%dma_start3A_152 : memref<80xi32, #tpu.memory_space<vmem>>) semaphore(%run_scoped3A : memref<!tpu.dma_semaphore, #tpu.memory_space<semaphore_mem>>) {add = true}
          %dma_wait3A_156 = arith.constant 0 : i32
          %dma_wait3A_157 = tpu.memref_slice %arg9[%add3A_135, %dma_wait3A_156] : memref<250x80xi32, #tpu.memory_space<vmem>> -> memref<1x80xi32, #tpu.memory_space<vmem>>
          %dma_wait3A_158 = tpu.memref_squeeze %dma_wait3A_157 : memref<1x80xi32, #tpu.memory_space<vmem>> -> memref<80xi32, #tpu.memory_space<vmem>>
          %dma_wait3A_159 = arith.constant 0 : i32
          %dma_wait3A_160 = arith.constant 0 : i32
          %dma_wait3A_161 = tpu.memref_slice %arg16[%dma_wait3A_159, %dma_wait3A_160] : memref<10240x64xbf16, #tpu.memory_space<vmem_shared>> -> memref<10240x64xbf16, #tpu.memory_space<vmem_shared>>
          tpu.wait_indirect_dma semaphore(%run_scoped3A : memref<!tpu.dma_semaphore, #tpu.memory_space<semaphore_mem>>) src(%arg14 : memref<80x64xbf16, #tpu.memory_space<vmem>>) dst(%dma_wait3A_161 : memref<10240x64xbf16, #tpu.memory_space<vmem_shared>>)
          tpu.yield
        }) : () -> ()
        %add3A_142 = arith.constant 5 : i32
        %add3A_143 = arith.addi %add3A_135, %add3A_142 : i32
        %lt3A_144 = arith.constant 250 : i32
        %lt3A_145 = arith.cmpi slt, %add3A_143, %lt3A_144 : i32
        %convert_element_type3A_146 = arith.extui %lt3A_145 : i1 to i32
        %cond3A_147 = arith.constant 0 : i32
        %cond3A_148 = arith.cmpi ne, %convert_element_type3A_146, %cond3A_147 : i32
        scf.if %cond3A_148 {
          %add3A_150 = arith.constant 5 : i32
          %add3A_151 = arith.addi %add3A_135, %add3A_150 : i32
          %dma_start3A_152 = arith.constant 0 : i32
          %dma_start3A_153 = tpu.memref_slice %arg8[%add3A_151, %dma_start3A_152] : memref<250x80xi32, #tpu.memory_space<vmem>> -> memref<1x80xi32, #tpu.memory_space<vmem>>
          %dma_start3A_154 = tpu.memref_squeeze %dma_start3A_153 : memref<1x80xi32, #tpu.memory_space<vmem>> -> memref<80xi32, #tpu.memory_space<vmem>>
          %dma_start3A_155 = arith.constant 0 : i32
          %dma_start3A_156 = arith.constant 0 : i32
          %dma_start3A_157 = tpu.memref_slice %arg3[%dma_start3A_155, %dma_start3A_156] : memref<10000x64xbf16, #tpu.memory_space<hbm>> -> memref<10000x64xbf16, #tpu.memory_space<hbm>>
          tpu.enqueue_indirect_dma source(%dma_start3A_157 : memref<10000x64xbf16, #tpu.memory_space<hbm>>) target(%arg14 : memref<80x64xbf16, #tpu.memory_space<vmem>>) offsets(%dma_start3A_154 : memref<80xi32, #tpu.memory_space<vmem>>) semaphore(%arg21 : memref<!tpu.dma_semaphore, #tpu.memory_space<semaphore_mem>>)
        } else {
        }
        %scan3A_149 = arith.constant 0 : i32
        scf.yield %scan3A_149 : i32
      }
      %scan3A_72 = arith.constant 50 : i32
    } else {
    }
    %barrier3A_21 = arith.constant 0 : index
    tpu.barrier barrier_id(%barrier3A_21)
    %eq3A_22 = arith.constant 0 : i32
    %eq3A_23 = arith.cmpi eq, %arg0, %eq3A_22 : i32
    %convert_element_type3A_24 = arith.extui %eq3A_23 : i1 to i32
    %cond3A_25 = arith.constant 0 : i32
    %cond3A_26 = arith.cmpi ne, %convert_element_type3A_24, %cond3A_25 : i32
    scf.if %cond3A_26 {
      "tpu.region"() ({
        %run_scoped3A = tpu.sem_alloc : memref<!tpu.dma_semaphore, #tpu.memory_space<semaphore_mem>>
        %dma_start3A = arith.constant 0 : i32
        %dma_start3A_32 = tpu.memref_slice %arg6[%mul3A_6, %dma_start3A] : memref<10240x64xbf16, #tpu.memory_space<hbm>> -> memref<640x64xbf16, #tpu.memory_space<hbm>>
        %dma_start3A_33 = arith.constant 0 : i32
        %dma_start3A_34 = tpu.memref_slice %arg16[%mul3A_6, %dma_start3A_33] : memref<10240x64xbf16, #tpu.memory_space<vmem_shared>> -> memref<640x64xbf16, #tpu.memory_space<vmem_shared>>
        tpu.enqueue_dma source(%dma_start3A_34 : memref<640x64xbf16, #tpu.memory_space<vmem_shared>>) target(%dma_start3A_32 : memref<640x64xbf16, #tpu.memory_space<hbm>>) target_semaphore(%run_scoped3A : memref<!tpu.dma_semaphore, #tpu.memory_space<semaphore_mem>>)
        %dma_wait3A = arith.constant 0 : i32
        %dma_wait3A_35 = tpu.memref_slice %arg6[%mul3A_6, %dma_wait3A] : memref<10240x64xbf16, #tpu.memory_space<hbm>> -> memref<640x64xbf16, #tpu.memory_space<hbm>>
        %dma_wait3A_36 = arith.constant 0 : i32
        %dma_wait3A_37 = tpu.memref_slice %arg16[%mul3A_6, %dma_wait3A_36] : memref<10240x64xbf16, #tpu.memory_space<vmem_shared>> -> memref<640x64xbf16, #tpu.memory_space<vmem_shared>>
        tpu.wait_dma2 semaphore(%run_scoped3A : memref<!tpu.dma_semaphore, #tpu.memory_space<semaphore_mem>>) src(%dma_wait3A_37 : memref<640x64xbf16, #tpu.memory_space<vmem_shared>>) dst(%dma_wait3A_35 : memref<640x64xbf16, #tpu.memory_space<hbm>>)
        tpu.yield
      }) : () -> ()
    } else {
    }
    %eq3A_27 = arith.constant 1 : i32
    %eq3A_28 = arith.cmpi eq, %arg0, %eq3A_27 : i32
    %convert_element_type3A_29 = arith.extui %eq3A_28 : i1 to i32
    %cond3A_30 = arith.constant 0 : i32
    %cond3A_31 = arith.cmpi ne, %convert_element_type3A_29, %cond3A_30 : i32
    scf.if %cond3A_31 {
      "tpu.region"() ({
        %run_scoped3A = tpu.sem_alloc : memref<!tpu.dma_semaphore, #tpu.memory_space<semaphore_mem>>
        %dma_start3A = arith.constant 0 : i32
        %dma_start3A_32 = tpu.memref_slice %arg7[%mul3A_6, %dma_start3A] : memref<10240x64xbf16, #tpu.memory_space<hbm>> -> memref<640x64xbf16, #tpu.memory_space<hbm>>
        %dma_start3A_33 = arith.constant 0 : i32
        %dma_start3A_34 = tpu.memref_slice %arg16[%mul3A_6, %dma_start3A_33] : memref<10240x64xbf16, #tpu.memory_space<vmem_shared>> -> memref<640x64xbf16, #tpu.memory_space<vmem_shared>>
        tpu.enqueue_dma source(%dma_start3A_34 : memref<640x64xbf16, #tpu.memory_space<vmem_shared>>) target(%dma_start3A_32 : memref<640x64xbf16, #tpu.memory_space<hbm>>) target_semaphore(%run_scoped3A : memref<!tpu.dma_semaphore, #tpu.memory_space<semaphore_mem>>)
        %dma_wait3A = arith.constant 0 : i32
        %dma_wait3A_35 = tpu.memref_slice %arg7[%mul3A_6, %dma_wait3A] : memref<10240x64xbf16, #tpu.memory_space<hbm>> -> memref<640x64xbf16, #tpu.memory_space<hbm>>
        %dma_wait3A_36 = arith.constant 0 : i32
        %dma_wait3A_37 = tpu.memref_slice %arg16[%mul3A_6, %dma_wait3A_36] : memref<10240x64xbf16, #tpu.memory_space<vmem_shared>> -> memref<640x64xbf16, #tpu.memory_space<vmem_shared>>
        tpu.wait_dma2 semaphore(%run_scoped3A : memref<!tpu.dma_semaphore, #tpu.memory_space<semaphore_mem>>) src(%dma_wait3A_37 : memref<640x64xbf16, #tpu.memory_space<vmem_shared>>) dst(%dma_wait3A_35 : memref<640x64xbf16, #tpu.memory_space<hbm>>)
        tpu.yield
      }) : () -> ()
    } else {
    }
    return
  }
}

module attributes {stable_mosaic.version = 14 : i64} {
  func.func @_prep_body(%arg0: i32, %arg1: memref<2000x128xf32, #tpu.memory_space<vmem>>, %arg2: memref<2000x16xf32, #tpu.memory_space<vmem>>, %arg3: memref<2000x16xf32, #tpu.memory_space<vmem>>, %arg4: memref<128x128xf32, #tpu.memory_space<vmem>>, %arg5: memref<2000x64xbf16, #tpu.memory_space<vmem>>, %arg6: memref<2000x64xbf16, #tpu.memory_space<vmem>>, %arg7: memref<2000x1xf32, #tpu.memory_space<vmem>>) attributes {dimension_semantics = [#tpu.dimension_semantics<arbitrary>], iteration_bounds = array<i64: 5>, scalar_prefetch = 0 : i64, scratch_operands = 0 : i64, tpu.core_type = #tpu.core_type<tc>, window_params = [{transform_indices = @transform_0, window_bounds = array<i64: 2000, 128>}, {transform_indices = @transform_1, window_bounds = array<i64: 2000, 16>}, {transform_indices = @transform_2, window_bounds = array<i64: 2000, 16>}, {pipeline_mode = #tpu.pipeline_mode<synchronous>, transform_indices = @transform_3, window_bounds = array<i64: 128, 128>}, {transform_indices = @transform_4, window_bounds = array<i64: 2000, 64>}, {transform_indices = @transform_5, window_bounds = array<i64: 2000, 64>}, {transform_indices = @transform_6, window_bounds = array<i64: 2000, 1>}]} {
    %get3A = arith.constant 0 : index
    %get3A_0 = arith.constant 0 : index
    %get3A_1 = vector.load %arg2[%get3A, %get3A_0] : memref<2000x16xf32, #tpu.memory_space<vmem>>, vector<2000x16xf32>
    %get3A_2 = arith.constant 0 : index
    %get3A_3 = arith.constant 0 : index
    %get3A_4 = vector.load %arg3[%get3A_2, %get3A_3] : memref<2000x16xf32, #tpu.memory_space<vmem>>, vector<2000x16xf32>
    %add3A = arith.addf %get3A_1, %get3A_4 : vector<2000x16xf32>
    %reduce_sum3A = arith.constant dense<0.000000e+00> : vector<2000xf32>
    %reduce_sum3A_5 = vector.multi_reduction <add>, %add3A, %reduce_sum3A [1] : vector<2000x16xf32> to vector<2000xf32>
    %broadcast_in_dim3A = vector.shape_cast %reduce_sum3A_5 : vector<2000xf32> to vector<2000x1xf32>
    %div3A = arith.constant 1.600000e+01 : f32
    %div3A_6 = vector.broadcast %div3A : f32 to vector<2000x1xf32>
    %div3A_7 = arith.divf %broadcast_in_dim3A, %div3A_6 : vector<2000x1xf32>
    %add3A_8 = arith.constant 1.000000e+00 : f32
    %add3A_9 = vector.broadcast %add3A_8 : f32 to vector<2000x1xf32>
    %add3A_10 = arith.addf %div3A_7, %add3A_9 : vector<2000x1xf32>
    %rsqrt3A = math.rsqrt %add3A_10 : vector<2000x1xf32>
    %get3A_11 = arith.constant 0 : index
    %get3A_12 = arith.constant 0 : index
    %get3A_13 = vector.load %arg1[%get3A_11, %get3A_12] : memref<2000x128xf32, #tpu.memory_space<vmem>>, vector<2000x128xf32>
    %get3A_14 = arith.constant 0 : index
    %get3A_15 = arith.constant 0 : index
    %get3A_16 = vector.load %arg4[%get3A_14, %get3A_15] : memref<128x128xf32, #tpu.memory_space<vmem>>, vector<128x128xf32>
    %dot_general3A = arith.constant dense<0.000000e+00> : vector<2000x128xf32>
    %dot_general3A_17 = tpu.matmul %get3A_13, %get3A_16, %dot_general3A {dimension_numbers = #tpu.dot_dimension_numbers<[1], [0], [0], [1], [0, 0, 1, 1], [], []>, transpose_lhs_hint = false} : vector<2000x128xf32>, vector<128x128xf32>, vector<2000x128xf32> -> vector<2000x128xf32>
    %mul3A = vector.broadcast %rsqrt3A : vector<2000x1xf32> to vector<2000x128xf32>
    %mul3A_18 = arith.mulf %dot_general3A_17, %mul3A : vector<2000x128xf32>
    %slice3A = vector.extract_strided_slice %mul3A_18 {offsets = [0, 0], sizes = [2000, 64], strides = [1, 1]} : vector<2000x128xf32> to vector<2000x64xf32>
    %convert_element_type3A = arith.truncf %slice3A : vector<2000x64xf32> to vector<2000x64xbf16>
    %swap3A = arith.constant 0 : index
    %swap3A_19 = arith.constant 0 : index
    %swap3A_20 = vector.load %arg5[%swap3A, %swap3A_19] : memref<2000x64xbf16, #tpu.memory_space<vmem>>, vector<2000x64xbf16>
    tpu.vector_store %arg5[%swap3A, %swap3A_19], %convert_element_type3A {strides = array<i32>} : memref<2000x64xbf16, #tpu.memory_space<vmem>>, vector<2000x64xbf16>,
    %slice3A_21 = vector.extract_strided_slice %mul3A_18 {offsets = [0, 64], sizes = [2000, 64], strides = [1, 1]} : vector<2000x128xf32> to vector<2000x64xf32>
    %convert_element_type3A_22 = arith.truncf %slice3A_21 : vector<2000x64xf32> to vector<2000x64xbf16>
    %swap3A_23 = arith.constant 0 : index
    %swap3A_24 = arith.constant 0 : index
    %swap3A_25 = vector.load %arg6[%swap3A_23, %swap3A_24] : memref<2000x64xbf16, #tpu.memory_space<vmem>>, vector<2000x64xbf16>
    tpu.vector_store %arg6[%swap3A_23, %swap3A_24], %convert_element_type3A_22 {strides = array<i32>} : memref<2000x64xbf16, #tpu.memory_space<vmem>>, vector<2000x64xbf16>,
    %swap3A_26 = arith.constant 0 : index
    %swap3A_27 = arith.constant 0 : index
    %swap3A_28 = vector.load %arg7[%swap3A_26, %swap3A_27] : memref<2000x1xf32, #tpu.memory_space<vmem>>, vector<2000x1xf32>
    tpu.vector_store %arg7[%swap3A_26, %swap3A_27], %rsqrt3A {strides = array<i32>} : memref<2000x1xf32, #tpu.memory_space<vmem>>, vector<2000x1xf32>,
    return
  }
  func.func @transform_0(%arg0: i32) -> (i32, i32) {
    %c0_i32 = arith.constant 0 : i32
    %c0_i32_0 = arith.constant 0 : i32
    return %arg0, %c0_i32 : i32, i32
  }
  func.func @transform_1(%arg0: i32) -> (i32, i32) {
    %c0_i32 = arith.constant 0 : i32
    %c0_i32_0 = arith.constant 0 : i32
    return %arg0, %c0_i32 : i32, i32
  }
  func.func @transform_2(%arg0: i32) -> (i32, i32) {
    %c0_i32 = arith.constant 0 : i32
    %c0_i32_0 = arith.constant 0 : i32
    return %arg0, %c0_i32 : i32, i32
  }
  func.func @transform_3(%arg0: i32) -> (i32, i32) {
    %c0_i32 = arith.constant 0 : i32
    %c0_i32_0 = arith.constant 0 : i32
    %c0_i32_1 = arith.constant 0 : i32
    return %c0_i32, %c0_i32_0 : i32, i32
  }
  func.func @transform_4(%arg0: i32) -> (i32, i32) {
    %c0_i32 = arith.constant 0 : i32
    %c0_i32_0 = arith.constant 0 : i32
    return %arg0, %c0_i32 : i32, i32
  }
  func.func @transform_5(%arg0: i32) -> (i32, i32) {
    %c0_i32 = arith.constant 0 : i32
    %c0_i32_0 = arith.constant 0 : i32
    return %arg0, %c0_i32 : i32, i32
  }
  func.func @transform_6(%arg0: i32) -> (i32, i32) {
    %c0_i32 = arith.constant 0 : i32
    %c0_i32_0 = arith.constant 0 : i32
    return %arg0, %c0_i32 : i32, i32
  }
}

module attributes {stable_mosaic.version = 14 : i64} {
  func.func @_layer_body(%arg0: i32, %arg1: memref<2000x64xbf16, #tpu.memory_space<vmem>>, %arg2: memref<2000x64xbf16, #tpu.memory_space<vmem>>, %arg3: memref<2000x64xbf16, #tpu.memory_space<vmem>>, %arg4: memref<2000x64xbf16, #tpu.memory_space<vmem>>, %arg5: memref<2000x1xf32, #tpu.memory_space<vmem>>, %arg6: memref<1x128xf32, #tpu.memory_space<vmem>>, %arg7: memref<128x128xf32, #tpu.memory_space<vmem>>, %arg8: memref<2000x128xf32, #tpu.memory_space<vmem>>, %arg9: memref<2000x64xbf16, #tpu.memory_space<vmem>>, %arg10: memref<2000x64xbf16, #tpu.memory_space<vmem>>) attributes {dimension_semantics = [#tpu.dimension_semantics<arbitrary>], iteration_bounds = array<i64: 5>, scalar_prefetch = 0 : i64, scratch_operands = 0 : i64, tpu.core_type = #tpu.core_type<tc>, window_params = [{transform_indices = @transform_0, window_bounds = array<i64: 2000, 64>}, {transform_indices = @transform_1, window_bounds = array<i64: 2000, 64>}, {transform_indices = @transform_2, window_bounds = array<i64: 2000, 64>}, {transform_indices = @transform_3, window_bounds = array<i64: 2000, 64>}, {transform_indices = @transform_4, window_bounds = array<i64: 2000, 1>}, {pipeline_mode = #tpu.pipeline_mode<synchronous>, transform_indices = @transform_5, window_bounds = array<i64: 1, 128>}, {pipeline_mode = #tpu.pipeline_mode<synchronous>, transform_indices = @transform_6, window_bounds = array<i64: 128, 128>}, {transform_indices = @transform_7, window_bounds = array<i64: 2000, 128>}, {transform_indices = @transform_8, window_bounds = array<i64: 2000, 64>}, {transform_indices = @transform_9, window_bounds = array<i64: 2000, 64>}]} {
    %get3A = arith.constant 0 : index
    %get3A_0 = arith.constant 0 : index
    %get3A_1 = vector.load %arg5[%get3A, %get3A_0] : memref<2000x1xf32, #tpu.memory_space<vmem>>, vector<2000x1xf32>
    %get3A_2 = arith.constant 0 : index
    %get3A_3 = arith.constant 0 : index
    %get3A_4 = vector.load %arg1[%get3A_2, %get3A_3] : memref<2000x64xbf16, #tpu.memory_space<vmem>>, vector<2000x64xbf16>
    %convert_element_type3A = arith.extf %get3A_4 : vector<2000x64xbf16> to vector<2000x64xf32>
    %get3A_5 = arith.constant 0 : index
    %get3A_6 = arith.constant 0 : index
    %get3A_7 = vector.load %arg3[%get3A_5, %get3A_6] : memref<2000x64xbf16, #tpu.memory_space<vmem>>, vector<2000x64xbf16>
    %convert_element_type3A_8 = arith.extf %get3A_7 : vector<2000x64xbf16> to vector<2000x64xf32>
    %add3A = arith.addf %convert_element_type3A, %convert_element_type3A_8 : vector<2000x64xf32>
    %get3A_9 = arith.constant 0 : index
    %get3A_10 = arith.constant 0 : index
    %get3A_11 = vector.load %arg2[%get3A_9, %get3A_10] : memref<2000x64xbf16, #tpu.memory_space<vmem>>, vector<2000x64xbf16>
    %convert_element_type3A_12 = arith.extf %get3A_11 : vector<2000x64xbf16> to vector<2000x64xf32>
    %get3A_13 = arith.constant 0 : index
    %get3A_14 = arith.constant 0 : index
    %get3A_15 = vector.load %arg4[%get3A_13, %get3A_14] : memref<2000x64xbf16, #tpu.memory_space<vmem>>, vector<2000x64xbf16>
    %convert_element_type3A_16 = arith.extf %get3A_15 : vector<2000x64xbf16> to vector<2000x64xf32>
    %add3A_17 = arith.addf %convert_element_type3A_12, %convert_element_type3A_16 : vector<2000x64xf32>
    %concatenate3A = tpu.concatenate %add3A, %add3A_17 in 1 : vector<2000x64xf32>, vector<2000x64xf32> -> vector<2000x128xf32>
    %mul3A = vector.broadcast %get3A_1 : vector<2000x1xf32> to vector<2000x128xf32>
    %mul3A_18 = arith.mulf %mul3A, %concatenate3A : vector<2000x128xf32>
    %get3A_19 = arith.constant 0 : index
    %get3A_20 = arith.constant 0 : index
    %get3A_21 = vector.load %arg6[%get3A_19, %get3A_20] : memref<1x128xf32, #tpu.memory_space<vmem>>, vector<1x128xf32>
    %add3A_22 = vector.broadcast %get3A_21 : vector<1x128xf32> to vector<2000x128xf32>
    %add3A_23 = arith.addf %mul3A_18, %add3A_22 : vector<2000x128xf32>
    %max3A = arith.constant 0.000000e+00 : f32
    %max3A_24 = vector.broadcast %max3A : f32 to vector<2000x128xf32>
    %max3A_25 = arith.maximumf %add3A_23, %max3A_24 : vector<2000x128xf32>
    %swap3A = arith.constant 0 : index
    %swap3A_26 = arith.constant 0 : index
    %swap3A_27 = vector.load %arg8[%swap3A, %swap3A_26] : memref<2000x128xf32, #tpu.memory_space<vmem>>, vector<2000x128xf32>
    tpu.vector_store %arg8[%swap3A, %swap3A_26], %max3A_25 {strides = array<i32>} : memref<2000x128xf32, #tpu.memory_space<vmem>>, vector<2000x128xf32>,
    %get3A_28 = arith.constant 0 : index
    %get3A_29 = arith.constant 0 : index
    %get3A_30 = vector.load %arg7[%get3A_28, %get3A_29] : memref<128x128xf32, #tpu.memory_space<vmem>>, vector<128x128xf32>
    %dot_general3A = arith.constant dense<0.000000e+00> : vector<2000x128xf32>
    %dot_general3A_31 = tpu.matmul %max3A_25, %get3A_30, %dot_general3A {dimension_numbers = #tpu.dot_dimension_numbers<[1], [0], [0], [1], [0, 0, 1, 1], [], []>, transpose_lhs_hint = false} : vector<2000x128xf32>, vector<128x128xf32>, vector<2000x128xf32> -> vector<2000x128xf32>
    %mul3A_32 = vector.broadcast %get3A_1 : vector<2000x1xf32> to vector<2000x128xf32>
    %mul3A_33 = arith.mulf %dot_general3A_31, %mul3A_32 : vector<2000x128xf32>
    %slice3A = vector.extract_strided_slice %mul3A_33 {offsets = [0, 0], sizes = [2000, 64], strides = [1, 1]} : vector<2000x128xf32> to vector<2000x64xf32>
    %convert_element_type3A_34 = arith.truncf %slice3A : vector<2000x64xf32> to vector<2000x64xbf16>
    %swap3A_35 = arith.constant 0 : index
    %swap3A_36 = arith.constant 0 : index
    %swap3A_37 = vector.load %arg9[%swap3A_35, %swap3A_36] : memref<2000x64xbf16, #tpu.memory_space<vmem>>, vector<2000x64xbf16>
    tpu.vector_store %arg9[%swap3A_35, %swap3A_36], %convert_element_type3A_34 {strides = array<i32>} : memref<2000x64xbf16, #tpu.memory_space<vmem>>, vector<2000x64xbf16>,
    %slice3A_38 = vector.extract_strided_slice %mul3A_33 {offsets = [0, 64], sizes = [2000, 64], strides = [1, 1]} : vector<2000x128xf32> to vector<2000x64xf32>
    %convert_element_type3A_39 = arith.truncf %slice3A_38 : vector<2000x64xf32> to vector<2000x64xbf16>
    %swap3A_40 = arith.constant 0 : index
    %swap3A_41 = arith.constant 0 : index
    %swap3A_42 = vector.load %arg10[%swap3A_40, %swap3A_41] : memref<2000x64xbf16, #tpu.memory_space<vmem>>, vector<2000x64xbf16>
    tpu.vector_store %arg10[%swap3A_40, %swap3A_41], %convert_element_type3A_39 {strides = array<i32>} : memref<2000x64xbf16, #tpu.memory_space<vmem>>, vector<2000x64xbf16>,
    return
  }
  func.func @transform_0(%arg0: i32) -> (i32, i32) {
    %c0_i32 = arith.constant 0 : i32
    %c0_i32_0 = arith.constant 0 : i32
    return %arg0, %c0_i32 : i32, i32
  }
  func.func @transform_1(%arg0: i32) -> (i32, i32) {
    %c0_i32 = arith.constant 0 : i32
    %c0_i32_0 = arith.constant 0 : i32
    return %arg0, %c0_i32 : i32, i32
  }
  func.func @transform_2(%arg0: i32) -> (i32, i32) {
    %c0_i32 = arith.constant 0 : i32
    %c0_i32_0 = arith.constant 0 : i32
    return %arg0, %c0_i32 : i32, i32
  }
  func.func @transform_3(%arg0: i32) -> (i32, i32) {
    %c0_i32 = arith.constant 0 : i32
    %c0_i32_0 = arith.constant 0 : i32
    return %arg0, %c0_i32 : i32, i32
  }
  func.func @transform_4(%arg0: i32) -> (i32, i32) {
    %c0_i32 = arith.constant 0 : i32
    %c0_i32_0 = arith.constant 0 : i32
    return %arg0, %c0_i32 : i32, i32
  }
  func.func @transform_5(%arg0: i32) -> (i32, i32) {
    %c0_i32 = arith.constant 0 : i32
    %c0_i32_0 = arith.constant 0 : i32
    %c0_i32_1 = arith.constant 0 : i32
    return %c0_i32, %c0_i32_0 : i32, i32
  }
  func.func @transform_6(%arg0: i32) -> (i32, i32) {
    %c0_i32 = arith.constant 0 : i32
    %c0_i32_0 = arith.constant 0 : i32
    %c0_i32_1 = arith.constant 0 : i32
    return %c0_i32, %c0_i32_0 : i32, i32
  }
  func.func @transform_7(%arg0: i32) -> (i32, i32) {
    %c0_i32 = arith.constant 0 : i32
    %c0_i32_0 = arith.constant 0 : i32
    return %arg0, %c0_i32 : i32, i32
  }
  func.func @transform_8(%arg0: i32) -> (i32, i32) {
    %c0_i32 = arith.constant 0 : i32
    %c0_i32_0 = arith.constant 0 : i32
    return %arg0, %c0_i32 : i32, i32
  }
  func.func @transform_9(%arg0: i32) -> (i32, i32) {
    %c0_i32 = arith.constant 0 : i32
    %c0_i32_0 = arith.constant 0 : i32
    return %arg0, %c0_i32 : i32, i32
  }
}

module attributes {stable_mosaic.version = 14 : i64} {
  func.func @_final_body(%arg0: i32, %arg1: memref<2000x64xbf16, #tpu.memory_space<vmem>>, %arg2: memref<2000x64xbf16, #tpu.memory_space<vmem>>, %arg3: memref<2000x64xbf16, #tpu.memory_space<vmem>>, %arg4: memref<2000x64xbf16, #tpu.memory_space<vmem>>, %arg5: memref<2000x1xf32, #tpu.memory_space<vmem>>, %arg6: memref<1x128xf32, #tpu.memory_space<vmem>>, %arg7: memref<2000x128xf32, #tpu.memory_space<vmem>>, %arg8: memref<2000x128xf32, #tpu.memory_space<vmem>>, %arg9: memref<2000x128xf32, #tpu.memory_space<vmem>>, %arg10: memref<512x40xf32, #tpu.memory_space<vmem>>, %arg11: memref<1x40xf32, #tpu.memory_space<vmem>>, %arg12: memref<2000x40xf32, #tpu.memory_space<vmem>>) attributes {dimension_semantics = [#tpu.dimension_semantics<arbitrary>], iteration_bounds = array<i64: 5>, scalar_prefetch = 0 : i64, scratch_operands = 0 : i64, tpu.core_type = #tpu.core_type<tc>, window_params = [{transform_indices = @transform_0, window_bounds = array<i64: 2000, 64>}, {transform_indices = @transform_1, window_bounds = array<i64: 2000, 64>}, {transform_indices = @transform_2, window_bounds = array<i64: 2000, 64>}, {transform_indices = @transform_3, window_bounds = array<i64: 2000, 64>}, {transform_indices = @transform_4, window_bounds = array<i64: 2000, 1>}, {pipeline_mode = #tpu.pipeline_mode<synchronous>, transform_indices = @transform_5, window_bounds = array<i64: 1, 128>}, {transform_indices = @transform_6, window_bounds = array<i64: 2000, 128>}, {transform_indices = @transform_7, window_bounds = array<i64: 2000, 128>}, {transform_indices = @transform_8, window_bounds = array<i64: 2000, 128>}, {pipeline_mode = #tpu.pipeline_mode<synchronous>, transform_indices = @transform_9, window_bounds = array<i64: 512, 40>}, {pipeline_mode = #tpu.pipeline_mode<synchronous>, transform_indices = @transform_10, window_bounds = array<i64: 1, 40>}, {transform_indices = @transform_11, window_bounds = array<i64: 2000, 40>}]} {
    %get3A = arith.constant 0 : index
    %get3A_0 = arith.constant 0 : index
    %get3A_1 = vector.load %arg5[%get3A, %get3A_0] : memref<2000x1xf32, #tpu.memory_space<vmem>>, vector<2000x1xf32>
    %get3A_2 = arith.constant 0 : index
    %get3A_3 = arith.constant 0 : index
    %get3A_4 = vector.load %arg1[%get3A_2, %get3A_3] : memref<2000x64xbf16, #tpu.memory_space<vmem>>, vector<2000x64xbf16>
    %convert_element_type3A = arith.extf %get3A_4 : vector<2000x64xbf16> to vector<2000x64xf32>
    %get3A_5 = arith.constant 0 : index
    %get3A_6 = arith.constant 0 : index
    %get3A_7 = vector.load %arg3[%get3A_5, %get3A_6] : memref<2000x64xbf16, #tpu.memory_space<vmem>>, vector<2000x64xbf16>
    %convert_element_type3A_8 = arith.extf %get3A_7 : vector<2000x64xbf16> to vector<2000x64xf32>
    %add3A = arith.addf %convert_element_type3A, %convert_element_type3A_8 : vector<2000x64xf32>
    %get3A_9 = arith.constant 0 : index
    %get3A_10 = arith.constant 0 : index
    %get3A_11 = vector.load %arg2[%get3A_9, %get3A_10] : memref<2000x64xbf16, #tpu.memory_space<vmem>>, vector<2000x64xbf16>
    %convert_element_type3A_12 = arith.extf %get3A_11 : vector<2000x64xbf16> to vector<2000x64xf32>
    %get3A_13 = arith.constant 0 : index
    %get3A_14 = arith.constant 0 : index
    %get3A_15 = vector.load %arg4[%get3A_13, %get3A_14] : memref<2000x64xbf16, #tpu.memory_space<vmem>>, vector<2000x64xbf16>
    %convert_element_type3A_16 = arith.extf %get3A_15 : vector<2000x64xbf16> to vector<2000x64xf32>
    %add3A_17 = arith.addf %convert_element_type3A_12, %convert_element_type3A_16 : vector<2000x64xf32>
    %concatenate3A = tpu.concatenate %add3A, %add3A_17 in 1 : vector<2000x64xf32>, vector<2000x64xf32> -> vector<2000x128xf32>
    %mul3A = vector.broadcast %get3A_1 : vector<2000x1xf32> to vector<2000x128xf32>
    %mul3A_18 = arith.mulf %mul3A, %concatenate3A : vector<2000x128xf32>
    %get3A_19 = arith.constant 0 : index
    %get3A_20 = arith.constant 0 : index
    %get3A_21 = vector.load %arg6[%get3A_19, %get3A_20] : memref<1x128xf32, #tpu.memory_space<vmem>>, vector<1x128xf32>
    %add3A_22 = vector.broadcast %get3A_21 : vector<1x128xf32> to vector<2000x128xf32>
    %add3A_23 = arith.addf %mul3A_18, %add3A_22 : vector<2000x128xf32>
    %max3A = arith.constant 0.000000e+00 : f32
    %max3A_24 = vector.broadcast %max3A : f32 to vector<2000x128xf32>
    %max3A_25 = arith.maximumf %add3A_23, %max3A_24 : vector<2000x128xf32>
    %get3A_26 = arith.constant 0 : index
    %get3A_27 = arith.constant 0 : index
    %get3A_28 = vector.load %arg10[%get3A_26, %get3A_27] : memref<512x40xf32, #tpu.memory_space<vmem>>, vector<512x40xf32>
    %get3A_29 = arith.constant 0 : index
    %get3A_30 = arith.constant 0 : index
    %get3A_31 = vector.load %arg7[%get3A_29, %get3A_30] : memref<2000x128xf32, #tpu.memory_space<vmem>>, vector<2000x128xf32>
    %slice3A = vector.extract_strided_slice %get3A_28 {offsets = [0, 0], sizes = [128, 40], strides = [1, 1]} : vector<512x40xf32> to vector<128x40xf32>
    %dot_general3A = arith.constant dense<0.000000e+00> : vector<2000x40xf32>
    %dot_general3A_32 = tpu.matmul %get3A_31, %slice3A, %dot_general3A {dimension_numbers = #tpu.dot_dimension_numbers<[1], [0], [0], [1], [0, 0, 1, 1], [], []>, transpose_lhs_hint = false} : vector<2000x128xf32>, vector<128x40xf32>, vector<2000x40xf32> -> vector<2000x40xf32>
    %get3A_33 = arith.constant 0 : index
    %get3A_34 = arith.constant 0 : index
    %get3A_35 = vector.load %arg8[%get3A_33, %get3A_34] : memref<2000x128xf32, #tpu.memory_space<vmem>>, vector<2000x128xf32>
    %slice3A_36 = vector.extract_strided_slice %get3A_28 {offsets = [128, 0], sizes = [128, 40], strides = [1, 1]} : vector<512x40xf32> to vector<128x40xf32>
    %dot_general3A_37 = arith.constant dense<0.000000e+00> : vector<2000x40xf32>
    %dot_general3A_38 = tpu.matmul %get3A_35, %slice3A_36, %dot_general3A_37 {dimension_numbers = #tpu.dot_dimension_numbers<[1], [0], [0], [1], [0, 0, 1, 1], [], []>, transpose_lhs_hint = false} : vector<2000x128xf32>, vector<128x40xf32>, vector<2000x40xf32> -> vector<2000x40xf32>
    %add3A_39 = arith.addf %dot_general3A_32, %dot_general3A_38 : vector<2000x40xf32>
    %get3A_40 = arith.constant 0 : index
    %get3A_41 = arith.constant 0 : index
    %get3A_42 = vector.load %arg9[%get3A_40, %get3A_41] : memref<2000x128xf32, #tpu.memory_space<vmem>>, vector<2000x128xf32>
    %slice3A_43 = vector.extract_strided_slice %get3A_28 {offsets = [256, 0], sizes = [128, 40], strides = [1, 1]} : vector<512x40xf32> to vector<128x40xf32>
    %dot_general3A_44 = arith.constant dense<0.000000e+00> : vector<2000x40xf32>
    %dot_general3A_45 = tpu.matmul %get3A_42, %slice3A_43, %dot_general3A_44 {dimension_numbers = #tpu.dot_dimension_numbers<[1], [0], [0], [1], [0, 0, 1, 1], [], []>, transpose_lhs_hint = false} : vector<2000x128xf32>, vector<128x40xf32>, vector<2000x40xf32> -> vector<2000x40xf32>
    %add3A_46 = arith.addf %add3A_39, %dot_general3A_45 : vector<2000x40xf32>
    %slice3A_47 = vector.extract_strided_slice %get3A_28 {offsets = [384, 0], sizes = [128, 40], strides = [1, 1]} : vector<512x40xf32> to vector<128x40xf32>
    %dot_general3A_48 = arith.constant dense<0.000000e+00> : vector<2000x40xf32>
    %dot_general3A_49 = tpu.matmul %max3A_25, %slice3A_47, %dot_general3A_48 {dimension_numbers = #tpu.dot_dimension_numbers<[1], [0], [0], [1], [0, 0, 1, 1], [], []>, transpose_lhs_hint = false} : vector<2000x128xf32>, vector<128x40xf32>, vector<2000x40xf32> -> vector<2000x40xf32>
    %add3A_50 = arith.addf %add3A_46, %dot_general3A_49 : vector<2000x40xf32>
    %get3A_51 = arith.constant 0 : index
    %get3A_52 = arith.constant 0 : index
    %get3A_53 = vector.load %arg11[%get3A_51, %get3A_52] : memref<1x40xf32, #tpu.memory_space<vmem>>, vector<1x40xf32>
    %add3A_54 = vector.broadcast %get3A_53 : vector<1x40xf32> to vector<2000x40xf32>
    %add3A_55 = arith.addf %add3A_50, %add3A_54 : vector<2000x40xf32>
    %swap3A = arith.constant 0 : index
    %swap3A_56 = arith.constant 0 : index
    %swap3A_57 = vector.load %arg12[%swap3A, %swap3A_56] : memref<2000x40xf32, #tpu.memory_space<vmem>>, vector<2000x40xf32>
    tpu.vector_store %arg12[%swap3A, %swap3A_56], %add3A_55 {strides = array<i32>} : memref<2000x40xf32, #tpu.memory_space<vmem>>, vector<2000x40xf32>,
    return
  }
  func.func @transform_0(%arg0: i32) -> (i32, i32) {
    %c0_i32 = arith.constant 0 : i32
    %c0_i32_0 = arith.constant 0 : i32
    return %arg0, %c0_i32 : i32, i32
  }
  func.func @transform_1(%arg0: i32) -> (i32, i32) {
    %c0_i32 = arith.constant 0 : i32
    %c0_i32_0 = arith.constant 0 : i32
    return %arg0, %c0_i32 : i32, i32
  }
  func.func @transform_2(%arg0: i32) -> (i32, i32) {
    %c0_i32 = arith.constant 0 : i32
    %c0_i32_0 = arith.constant 0 : i32
    return %arg0, %c0_i32 : i32, i32
  }
  func.func @transform_3(%arg0: i32) -> (i32, i32) {
    %c0_i32 = arith.constant 0 : i32
    %c0_i32_0 = arith.constant 0 : i32
    return %arg0, %c0_i32 : i32, i32
  }
  func.func @transform_4(%arg0: i32) -> (i32, i32) {
    %c0_i32 = arith.constant 0 : i32
    %c0_i32_0 = arith.constant 0 : i32
    return %arg0, %c0_i32 : i32, i32
  }
  func.func @transform_5(%arg0: i32) -> (i32, i32) {
    %c0_i32 = arith.constant 0 : i32
    %c0_i32_0 = arith.constant 0 : i32
    %c0_i32_1 = arith.constant 0 : i32
    return %c0_i32, %c0_i32_0 : i32, i32
  }
  func.func @transform_6(%arg0: i32) -> (i32, i32) {
    %c0_i32 = arith.constant 0 : i32
    %c0_i32_0 = arith.constant 0 : i32
    return %arg0, %c0_i32 : i32, i32
  }
  func.func @transform_7(%arg0: i32) -> (i32, i32) {
    %c0_i32 = arith.constant 0 : i32
    %c0_i32_0 = arith.constant 0 : i32
    return %arg0, %c0_i32 : i32, i32
  }
  func.func @transform_8(%arg0: i32) -> (i32, i32) {
    %c0_i32 = arith.constant 0 : i32
    %c0_i32_0 = arith.constant 0 : i32
    return %arg0, %c0_i32 : i32, i32
  }
  func.func @transform_9(%arg0: i32) -> (i32, i32) {
    %c0_i32 = arith.constant 0 : i32
    %c0_i32_0 = arith.constant 0 : i32
    %c0_i32_1 = arith.constant 0 : i32
    return %c0_i32, %c0_i32_0 : i32, i32
  }
  func.func @transform_10(%arg0: i32) -> (i32, i32) {
    %c0_i32 = arith.constant 0 : i32
    %c0_i32_0 = arith.constant 0 : i32
    %c0_i32_1 = arith.constant 0 : i32
    return %c0_i32, %c0_i32_0 : i32, i32
  }
  func.func @transform_11(%arg0: i32) -> (i32, i32) {
    %c0_i32 = arith.constant 0 : i32
    %c0_i32_0 = arith.constant 0 : i32
    return %arg0, %c0_i32 : i32, i32
  }
}

</mosaic_0001>

<sc_bundles>
// kernel: kernel.10.cloned.1.call-start
scs
__scs_entry_jumppad:
0x0: {  	(pc) =	sbr.rel $0x88, $3  }
0x1: {  	(tag) =	ssettag $0x0;
	lr =	simm.s32 $0x1  }
0x2: {  	[smem:$0x3F97] =	sst lr;
	_ =	strace $0xD0000000  }
0x3: {  	_ = 	snop  }
0x4: {  	_ = 	snop  }
0x5: {  	_ = 	snop  }
0x6: {  	_ = 	snop  }
0x7: {  	_ = 	snop  }
__scs_overlays_trampoline_lowered:
0x8: {  	[smem:$0x3FA6] =	sst s0  }
0x9: {  	[smem:$0x3FA7] =	sst s1  }
0xa: {  	[smem:$0x3FA8] =	sst s2  }
0xb: {  	[smem:$0x3FA9] =	sst s3  }
0xc: {  	[smem:$0x3FAA] =	sst s4  }
0xd: {  	[smem:$0x3FAB] =	sst s5  }
0xe: {  	[smem:$0x3FAC] =	sst s6  }
0xf: {  	[smem:$0x3FAD] =	sst s7  }
0x10: {  	[smem:$0x3FAE] =	sst s8  }
0x11: {  	[smem:$0x3FAF] =	sst s9;
	s0 =	simm.s32 @!p0 $0x0  }
0x12: {  	s1 =	sld [smem:$0x3F95];
	s0 =	simm.s32 @p0 $0x1  }
0x13: {  	[smem:$0x3FB0] =	sst s0;
	s0 =	simm.s32 @!p1 $0x0  }
0x14: {  	s2 =	sld [smem:$0x3F94];
	s0 =	simm.s32 @p1 $0x1  }
0x15: {  	[smem:$0x3FB1] =	sst s0;
	s0 =	simm.s32 @!p2 $0x0  }
0x16: {  	s3 =	sld [smem:$0x3FDB];
	s0 =	simm.s32 @p2 $0x1  }
0x17: {  	s4 =	simm.s32 $0x1BF5;
	[smem:$0x3FB3] =	sst s0  }
0x18: {  	s0 =	sld [smem:$0x3F96];
	_ =	swait.ge [sflag:s4], $0x0  }
0x19: {  	s7 =	sld [smem:$0x3F97]  }
0x1a: {  	s8 =	sadd.s32 $0xFFFFE003, lr  }
0x1b: {  	s9 =	sadd.s32 $0xFFFFFEF7, lr;
	s5 =	simm.s32 $0xFFFFFFFF;
	p2 =	slt.u32 s8, $0xFFFFF086  }
0x1c: {  	p1 =	slt.u32 s9, $0xF7A;
	s5 =	simm.s32 @!p2 $0x0  }
0x1d: {  	s5 =	simm.s32 @p1 $0x1;
	p0 =	seq.s32 s7, s2  }
0x1e: {  	s7 =	smul.u32 @!p0 $0xF7A, s2;
	p2 =	seq.s32 @!p0 s5, $0x0  }
0x1f: {  	s9 =	smul.u32 $0xF7A, s1;
	s8 =	simm.s32 @!p0 $0x1BF5;
	p2 =	por !p2, p0  }
0x20: {  	[sflag:s8] =	ssyncset.s32 @!p0 $0xFFFFF086;
	s6 =	sadd.s32 @!p0 s3, s7;
	s7 =	simm.s32 @!p0 $0x108  }
0x21: {  	s3 =	sadd.s32 s3, s9;
	s6 =	sadd.s32 @!p0 $0x88, s6;
	s7 =	simm.s32 @p2 $0x1082  }
0x22: {  	[simem:s7], [sflag:s8] =	dma.local @!p0 [hbm:s6], $0xF7A  }
0x23: {  	s9 =	sor.u32 $0xD0000000, s2;
	s6 =	simm.s32 $0x108;
	_ =	swait.ge @!p0 [sflag:s8], $0x0  }
0x24: {  	s3 =	sadd.s32 $0x88, s3;
	s6 =	simm.s32 @!p1 $0x1082;
	[sflag:s4] =	ssyncset.s32 $0xFFFFF086  }
0x25: {  	[simem:s6], [sflag:s4] =	dma.local [hbm:s3], $0xF7A  }
0x26: {  	[smem:$0x3F97] =	sst s1;
	(tag) =	ssettag s2;
	_ =	strace s9  }
0x27: {  	s1 =	sld [smem:$0x3FA7]  }
0x28: {  	s2 =	sld [smem:$0x3FA8]  }
0x29: {  	s4 =	sld [smem:$0x3FAA]  }
0x2a: {  	p0 =	seq.s32 s5, $0x0;
	s5 =	sld [smem:$0x3FAB]  }
0x2b: {  	s6 =	sld [smem:$0x3FAC]  }
0x2c: {  	s7 =	sld [smem:$0x3FAD]  }
0x2d: {  	s3 =	simm.s32 $0x108;
	s8 =	sld [smem:$0x3FAE]  }
0x2e: {  	s3 =	simm.s32 @!p0 $0x1082;
	s9 =	sld [smem:$0x3FAF]  }
0x2f: {  	lr =	sadd.s32 s0, s3;
	s0 =	sld [smem:$0x3FA6]  }
0x30: {  	s3 =	sld [smem:$0x3FA9]  }
0x31: {  	[smem:$0x3FB2] =	sst s10  }
0x32: {  	s10 =	sld [smem:$0x3FB0];
	_ =	sdelay $0x3  }
0x33: {  	p0 =	seq.s32 s10, $0x1;
	s10 =	sld [smem:$0x3FB2];
	_ =	sdelay $0x3  }
0x34: {  	[smem:$0x3FB2] =	sst s10  }
0x35: {  	s10 =	sld [smem:$0x3FB1];
	_ =	sdelay $0x3  }
0x36: {  	p1 =	seq.s32 s10, $0x1;
	s10 =	sld [smem:$0x3FB2];
	_ =	sdelay $0x3  }
0x37: {  	[smem:$0x3FB2] =	sst s10  }
0x38: {  	s10 =	sld [smem:$0x3FB3]  }
0x39: {  	_ = 	snop;
	(pc) =	sbr.ind lr, $3  }
0x3a: {  	_ = 	snop  }
0x3b: {  	_ = 	snop  }
0x3c: {  	p2 =	seq.s32 s10, $0x1;
	s10 =	sld [smem:$0x3FB2]  }
0x3d: {  	_ =	shalt  }
0x3e: {  	_ =	shalt  }
0x3f: {  	_ =	shalt  }
0x40: {  	_ =	shalt  }
0x41: {  	_ =	shalt  }
0x42: {  	_ =	shalt  }
0x43: {  	_ =	shalt  }
0x44: {  	_ =	shalt  }
0x45: {  	_ =	shalt  }
0x46: {  	_ =	shalt  }
0x47: {  	_ =	shalt  }
0x48: {  	_ =	shalt  }
0x49: {  	_ =	shalt  }
0x4a: {  	_ =	shalt  }
0x4b: {  	_ =	shalt  }
0x4c: {  	_ =	shalt  }
0x4d: {  	_ =	shalt  }
0x4e: {  	_ =	shalt  }
0x4f: {  	_ =	shalt  }
0x50: {  	_ =	shalt  }
0x51: {  	_ =	shalt  }
0x52: {  	_ =	shalt  }
0x53: {  	_ =	shalt  }
0x54: {  	_ =	shalt  }
0x55: {  	_ =	shalt  }
0x56: {  	_ =	shalt  }
0x57: {  	_ =	shalt  }
0x58: {  	_ =	shalt  }
0x59: {  	_ =	shalt  }
0x5a: {  	_ =	shalt  }
0x5b: {  	_ =	shalt  }
0x5c: {  	_ =	shalt  }
0x5d: {  	_ =	shalt  }
0x5e: {  	_ =	shalt  }
0x5f: {  	_ =	shalt  }
0x60: {  	_ =	shalt  }
0x61: {  	_ =	shalt  }
0x62: {  	_ =	shalt  }
0x63: {  	_ =	shalt  }
0x64: {  	_ =	shalt  }
0x65: {  	_ =	shalt  }
0x66: {  	_ =	shalt  }
0x67: {  	_ =	shalt  }
0x68: {  	_ =	shalt  }
0x69: {  	_ =	shalt  }
0x6a: {  	_ =	shalt  }
0x6b: {  	_ =	shalt  }
0x6c: {  	_ =	shalt  }
0x6d: {  	_ =	shalt  }
0x6e: {  	_ =	shalt  }
0x6f: {  	_ =	shalt  }
0x70: {  	_ =	shalt  }
0x71: {  	_ =	shalt  }
0x72: {  	_ =	shalt  }
0x73: {  	_ =	shalt  }
0x74: {  	_ =	shalt  }
0x75: {  	_ =	shalt  }
0x76: {  	_ =	shalt  }
0x77: {  	_ =	shalt  }
0x78: {  	_ =	shalt  }
0x79: {  	_ =	shalt  }
0x7a: {  	_ =	shalt  }
0x7b: {  	_ =	shalt  }
0x7c: {  	_ =	shalt  }
0x7d: {  	_ =	shalt  }
0x7e: {  	_ =	shalt  }
0x7f: {  	_ =	shalt  }
0x80: {  	_ =	shalt  }
0x81: {  	_ =	shalt  }
0x82: {  	_ =	shalt  }
0x83: {  	_ =	shalt  }
0x84: {  	_ =	shalt  }
0x85: {  	_ =	shalt  }
0x86: {  	_ =	shalt  }
0x87: {  	_ =	shalt  }
.Lfunc_end0:
.L_simem_size_0:
called_computation_lowered:
.L_overlay_start_0:
0x88: {  	s2 =	sld [smem:$0x3FD9]  }
0x89: {  	s3 =	sld [smem:$0x3FFE];
	_ =	sdelay $0x1  }
0x8a: {  	s1 =	srdreg.scid  }
0x8b: {  	s0 =	sand.u32 $0x1, s1  }
0x8c: {  	s17 =	sshll.u32 s0, $0xA;
	s2 =	sadd.s32 s3, s2  }
0x8d: {  	s2 =	sadd.s32 s2, s17  }
0x8e: {  	[smem:$0x3FBE] =	sst s2  }
0x8f: {  	_ = 	snop  }
0x90: {  	s2 =	sld [smem:$0x3FD0];
	(tm) =	ssettm $0x1  }
0x91: {  	s18 =	sld [smem:$0x3FFB];
	_ =	sdelay $0x3  }
0x92: {  	_ =	strace s18  }
0x93: {  	s3 =	sld [smem:$0x3FFC];
	_ =	sdelay $0x3  }
0x94: {  	_ =	strace s3  }
0x95: {  	s3 =	sld [smem:$0x3FFD];
	_ =	sdelay $0x3  }
0x96: {  	_ =	strace s3  }
0x97: {  	_ =	strace $0x8FFFFFFF  }
0x98: {  	s19 =	sld [smem:$0x3FDB];
	_ =	sdelay $0x1  }
0x99: {  	s4 =	simm.s32 $_scs_section_size  }
0x9a: {  	s5 =	simm.s32 $_size__tile_overlayer_lowered;
	s6 =	simm.s32 $_tile_overlayer_lowered  }
0x9b: {  	s22 =	simm.s32 $0x1BFF;
	s21 =	sshll.u32 s6, $0x1;
	s3 =	sadd.s32 s4, s19  }
0x9c: {  	s7 =	simm.s32 $0x0;
	s20 =	sshll.u32 s5, $0x1;
	s5 =	sadd.s32 s21, s3  }
0x9d: {  	[timem:s7], [sflag:s22] =	dma.local [hbm:s5], s20  }
0x9e: {  	_ =	swait.ge [sflag:s22], s20  }
0x9f: {  	s4 =	ssub.s32 $0x0, s20;
	[sflag:s22] =	ssyncset.done $0x0  }
0xa0: {  	[sflag:s22] =	ssyncadd.s32 s4;
	_ =	sdelay $0x1  }
0xa1: {  	s23 =	simm.s32 $0x1B8B  }
0xa2: {  	_ =	swait.ge [sflag:s23], $0x1  }
0xa3: {  	[sflag:s23] =	ssyncset.done $0x0  }
0xa4: {  	s25 =	simm.s32 $0x1B8E;
	s24 =	sld [smem:$0x3FFE];
	[sflag:s23] =	ssyncadd.s32 $0xFFFFFFFF  }
0xa5: {  	s26 =	simm.s32 $execute0_lowered;
	[smem:$0x3FD2] =	sst s25  }
0xa6: {  	s5 =	sshll.u32 s26, $0x1;
	_ =	strace $0x80000046;
	[dreg:$0x1] =	wrdreg $0xFFFFFFFF  }
0xa7: {  	s28 =	simm.s32 $_size_execute0_lowered;
	s3 =	sadd.s32 s3, s5;
	[dreg:$0x0] =	wrdreg $0x0  }
0xa8: {  	s5 =	sshll.u32 s28, $0x1;
	[dreg:$0x2] =	wrdreg s3  }
0xa9: {  	[dreg:$0x3] =	wrdreg s5  }
0xaa: {  	[dreg:$0x4] =	wrdreg $0xC0  }
0xab: {  	_ =	task [dreg:s7], $0x5FFFF  }
0xac: {  	[dreg:$0x1] =	wrdreg $0xFFFFFFFF  }
0xad: {  	[dreg:$0x0] =	wrdreg $0x60  }
0xae: {  	[dreg:$0x2] =	wrdreg s24  }
0xaf: {  	[dreg:$0x3] =	wrdreg s2  }
0xb0: {  	[dreg:$0x4] =	wrdreg $0x34100  }
0xb1: {  	[dreg:$0x5] =	wrdreg $0x9  }
0xb2: {  	_ =	task.clear_ibuf [dreg:s7], $0x6FFFF;
	_ =	strace $0x90000046  }
0xb3: {  	s29 =	simm.s32 $0x9;
	_ =	strace $0x80000048  }
0xb4: {  	_ =	swait.ge [sflag:s29], $0x1  }
0xb5: {  	[sflag:s29] =	ssyncadd.s32 $0xFFFFFFFF  }
0xb6: {  	_ =	strace $0x90000048  }
0xb7: {  	_ =	sfence  }
0xb8: {  	s30 =	sld [smem:$0x0];
	_ =	sdelay $0x2  }
0xb9: {  	s31 =	sshll.u32 s1, $0xD;
	s1 =	sshrl.u32 s1, $0x2  }
0xba: {  	s3 =	sand.u32 $0x4000, s31;
	s1 =	sadd.s32 s1, s30  }
0xbb: {  	s0 =	sor.u32 s3, s0;
	s1 =	sshll.u32 s1, $0x11  }
0xbc: {  	s0 =	sor.u32 s1, s0  }
0xbd: {  	s0 =	sadd.s32 $0x8F2B, s0  }
0xbe: {  	[sflag:s0] =	ssyncadd.remote.s32 $0x1  }
0xbf: {  	_ =	sfence.sel $0xFFFF  }
0xc0: {  	[dreg:$0x0] =	wrdreg $0xFFFFFFFF;
	(pc) =	sbr.abs _section_cstart, $3  }
0xc1: {  	[dreg:$0x1] =	wrdreg $0xFFFFFFFF  }
0xc2: {  	_ =	task.clear_ibuf [dreg:s7], $0x2FFFF;
	_ =	strace $0x9FFFFFFF  }
0xc3: {  	(tm) =	ssettm $0x7FFFFFFF  }
tec
execute0_lowered:
.L_overlay_start_1:
0x0: {  	(tag) =	ssettag $0x1  }
0x1: {  	s4 =	rddreg [dreg:$0x0];
	s1 =	srdreg.scid  }
0x2: {  	s0 =	stileid.u32;
	s11 =	rddreg [dreg:$0x1]  }
0x3: {  	s2 =	rddreg [dreg:$0x2];
	s3 =	simm.s32 $0x0;
	s14 =	simm.s32 $0x50  }
0x4: {  	s15 =	simm.s32 $0x2710;
	s6 =	sand.u32 $0x1, s1;
	s1 =	rddreg [dreg:$0x3]  }
0x5: {  	s31 =	sshll.u32 s0, $0x1;
	[smem:$0x7FF] =	sst s3;
	s7 =	smul.u32 $0xA000, s0  }
0x6: {  	s10 =	smul.u32 $0x2800, s0;
	s12 =	sadd.s32 $0x18800, s4;
	s16 =	sshll.u32 s0, $0x6  }
0x7: {  	s5 =	sor.u32 s6, s31;
	_ =	strace $0x80000047;
	s8 =	ssub.s32 $0x2, s6  }
0x8: {  	p0 =	seq.s32 s6, $0x1;
	s16 =	sor.u32 $0x1C01, s16;
	s5 =	smul.u32 $0x4E2, s5  }
0x9: {  	s9 =	sshrl.u32 s8, $0x1;
	s7 =	sshrl.u32 s7, $0x2;
	s13 =	sshrl.u32 s10, $0x3  }
0xa: {  	s17 =	sadd.s32 s10, s2;
	s11 =	smov.u32 @p0 s12;
	s12 =	simm.s32 $0x2C10  }
0xb: {  	s8 =	ssub.s32 s8, s9;
	s11 =	sadd.s32 s11, s13;
	s13 =	simm.s32 $0x1  }
0xc: {  	s17 =	sshrl.u32 s17, $0x3;
	s5 =	sadd.s32 s5, s4;
	s4 =	sadd.s32 s7, s2  }
0xd: {  	s6 =	smax.u32 s8, $0x1;
	s5 =	sadd.s32 $0xEA00, s5;
	s7 =	sadd.s32 $0x800, s4  }
0xe: {  	v0 =	vimm.f32 $1.000000000e+00;
	v1 =	vimm.f32 $0.0e+00;
	s8 =	sadd.s32 $0x1000, s4;
	s9 =	sadd.s32 $0x1800, s4;
	s10 =	sadd.s32 $0x2000, s4  }
.LBB2_1:
0xf: {  	s18 =	simm.s32 $0x0  }
.LBB2_2:
0x10: {  	p0 =	sne.s32 s18, $0x13C0  }
.Ltmp0:
0x11: {  	_ = 	snop;
	(pc) =	sbr.rel @p0 .LBB2_2-.Ltmp0, $3  }
0x12: {  	_ =	sdelay $0x1  }
0x13: {  	s19 =	sshra.s32 s18, $0x2  }
0x14: {  	s18 =	sadd.s32 $0x40, s18;
	[tilespmem:s19+$0x2710] =	vst v0  }
0x15: {  	s18 =	simm.s32 $0x40;
	s19 =	simm.s32 $0x0  }
.LBB2_4:
0x16: {  	p0 =	sne.s32 s18, $0x1FC0;
	[tilespmem:s19+$0x2C10] =	vst v1;
	s19 =	smov.u32 s18;
	s18 =	sadd.s32 $0x40, s18  }
.Ltmp1:
0x17: {  	(pc) =	sbr.rel @p0 .LBB2_4-.Ltmp1, $2  }
0x18: {  	_ =	sdelay $0x2  }
0x19: {  	s19 =	sshra.s32 s19, $0x2  }
0x1a: {  	[tilespmem:s19+$0x2C10] =	vst v1  }
0x1b: {  	[spmem:s4] =	stream.linear.scatter [tilespmem:s12], [sflag:$0x1], $0x800, $0x38;
	[tilespmem:$0x5C10] =	vst v63  }
0x1c: {  	_ =	swait.ge [sflag:s13], $0x800  }
0x1d: {  	[sflag:s13] =	ssyncset.done $0x0  }
0x1e: {  	[sflag:s13] =	ssyncadd.s32 $0xFFFFF800  }
0x1f: {  	[spmem:s7] =	stream.linear.scatter [tilespmem:s12], [sflag:$0x1], $0x800, $0x38;
	[tilespmem:$0x5C10] =	vst v63  }
0x20: {  	_ =	swait.ge [sflag:s13], $0x800  }
0x21: {  	[sflag:s13] =	ssyncset.done $0x0  }
0x22: {  	[sflag:s13] =	ssyncadd.s32 $0xFFFFF800  }
0x23: {  	[spmem:s8] =	stream.linear.scatter [tilespmem:s12], [sflag:$0x1], $0x800, $0x38;
	[tilespmem:$0x5C10] =	vst v63  }
0x24: {  	_ =	swait.ge [sflag:s13], $0x800  }
0x25: {  	[sflag:s13] =	ssyncset.done $0x0  }
0x26: {  	[sflag:s13] =	ssyncadd.s32 $0xFFFFF800  }
0x27: {  	[spmem:s9] =	stream.linear.scatter [tilespmem:s12], [sflag:$0x1], $0x800, $0x38;
	[tilespmem:$0x5C10] =	vst v63  }
0x28: {  	_ =	swait.ge [sflag:s13], $0x800  }
0x29: {  	[sflag:s13] =	ssyncset.done $0x0  }
0x2a: {  	[sflag:s13] =	ssyncadd.s32 $0xFFFFF800  }
0x2b: {  	[spmem:s10] =	stream.linear.scatter [tilespmem:s12], [sflag:$0x1], $0x800, $0x38;
	[tilespmem:$0x5C10] =	vst v63  }
0x2c: {  	_ =	swait.ge [sflag:s13], $0x800  }
0x2d: {  	[sflag:s13] =	ssyncset.done $0x0  }
0x2e: {  	s18 =	simm.s32 $0x0;
	[sflag:s13] =	ssyncadd.s32 $0xFFFFF800  }
0x2f: {  	[tilespmem:s18], [sflag:$0x1] =	stream.linear.gather [hbm4b:s5+s18], $0x2710, $0x38;
	[tilespmem:$0x5C10] =	vst v63  }
0x30: {  	_ =	swait.ge [sflag:s13], $0x2710  }
0x31: {  	[sflag:s13] =	ssyncset.done $0x0  }
0x32: {  	[sflag:s13] =	ssyncadd.s32 $0xFFFFD8F0  }
0x33: {  	s31 =	simm.s32 $0x0;
	[bflag:$0x0] =	sbarrier.arrive $0xFFFF  }
0x34: {  	[spmem:s2] =	stream.indirect.scatter.add.f32 [tilespmem:s15], [sflag:$0x1], $0x10, s31, s14, $0xb8;
	[tilespmem:$0x5C10] =	vst v63  }
0x35: {  	_ =	swait.ge [sflag:s13], $0x500  }
0x36: {  	s18 =	simm.s32 $0x140;
	[sflag:s13] =	ssyncset.done $0x0  }
.LBB2_6:
0x37: {  	s19 =	sshra.s32 s18, $0x2;
	[sflag:s13] =	ssyncadd.s32 $0xFFFFFB00;
	p0 =	sne.s32 s18, $0x9B00  }
0x38: {  	[spmem:s2] =	stream.indirect.scatter.add.f32 [tilespmem:s15], [sflag:$0x1], $0x10, s19, s14, $0xb8;
	[tilespmem:$0x5C10] =	vst v63  }
.Ltmp2:
0x39: {  	_ = 	snop;
	(pc) =	sbr.rel @p0 .LBB2_6-.Ltmp2, $4  }
0x3a: {  	_ = 	snop  }
0x3b: {  	s18 =	sadd.s32 $0x140, s18  }
0x3c: {  	_ =	swait.ge [sflag:s13], $0x500  }
0x3d: {  	[sflag:s13] =	ssyncset.done $0x0  }
0x3e: {  	s3 =	sadd.s32 $0x1, s3  }
0x3f: {  	[sflag:s13] =	ssyncadd.s32 $0xFFFFFB00;
	p0 =	sne.s32 s3, s6  }
.Ltmp3:
0x40: {  	[bflag:$0x0] =	sbarrier.arrive $0xFFFF;
	(pc) =	sbr.rel @p0 .LBB2_1-.Ltmp3, $4  }
0x41: {  	[hbm:s11], [sflag:s16] =	dma.local [spmem:s17], $0x500  }
0x42: {  	_ =	swait.ge [sflag:s13], $0x500  }
0x43: {  	[sflag:s13] =	ssyncset.done $0x0  }
0x44: {  	[sflag:s13] =	ssyncadd.s32 $0xFFFFFB00  }
0x45: {  	_ =	sfence.sel $0x180000  }
0x46: {  	[bflag:$0x0] =	sbarrier.arrive $0xFFFF  }
0x47: {  	p0 =	sne.s32 s0, $0x0;
	_ =	strace $0x90000047  }
0x48: {  	s0 =	sadd.s32 @!p0 $0x100000, s1;
	[bflag:$0x2] =	sbarrier.arrive $0xFFFF  }
0x49: {  	[sflag:s0] =	ssyncadd.tile.s32 @!p0 $0x1;
	_ =	shalt  }
.Lfunc_end2:
_tile_overlayer_lowered:
.L_overlay_start_2:
0x4a: {  	(tag) =	ssettag $0x2  }
0x4b: {  	s0 =	rddreg [dreg:$0x0];
	s2 =	stileid.u32  }
0x4c: {  	s1 =	rddreg [dreg:$0x1];
	p0 =	sne.s32 s2, $0x0  }
0x4d: {  	s3 =	rddreg [dreg:$0x2];
	[bflag:$0x3] =	sbarrier.arrive $0xFFFF;
	s2 =	simm.s32 @!p0 $0x1C01  }
0x4e: {  	[timem:s3], [sflag:s2] =	dma.local @!p0 [hbm:s0], s1  }
0x4f: {  	s0 =	simm.s32 @!p0 $0x1  }
0x50: {  	_ =	swait.ge @!p0 [sflag:s0], s1  }
0x51: {  	s1 =	ssub.s32 @!p0 $0x0, s1;
	[sflag:s0] =	ssyncset.done @!p0 $0x0  }
0x52: {  	[sflag:s0] =	ssyncadd.s32 @!p0 s1  }
0x53: {  	[bflag:$0x3] =	sbarrier.arrive $0xFFFF  }
0x54: {  	_ =	shalt  }

// kernel: kernel.13.cloned.1.call-start
scs
__scs_entry_jumppad:
0x0: {  	(pc) =	sbr.rel $0x88, $3  }
0x1: {  	(tag) =	ssettag $0x0;
	lr =	simm.s32 $0x1  }
0x2: {  	[smem:$0x3F97] =	sst lr;
	_ =	strace $0xD0000000  }
0x3: {  	_ = 	snop  }
0x4: {  	_ = 	snop  }
0x5: {  	_ = 	snop  }
0x6: {  	_ = 	snop  }
0x7: {  	_ = 	snop  }
__scs_overlays_trampoline_lowered:
0x8: {  	[smem:$0x3FA6] =	sst s0  }
0x9: {  	[smem:$0x3FA7] =	sst s1  }
0xa: {  	[smem:$0x3FA8] =	sst s2  }
0xb: {  	[smem:$0x3FA9] =	sst s3  }
0xc: {  	[smem:$0x3FAA] =	sst s4  }
0xd: {  	[smem:$0x3FAB] =	sst s5  }
0xe: {  	[smem:$0x3FAC] =	sst s6  }
0xf: {  	[smem:$0x3FAD] =	sst s7  }
0x10: {  	[smem:$0x3FAE] =	sst s8  }
0x11: {  	[smem:$0x3FAF] =	sst s9;
	s0 =	simm.s32 @!p0 $0x0  }
0x12: {  	s1 =	sld [smem:$0x3F95];
	s0 =	simm.s32 @p0 $0x1  }
0x13: {  	[smem:$0x3FB0] =	sst s0;
	s0 =	simm.s32 @!p1 $0x0  }
0x14: {  	s2 =	sld [smem:$0x3F94];
	s0 =	simm.s32 @p1 $0x1  }
0x15: {  	[smem:$0x3FB1] =	sst s0;
	s0 =	simm.s32 @!p2 $0x0  }
0x16: {  	s3 =	sld [smem:$0x3FDB];
	s0 =	simm.s32 @p2 $0x1  }
0x17: {  	s4 =	simm.s32 $0x1BF5;
	[smem:$0x3FB3] =	sst s0  }
0x18: {  	s0 =	sld [smem:$0x3F96];
	_ =	swait.ge [sflag:s4], $0x0  }
0x19: {  	s7 =	sld [smem:$0x3F97]  }
0x1a: {  	s8 =	sadd.s32 $0xFFFFE003, lr  }
0x1b: {  	s9 =	sadd.s32 $0xFFFFFEF7, lr;
	s5 =	simm.s32 $0xFFFFFFFF;
	p2 =	slt.u32 s8, $0xFFFFF086  }
0x1c: {  	p1 =	slt.u32 s9, $0xF7A;
	s5 =	simm.s32 @!p2 $0x0  }
0x1d: {  	s5 =	simm.s32 @p1 $0x1;
	p0 =	seq.s32 s7, s2  }
0x1e: {  	s7 =	smul.u32 @!p0 $0xF7A, s2;
	p2 =	seq.s32 @!p0 s5, $0x0  }
0x1f: {  	s9 =	smul.u32 $0xF7A, s1;
	s8 =	simm.s32 @!p0 $0x1BF5;
	p2 =	por !p2, p0  }
0x20: {  	[sflag:s8] =	ssyncset.s32 @!p0 $0xFFFFF086;
	s6 =	sadd.s32 @!p0 s3, s7;
	s7 =	simm.s32 @!p0 $0x108  }
0x21: {  	s3 =	sadd.s32 s3, s9;
	s6 =	sadd.s32 @!p0 $0x88, s6;
	s7 =	simm.s32 @p2 $0x1082  }
0x22: {  	[simem:s7], [sflag:s8] =	dma.local @!p0 [hbm:s6], $0xF7A  }
0x23: {  	s9 =	sor.u32 $0xD0000000, s2;
	s6 =	simm.s32 $0x108;
	_ =	swait.ge @!p0 [sflag:s8], $0x0  }
0x24: {  	s3 =	sadd.s32 $0x88, s3;
	s6 =	simm.s32 @!p1 $0x1082;
	[sflag:s4] =	ssyncset.s32 $0xFFFFF086  }
0x25: {  	[simem:s6], [sflag:s4] =	dma.local [hbm:s3], $0xF7A  }
0x26: {  	[smem:$0x3F97] =	sst s1;
	(tag) =	ssettag s2;
	_ =	strace s9  }
0x27: {  	s1 =	sld [smem:$0x3FA7]  }
0x28: {  	s2 =	sld [smem:$0x3FA8]  }
0x29: {  	s4 =	sld [smem:$0x3FAA]  }
0x2a: {  	p0 =	seq.s32 s5, $0x0;
	s5 =	sld [smem:$0x3FAB]  }
0x2b: {  	s6 =	sld [smem:$0x3FAC]  }
0x2c: {  	s7 =	sld [smem:$0x3FAD]  }
0x2d: {  	s3 =	simm.s32 $0x108;
	s8 =	sld [smem:$0x3FAE]  }
0x2e: {  	s3 =	simm.s32 @!p0 $0x1082;
	s9 =	sld [smem:$0x3FAF]  }
0x2f: {  	lr =	sadd.s32 s0, s3;
	s0 =	sld [smem:$0x3FA6]  }
0x30: {  	s3 =	sld [smem:$0x3FA9]  }
0x31: {  	[smem:$0x3FB2] =	sst s10  }
0x32: {  	s10 =	sld [smem:$0x3FB0];
	_ =	sdelay $0x3  }
0x33: {  	p0 =	seq.s32 s10, $0x1;
	s10 =	sld [smem:$0x3FB2];
	_ =	sdelay $0x3  }
0x34: {  	[smem:$0x3FB2] =	sst s10  }
0x35: {  	s10 =	sld [smem:$0x3FB1];
	_ =	sdelay $0x3  }
0x36: {  	p1 =	seq.s32 s10, $0x1;
	s10 =	sld [smem:$0x3FB2];
	_ =	sdelay $0x3  }
0x37: {  	[smem:$0x3FB2] =	sst s10  }
0x38: {  	s10 =	sld [smem:$0x3FB3]  }
0x39: {  	_ = 	snop;
	(pc) =	sbr.ind lr, $3  }
0x3a: {  	_ = 	snop  }
0x3b: {  	_ = 	snop  }
0x3c: {  	p2 =	seq.s32 s10, $0x1;
	s10 =	sld [smem:$0x3FB2]  }
0x3d: {  	_ =	shalt  }
0x3e: {  	_ =	shalt  }
0x3f: {  	_ =	shalt  }
0x40: {  	_ =	shalt  }
0x41: {  	_ =	shalt  }
0x42: {  	_ =	shalt  }
0x43: {  	_ =	shalt  }
0x44: {  	_ =	shalt  }
0x45: {  	_ =	shalt  }
0x46: {  	_ =	shalt  }
0x47: {  	_ =	shalt  }
0x48: {  	_ =	shalt  }
0x49: {  	_ =	shalt  }
0x4a: {  	_ =	shalt  }
0x4b: {  	_ =	shalt  }
0x4c: {  	_ =	shalt  }
0x4d: {  	_ =	shalt  }
0x4e: {  	_ =	shalt  }
0x4f: {  	_ =	shalt  }
0x50: {  	_ =	shalt  }
0x51: {  	_ =	shalt  }
0x52: {  	_ =	shalt  }
0x53: {  	_ =	shalt  }
0x54: {  	_ =	shalt  }
0x55: {  	_ =	shalt  }
0x56: {  	_ =	shalt  }
0x57: {  	_ =	shalt  }
0x58: {  	_ =	shalt  }
0x59: {  	_ =	shalt  }
0x5a: {  	_ =	shalt  }
0x5b: {  	_ =	shalt  }
0x5c: {  	_ =	shalt  }
0x5d: {  	_ =	shalt  }
0x5e: {  	_ =	shalt  }
0x5f: {  	_ =	shalt  }
0x60: {  	_ =	shalt  }
0x61: {  	_ =	shalt  }
0x62: {  	_ =	shalt  }
0x63: {  	_ =	shalt  }
0x64: {  	_ =	shalt  }
0x65: {  	_ =	shalt  }
0x66: {  	_ =	shalt  }
0x67: {  	_ =	shalt  }
0x68: {  	_ =	shalt  }
0x69: {  	_ =	shalt  }
0x6a: {  	_ =	shalt  }
0x6b: {  	_ =	shalt  }
0x6c: {  	_ =	shalt  }
0x6d: {  	_ =	shalt  }
0x6e: {  	_ =	shalt  }
0x6f: {  	_ =	shalt  }
0x70: {  	_ =	shalt  }
0x71: {  	_ =	shalt  }
0x72: {  	_ =	shalt  }
0x73: {  	_ =	shalt  }
0x74: {  	_ =	shalt  }
0x75: {  	_ =	shalt  }
0x76: {  	_ =	shalt  }
0x77: {  	_ =	shalt  }
0x78: {  	_ =	shalt  }
0x79: {  	_ =	shalt  }
0x7a: {  	_ =	shalt  }
0x7b: {  	_ =	shalt  }
0x7c: {  	_ =	shalt  }
0x7d: {  	_ =	shalt  }
0x7e: {  	_ =	shalt  }
0x7f: {  	_ =	shalt  }
0x80: {  	_ =	shalt  }
0x81: {  	_ =	shalt  }
0x82: {  	_ =	shalt  }
0x83: {  	_ =	shalt  }
0x84: {  	_ =	shalt  }
0x85: {  	_ =	shalt  }
0x86: {  	_ =	shalt  }
0x87: {  	_ =	shalt  }
.Lfunc_end0:
.L_simem_size_0:
called_computation.1_lowered:
.L_overlay_start_0:
0x88: {  	s2 =	sld [smem:$0x3FD9]  }
0x89: {  	s3 =	sld [smem:$0x3FFE];
	_ =	sdelay $0x1  }
0x8a: {  	s1 =	srdreg.scid  }
0x8b: {  	s0 =	sand.u32 $0x1, s1  }
0x8c: {  	s17 =	sshll.u32 s0, $0xA;
	s2 =	sadd.s32 s3, s2  }
0x8d: {  	s2 =	sadd.s32 s2, s17  }
0x8e: {  	[smem:$0x3FBE] =	sst s2  }
0x8f: {  	_ = 	snop  }
0x90: {  	s2 =	sld [smem:$0x3FD0];
	(tm) =	ssettm $0x1  }
0x91: {  	s18 =	sld [smem:$0x3FFB];
	_ =	sdelay $0x3  }
0x92: {  	_ =	strace s18  }
0x93: {  	s3 =	sld [smem:$0x3FFC];
	_ =	sdelay $0x3  }
0x94: {  	_ =	strace s3  }
0x95: {  	s3 =	sld [smem:$0x3FFD];
	_ =	sdelay $0x3  }
0x96: {  	_ =	strace s3  }
0x97: {  	_ =	strace $0x8FFFFFFF  }
0x98: {  	s19 =	sld [smem:$0x3FDB];
	_ =	sdelay $0x1  }
0x99: {  	s4 =	simm.s32 $_scs_section_size  }
0x9a: {  	s5 =	simm.s32 $_size__tile_overlayer_lowered;
	s6 =	simm.s32 $_tile_overlayer_lowered  }
0x9b: {  	s22 =	simm.s32 $0x1BFF;
	s21 =	sshll.u32 s6, $0x1;
	s3 =	sadd.s32 s4, s19  }
0x9c: {  	s7 =	simm.s32 $0x0;
	s20 =	sshll.u32 s5, $0x1;
	s5 =	sadd.s32 s21, s3  }
0x9d: {  	[timem:s7], [sflag:s22] =	dma.local [hbm:s5], s20  }
0x9e: {  	_ =	swait.ge [sflag:s22], s20  }
0x9f: {  	s4 =	ssub.s32 $0x0, s20;
	[sflag:s22] =	ssyncset.done $0x0  }
0xa0: {  	[sflag:s22] =	ssyncadd.s32 s4;
	_ =	sdelay $0x1  }
0xa1: {  	s23 =	simm.s32 $0x1B8B  }
0xa2: {  	_ =	swait.ge [sflag:s23], $0x1  }
0xa3: {  	[sflag:s23] =	ssyncset.done $0x0  }
0xa4: {  	s25 =	simm.s32 $0x1B8E;
	s24 =	sld [smem:$0x3FFE];
	[sflag:s23] =	ssyncadd.s32 $0xFFFFFFFF  }
0xa5: {  	s26 =	simm.s32 $execute0_lowered;
	[smem:$0x3FD2] =	sst s25  }
0xa6: {  	s5 =	sshll.u32 s26, $0x1;
	_ =	strace $0x80000049;
	[dreg:$0x1] =	wrdreg $0xFFFFFFFF  }
0xa7: {  	s28 =	simm.s32 $_size_execute0_lowered;
	s3 =	sadd.s32 s3, s5;
	[dreg:$0x0] =	wrdreg $0x0  }
0xa8: {  	s5 =	sshll.u32 s28, $0x1;
	[dreg:$0x2] =	wrdreg s3  }
0xa9: {  	[dreg:$0x3] =	wrdreg s5  }
0xaa: {  	[dreg:$0x4] =	wrdreg $0xC0  }
0xab: {  	_ =	task [dreg:s7], $0x5FFFF  }
0xac: {  	[dreg:$0x1] =	wrdreg $0xFFFFFFFF  }
0xad: {  	[dreg:$0x0] =	wrdreg $0x60  }
0xae: {  	[dreg:$0x2] =	wrdreg s24  }
0xaf: {  	[dreg:$0x3] =	wrdreg s2  }
0xb0: {  	[dreg:$0x4] =	wrdreg $0xDE400  }
0xb1: {  	[dreg:$0x5] =	wrdreg $0x9  }
0xb2: {  	_ =	task.clear_ibuf [dreg:s7], $0x6FFFF;
	_ =	strace $0x90000049  }
0xb3: {  	s29 =	simm.s32 $0x9;
	_ =	strace $0x8000004B  }
0xb4: {  	_ =	swait.ge [sflag:s29], $0x1  }
0xb5: {  	[sflag:s29] =	ssyncadd.s32 $0xFFFFFFFF  }
0xb6: {  	_ =	strace $0x9000004B  }
0xb7: {  	_ =	sfence  }
0xb8: {  	s30 =	sld [smem:$0x0];
	_ =	sdelay $0x2  }
0xb9: {  	s31 =	sshll.u32 s1, $0xD;
	s1 =	sshrl.u32 s1, $0x2  }
0xba: {  	s3 =	sand.u32 $0x4000, s31;
	s1 =	sadd.s32 s1, s30  }
0xbb: {  	s0 =	sor.u32 s3, s0;
	s1 =	sshll.u32 s1, $0x11  }
0xbc: {  	s0 =	sor.u32 s1, s0  }
0xbd: {  	s0 =	sadd.s32 $0x8F2B, s0  }
0xbe: {  	[sflag:s0] =	ssyncadd.remote.s32 $0x1  }
0xbf: {  	_ =	sfence.sel $0xFFFF  }
0xc0: {  	[dreg:$0x0] =	wrdreg $0xFFFFFFFF;
	(pc) =	sbr.abs _section_cstart, $3  }
0xc1: {  	[dreg:$0x1] =	wrdreg $0xFFFFFFFF  }
0xc2: {  	_ =	task.clear_ibuf [dreg:s7], $0x2FFFF;
	_ =	strace $0x9FFFFFFF  }
0xc3: {  	(tm) =	ssettm $0x7FFFFFFF  }
tec
execute0_lowered:
.L_overlay_start_1:
0x0: {  	(tag) =	ssettag $0x1  }
0x1: {  	s0 =	rddreg [dreg:$0x0]  }
0x2: {  	s2 =	rddreg [dreg:$0x2];
	s4 =	simm.s32 $0x0;
	s3 =	stileid.u32  }
0x3: {  	s1 =	srdreg.scid;
	s17 =	simm.s32 $0xCE40;
	s18 =	simm.s32 $0x6  }
0x4: {  	s20 =	simm.s32 $0x50;
	s21 =	simm.s32 $0x9C40;
	s22 =	simm.s32 $0xA640  }
0x5: {  	s28 =	simm.s32 $0xBA40;
	s30 =	simm.s32 $0xC440;
	s31 =	simm.s32 $0x1  }
0x6: {  	s19 =	simm.s32 $0x4;
	s29 =	simm.s32 $0x0;
	s7 =	smul.u32 $0x9C4, s3  }
0x7: {  	[smem:$0x7FF] =	sst s4;
	s5 =	sadd.s32 $0x49800, s0;
	s9 =	smul.u32 $0x14000, s3  }
0x8: {  	s1 =	sand.u32 $0x1, s1;
	s6 =	sadd.s32 $0x3FA00, s0;
	s11 =	smul.u32 $0xA000, s3  }
0x9: {  	_ =	strace $0x8000004A;
	s8 =	ssub.s32 $0x2, s1;
	p0 =	sne.s32 s1, $0x0  }
0xa: {  	s1 =	simm.s32 $0x3;
	s7 =	sadd.s32 s7, s0;
	s10 =	sshrl.u32 s8, $0x1  }
0xb: {  	s0 =	sadd.s32 $0x53600, s0;
	s24 =	sshrl.u32 s9, $0x2;
	s12 =	sshrl.u32 s11, $0x1  }
0xc: {  	s11 =	sshrl.u32 s11, $0x4;
	[dreg:$0x4] =	wrdreg s0;
	s23 =	ssub.s32 s8, s10  }
.Ltmp0:
0xd: {  	s8 =	sadd.s32 s24, s2;
	s25 =	sadd.s32 $0x4C00, s7;
	(pc) =	sbr.rel .LBB2_1-.Ltmp0, $4  }
0xe: {  	s10 =	sadd.s32 $0xEA00, s7;
	s26 =	sadd.s32 s12, s2;
	s24 =	simm.s32 $0xB040  }
0xf: {  	s0 =	simm.s32 $0x2;
	s7 =	simm.s32 $0x5;
	[dreg:$0x5] =	wrdreg s25  }
0x10: {  	s12 =	smax.u32 s23, $0x1;
	s13 =	sadd.s32 $0x1000, s8;
	s14 =	sadd.s32 $0x2000, s8  }
0x11: {  	v0 =	vimm.bf16 $0.0e+00;
	s15 =	sadd.s32 $0x3000, s8;
	s16 =	sadd.s32 $0x4000, s8;
	s25 =	sshrl.u32 s26, $0x3  }
.LBB2_9:
0x12: {  	[tilespmem:s30], [sflag:$0x5] =	stream.indirect.gather [hbm4b:s6+s20], $0x20, s26, s20, $0xb8;
	[tilespmem:$0x12E40] =	vst v63  }
0x13: {  	s23 =	rddreg [dreg:$0x4]  }
.LBB2_10:
0x14: {  	_ =	swait.ge [sflag:s31], $0xA00  }
0x15: {  	[sflag:s31] =	ssyncset.done $0x0  }
0x16: {  	s3 =	simm.s32 $0x9AB0;
	[sflag:s31] =	ssyncadd.s32 $0xFFFFF600  }
0x17: {  	[spmem:s2] =	stream.indirect.scatter.add.bf16 [tilespmem:s21], [sflag:$0x6], $0x20, s3, s20, $0xb8;
	[tilespmem:$0x12E40] =	vst v63  }
0x18: {  	_ =	swait.ge [sflag:s18], $0xA00  }
0x19: {  	[sflag:s18] =	ssyncset.done $0x0  }
0x1a: {  	[sflag:s18] =	ssyncadd.s32 $0xFFFFF600  }
0x1b: {  	_ =	swait.ge [sflag:s0], $0xA00  }
0x1c: {  	[sflag:s0] =	ssyncset.done $0x0  }
0x1d: {  	s26 =	simm.s32 $0x9B00;
	[sflag:s0] =	ssyncadd.s32 $0xFFFFF600  }
0x1e: {  	[spmem:s2] =	stream.indirect.scatter.add.bf16 [tilespmem:s22], [sflag:$0x6], $0x20, s26, s20, $0xb8;
	[tilespmem:$0x12E40] =	vst v63  }
0x1f: {  	_ =	swait.ge [sflag:s18], $0xA00  }
0x20: {  	[sflag:s18] =	ssyncset.done $0x0  }
0x21: {  	[sflag:s18] =	ssyncadd.s32 $0xFFFFF600  }
0x22: {  	_ =	swait.ge [sflag:s1], $0xA00  }
0x23: {  	[sflag:s1] =	ssyncset.done $0x0  }
0x24: {  	s9 =	simm.s32 $0x9B50;
	[sflag:s1] =	ssyncadd.s32 $0xFFFFF600  }
0x25: {  	[spmem:s2] =	stream.indirect.scatter.add.bf16 [tilespmem:s24], [sflag:$0x6], $0x20, s9, s20, $0xb8;
	[tilespmem:$0x12E40] =	vst v63  }
0x26: {  	_ =	swait.ge [sflag:s18], $0xA00  }
0x27: {  	[sflag:s18] =	ssyncset.done $0x0  }
0x28: {  	[sflag:s18] =	ssyncadd.s32 $0xFFFFF600  }
0x29: {  	_ =	swait.ge [sflag:s19], $0xA00  }
0x2a: {  	[sflag:s19] =	ssyncset.done $0x0  }
0x2b: {  	s26 =	simm.s32 $0x9BA0;
	[sflag:s19] =	ssyncadd.s32 $0xFFFFF600  }
0x2c: {  	[spmem:s2] =	stream.indirect.scatter.add.bf16 [tilespmem:s28], [sflag:$0x6], $0x20, s26, s20, $0xb8;
	[tilespmem:$0x12E40] =	vst v63  }
0x2d: {  	_ =	swait.ge [sflag:s18], $0xA00  }
0x2e: {  	[sflag:s18] =	ssyncset.done $0x0  }
0x2f: {  	[sflag:s18] =	ssyncadd.s32 $0xFFFFF600  }
0x30: {  	_ =	swait.ge [sflag:s7], $0xA00  }
0x31: {  	[sflag:s7] =	ssyncset.done $0x0  }
0x32: {  	s9 =	simm.s32 $0x9BF0;
	[sflag:s7] =	ssyncadd.s32 $0xFFFFF600  }
0x33: {  	[spmem:s2] =	stream.indirect.scatter.add.bf16 [tilespmem:s30], [sflag:$0x6], $0x20, s9, s20, $0xb8;
	[tilespmem:$0x12E40] =	vst v63  }
0x34: {  	s26 =	stileid.u32;
	_ =	swait.ge [sflag:s18], $0xA00  }
0x35: {  	s29 =	sadd.s32 $0x1, s29;
	s3 =	sshll.u32 s26, $0x6;
	[sflag:s18] =	ssyncset.done $0x0  }
0x36: {  	p1 =	sne.s32 s29, s12;
	s3 =	sor.u32 $0x1C06, s3;
	[sflag:s18] =	ssyncadd.s32 $0xFFFFF600  }
.Ltmp1:
0x37: {  	s9 =	sadd.s32 s23, s11;
	[bflag:$0x0] =	sbarrier.arrive $0xFFFF;
	(pc) =	sbr.rel @!p1 .LBB2_11-.Ltmp1, $4  }
0x38: {  	[hbm:s9], [sflag:s3] =	dma.local [spmem:s25], $0xA00  }
0x39: {  	_ =	swait.ge [sflag:s18], $0xA00  }
0x3a: {  	[sflag:s18] =	ssyncset.done $0x0  }
0x3b: {  	[sflag:s18] =	ssyncadd.s32 $0xFFFFF600  }
.LBB2_1:
0x3c: {  	s23 =	sand.u32 $0x3F80, s4;
	s26 =	sand.u32 $0x20, s4  }
0x3d: {  	s23 =	sshrl.u32 s23, $0x2;
	s26 =	sshrl.u32 s26, $0x1  }
0x3e: {  	s26 =	sor.u32 s26, s23  }
0x3f: {  	s23 =	simm.s32 $0x40;
	[tilespmem:s26+$0xCE40] =	vst v0;
	s26 =	simm.s32 $0x0  }
.LBB2_2:
0x40: {  	p1 =	sne.s32 s23, $0x3FC0  }
.Ltmp2:
0x41: {  	s3 =	sand.u32 $0x3F80, s23;
	s26 =	sadd.s32 $0x20, s26;
	(pc) =	sbr.rel @p1 .LBB2_2-.Ltmp2, $4  }
0x42: {  	s23 =	sadd.s32 $0x40, s23;
	s9 =	sand.u32 $0x20, s26  }
0x43: {  	s3 =	sshrl.u32 s3, $0x2;
	s9 =	sshrl.u32 s9, $0x1  }
0x44: {  	s3 =	sor.u32 s9, s3  }
0x45: {  	[tilespmem:s3+$0xCE40] =	vst v0  }
0x46: {  	[spmem:s8] =	stream.linear.scatter [tilespmem:s17], [sflag:$0x6], $0x1000, $0x38;
	[tilespmem:$0x12E40] =	vst v63  }
0x47: {  	_ =	swait.ge [sflag:s18], $0x1000  }
0x48: {  	[sflag:s18] =	ssyncset.done $0x0  }
0x49: {  	[sflag:s18] =	ssyncadd.s32 $0xFFFFF000  }
0x4a: {  	[spmem:s13] =	stream.linear.scatter [tilespmem:s17], [sflag:$0x6], $0x1000, $0x38;
	[tilespmem:$0x12E40] =	vst v63  }
0x4b: {  	_ =	swait.ge [sflag:s18], $0x1000  }
0x4c: {  	[sflag:s18] =	ssyncset.done $0x0  }
0x4d: {  	[sflag:s18] =	ssyncadd.s32 $0xFFFFF000  }
0x4e: {  	[spmem:s14] =	stream.linear.scatter [tilespmem:s17], [sflag:$0x6], $0x1000, $0x38;
	[tilespmem:$0x12E40] =	vst v63  }
0x4f: {  	_ =	swait.ge [sflag:s18], $0x1000  }
0x50: {  	[sflag:s18] =	ssyncset.done $0x0  }
0x51: {  	[sflag:s18] =	ssyncadd.s32 $0xFFFFF000  }
0x52: {  	[spmem:s15] =	stream.linear.scatter [tilespmem:s17], [sflag:$0x6], $0x1000, $0x38;
	[tilespmem:$0x12E40] =	vst v63  }
0x53: {  	_ =	swait.ge [sflag:s18], $0x1000  }
0x54: {  	[sflag:s18] =	ssyncset.done $0x0  }
0x55: {  	[sflag:s18] =	ssyncadd.s32 $0xFFFFF000  }
0x56: {  	[spmem:s16] =	stream.linear.scatter [tilespmem:s17], [sflag:$0x6], $0x1000, $0x38;
	[tilespmem:$0x12E40] =	vst v63  }
0x57: {  	_ =	swait.ge [sflag:s18], $0x1000  }
0x58: {  	[sflag:s18] =	ssyncset.done $0x0  }
0x59: {  	s3 =	rddreg [dreg:$0x5];
	[sflag:s18] =	ssyncadd.s32 $0xFFFFF000  }
0x5a: {  	[tilespmem:s4], [sflag:$0x6] =	stream.linear.gather [hbm4b:s3+s4], $0x4E20, $0x38;
	[tilespmem:$0x12E40] =	vst v63  }
0x5b: {  	_ =	swait.ge [sflag:s18], $0x4E20  }
0x5c: {  	[sflag:s18] =	ssyncset.done $0x0  }
0x5d: {  	s26 =	simm.s32 $0x4E20;
	[sflag:s18] =	ssyncadd.s32 $0xFFFFB1E0  }
0x5e: {  	[tilespmem:s26], [sflag:$0x6] =	stream.linear.gather [hbm4b:s10+s4], $0x4E20, $0x38;
	[tilespmem:$0x12E40] =	vst v63  }
.Ltmp3:
0x5f: {  	_ =	swait.ge [sflag:s18], $0x4E20;
	(pc) =	sbr.rel @p0 .LBB2_7-.Ltmp3, $4  }
0x60: {  	[sflag:s18] =	ssyncset.done $0x0  }
0x61: {  	[sflag:s18] =	ssyncadd.s32 $0xFFFFB1E0  }
0x62: {  	[bflag:$0x0] =	sbarrier.arrive $0xFFFF  }
0x63: {  	s3 =	simm.s32 $0x0  }
0x64: {  	[tilespmem:s21], [sflag:$0x1] =	stream.indirect.gather [hbm4b:s5+s20], $0x20, s3, s20, $0xb8;
	[tilespmem:$0x12E40] =	vst v63  }
0x65: {  	_ = 	snop  }
0x66: {  	[tilespmem:s22], [sflag:$0x2] =	stream.indirect.gather [hbm4b:s5+s20], $0x20, s20, s20, $0xb8;
	[tilespmem:$0x12E40] =	vst v63  }
0x67: {  	s9 =	simm.s32 $0xA0  }
0x68: {  	[tilespmem:s24], [sflag:$0x3] =	stream.indirect.gather [hbm4b:s5+s20], $0x20, s9, s20, $0xb8;
	[tilespmem:$0x12E40] =	vst v63  }
0x69: {  	s23 =	simm.s32 $0xF0  }
0x6a: {  	[tilespmem:s28], [sflag:$0x4] =	stream.indirect.gather [hbm4b:s5+s20], $0x20, s23, s20, $0xb8;
	[tilespmem:$0x12E40] =	vst v63  }
0x6b: {  	s26 =	simm.s32 $0x140  }
0x6c: {  	[tilespmem:s30], [sflag:$0x5] =	stream.indirect.gather [hbm4b:s5+s20], $0x20, s26, s20, $0xb8;
	[tilespmem:$0x12E40] =	vst v63  }
0x6d: {  	_ =	swait.ge [sflag:s31], $0xA00  }
0x6e: {  	[sflag:s31] =	ssyncset.done $0x0  }
0x6f: {  	s9 =	simm.s32 $0x4E20;
	[sflag:s31] =	ssyncadd.s32 $0xFFFFF600  }
0x70: {  	[spmem:s2] =	stream.indirect.scatter.add.bf16 [tilespmem:s21], [sflag:$0x6], $0x20, s9, s20, $0xb8;
	[tilespmem:$0x12E40] =	vst v63  }
0x71: {  	_ =	swait.ge [sflag:s18], $0xA00  }
0x72: {  	[sflag:s18] =	ssyncset.done $0x0  }
0x73: {  	s23 =	simm.s32 $0x190;
	[sflag:s18] =	ssyncadd.s32 $0xFFFFF600  }
0x74: {  	[tilespmem:s21], [sflag:$0x1] =	stream.indirect.gather [hbm4b:s5+s20], $0x20, s23, s20, $0xb8;
	[tilespmem:$0x12E40] =	vst v63  }
0x75: {  	_ =	swait.ge [sflag:s0], $0xA00  }
0x76: {  	[sflag:s0] =	ssyncset.done $0x0  }
0x77: {  	s26 =	simm.s32 $0x4E70;
	[sflag:s0] =	ssyncadd.s32 $0xFFFFF600  }
0x78: {  	[spmem:s2] =	stream.indirect.scatter.add.bf16 [tilespmem:s22], [sflag:$0x6], $0x20, s26, s20, $0xb8;
	[tilespmem:$0x12E40] =	vst v63  }
0x79: {  	_ =	swait.ge [sflag:s18], $0xA00  }
0x7a: {  	[sflag:s18] =	ssyncset.done $0x0  }
0x7b: {  	s9 =	simm.s32 $0x1E0;
	[sflag:s18] =	ssyncadd.s32 $0xFFFFF600  }
0x7c: {  	[tilespmem:s22], [sflag:$0x2] =	stream.indirect.gather [hbm4b:s5+s20], $0x20, s9, s20, $0xb8;
	[tilespmem:$0x12E40] =	vst v63  }
0x7d: {  	_ =	swait.ge [sflag:s1], $0xA00  }
0x7e: {  	[sflag:s1] =	ssyncset.done $0x0  }
0x7f: {  	s23 =	simm.s32 $0x4EC0;
	[sflag:s1] =	ssyncadd.s32 $0xFFFFF600  }
0x80: {  	[spmem:s2] =	stream.indirect.scatter.add.bf16 [tilespmem:s24], [sflag:$0x6], $0x20, s23, s20, $0xb8;
	[tilespmem:$0x12E40] =	vst v63  }
0x81: {  	_ =	swait.ge [sflag:s18], $0xA00  }
0x82: {  	[sflag:s18] =	ssyncset.done $0x0  }
0x83: {  	s26 =	simm.s32 $0x230;
	[sflag:s18] =	ssyncadd.s32 $0xFFFFF600  }
0x84: {  	[tilespmem:s24], [sflag:$0x3] =	stream.indirect.gather [hbm4b:s5+s20], $0x20, s26, s20, $0xb8;
	[tilespmem:$0x12E40] =	vst v63  }
0x85: {  	_ =	swait.ge [sflag:s19], $0xA00  }
0x86: {  	[sflag:s19] =	ssyncset.done $0x0  }
0x87: {  	s9 =	simm.s32 $0x4F10;
	[sflag:s19] =	ssyncadd.s32 $0xFFFFF600  }
0x88: {  	[spmem:s2] =	stream.indirect.scatter.add.bf16 [tilespmem:s28], [sflag:$0x6], $0x20, s9, s20, $0xb8;
	[tilespmem:$0x12E40] =	vst v63  }
0x89: {  	_ =	swait.ge [sflag:s18], $0xA00  }
0x8a: {  	[sflag:s18] =	ssyncset.done $0x0  }
0x8b: {  	s23 =	simm.s32 $0x280;
	[sflag:s18] =	ssyncadd.s32 $0xFFFFF600  }
0x8c: {  	[tilespmem:s28], [sflag:$0x4] =	stream.indirect.gather [hbm4b:s5+s20], $0x20, s23, s20, $0xb8;
	[tilespmem:$0x12E40] =	vst v63  }
0x8d: {  	_ =	swait.ge [sflag:s7], $0xA00  }
0x8e: {  	[sflag:s7] =	ssyncset.done $0x0  }
0x8f: {  	s26 =	simm.s32 $0x4F60;
	[sflag:s7] =	ssyncadd.s32 $0xFFFFF600  }
0x90: {  	[spmem:s2] =	stream.indirect.scatter.add.bf16 [tilespmem:s30], [sflag:$0x6], $0x20, s26, s20, $0xb8;
	[tilespmem:$0x12E40] =	vst v63  }
0x91: {  	_ =	swait.ge [sflag:s18], $0xA00  }
0x92: {  	[sflag:s18] =	ssyncset.done $0x0  }
0x93: {  	s23 =	simm.s32 $0x640;
	s26 =	simm.s32 $0x2D0;
	[sflag:s18] =	ssyncadd.s32 $0xFFFFF600  }
.LBB2_5:
0x94: {  	[tilespmem:s30], [sflag:$0x5] =	stream.indirect.gather [hbm4b:s5+s20], $0x20, s26, s20, $0xb8;
	[tilespmem:$0x12E40] =	vst v63  }
0x95: {  	s3 =	smov.u32 s23  }
0x96: {  	p1 =	seq.s32 s23, $0x12C00;
	s23 =	sadd.s32 $0x640, s23;
	_ =	swait.ge [sflag:s31], $0xA00  }
0x97: {  	s26 =	sshra.s32 s3, $0x2;
	[sflag:s31] =	ssyncset.done $0x0  }
0x98: {  	s3 =	sadd.s32 $0x4E20, s26;
	[sflag:s31] =	ssyncadd.s32 $0xFFFFF600  }
0x99: {  	[spmem:s2] =	stream.indirect.scatter.add.bf16 [tilespmem:s21], [sflag:$0x6], $0x20, s3, s20, $0xb8;
	[tilespmem:$0x12E40] =	vst v63  }
0x9a: {  	_ =	swait.ge [sflag:s18], $0xA00  }
0x9b: {  	[sflag:s18] =	ssyncset.done $0x0  }
0x9c: {  	s3 =	sadd.s32 $0x190, s26;
	[sflag:s18] =	ssyncadd.s32 $0xFFFFF600  }
0x9d: {  	[tilespmem:s21], [sflag:$0x1] =	stream.indirect.gather [hbm4b:s5+s20], $0x20, s3, s20, $0xb8;
	[tilespmem:$0x12E40] =	vst v63  }
0x9e: {  	_ =	swait.ge [sflag:s0], $0xA00  }
0x9f: {  	[sflag:s0] =	ssyncset.done $0x0  }
0xa0: {  	s3 =	sadd.s32 $0x4E70, s26;
	[sflag:s0] =	ssyncadd.s32 $0xFFFFF600  }
0xa1: {  	[spmem:s2] =	stream.indirect.scatter.add.bf16 [tilespmem:s22], [sflag:$0x6], $0x20, s3, s20, $0xb8;
	[tilespmem:$0x12E40] =	vst v63  }
0xa2: {  	_ =	swait.ge [sflag:s18], $0xA00  }
0xa3: {  	[sflag:s18] =	ssyncset.done $0x0  }
0xa4: {  	s3 =	sadd.s32 $0x1E0, s26;
	[sflag:s18] =	ssyncadd.s32 $0xFFFFF600  }
0xa5: {  	[tilespmem:s22], [sflag:$0x2] =	stream.indirect.gather [hbm4b:s5+s20], $0x20, s3, s20, $0xb8;
	[tilespmem:$0x12E40] =	vst v63  }
0xa6: {  	_ =	swait.ge [sflag:s1], $0xA00  }
0xa7: {  	[sflag:s1] =	ssyncset.done $0x0  }
0xa8: {  	s3 =	sadd.s32 $0x4EC0, s26;
	[sflag:s1] =	ssyncadd.s32 $0xFFFFF600  }
0xa9: {  	[spmem:s2] =	stream.indirect.scatter.add.bf16 [tilespmem:s24], [sflag:$0x6], $0x20, s3, s20, $0xb8;
	[tilespmem:$0x12E40] =	vst v63  }
0xaa: {  	_ =	swait.ge [sflag:s18], $0xA00  }
0xab: {  	[sflag:s18] =	ssyncset.done $0x0  }
0xac: {  	s3 =	sadd.s32 $0x230, s26;
	[sflag:s18] =	ssyncadd.s32 $0xFFFFF600  }
0xad: {  	[tilespmem:s24], [sflag:$0x3] =	stream.indirect.gather [hbm4b:s5+s20], $0x20, s3, s20, $0xb8;
	[tilespmem:$0x12E40] =	vst v63  }
0xae: {  	_ =	swait.ge [sflag:s19], $0xA00  }
0xaf: {  	[sflag:s19] =	ssyncset.done $0x0  }
0xb0: {  	s3 =	sadd.s32 $0x4F10, s26;
	[sflag:s19] =	ssyncadd.s32 $0xFFFFF600  }
0xb1: {  	[spmem:s2] =	stream.indirect.scatter.add.bf16 [tilespmem:s28], [sflag:$0x6], $0x20, s3, s20, $0xb8;
	[tilespmem:$0x12E40] =	vst v63  }
0xb2: {  	_ =	swait.ge [sflag:s18], $0xA00  }
0xb3: {  	[sflag:s18] =	ssyncset.done $0x0  }
0xb4: {  	s3 =	sadd.s32 $0x280, s26;
	[sflag:s18] =	ssyncadd.s32 $0xFFFFF600  }
0xb5: {  	[tilespmem:s28], [sflag:$0x4] =	stream.indirect.gather [hbm4b:s5+s20], $0x20, s3, s20, $0xb8;
	[tilespmem:$0x12E40] =	vst v63  }
0xb6: {  	_ =	swait.ge [sflag:s7], $0xA00  }
0xb7: {  	[sflag:s7] =	ssyncset.done $0x0  }
.Ltmp4:
0xb8: {  	s3 =	sadd.s32 $0x4F60, s26;
	[sflag:s7] =	ssyncadd.s32 $0xFFFFF600;
	(pc) =	sbr.rel @!p1 .LBB2_5-.Ltmp4, $4  }
0xb9: {  	[spmem:s2] =	stream.indirect.scatter.add.bf16 [tilespmem:s30], [sflag:$0x6], $0x20, s3, s20, $0xb8;
	[tilespmem:$0x12E40] =	vst v63  }
0xba: {  	_ =	swait.ge [sflag:s18], $0xA00  }
0xbb: {  	[sflag:s18] =	ssyncset.done $0x0  }
0xbc: {  	s26 =	sadd.s32 $0x2D0, s26;
	[sflag:s18] =	ssyncadd.s32 $0xFFFFF600  }
.Ltmp5:
0xbd: {  	(pc) =	sbr.rel .LBB2_10-.Ltmp5, $3  }
0xbe: {  	_ =	sdelay $0x1  }
0xbf: {  	[tilespmem:s30], [sflag:$0x5] =	stream.indirect.gather [hbm4b:s5+s20], $0x20, s26, s20, $0xb8;
	[tilespmem:$0x12E40] =	vst v63  }
0xc0: {  	s23 =	rddreg [dreg:$0x1]  }
.LBB2_7:
0xc1: {  	[tilespmem:s21], [sflag:$0x1] =	stream.indirect.gather [hbm4b:s6+s20], $0x20, s3, s20, $0xb8;
	[tilespmem:$0x12E40] =	vst v63  }
0xc2: {  	_ = 	snop  }
0xc3: {  	[tilespmem:s22], [sflag:$0x2] =	stream.indirect.gather [hbm4b:s6+s20], $0x20, s20, s20, $0xb8;
	[tilespmem:$0x12E40] =	vst v63  }
0xc4: {  	s9 =	simm.s32 $0xA0  }
0xc5: {  	[tilespmem:s24], [sflag:$0x3] =	stream.indirect.gather [hbm4b:s6+s20], $0x20, s9, s20, $0xb8;
	[tilespmem:$0x12E40] =	vst v63  }
0xc6: {  	s23 =	simm.s32 $0xF0  }
0xc7: {  	[tilespmem:s28], [sflag:$0x4] =	stream.indirect.gather [hbm4b:s6+s20], $0x20, s23, s20, $0xb8;
	[tilespmem:$0x12E40] =	vst v63  }
0xc8: {  	s26 =	simm.s32 $0x140  }
0xc9: {  	[tilespmem:s30], [sflag:$0x5] =	stream.indirect.gather [hbm4b:s6+s20], $0x20, s26, s20, $0xb8;
	[tilespmem:$0x12E40] =	vst v63  }
0xca: {  	_ =	swait.ge [sflag:s31], $0xA00  }
0xcb: {  	[sflag:s31] =	ssyncset.done $0x0  }
0xcc: {  	s9 =	simm.s32 $0x4E20;
	[sflag:s31] =	ssyncadd.s32 $0xFFFFF600  }
0xcd: {  	[spmem:s2] =	stream.indirect.scatter.add.bf16 [tilespmem:s21], [sflag:$0x6], $0x20, s9, s20, $0xb8;
	[tilespmem:$0x12E40] =	vst v63  }
0xce: {  	_ =	swait.ge [sflag:s18], $0xA00  }
0xcf: {  	[sflag:s18] =	ssyncset.done $0x0  }
0xd0: {  	s23 =	simm.s32 $0x190;
	[sflag:s18] =	ssyncadd.s32 $0xFFFFF600  }
0xd1: {  	[tilespmem:s21], [sflag:$0x1] =	stream.indirect.gather [hbm4b:s6+s20], $0x20, s23, s20, $0xb8;
	[tilespmem:$0x12E40] =	vst v63  }
0xd2: {  	_ =	swait.ge [sflag:s0], $0xA00  }
0xd3: {  	[sflag:s0] =	ssyncset.done $0x0  }
0xd4: {  	s26 =	simm.s32 $0x4E70;
	[sflag:s0] =	ssyncadd.s32 $0xFFFFF600  }
0xd5: {  	[spmem:s2] =	stream.indirect.scatter.add.bf16 [tilespmem:s22], [sflag:$0x6], $0x20, s26, s20, $0xb8;
	[tilespmem:$0x12E40] =	vst v63  }
0xd6: {  	_ =	swait.ge [sflag:s18], $0xA00  }
0xd7: {  	[sflag:s18] =	ssyncset.done $0x0  }
0xd8: {  	s9 =	simm.s32 $0x1E0;
	[sflag:s18] =	ssyncadd.s32 $0xFFFFF600  }
0xd9: {  	[tilespmem:s22], [sflag:$0x2] =	stream.indirect.gather [hbm4b:s6+s20], $0x20, s9, s20, $0xb8;
	[tilespmem:$0x12E40] =	vst v63  }
0xda: {  	_ =	swait.ge [sflag:s1], $0xA00  }
0xdb: {  	[sflag:s1] =	ssyncset.done $0x0  }
0xdc: {  	s23 =	simm.s32 $0x4EC0;
	[sflag:s1] =	ssyncadd.s32 $0xFFFFF600  }
0xdd: {  	[spmem:s2] =	stream.indirect.scatter.add.bf16 [tilespmem:s24], [sflag:$0x6], $0x20, s23, s20, $0xb8;
	[tilespmem:$0x12E40] =	vst v63  }
0xde: {  	_ =	swait.ge [sflag:s18], $0xA00  }
0xdf: {  	[sflag:s18] =	ssyncset.done $0x0  }
0xe0: {  	s26 =	simm.s32 $0x230;
	[sflag:s18] =	ssyncadd.s32 $0xFFFFF600  }
0xe1: {  	[tilespmem:s24], [sflag:$0x3] =	stream.indirect.gather [hbm4b:s6+s20], $0x20, s26, s20, $0xb8;
	[tilespmem:$0x12E40] =	vst v63  }
0xe2: {  	_ =	swait.ge [sflag:s19], $0xA00  }
0xe3: {  	[sflag:s19] =	ssyncset.done $0x0  }
0xe4: {  	s9 =	simm.s32 $0x4F10;
	[sflag:s19] =	ssyncadd.s32 $0xFFFFF600  }
0xe5: {  	[spmem:s2] =	stream.indirect.scatter.add.bf16 [tilespmem:s28], [sflag:$0x6], $0x20, s9, s20, $0xb8;
	[tilespmem:$0x12E40] =	vst v63  }
0xe6: {  	_ =	swait.ge [sflag:s18], $0xA00  }
0xe7: {  	[sflag:s18] =	ssyncset.done $0x0  }
0xe8: {  	s23 =	simm.s32 $0x280;
	[sflag:s18] =	ssyncadd.s32 $0xFFFFF600  }
0xe9: {  	[tilespmem:s28], [sflag:$0x4] =	stream.indirect.gather [hbm4b:s6+s20], $0x20, s23, s20, $0xb8;
	[tilespmem:$0x12E40] =	vst v63  }
0xea: {  	_ =	swait.ge [sflag:s7], $0xA00  }
0xeb: {  	[sflag:s7] =	ssyncset.done $0x0  }
0xec: {  	s26 =	simm.s32 $0x4F60;
	[sflag:s7] =	ssyncadd.s32 $0xFFFFF600  }
0xed: {  	[spmem:s2] =	stream.indirect.scatter.add.bf16 [tilespmem:s30], [sflag:$0x6], $0x20, s26, s20, $0xb8;
	[tilespmem:$0x12E40] =	vst v63  }
0xee: {  	_ =	swait.ge [sflag:s18], $0xA00  }
0xef: {  	[sflag:s18] =	ssyncset.done $0x0  }
0xf0: {  	s23 =	simm.s32 $0x640;
	s26 =	simm.s32 $0x2D0;
	[sflag:s18] =	ssyncadd.s32 $0xFFFFF600  }
.LBB2_8:
0xf1: {  	[tilespmem:s30], [sflag:$0x5] =	stream.indirect.gather [hbm4b:s6+s20], $0x20, s26, s20, $0xb8;
	[tilespmem:$0x12E40] =	vst v63  }
0xf2: {  	s3 =	smov.u32 s23  }
0xf3: {  	p1 =	sne.s32 s23, $0x12C00;
	s23 =	sadd.s32 $0x640, s23;
	_ =	swait.ge [sflag:s31], $0xA00  }
0xf4: {  	s26 =	sshra.s32 s3, $0x2;
	[sflag:s31] =	ssyncset.done $0x0  }
0xf5: {  	s3 =	sadd.s32 $0x4E20, s26;
	[sflag:s31] =	ssyncadd.s32 $0xFFFFF600  }
0xf6: {  	[spmem:s2] =	stream.indirect.scatter.add.bf16 [tilespmem:s21], [sflag:$0x6], $0x20, s3, s20, $0xb8;
	[tilespmem:$0x12E40] =	vst v63  }
0xf7: {  	_ =	swait.ge [sflag:s18], $0xA00  }
0xf8: {  	[sflag:s18] =	ssyncset.done $0x0  }
0xf9: {  	s3 =	sadd.s32 $0x190, s26;
	[sflag:s18] =	ssyncadd.s32 $0xFFFFF600  }
0xfa: {  	[tilespmem:s21], [sflag:$0x1] =	stream.indirect.gather [hbm4b:s6+s20], $0x20, s3, s20, $0xb8;
	[tilespmem:$0x12E40] =	vst v63  }
0xfb: {  	_ =	swait.ge [sflag:s0], $0xA00  }
0xfc: {  	[sflag:s0] =	ssyncset.done $0x0  }
0xfd: {  	s3 =	sadd.s32 $0x4E70, s26;
	[sflag:s0] =	ssyncadd.s32 $0xFFFFF600  }
0xfe: {  	[spmem:s2] =	stream.indirect.scatter.add.bf16 [tilespmem:s22], [sflag:$0x6], $0x20, s3, s20, $0xb8;
	[tilespmem:$0x12E40] =	vst v63  }
0xff: {  	_ =	swait.ge [sflag:s18], $0xA00  }
0x100: {  	[sflag:s18] =	ssyncset.done $0x0  }
0x101: {  	s3 =	sadd.s32 $0x1E0, s26;
	[sflag:s18] =	ssyncadd.s32 $0xFFFFF600  }
0x102: {  	[tilespmem:s22], [sflag:$0x2] =	stream.indirect.gather [hbm4b:s6+s20], $0x20, s3, s20, $0xb8;
	[tilespmem:$0x12E40] =	vst v63  }
0x103: {  	_ =	swait.ge [sflag:s1], $0xA00  }
0x104: {  	[sflag:s1] =	ssyncset.done $0x0  }
0x105: {  	s3 =	sadd.s32 $0x4EC0, s26;
	[sflag:s1] =	ssyncadd.s32 $0xFFFFF600  }
0x106: {  	[spmem:s2] =	stream.indirect.scatter.add.bf16 [tilespmem:s24], [sflag:$0x6], $0x20, s3, s20, $0xb8;
	[tilespmem:$0x12E40] =	vst v63  }
0x107: {  	_ =	swait.ge [sflag:s18], $0xA00  }
0x108: {  	[sflag:s18] =	ssyncset.done $0x0  }
0x109: {  	s3 =	sadd.s32 $0x230, s26;
	[sflag:s18] =	ssyncadd.s32 $0xFFFFF600  }
0x10a: {  	[tilespmem:s24], [sflag:$0x3] =	stream.indirect.gather [hbm4b:s6+s20], $0x20, s3, s20, $0xb8;
	[tilespmem:$0x12E40] =	vst v63  }
0x10b: {  	_ =	swait.ge [sflag:s19], $0xA00  }
0x10c: {  	[sflag:s19] =	ssyncset.done $0x0  }
0x10d: {  	s3 =	sadd.s32 $0x4F10, s26;
	[sflag:s19] =	ssyncadd.s32 $0xFFFFF600  }
0x10e: {  	[spmem:s2] =	stream.indirect.scatter.add.bf16 [tilespmem:s28], [sflag:$0x6], $0x20, s3, s20, $0xb8;
	[tilespmem:$0x12E40] =	vst v63  }
0x10f: {  	_ =	swait.ge [sflag:s18], $0xA00  }
0x110: {  	[sflag:s18] =	ssyncset.done $0x0  }
0x111: {  	s3 =	sadd.s32 $0x280, s26;
	[sflag:s18] =	ssyncadd.s32 $0xFFFFF600  }
0x112: {  	[tilespmem:s28], [sflag:$0x4] =	stream.indirect.gather [hbm4b:s6+s20], $0x20, s3, s20, $0xb8;
	[tilespmem:$0x12E40] =	vst v63  }
0x113: {  	_ =	swait.ge [sflag:s7], $0xA00  }
0x114: {  	[sflag:s7] =	ssyncset.done $0x0  }
.Ltmp6:
0x115: {  	s3 =	sadd.s32 $0x4F60, s26;
	[sflag:s7] =	ssyncadd.s32 $0xFFFFF600;
	(pc) =	sbr.rel @p1 .LBB2_8-.Ltmp6, $4  }
0x116: {  	[spmem:s2] =	stream.indirect.scatter.add.bf16 [tilespmem:s30], [sflag:$0x6], $0x20, s3, s20, $0xb8;
	[tilespmem:$0x12E40] =	vst v63  }
0x117: {  	_ =	swait.ge [sflag:s18], $0xA00  }
0x118: {  	[sflag:s18] =	ssyncset.done $0x0  }
0x119: {  	s26 =	sadd.s32 $0x2D0, s26;
	[sflag:s18] =	ssyncadd.s32 $0xFFFFF600  }
.Ltmp7:
0x11a: {  	_ = 	snop;
	(pc) =	sbr.rel .LBB2_9-.Ltmp7, $1  }
0x11b: {  	_ =	sdelay $0x3  }
.LBB2_11:
0x11c: {  	_ =	sfence.sel $0x180000  }
0x11d: {  	[bflag:$0x0] =	sbarrier.arrive $0xFFFF  }
0x11e: {  	_ =	strace $0x9000004A  }
0x11f: {  	s0 =	stileid.u32;
	[bflag:$0x2] =	sbarrier.arrive $0xFFFF  }
0x120: {  	p0 =	sne.s32 s0, $0x0;
	s0 =	rddreg [dreg:$0x3]  }
0x121: {  	s0 =	sadd.s32 @!p0 $0x100000, s0  }
0x122: {  	[sflag:s0] =	ssyncadd.tile.s32 @!p0 $0x1;
	_ =	shalt  }
.Lfunc_end2:
_tile_overlayer_lowered:
.L_overlay_start_2:
0x123: {  	(tag) =	ssettag $0x2  }
0x124: {  	s0 =	rddreg [dreg:$0x0];
	s2 =	stileid.u32  }
0x125: {  	s1 =	rddreg [dreg:$0x1];
	p0 =	sne.s32 s2, $0x0  }
0x126: {  	s3 =	rddreg [dreg:$0x2];
	[bflag:$0x3] =	sbarrier.arrive $0xFFFF;
	s2 =	simm.s32 @!p0 $0x1C06  }
0x127: {  	[timem:s3], [sflag:s2] =	dma.local @!p0 [hbm:s0], s1  }
0x128: {  	s0 =	simm.s32 @!p0 $0x6  }
0x129: {  	_ =	swait.ge @!p0 [sflag:s0], s1  }
0x12a: {  	s1 =	ssub.s32 @!p0 $0x0, s1;
	[sflag:s0] =	ssyncset.done @!p0 $0x0  }
0x12b: {  	[sflag:s0] =	ssyncadd.s32 @!p0 s1  }
0x12c: {  	[bflag:$0x3] =	sbarrier.arrive $0xFFFF  }
0x12d: {  	_ =	shalt  }

// kernel: kernel.16.cloned.1.call-start
scs
__scs_entry_jumppad:
0x0: {  	(pc) =	sbr.rel $0x88, $3  }
0x1: {  	(tag) =	ssettag $0x0;
	lr =	simm.s32 $0x1  }
0x2: {  	[smem:$0x3F97] =	sst lr;
	_ =	strace $0xD0000000  }
0x3: {  	_ = 	snop  }
0x4: {  	_ = 	snop  }
0x5: {  	_ = 	snop  }
0x6: {  	_ = 	snop  }
0x7: {  	_ = 	snop  }
__scs_overlays_trampoline_lowered:
0x8: {  	[smem:$0x3FA6] =	sst s0  }
0x9: {  	[smem:$0x3FA7] =	sst s1  }
0xa: {  	[smem:$0x3FA8] =	sst s2  }
0xb: {  	[smem:$0x3FA9] =	sst s3  }
0xc: {  	[smem:$0x3FAA] =	sst s4  }
0xd: {  	[smem:$0x3FAB] =	sst s5  }
0xe: {  	[smem:$0x3FAC] =	sst s6  }
0xf: {  	[smem:$0x3FAD] =	sst s7  }
0x10: {  	[smem:$0x3FAE] =	sst s8  }
0x11: {  	[smem:$0x3FAF] =	sst s9;
	s0 =	simm.s32 @!p0 $0x0  }
0x12: {  	s1 =	sld [smem:$0x3F95];
	s0 =	simm.s32 @p0 $0x1  }
0x13: {  	[smem:$0x3FB0] =	sst s0;
	s0 =	simm.s32 @!p1 $0x0  }
0x14: {  	s2 =	sld [smem:$0x3F94];
	s0 =	simm.s32 @p1 $0x1  }
0x15: {  	[smem:$0x3FB1] =	sst s0;
	s0 =	simm.s32 @!p2 $0x0  }
0x16: {  	s3 =	sld [smem:$0x3FDB];
	s0 =	simm.s32 @p2 $0x1  }
0x17: {  	s4 =	simm.s32 $0x1BF5;
	[smem:$0x3FB3] =	sst s0  }
0x18: {  	s0 =	sld [smem:$0x3F96];
	_ =	swait.ge [sflag:s4], $0x0  }
0x19: {  	s7 =	sld [smem:$0x3F97]  }
0x1a: {  	s8 =	sadd.s32 $0xFFFFE003, lr  }
0x1b: {  	s9 =	sadd.s32 $0xFFFFFEF7, lr;
	s5 =	simm.s32 $0xFFFFFFFF;
	p2 =	slt.u32 s8, $0xFFFFF086  }
0x1c: {  	p1 =	slt.u32 s9, $0xF7A;
	s5 =	simm.s32 @!p2 $0x0  }
0x1d: {  	s5 =	simm.s32 @p1 $0x1;
	p0 =	seq.s32 s7, s2  }
0x1e: {  	s7 =	smul.u32 @!p0 $0xF7A, s2;
	p2 =	seq.s32 @!p0 s5, $0x0  }
0x1f: {  	s9 =	smul.u32 $0xF7A, s1;
	s8 =	simm.s32 @!p0 $0x1BF5;
	p2 =	por !p2, p0  }
0x20: {  	[sflag:s8] =	ssyncset.s32 @!p0 $0xFFFFF086;
	s6 =	sadd.s32 @!p0 s3, s7;
	s7 =	simm.s32 @!p0 $0x108  }
0x21: {  	s3 =	sadd.s32 s3, s9;
	s6 =	sadd.s32 @!p0 $0x88, s6;
	s7 =	simm.s32 @p2 $0x1082  }
0x22: {  	[simem:s7], [sflag:s8] =	dma.local @!p0 [hbm:s6], $0xF7A  }
0x23: {  	s9 =	sor.u32 $0xD0000000, s2;
	s6 =	simm.s32 $0x108;
	_ =	swait.ge @!p0 [sflag:s8], $0x0  }
0x24: {  	s3 =	sadd.s32 $0x88, s3;
	s6 =	simm.s32 @!p1 $0x1082;
	[sflag:s4] =	ssyncset.s32 $0xFFFFF086  }
0x25: {  	[simem:s6], [sflag:s4] =	dma.local [hbm:s3], $0xF7A  }
0x26: {  	[smem:$0x3F97] =	sst s1;
	(tag) =	ssettag s2;
	_ =	strace s9  }
0x27: {  	s1 =	sld [smem:$0x3FA7]  }
0x28: {  	s2 =	sld [smem:$0x3FA8]  }
0x29: {  	s4 =	sld [smem:$0x3FAA]  }
0x2a: {  	p0 =	seq.s32 s5, $0x0;
	s5 =	sld [smem:$0x3FAB]  }
0x2b: {  	s6 =	sld [smem:$0x3FAC]  }
0x2c: {  	s7 =	sld [smem:$0x3FAD]  }
0x2d: {  	s3 =	simm.s32 $0x108;
	s8 =	sld [smem:$0x3FAE]  }
0x2e: {  	s3 =	simm.s32 @!p0 $0x1082;
	s9 =	sld [smem:$0x3FAF]  }
0x2f: {  	lr =	sadd.s32 s0, s3;
	s0 =	sld [smem:$0x3FA6]  }
0x30: {  	s3 =	sld [smem:$0x3FA9]  }
0x31: {  	[smem:$0x3FB2] =	sst s10  }
0x32: {  	s10 =	sld [smem:$0x3FB0];
	_ =	sdelay $0x3  }
0x33: {  	p0 =	seq.s32 s10, $0x1;
	s10 =	sld [smem:$0x3FB2];
	_ =	sdelay $0x3  }
0x34: {  	[smem:$0x3FB2] =	sst s10  }
0x35: {  	s10 =	sld [smem:$0x3FB1];
	_ =	sdelay $0x3  }
0x36: {  	p1 =	seq.s32 s10, $0x1;
	s10 =	sld [smem:$0x3FB2];
	_ =	sdelay $0x3  }
0x37: {  	[smem:$0x3FB2] =	sst s10  }
0x38: {  	s10 =	sld [smem:$0x3FB3]  }
0x39: {  	_ = 	snop;
	(pc) =	sbr.ind lr, $3  }
0x3a: {  	_ = 	snop  }
0x3b: {  	_ = 	snop  }
0x3c: {  	p2 =	seq.s32 s10, $0x1;
	s10 =	sld [smem:$0x3FB2]  }
0x3d: {  	_ =	shalt  }
0x3e: {  	_ =	shalt  }
0x3f: {  	_ =	shalt  }
0x40: {  	_ =	shalt  }
0x41: {  	_ =	shalt  }
0x42: {  	_ =	shalt  }
0x43: {  	_ =	shalt  }
0x44: {  	_ =	shalt  }
0x45: {  	_ =	shalt  }
0x46: {  	_ =	shalt  }
0x47: {  	_ =	shalt  }
0x48: {  	_ =	shalt  }
0x49: {  	_ =	shalt  }
0x4a: {  	_ =	shalt  }
0x4b: {  	_ =	shalt  }
0x4c: {  	_ =	shalt  }
0x4d: {  	_ =	shalt  }
0x4e: {  	_ =	shalt  }
0x4f: {  	_ =	shalt  }
0x50: {  	_ =	shalt  }
0x51: {  	_ =	shalt  }
0x52: {  	_ =	shalt  }
0x53: {  	_ =	shalt  }
0x54: {  	_ =	shalt  }
0x55: {  	_ =	shalt  }
0x56: {  	_ =	shalt  }
0x57: {  	_ =	shalt  }
0x58: {  	_ =	shalt  }
0x59: {  	_ =	shalt  }
0x5a: {  	_ =	shalt  }
0x5b: {  	_ =	shalt  }
0x5c: {  	_ =	shalt  }
0x5d: {  	_ =	shalt  }
0x5e: {  	_ =	shalt  }
0x5f: {  	_ =	shalt  }
0x60: {  	_ =	shalt  }
0x61: {  	_ =	shalt  }
0x62: {  	_ =	shalt  }
0x63: {  	_ =	shalt  }
0x64: {  	_ =	shalt  }
0x65: {  	_ =	shalt  }
0x66: {  	_ =	shalt  }
0x67: {  	_ =	shalt  }
0x68: {  	_ =	shalt  }
0x69: {  	_ =	shalt  }
0x6a: {  	_ =	shalt  }
0x6b: {  	_ =	shalt  }
0x6c: {  	_ =	shalt  }
0x6d: {  	_ =	shalt  }
0x6e: {  	_ =	shalt  }
0x6f: {  	_ =	shalt  }
0x70: {  	_ =	shalt  }
0x71: {  	_ =	shalt  }
0x72: {  	_ =	shalt  }
0x73: {  	_ =	shalt  }
0x74: {  	_ =	shalt  }
0x75: {  	_ =	shalt  }
0x76: {  	_ =	shalt  }
0x77: {  	_ =	shalt  }
0x78: {  	_ =	shalt  }
0x79: {  	_ =	shalt  }
0x7a: {  	_ =	shalt  }
0x7b: {  	_ =	shalt  }
0x7c: {  	_ =	shalt  }
0x7d: {  	_ =	shalt  }
0x7e: {  	_ =	shalt  }
0x7f: {  	_ =	shalt  }
0x80: {  	_ =	shalt  }
0x81: {  	_ =	shalt  }
0x82: {  	_ =	shalt  }
0x83: {  	_ =	shalt  }
0x84: {  	_ =	shalt  }
0x85: {  	_ =	shalt  }
0x86: {  	_ =	shalt  }
0x87: {  	_ =	shalt  }
.Lfunc_end0:
.L_simem_size_0:
called_computation.2_lowered:
.L_overlay_start_0:
0x88: {  	s2 =	sld [smem:$0x3FD9]  }
0x89: {  	s3 =	sld [smem:$0x3FFE];
	_ =	sdelay $0x1  }
0x8a: {  	s1 =	srdreg.scid  }
0x8b: {  	s0 =	sand.u32 $0x1, s1  }
0x8c: {  	s17 =	sshll.u32 s0, $0xA;
	s2 =	sadd.s32 s3, s2  }
0x8d: {  	s2 =	sadd.s32 s2, s17  }
0x8e: {  	[smem:$0x3FBE] =	sst s2  }
0x8f: {  	_ = 	snop  }
0x90: {  	s2 =	sld [smem:$0x3FD0];
	(tm) =	ssettm $0x1  }
0x91: {  	s18 =	sld [smem:$0x3FFB];
	_ =	sdelay $0x3  }
0x92: {  	_ =	strace s18  }
0x93: {  	s3 =	sld [smem:$0x3FFC];
	_ =	sdelay $0x3  }
0x94: {  	_ =	strace s3  }
0x95: {  	s3 =	sld [smem:$0x3FFD];
	_ =	sdelay $0x3  }
0x96: {  	_ =	strace s3  }
0x97: {  	_ =	strace $0x8FFFFFFF  }
0x98: {  	s19 =	sld [smem:$0x3FDB];
	_ =	sdelay $0x1  }
0x99: {  	s4 =	simm.s32 $_scs_section_size  }
0x9a: {  	s5 =	simm.s32 $_size__tile_overlayer_lowered;
	s6 =	simm.s32 $_tile_overlayer_lowered  }
0x9b: {  	s22 =	simm.s32 $0x1BFF;
	s21 =	sshll.u32 s6, $0x1;
	s3 =	sadd.s32 s4, s19  }
0x9c: {  	s7 =	simm.s32 $0x0;
	s20 =	sshll.u32 s5, $0x1;
	s5 =	sadd.s32 s21, s3  }
0x9d: {  	[timem:s7], [sflag:s22] =	dma.local [hbm:s5], s20  }
0x9e: {  	_ =	swait.ge [sflag:s22], s20  }
0x9f: {  	s4 =	ssub.s32 $0x0, s20;
	[sflag:s22] =	ssyncset.done $0x0  }
0xa0: {  	[sflag:s22] =	ssyncadd.s32 s4;
	_ =	sdelay $0x1  }
0xa1: {  	s23 =	simm.s32 $0x1B8B  }
0xa2: {  	_ =	swait.ge [sflag:s23], $0x1  }
0xa3: {  	[sflag:s23] =	ssyncset.done $0x0  }
0xa4: {  	s25 =	simm.s32 $0x1B8E;
	s24 =	sld [smem:$0x3FFE];
	[sflag:s23] =	ssyncadd.s32 $0xFFFFFFFF  }
0xa5: {  	s26 =	simm.s32 $execute0_lowered;
	[smem:$0x3FD2] =	sst s25  }
0xa6: {  	s5 =	sshll.u32 s26, $0x1;
	_ =	strace $0x8000004C;
	[dreg:$0x1] =	wrdreg $0xFFFFFFFF  }
0xa7: {  	s28 =	simm.s32 $_size_execute0_lowered;
	s3 =	sadd.s32 s3, s5;
	[dreg:$0x0] =	wrdreg $0x0  }
0xa8: {  	s5 =	sshll.u32 s28, $0x1;
	[dreg:$0x2] =	wrdreg s3  }
0xa9: {  	[dreg:$0x3] =	wrdreg s5  }
0xaa: {  	[dreg:$0x4] =	wrdreg $0xC0  }
0xab: {  	_ =	task [dreg:s7], $0x5FFFF  }
0xac: {  	[dreg:$0x1] =	wrdreg $0xFFFFFFFF  }
0xad: {  	[dreg:$0x0] =	wrdreg $0x60  }
0xae: {  	[dreg:$0x2] =	wrdreg s24  }
0xaf: {  	[dreg:$0x3] =	wrdreg s2  }
0xb0: {  	[dreg:$0x4] =	wrdreg $0xDE400  }
0xb1: {  	[dreg:$0x5] =	wrdreg $0x9  }
0xb2: {  	_ =	task.clear_ibuf [dreg:s7], $0x6FFFF;
	_ =	strace $0x9000004C  }
0xb3: {  	s29 =	simm.s32 $0x9;
	_ =	strace $0x8000004E  }
0xb4: {  	_ =	swait.ge [sflag:s29], $0x1  }
0xb5: {  	[sflag:s29] =	ssyncadd.s32 $0xFFFFFFFF  }
0xb6: {  	_ =	strace $0x9000004E  }
0xb7: {  	_ =	sfence  }
0xb8: {  	s30 =	sld [smem:$0x0];
	_ =	sdelay $0x2  }
0xb9: {  	s31 =	sshll.u32 s1, $0xD;
	s1 =	sshrl.u32 s1, $0x2  }
0xba: {  	s3 =	sand.u32 $0x4000, s31;
	s1 =	sadd.s32 s1, s30  }
0xbb: {  	s0 =	sor.u32 s3, s0;
	s1 =	sshll.u32 s1, $0x11  }
0xbc: {  	s0 =	sor.u32 s1, s0  }
0xbd: {  	s0 =	sadd.s32 $0x8F2B, s0  }
0xbe: {  	[sflag:s0] =	ssyncadd.remote.s32 $0x1  }
0xbf: {  	_ =	sfence.sel $0xFFFF  }
0xc0: {  	[dreg:$0x0] =	wrdreg $0xFFFFFFFF;
	(pc) =	sbr.abs _section_cstart, $3  }
0xc1: {  	[dreg:$0x1] =	wrdreg $0xFFFFFFFF  }
0xc2: {  	_ =	task.clear_ibuf [dreg:s7], $0x2FFFF;
	_ =	strace $0x9FFFFFFF  }
0xc3: {  	(tm) =	ssettm $0x7FFFFFFF  }
tec
execute0_lowered:
.L_overlay_start_1:
0x0: {  	(tag) =	ssettag $0x1  }
0x1: {  	s0 =	rddreg [dreg:$0x0]  }
0x2: {  	s2 =	rddreg [dreg:$0x2];
	s4 =	simm.s32 $0x0;
	s3 =	stileid.u32  }
0x3: {  	s1 =	srdreg.scid;
	s17 =	simm.s32 $0xCE40;
	s18 =	simm.s32 $0x6  }
0x4: {  	s20 =	simm.s32 $0x50;
	s21 =	simm.s32 $0x9C40;
	s22 =	simm.s32 $0xA640  }
0x5: {  	s28 =	simm.s32 $0xBA40;
	s30 =	simm.s32 $0xC440;
	s31 =	simm.s32 $0x1  }
0x6: {  	s19 =	simm.s32 $0x4;
	s29 =	simm.s32 $0x0;
	s7 =	smul.u32 $0x9C4, s3  }
0x7: {  	[smem:$0x7FF] =	sst s4;
	s5 =	sadd.s32 $0x70A00, s0;
	s9 =	smul.u32 $0x14000, s3  }
0x8: {  	s1 =	sand.u32 $0x1, s1;
	s6 =	sadd.s32 $0x66C00, s0;
	s11 =	smul.u32 $0xA000, s3  }
0x9: {  	_ =	strace $0x8000004D;
	s8 =	ssub.s32 $0x2, s1;
	p0 =	sne.s32 s1, $0x0  }
0xa: {  	s1 =	simm.s32 $0x3;
	s7 =	sadd.s32 s7, s0;
	s10 =	sshrl.u32 s8, $0x1  }
0xb: {  	s0 =	sadd.s32 $0x7A800, s0;
	s24 =	sshrl.u32 s9, $0x2;
	s12 =	sshrl.u32 s11, $0x1  }
0xc: {  	s11 =	sshrl.u32 s11, $0x4;
	[dreg:$0x4] =	wrdreg s0;
	s23 =	ssub.s32 s8, s10  }
.Ltmp0:
0xd: {  	s8 =	sadd.s32 s24, s2;
	s25 =	sadd.s32 $0x4C00, s7;
	(pc) =	sbr.rel .LBB2_1-.Ltmp0, $4  }
0xe: {  	s10 =	sadd.s32 $0xEA00, s7;
	s26 =	sadd.s32 s12, s2;
	s24 =	simm.s32 $0xB040  }
0xf: {  	s0 =	simm.s32 $0x2;
	s7 =	simm.s32 $0x5;
	[dreg:$0x5] =	wrdreg s25  }
0x10: {  	s12 =	smax.u32 s23, $0x1;
	s13 =	sadd.s32 $0x1000, s8;
	s14 =	sadd.s32 $0x2000, s8  }
0x11: {  	v0 =	vimm.bf16 $0.0e+00;
	s15 =	sadd.s32 $0x3000, s8;
	s16 =	sadd.s32 $0x4000, s8;
	s25 =	sshrl.u32 s26, $0x3  }
.LBB2_9:
0x12: {  	[tilespmem:s30], [sflag:$0x5] =	stream.indirect.gather [hbm4b:s6+s20], $0x20, s26, s20, $0xb8;
	[tilespmem:$0x12E40] =	vst v63  }
0x13: {  	s23 =	rddreg [dreg:$0x4]  }
.LBB2_10:
0x14: {  	_ =	swait.ge [sflag:s31], $0xA00  }
0x15: {  	[sflag:s31] =	ssyncset.done $0x0  }
0x16: {  	s3 =	simm.s32 $0x9AB0;
	[sflag:s31] =	ssyncadd.s32 $0xFFFFF600  }
0x17: {  	[spmem:s2] =	stream.indirect.scatter.add.bf16 [tilespmem:s21], [sflag:$0x6], $0x20, s3, s20, $0xb8;
	[tilespmem:$0x12E40] =	vst v63  }
0x18: {  	_ =	swait.ge [sflag:s18], $0xA00  }
0x19: {  	[sflag:s18] =	ssyncset.done $0x0  }
0x1a: {  	[sflag:s18] =	ssyncadd.s32 $0xFFFFF600  }
0x1b: {  	_ =	swait.ge [sflag:s0], $0xA00  }
0x1c: {  	[sflag:s0] =	ssyncset.done $0x0  }
0x1d: {  	s26 =	simm.s32 $0x9B00;
	[sflag:s0] =	ssyncadd.s32 $0xFFFFF600  }
0x1e: {  	[spmem:s2] =	stream.indirect.scatter.add.bf16 [tilespmem:s22], [sflag:$0x6], $0x20, s26, s20, $0xb8;
	[tilespmem:$0x12E40] =	vst v63  }
0x1f: {  	_ =	swait.ge [sflag:s18], $0xA00  }
0x20: {  	[sflag:s18] =	ssyncset.done $0x0  }
0x21: {  	[sflag:s18] =	ssyncadd.s32 $0xFFFFF600  }
0x22: {  	_ =	swait.ge [sflag:s1], $0xA00  }
0x23: {  	[sflag:s1] =	ssyncset.done $0x0  }
0x24: {  	s9 =	simm.s32 $0x9B50;
	[sflag:s1] =	ssyncadd.s32 $0xFFFFF600  }
0x25: {  	[spmem:s2] =	stream.indirect.scatter.add.bf16 [tilespmem:s24], [sflag:$0x6], $0x20, s9, s20, $0xb8;
	[tilespmem:$0x12E40] =	vst v63  }
0x26: {  	_ =	swait.ge [sflag:s18], $0xA00  }
0x27: {  	[sflag:s18] =	ssyncset.done $0x0  }
0x28: {  	[sflag:s18] =	ssyncadd.s32 $0xFFFFF600  }
0x29: {  	_ =	swait.ge [sflag:s19], $0xA00  }
0x2a: {  	[sflag:s19] =	ssyncset.done $0x0  }
0x2b: {  	s26 =	simm.s32 $0x9BA0;
	[sflag:s19] =	ssyncadd.s32 $0xFFFFF600  }
0x2c: {  	[spmem:s2] =	stream.indirect.scatter.add.bf16 [tilespmem:s28], [sflag:$0x6], $0x20, s26, s20, $0xb8;
	[tilespmem:$0x12E40] =	vst v63  }
0x2d: {  	_ =	swait.ge [sflag:s18], $0xA00  }
0x2e: {  	[sflag:s18] =	ssyncset.done $0x0  }
0x2f: {  	[sflag:s18] =	ssyncadd.s32 $0xFFFFF600  }
0x30: {  	_ =	swait.ge [sflag:s7], $0xA00  }
0x31: {  	[sflag:s7] =	ssyncset.done $0x0  }
0x32: {  	s9 =	simm.s32 $0x9BF0;
	[sflag:s7] =	ssyncadd.s32 $0xFFFFF600  }
0x33: {  	[spmem:s2] =	stream.indirect.scatter.add.bf16 [tilespmem:s30], [sflag:$0x6], $0x20, s9, s20, $0xb8;
	[tilespmem:$0x12E40] =	vst v63  }
0x34: {  	s26 =	stileid.u32;
	_ =	swait.ge [sflag:s18], $0xA00  }
0x35: {  	s29 =	sadd.s32 $0x1, s29;
	s3 =	sshll.u32 s26, $0x6;
	[sflag:s18] =	ssyncset.done $0x0  }
0x36: {  	p1 =	sne.s32 s29, s12;
	s3 =	sor.u32 $0x1C06, s3;
	[sflag:s18] =	ssyncadd.s32 $0xFFFFF600  }
.Ltmp1:
0x37: {  	s9 =	sadd.s32 s23, s11;
	[bflag:$0x0] =	sbarrier.arrive $0xFFFF;
	(pc) =	sbr.rel @!p1 .LBB2_11-.Ltmp1, $4  }
0x38: {  	[hbm:s9], [sflag:s3] =	dma.local [spmem:s25], $0xA00  }
0x39: {  	_ =	swait.ge [sflag:s18], $0xA00  }
0x3a: {  	[sflag:s18] =	ssyncset.done $0x0  }
0x3b: {  	[sflag:s18] =	ssyncadd.s32 $0xFFFFF600  }
.LBB2_1:
0x3c: {  	s23 =	sand.u32 $0x3F80, s4;
	s26 =	sand.u32 $0x20, s4  }
0x3d: {  	s23 =	sshrl.u32 s23, $0x2;
	s26 =	sshrl.u32 s26, $0x1  }
0x3e: {  	s26 =	sor.u32 s26, s23  }
0x3f: {  	s23 =	simm.s32 $0x40;
	[tilespmem:s26+$0xCE40] =	vst v0;
	s26 =	simm.s32 $0x0  }
.LBB2_2:
0x40: {  	p1 =	sne.s32 s23, $0x3FC0  }
.Ltmp2:
0x41: {  	s3 =	sand.u32 $0x3F80, s23;
	s26 =	sadd.s32 $0x20, s26;
	(pc) =	sbr.rel @p1 .LBB2_2-.Ltmp2, $4  }
0x42: {  	s23 =	sadd.s32 $0x40, s23;
	s9 =	sand.u32 $0x20, s26  }
0x43: {  	s3 =	sshrl.u32 s3, $0x2;
	s9 =	sshrl.u32 s9, $0x1  }
0x44: {  	s3 =	sor.u32 s9, s3  }
0x45: {  	[tilespmem:s3+$0xCE40] =	vst v0  }
0x46: {  	[spmem:s8] =	stream.linear.scatter [tilespmem:s17], [sflag:$0x6], $0x1000, $0x38;
	[tilespmem:$0x12E40] =	vst v63  }
0x47: {  	_ =	swait.ge [sflag:s18], $0x1000  }
0x48: {  	[sflag:s18] =	ssyncset.done $0x0  }
0x49: {  	[sflag:s18] =	ssyncadd.s32 $0xFFFFF000  }
0x4a: {  	[spmem:s13] =	stream.linear.scatter [tilespmem:s17], [sflag:$0x6], $0x1000, $0x38;
	[tilespmem:$0x12E40] =	vst v63  }
0x4b: {  	_ =	swait.ge [sflag:s18], $0x1000  }
0x4c: {  	[sflag:s18] =	ssyncset.done $0x0  }
0x4d: {  	[sflag:s18] =	ssyncadd.s32 $0xFFFFF000  }
0x4e: {  	[spmem:s14] =	stream.linear.scatter [tilespmem:s17], [sflag:$0x6], $0x1000, $0x38;
	[tilespmem:$0x12E40] =	vst v63  }
0x4f: {  	_ =	swait.ge [sflag:s18], $0x1000  }
0x50: {  	[sflag:s18] =	ssyncset.done $0x0  }
0x51: {  	[sflag:s18] =	ssyncadd.s32 $0xFFFFF000  }
0x52: {  	[spmem:s15] =	stream.linear.scatter [tilespmem:s17], [sflag:$0x6], $0x1000, $0x38;
	[tilespmem:$0x12E40] =	vst v63  }
0x53: {  	_ =	swait.ge [sflag:s18], $0x1000  }
0x54: {  	[sflag:s18] =	ssyncset.done $0x0  }
0x55: {  	[sflag:s18] =	ssyncadd.s32 $0xFFFFF000  }
0x56: {  	[spmem:s16] =	stream.linear.scatter [tilespmem:s17], [sflag:$0x6], $0x1000, $0x38;
	[tilespmem:$0x12E40] =	vst v63  }
0x57: {  	_ =	swait.ge [sflag:s18], $0x1000  }
0x58: {  	[sflag:s18] =	ssyncset.done $0x0  }
0x59: {  	s3 =	rddreg [dreg:$0x5];
	[sflag:s18] =	ssyncadd.s32 $0xFFFFF000  }
0x5a: {  	[tilespmem:s4], [sflag:$0x6] =	stream.linear.gather [hbm4b:s3+s4], $0x4E20, $0x38;
	[tilespmem:$0x12E40] =	vst v63  }
0x5b: {  	_ =	swait.ge [sflag:s18], $0x4E20  }
0x5c: {  	[sflag:s18] =	ssyncset.done $0x0  }
0x5d: {  	s26 =	simm.s32 $0x4E20;
	[sflag:s18] =	ssyncadd.s32 $0xFFFFB1E0  }
0x5e: {  	[tilespmem:s26], [sflag:$0x6] =	stream.linear.gather [hbm4b:s10+s4], $0x4E20, $0x38;
	[tilespmem:$0x12E40] =	vst v63  }
.Ltmp3:
0x5f: {  	_ =	swait.ge [sflag:s18], $0x4E20;
	(pc) =	sbr.rel @p0 .LBB2_7-.Ltmp3, $4  }
0x60: {  	[sflag:s18] =	ssyncset.done $0x0  }
0x61: {  	[sflag:s18] =	ssyncadd.s32 $0xFFFFB1E0  }
0x62: {  	[bflag:$0x0] =	sbarrier.arrive $0xFFFF  }
0x63: {  	s3 =	simm.s32 $0x0  }
0x64: {  	[tilespmem:s21], [sflag:$0x1] =	stream.indirect.gather [hbm4b:s5+s20], $0x20, s3, s20, $0xb8;
	[tilespmem:$0x12E40] =	vst v63  }
0x65: {  	_ = 	snop  }
0x66: {  	[tilespmem:s22], [sflag:$0x2] =	stream.indirect.gather [hbm4b:s5+s20], $0x20, s20, s20, $0xb8;
	[tilespmem:$0x12E40] =	vst v63  }
0x67: {  	s9 =	simm.s32 $0xA0  }
0x68: {  	[tilespmem:s24], [sflag:$0x3] =	stream.indirect.gather [hbm4b:s5+s20], $0x20, s9, s20, $0xb8;
	[tilespmem:$0x12E40] =	vst v63  }
0x69: {  	s23 =	simm.s32 $0xF0  }
0x6a: {  	[tilespmem:s28], [sflag:$0x4] =	stream.indirect.gather [hbm4b:s5+s20], $0x20, s23, s20, $0xb8;
	[tilespmem:$0x12E40] =	vst v63  }
0x6b: {  	s26 =	simm.s32 $0x140  }
0x6c: {  	[tilespmem:s30], [sflag:$0x5] =	stream.indirect.gather [hbm4b:s5+s20], $0x20, s26, s20, $0xb8;
	[tilespmem:$0x12E40] =	vst v63  }
0x6d: {  	_ =	swait.ge [sflag:s31], $0xA00  }
0x6e: {  	[sflag:s31] =	ssyncset.done $0x0  }
0x6f: {  	s9 =	simm.s32 $0x4E20;
	[sflag:s31] =	ssyncadd.s32 $0xFFFFF600  }
0x70: {  	[spmem:s2] =	stream.indirect.scatter.add.bf16 [tilespmem:s21], [sflag:$0x6], $0x20, s9, s20, $0xb8;
	[tilespmem:$0x12E40] =	vst v63  }
0x71: {  	_ =	swait.ge [sflag:s18], $0xA00  }
0x72: {  	[sflag:s18] =	ssyncset.done $0x0  }
0x73: {  	s23 =	simm.s32 $0x190;
	[sflag:s18] =	ssyncadd.s32 $0xFFFFF600  }
0x74: {  	[tilespmem:s21], [sflag:$0x1] =	stream.indirect.gather [hbm4b:s5+s20], $0x20, s23, s20, $0xb8;
	[tilespmem:$0x12E40] =	vst v63  }
0x75: {  	_ =	swait.ge [sflag:s0], $0xA00  }
0x76: {  	[sflag:s0] =	ssyncset.done $0x0  }
0x77: {  	s26 =	simm.s32 $0x4E70;
	[sflag:s0] =	ssyncadd.s32 $0xFFFFF600  }
0x78: {  	[spmem:s2] =	stream.indirect.scatter.add.bf16 [tilespmem:s22], [sflag:$0x6], $0x20, s26, s20, $0xb8;
	[tilespmem:$0x12E40] =	vst v63  }
0x79: {  	_ =	swait.ge [sflag:s18], $0xA00  }
0x7a: {  	[sflag:s18] =	ssyncset.done $0x0  }
0x7b: {  	s9 =	simm.s32 $0x1E0;
	[sflag:s18] =	ssyncadd.s32 $0xFFFFF600  }
0x7c: {  	[tilespmem:s22], [sflag:$0x2] =	stream.indirect.gather [hbm4b:s5+s20], $0x20, s9, s20, $0xb8;
	[tilespmem:$0x12E40] =	vst v63  }
0x7d: {  	_ =	swait.ge [sflag:s1], $0xA00  }
0x7e: {  	[sflag:s1] =	ssyncset.done $0x0  }
0x7f: {  	s23 =	simm.s32 $0x4EC0;
	[sflag:s1] =	ssyncadd.s32 $0xFFFFF600  }
0x80: {  	[spmem:s2] =	stream.indirect.scatter.add.bf16 [tilespmem:s24], [sflag:$0x6], $0x20, s23, s20, $0xb8;
	[tilespmem:$0x12E40] =	vst v63  }
0x81: {  	_ =	swait.ge [sflag:s18], $0xA00  }
0x82: {  	[sflag:s18] =	ssyncset.done $0x0  }
0x83: {  	s26 =	simm.s32 $0x230;
	[sflag:s18] =	ssyncadd.s32 $0xFFFFF600  }
0x84: {  	[tilespmem:s24], [sflag:$0x3] =	stream.indirect.gather [hbm4b:s5+s20], $0x20, s26, s20, $0xb8;
	[tilespmem:$0x12E40] =	vst v63  }
0x85: {  	_ =	swait.ge [sflag:s19], $0xA00  }
0x86: {  	[sflag:s19] =	ssyncset.done $0x0  }
0x87: {  	s9 =	simm.s32 $0x4F10;
	[sflag:s19] =	ssyncadd.s32 $0xFFFFF600  }
0x88: {  	[spmem:s2] =	stream.indirect.scatter.add.bf16 [tilespmem:s28], [sflag:$0x6], $0x20, s9, s20, $0xb8;
	[tilespmem:$0x12E40] =	vst v63  }
0x89: {  	_ =	swait.ge [sflag:s18], $0xA00  }
0x8a: {  	[sflag:s18] =	ssyncset.done $0x0  }
0x8b: {  	s23 =	simm.s32 $0x280;
	[sflag:s18] =	ssyncadd.s32 $0xFFFFF600  }
0x8c: {  	[tilespmem:s28], [sflag:$0x4] =	stream.indirect.gather [hbm4b:s5+s20], $0x20, s23, s20, $0xb8;
	[tilespmem:$0x12E40] =	vst v63  }
0x8d: {  	_ =	swait.ge [sflag:s7], $0xA00  }
0x8e: {  	[sflag:s7] =	ssyncset.done $0x0  }
0x8f: {  	s26 =	simm.s32 $0x4F60;
	[sflag:s7] =	ssyncadd.s32 $0xFFFFF600  }
0x90: {  	[spmem:s2] =	stream.indirect.scatter.add.bf16 [tilespmem:s30], [sflag:$0x6], $0x20, s26, s20, $0xb8;
	[tilespmem:$0x12E40] =	vst v63  }
0x91: {  	_ =	swait.ge [sflag:s18], $0xA00  }
0x92: {  	[sflag:s18] =	ssyncset.done $0x0  }
0x93: {  	s23 =	simm.s32 $0x640;
	s26 =	simm.s32 $0x2D0;
	[sflag:s18] =	ssyncadd.s32 $0xFFFFF600  }
.LBB2_5:
0x94: {  	[tilespmem:s30], [sflag:$0x5] =	stream.indirect.gather [hbm4b:s5+s20], $0x20, s26, s20, $0xb8;
	[tilespmem:$0x12E40] =	vst v63  }
0x95: {  	s3 =	smov.u32 s23  }
0x96: {  	p1 =	seq.s32 s23, $0x12C00;
	s23 =	sadd.s32 $0x640, s23;
	_ =	swait.ge [sflag:s31], $0xA00  }
0x97: {  	s26 =	sshra.s32 s3, $0x2;
	[sflag:s31] =	ssyncset.done $0x0  }
0x98: {  	s3 =	sadd.s32 $0x4E20, s26;
	[sflag:s31] =	ssyncadd.s32 $0xFFFFF600  }
0x99: {  	[spmem:s2] =	stream.indirect.scatter.add.bf16 [tilespmem:s21], [sflag:$0x6], $0x20, s3, s20, $0xb8;
	[tilespmem:$0x12E40] =	vst v63  }
0x9a: {  	_ =	swait.ge [sflag:s18], $0xA00  }
0x9b: {  	[sflag:s18] =	ssyncset.done $0x0  }
0x9c: {  	s3 =	sadd.s32 $0x190, s26;
	[sflag:s18] =	ssyncadd.s32 $0xFFFFF600  }
0x9d: {  	[tilespmem:s21], [sflag:$0x1] =	stream.indirect.gather [hbm4b:s5+s20], $0x20, s3, s20, $0xb8;
	[tilespmem:$0x12E40] =	vst v63  }
0x9e: {  	_ =	swait.ge [sflag:s0], $0xA00  }
0x9f: {  	[sflag:s0] =	ssyncset.done $0x0  }
0xa0: {  	s3 =	sadd.s32 $0x4E70, s26;
	[sflag:s0] =	ssyncadd.s32 $0xFFFFF600  }
0xa1: {  	[spmem:s2] =	stream.indirect.scatter.add.bf16 [tilespmem:s22], [sflag:$0x6], $0x20, s3, s20, $0xb8;
	[tilespmem:$0x12E40] =	vst v63  }
0xa2: {  	_ =	swait.ge [sflag:s18], $0xA00  }
0xa3: {  	[sflag:s18] =	ssyncset.done $0x0  }
0xa4: {  	s3 =	sadd.s32 $0x1E0, s26;
	[sflag:s18] =	ssyncadd.s32 $0xFFFFF600  }
0xa5: {  	[tilespmem:s22], [sflag:$0x2] =	stream.indirect.gather [hbm4b:s5+s20], $0x20, s3, s20, $0xb8;
	[tilespmem:$0x12E40] =	vst v63  }
0xa6: {  	_ =	swait.ge [sflag:s1], $0xA00  }
0xa7: {  	[sflag:s1] =	ssyncset.done $0x0  }
0xa8: {  	s3 =	sadd.s32 $0x4EC0, s26;
	[sflag:s1] =	ssyncadd.s32 $0xFFFFF600  }
0xa9: {  	[spmem:s2] =	stream.indirect.scatter.add.bf16 [tilespmem:s24], [sflag:$0x6], $0x20, s3, s20, $0xb8;
	[tilespmem:$0x12E40] =	vst v63  }
0xaa: {  	_ =	swait.ge [sflag:s18], $0xA00  }
0xab: {  	[sflag:s18] =	ssyncset.done $0x0  }
0xac: {  	s3 =	sadd.s32 $0x230, s26;
	[sflag:s18] =	ssyncadd.s32 $0xFFFFF600  }
0xad: {  	[tilespmem:s24], [sflag:$0x3] =	stream.indirect.gather [hbm4b:s5+s20], $0x20, s3, s20, $0xb8;
	[tilespmem:$0x12E40] =	vst v63  }
0xae: {  	_ =	swait.ge [sflag:s19], $0xA00  }
0xaf: {  	[sflag:s19] =	ssyncset.done $0x0  }
0xb0: {  	s3 =	sadd.s32 $0x4F10, s26;
	[sflag:s19] =	ssyncadd.s32 $0xFFFFF600  }
0xb1: {  	[spmem:s2] =	stream.indirect.scatter.add.bf16 [tilespmem:s28], [sflag:$0x6], $0x20, s3, s20, $0xb8;
	[tilespmem:$0x12E40] =	vst v63  }
0xb2: {  	_ =	swait.ge [sflag:s18], $0xA00  }
0xb3: {  	[sflag:s18] =	ssyncset.done $0x0  }
0xb4: {  	s3 =	sadd.s32 $0x280, s26;
	[sflag:s18] =	ssyncadd.s32 $0xFFFFF600  }
0xb5: {  	[tilespmem:s28], [sflag:$0x4] =	stream.indirect.gather [hbm4b:s5+s20], $0x20, s3, s20, $0xb8;
	[tilespmem:$0x12E40] =	vst v63  }
0xb6: {  	_ =	swait.ge [sflag:s7], $0xA00  }
0xb7: {  	[sflag:s7] =	ssyncset.done $0x0  }
.Ltmp4:
0xb8: {  	s3 =	sadd.s32 $0x4F60, s26;
	[sflag:s7] =	ssyncadd.s32 $0xFFFFF600;
	(pc) =	sbr.rel @!p1 .LBB2_5-.Ltmp4, $4  }
0xb9: {  	[spmem:s2] =	stream.indirect.scatter.add.bf16 [tilespmem:s30], [sflag:$0x6], $0x20, s3, s20, $0xb8;
	[tilespmem:$0x12E40] =	vst v63  }
0xba: {  	_ =	swait.ge [sflag:s18], $0xA00  }
0xbb: {  	[sflag:s18] =	ssyncset.done $0x0  }
0xbc: {  	s26 =	sadd.s32 $0x2D0, s26;
	[sflag:s18] =	ssyncadd.s32 $0xFFFFF600  }
.Ltmp5:
0xbd: {  	(pc) =	sbr.rel .LBB2_10-.Ltmp5, $3  }
0xbe: {  	_ =	sdelay $0x1  }
0xbf: {  	[tilespmem:s30], [sflag:$0x5] =	stream.indirect.gather [hbm4b:s5+s20], $0x20, s26, s20, $0xb8;
	[tilespmem:$0x12E40] =	vst v63  }
0xc0: {  	s23 =	rddreg [dreg:$0x1]  }
.LBB2_7:
0xc1: {  	[tilespmem:s21], [sflag:$0x1] =	stream.indirect.gather [hbm4b:s6+s20], $0x20, s3, s20, $0xb8;
	[tilespmem:$0x12E40] =	vst v63  }
0xc2: {  	_ = 	snop  }
0xc3: {  	[tilespmem:s22], [sflag:$0x2] =	stream.indirect.gather [hbm4b:s6+s20], $0x20, s20, s20, $0xb8;
	[tilespmem:$0x12E40] =	vst v63  }
0xc4: {  	s9 =	simm.s32 $0xA0  }
0xc5: {  	[tilespmem:s24], [sflag:$0x3] =	stream.indirect.gather [hbm4b:s6+s20], $0x20, s9, s20, $0xb8;
	[tilespmem:$0x12E40] =	vst v63  }
0xc6: {  	s23 =	simm.s32 $0xF0  }
0xc7: {  	[tilespmem:s28], [sflag:$0x4] =	stream.indirect.gather [hbm4b:s6+s20], $0x20, s23, s20, $0xb8;
	[tilespmem:$0x12E40] =	vst v63  }
0xc8: {  	s26 =	simm.s32 $0x140  }
0xc9: {  	[tilespmem:s30], [sflag:$0x5] =	stream.indirect.gather [hbm4b:s6+s20], $0x20, s26, s20, $0xb8;
	[tilespmem:$0x12E40] =	vst v63  }
0xca: {  	_ =	swait.ge [sflag:s31], $0xA00  }
0xcb: {  	[sflag:s31] =	ssyncset.done $0x0  }
0xcc: {  	s9 =	simm.s32 $0x4E20;
	[sflag:s31] =	ssyncadd.s32 $0xFFFFF600  }
0xcd: {  	[spmem:s2] =	stream.indirect.scatter.add.bf16 [tilespmem:s21], [sflag:$0x6], $0x20, s9, s20, $0xb8;
	[tilespmem:$0x12E40] =	vst v63  }
0xce: {  	_ =	swait.ge [sflag:s18], $0xA00  }
0xcf: {  	[sflag:s18] =	ssyncset.done $0x0  }
0xd0: {  	s23 =	simm.s32 $0x190;
	[sflag:s18] =	ssyncadd.s32 $0xFFFFF600  }
0xd1: {  	[tilespmem:s21], [sflag:$0x1] =	stream.indirect.gather [hbm4b:s6+s20], $0x20, s23, s20, $0xb8;
	[tilespmem:$0x12E40] =	vst v63  }
0xd2: {  	_ =	swait.ge [sflag:s0], $0xA00  }
0xd3: {  	[sflag:s0] =	ssyncset.done $0x0  }
0xd4: {  	s26 =	simm.s32 $0x4E70;
	[sflag:s0] =	ssyncadd.s32 $0xFFFFF600  }
0xd5: {  	[spmem:s2] =	stream.indirect.scatter.add.bf16 [tilespmem:s22], [sflag:$0x6], $0x20, s26, s20, $0xb8;
	[tilespmem:$0x12E40] =	vst v63  }
0xd6: {  	_ =	swait.ge [sflag:s18], $0xA00  }
0xd7: {  	[sflag:s18] =	ssyncset.done $0x0  }
0xd8: {  	s9 =	simm.s32 $0x1E0;
	[sflag:s18] =	ssyncadd.s32 $0xFFFFF600  }
0xd9: {  	[tilespmem:s22], [sflag:$0x2] =	stream.indirect.gather [hbm4b:s6+s20], $0x20, s9, s20, $0xb8;
	[tilespmem:$0x12E40] =	vst v63  }
0xda: {  	_ =	swait.ge [sflag:s1], $0xA00  }
0xdb: {  	[sflag:s1] =	ssyncset.done $0x0  }
0xdc: {  	s23 =	simm.s32 $0x4EC0;
	[sflag:s1] =	ssyncadd.s32 $0xFFFFF600  }
0xdd: {  	[spmem:s2] =	stream.indirect.scatter.add.bf16 [tilespmem:s24], [sflag:$0x6], $0x20, s23, s20, $0xb8;
	[tilespmem:$0x12E40] =	vst v63  }
0xde: {  	_ =	swait.ge [sflag:s18], $0xA00  }
0xdf: {  	[sflag:s18] =	ssyncset.done $0x0  }
0xe0: {  	s26 =	simm.s32 $0x230;
	[sflag:s18] =	ssyncadd.s32 $0xFFFFF600  }
0xe1: {  	[tilespmem:s24], [sflag:$0x3] =	stream.indirect.gather [hbm4b:s6+s20], $0x20, s26, s20, $0xb8;
	[tilespmem:$0x12E40] =	vst v63  }
0xe2: {  	_ =	swait.ge [sflag:s19], $0xA00  }
0xe3: {  	[sflag:s19] =	ssyncset.done $0x0  }
0xe4: {  	s9 =	simm.s32 $0x4F10;
	[sflag:s19] =	ssyncadd.s32 $0xFFFFF600  }
0xe5: {  	[spmem:s2] =	stream.indirect.scatter.add.bf16 [tilespmem:s28], [sflag:$0x6], $0x20, s9, s20, $0xb8;
	[tilespmem:$0x12E40] =	vst v63  }
0xe6: {  	_ =	swait.ge [sflag:s18], $0xA00  }
0xe7: {  	[sflag:s18] =	ssyncset.done $0x0  }
0xe8: {  	s23 =	simm.s32 $0x280;
	[sflag:s18] =	ssyncadd.s32 $0xFFFFF600  }
0xe9: {  	[tilespmem:s28], [sflag:$0x4] =	stream.indirect.gather [hbm4b:s6+s20], $0x20, s23, s20, $0xb8;
	[tilespmem:$0x12E40] =	vst v63  }
0xea: {  	_ =	swait.ge [sflag:s7], $0xA00  }
0xeb: {  	[sflag:s7] =	ssyncset.done $0x0  }
0xec: {  	s26 =	simm.s32 $0x4F60;
	[sflag:s7] =	ssyncadd.s32 $0xFFFFF600  }
0xed: {  	[spmem:s2] =	stream.indirect.scatter.add.bf16 [tilespmem:s30], [sflag:$0x6], $0x20, s26, s20, $0xb8;
	[tilespmem:$0x12E40] =	vst v63  }
0xee: {  	_ =	swait.ge [sflag:s18], $0xA00  }
0xef: {  	[sflag:s18] =	ssyncset.done $0x0  }
0xf0: {  	s23 =	simm.s32 $0x640;
	s26 =	simm.s32 $0x2D0;
	[sflag:s18] =	ssyncadd.s32 $0xFFFFF600  }
.LBB2_8:
0xf1: {  	[tilespmem:s30], [sflag:$0x5] =	stream.indirect.gather [hbm4b:s6+s20], $0x20, s26, s20, $0xb8;
	[tilespmem:$0x12E40] =	vst v63  }
0xf2: {  	s3 =	smov.u32 s23  }
0xf3: {  	p1 =	sne.s32 s23, $0x12C00;
	s23 =	sadd.s32 $0x640, s23;
	_ =	swait.ge [sflag:s31], $0xA00  }
0xf4: {  	s26 =	sshra.s32 s3, $0x2;
	[sflag:s31] =	ssyncset.done $0x0  }
0xf5: {  	s3 =	sadd.s32 $0x4E20, s26;
	[sflag:s31] =	ssyncadd.s32 $0xFFFFF600  }
0xf6: {  	[spmem:s2] =	stream.indirect.scatter.add.bf16 [tilespmem:s21], [sflag:$0x6], $0x20, s3, s20, $0xb8;
	[tilespmem:$0x12E40] =	vst v63  }
0xf7: {  	_ =	swait.ge [sflag:s18], $0xA00  }
0xf8: {  	[sflag:s18] =	ssyncset.done $0x0  }
0xf9: {  	s3 =	sadd.s32 $0x190, s26;
	[sflag:s18] =	ssyncadd.s32 $0xFFFFF600  }
0xfa: {  	[tilespmem:s21], [sflag:$0x1] =	stream.indirect.gather [hbm4b:s6+s20], $0x20, s3, s20, $0xb8;
	[tilespmem:$0x12E40] =	vst v63  }
0xfb: {  	_ =	swait.ge [sflag:s0], $0xA00  }
0xfc: {  	[sflag:s0] =	ssyncset.done $0x0  }
0xfd: {  	s3 =	sadd.s32 $0x4E70, s26;
	[sflag:s0] =	ssyncadd.s32 $0xFFFFF600  }
0xfe: {  	[spmem:s2] =	stream.indirect.scatter.add.bf16 [tilespmem:s22], [sflag:$0x6], $0x20, s3, s20, $0xb8;
	[tilespmem:$0x12E40] =	vst v63  }
0xff: {  	_ =	swait.ge [sflag:s18], $0xA00  }
0x100: {  	[sflag:s18] =	ssyncset.done $0x0  }
0x101: {  	s3 =	sadd.s32 $0x1E0, s26;
	[sflag:s18] =	ssyncadd.s32 $0xFFFFF600  }
0x102: {  	[tilespmem:s22], [sflag:$0x2] =	stream.indirect.gather [hbm4b:s6+s20], $0x20, s3, s20, $0xb8;
	[tilespmem:$0x12E40] =	vst v63  }
0x103: {  	_ =	swait.ge [sflag:s1], $0xA00  }
0x104: {  	[sflag:s1] =	ssyncset.done $0x0  }
0x105: {  	s3 =	sadd.s32 $0x4EC0, s26;
	[sflag:s1] =	ssyncadd.s32 $0xFFFFF600  }
0x106: {  	[spmem:s2] =	stream.indirect.scatter.add.bf16 [tilespmem:s24], [sflag:$0x6], $0x20, s3, s20, $0xb8;
	[tilespmem:$0x12E40] =	vst v63  }
0x107: {  	_ =	swait.ge [sflag:s18], $0xA00  }
0x108: {  	[sflag:s18] =	ssyncset.done $0x0  }
0x109: {  	s3 =	sadd.s32 $0x230, s26;
	[sflag:s18] =	ssyncadd.s32 $0xFFFFF600  }
0x10a: {  	[tilespmem:s24], [sflag:$0x3] =	stream.indirect.gather [hbm4b:s6+s20], $0x20, s3, s20, $0xb8;
	[tilespmem:$0x12E40] =	vst v63  }
0x10b: {  	_ =	swait.ge [sflag:s19], $0xA00  }
0x10c: {  	[sflag:s19] =	ssyncset.done $0x0  }
0x10d: {  	s3 =	sadd.s32 $0x4F10, s26;
	[sflag:s19] =	ssyncadd.s32 $0xFFFFF600  }
0x10e: {  	[spmem:s2] =	stream.indirect.scatter.add.bf16 [tilespmem:s28], [sflag:$0x6], $0x20, s3, s20, $0xb8;
	[tilespmem:$0x12E40] =	vst v63  }
0x10f: {  	_ =	swait.ge [sflag:s18], $0xA00  }
0x110: {  	[sflag:s18] =	ssyncset.done $0x0  }
0x111: {  	s3 =	sadd.s32 $0x280, s26;
	[sflag:s18] =	ssyncadd.s32 $0xFFFFF600  }
0x112: {  	[tilespmem:s28], [sflag:$0x4] =	stream.indirect.gather [hbm4b:s6+s20], $0x20, s3, s20, $0xb8;
	[tilespmem:$0x12E40] =	vst v63  }
0x113: {  	_ =	swait.ge [sflag:s7], $0xA00  }
0x114: {  	[sflag:s7] =	ssyncset.done $0x0  }
.Ltmp6:
0x115: {  	s3 =	sadd.s32 $0x4F60, s26;
	[sflag:s7] =	ssyncadd.s32 $0xFFFFF600;
	(pc) =	sbr.rel @p1 .LBB2_8-.Ltmp6, $4  }
0x116: {  	[spmem:s2] =	stream.indirect.scatter.add.bf16 [tilespmem:s30], [sflag:$0x6], $0x20, s3, s20, $0xb8;
	[tilespmem:$0x12E40] =	vst v63  }
0x117: {  	_ =	swait.ge [sflag:s18], $0xA00  }
0x118: {  	[sflag:s18] =	ssyncset.done $0x0  }
0x119: {  	s26 =	sadd.s32 $0x2D0, s26;
	[sflag:s18] =	ssyncadd.s32 $0xFFFFF600  }
.Ltmp7:
0x11a: {  	_ = 	snop;
	(pc) =	sbr.rel .LBB2_9-.Ltmp7, $1  }
0x11b: {  	_ =	sdelay $0x3  }
.LBB2_11:
0x11c: {  	_ =	sfence.sel $0x180000  }
0x11d: {  	[bflag:$0x0] =	sbarrier.arrive $0xFFFF  }
0x11e: {  	_ =	strace $0x9000004D  }
0x11f: {  	s0 =	stileid.u32;
	[bflag:$0x2] =	sbarrier.arrive $0xFFFF  }
0x120: {  	p0 =	sne.s32 s0, $0x0;
	s0 =	rddreg [dreg:$0x3]  }
0x121: {  	s0 =	sadd.s32 @!p0 $0x100000, s0  }
0x122: {  	[sflag:s0] =	ssyncadd.tile.s32 @!p0 $0x1;
	_ =	shalt  }
.Lfunc_end2:
_tile_overlayer_lowered:
.L_overlay_start_2:
0x123: {  	(tag) =	ssettag $0x2  }
0x124: {  	s0 =	rddreg [dreg:$0x0];
	s2 =	stileid.u32  }
0x125: {  	s1 =	rddreg [dreg:$0x1];
	p0 =	sne.s32 s2, $0x0  }
0x126: {  	s3 =	rddreg [dreg:$0x2];
	[bflag:$0x3] =	sbarrier.arrive $0xFFFF;
	s2 =	simm.s32 @!p0 $0x1C06  }
0x127: {  	[timem:s3], [sflag:s2] =	dma.local @!p0 [hbm:s0], s1  }
0x128: {  	s0 =	simm.s32 @!p0 $0x6  }
0x129: {  	_ =	swait.ge @!p0 [sflag:s0], s1  }
0x12a: {  	s1 =	ssub.s32 @!p0 $0x0, s1;
	[sflag:s0] =	ssyncset.done @!p0 $0x0  }
0x12b: {  	[sflag:s0] =	ssyncadd.s32 @!p0 s1  }
0x12c: {  	[bflag:$0x3] =	sbarrier.arrive $0xFFFF  }
0x12d: {  	_ =	shalt  }

// kernel: kernel.19.cloned.1.call-start
scs
__scs_entry_jumppad:
0x0: {  	(pc) =	sbr.rel $0x88, $3  }
0x1: {  	(tag) =	ssettag $0x0;
	lr =	simm.s32 $0x1  }
0x2: {  	[smem:$0x3F97] =	sst lr;
	_ =	strace $0xD0000000  }
0x3: {  	_ = 	snop  }
0x4: {  	_ = 	snop  }
0x5: {  	_ = 	snop  }
0x6: {  	_ = 	snop  }
0x7: {  	_ = 	snop  }
__scs_overlays_trampoline_lowered:
0x8: {  	[smem:$0x3FA6] =	sst s0  }
0x9: {  	[smem:$0x3FA7] =	sst s1  }
0xa: {  	[smem:$0x3FA8] =	sst s2  }
0xb: {  	[smem:$0x3FA9] =	sst s3  }
0xc: {  	[smem:$0x3FAA] =	sst s4  }
0xd: {  	[smem:$0x3FAB] =	sst s5  }
0xe: {  	[smem:$0x3FAC] =	sst s6  }
0xf: {  	[smem:$0x3FAD] =	sst s7  }
0x10: {  	[smem:$0x3FAE] =	sst s8  }
0x11: {  	[smem:$0x3FAF] =	sst s9;
	s0 =	simm.s32 @!p0 $0x0  }
0x12: {  	s1 =	sld [smem:$0x3F95];
	s0 =	simm.s32 @p0 $0x1  }
0x13: {  	[smem:$0x3FB0] =	sst s0;
	s0 =	simm.s32 @!p1 $0x0  }
0x14: {  	s2 =	sld [smem:$0x3F94];
	s0 =	simm.s32 @p1 $0x1  }
0x15: {  	[smem:$0x3FB1] =	sst s0;
	s0 =	simm.s32 @!p2 $0x0  }
0x16: {  	s3 =	sld [smem:$0x3FDB];
	s0 =	simm.s32 @p2 $0x1  }
0x17: {  	s4 =	simm.s32 $0x1BF5;
	[smem:$0x3FB3] =	sst s0  }
0x18: {  	s0 =	sld [smem:$0x3F96];
	_ =	swait.ge [sflag:s4], $0x0  }
0x19: {  	s7 =	sld [smem:$0x3F97]  }
0x1a: {  	s8 =	sadd.s32 $0xFFFFE003, lr  }
0x1b: {  	s9 =	sadd.s32 $0xFFFFFEF7, lr;
	s5 =	simm.s32 $0xFFFFFFFF;
	p2 =	slt.u32 s8, $0xFFFFF086  }
0x1c: {  	p1 =	slt.u32 s9, $0xF7A;
	s5 =	simm.s32 @!p2 $0x0  }
0x1d: {  	s5 =	simm.s32 @p1 $0x1;
	p0 =	seq.s32 s7, s2  }
0x1e: {  	s7 =	smul.u32 @!p0 $0xF7A, s2;
	p2 =	seq.s32 @!p0 s5, $0x0  }
0x1f: {  	s9 =	smul.u32 $0xF7A, s1;
	s8 =	simm.s32 @!p0 $0x1BF5;
	p2 =	por !p2, p0  }
0x20: {  	[sflag:s8] =	ssyncset.s32 @!p0 $0xFFFFF086;
	s6 =	sadd.s32 @!p0 s3, s7;
	s7 =	simm.s32 @!p0 $0x108  }
0x21: {  	s3 =	sadd.s32 s3, s9;
	s6 =	sadd.s32 @!p0 $0x88, s6;
	s7 =	simm.s32 @p2 $0x1082  }
0x22: {  	[simem:s7], [sflag:s8] =	dma.local @!p0 [hbm:s6], $0xF7A  }
0x23: {  	s9 =	sor.u32 $0xD0000000, s2;
	s6 =	simm.s32 $0x108;
	_ =	swait.ge @!p0 [sflag:s8], $0x0  }
0x24: {  	s3 =	sadd.s32 $0x88, s3;
	s6 =	simm.s32 @!p1 $0x1082;
	[sflag:s4] =	ssyncset.s32 $0xFFFFF086  }
0x25: {  	[simem:s6], [sflag:s4] =	dma.local [hbm:s3], $0xF7A  }
0x26: {  	[smem:$0x3F97] =	sst s1;
	(tag) =	ssettag s2;
	_ =	strace s9  }
0x27: {  	s1 =	sld [smem:$0x3FA7]  }
0x28: {  	s2 =	sld [smem:$0x3FA8]  }
0x29: {  	s4 =	sld [smem:$0x3FAA]  }
0x2a: {  	p0 =	seq.s32 s5, $0x0;
	s5 =	sld [smem:$0x3FAB]  }
0x2b: {  	s6 =	sld [smem:$0x3FAC]  }
0x2c: {  	s7 =	sld [smem:$0x3FAD]  }
0x2d: {  	s3 =	simm.s32 $0x108;
	s8 =	sld [smem:$0x3FAE]  }
0x2e: {  	s3 =	simm.s32 @!p0 $0x1082;
	s9 =	sld [smem:$0x3FAF]  }
0x2f: {  	lr =	sadd.s32 s0, s3;
	s0 =	sld [smem:$0x3FA6]  }
0x30: {  	s3 =	sld [smem:$0x3FA9]  }
0x31: {  	[smem:$0x3FB2] =	sst s10  }
0x32: {  	s10 =	sld [smem:$0x3FB0];
	_ =	sdelay $0x3  }
0x33: {  	p0 =	seq.s32 s10, $0x1;
	s10 =	sld [smem:$0x3FB2];
	_ =	sdelay $0x3  }
0x34: {  	[smem:$0x3FB2] =	sst s10  }
0x35: {  	s10 =	sld [smem:$0x3FB1];
	_ =	sdelay $0x3  }
0x36: {  	p1 =	seq.s32 s10, $0x1;
	s10 =	sld [smem:$0x3FB2];
	_ =	sdelay $0x3  }
0x37: {  	[smem:$0x3FB2] =	sst s10  }
0x38: {  	s10 =	sld [smem:$0x3FB3]  }
0x39: {  	_ = 	snop;
	(pc) =	sbr.ind lr, $3  }
0x3a: {  	_ = 	snop  }
0x3b: {  	_ = 	snop  }
0x3c: {  	p2 =	seq.s32 s10, $0x1;
	s10 =	sld [smem:$0x3FB2]  }
0x3d: {  	_ =	shalt  }
0x3e: {  	_ =	shalt  }
0x3f: {  	_ =	shalt  }
0x40: {  	_ =	shalt  }
0x41: {  	_ =	shalt  }
0x42: {  	_ =	shalt  }
0x43: {  	_ =	shalt  }
0x44: {  	_ =	shalt  }
0x45: {  	_ =	shalt  }
0x46: {  	_ =	shalt  }
0x47: {  	_ =	shalt  }
0x48: {  	_ =	shalt  }
0x49: {  	_ =	shalt  }
0x4a: {  	_ =	shalt  }
0x4b: {  	_ =	shalt  }
0x4c: {  	_ =	shalt  }
0x4d: {  	_ =	shalt  }
0x4e: {  	_ =	shalt  }
0x4f: {  	_ =	shalt  }
0x50: {  	_ =	shalt  }
0x51: {  	_ =	shalt  }
0x52: {  	_ =	shalt  }
0x53: {  	_ =	shalt  }
0x54: {  	_ =	shalt  }
0x55: {  	_ =	shalt  }
0x56: {  	_ =	shalt  }
0x57: {  	_ =	shalt  }
0x58: {  	_ =	shalt  }
0x59: {  	_ =	shalt  }
0x5a: {  	_ =	shalt  }
0x5b: {  	_ =	shalt  }
0x5c: {  	_ =	shalt  }
0x5d: {  	_ =	shalt  }
0x5e: {  	_ =	shalt  }
0x5f: {  	_ =	shalt  }
0x60: {  	_ =	shalt  }
0x61: {  	_ =	shalt  }
0x62: {  	_ =	shalt  }
0x63: {  	_ =	shalt  }
0x64: {  	_ =	shalt  }
0x65: {  	_ =	shalt  }
0x66: {  	_ =	shalt  }
0x67: {  	_ =	shalt  }
0x68: {  	_ =	shalt  }
0x69: {  	_ =	shalt  }
0x6a: {  	_ =	shalt  }
0x6b: {  	_ =	shalt  }
0x6c: {  	_ =	shalt  }
0x6d: {  	_ =	shalt  }
0x6e: {  	_ =	shalt  }
0x6f: {  	_ =	shalt  }
0x70: {  	_ =	shalt  }
0x71: {  	_ =	shalt  }
0x72: {  	_ =	shalt  }
0x73: {  	_ =	shalt  }
0x74: {  	_ =	shalt  }
0x75: {  	_ =	shalt  }
0x76: {  	_ =	shalt  }
0x77: {  	_ =	shalt  }
0x78: {  	_ =	shalt  }
0x79: {  	_ =	shalt  }
0x7a: {  	_ =	shalt  }
0x7b: {  	_ =	shalt  }
0x7c: {  	_ =	shalt  }
0x7d: {  	_ =	shalt  }
0x7e: {  	_ =	shalt  }
0x7f: {  	_ =	shalt  }
0x80: {  	_ =	shalt  }
0x81: {  	_ =	shalt  }
0x82: {  	_ =	shalt  }
0x83: {  	_ =	shalt  }
0x84: {  	_ =	shalt  }
0x85: {  	_ =	shalt  }
0x86: {  	_ =	shalt  }
0x87: {  	_ =	shalt  }
.Lfunc_end0:
.L_simem_size_0:
called_computation.3_lowered:
.L_overlay_start_0:
0x88: {  	s2 =	sld [smem:$0x3FD9]  }
0x89: {  	s3 =	sld [smem:$0x3FFE];
	_ =	sdelay $0x1  }
0x8a: {  	s1 =	srdreg.scid  }
0x8b: {  	s0 =	sand.u32 $0x1, s1  }
0x8c: {  	s17 =	sshll.u32 s0, $0xA;
	s2 =	sadd.s32 s3, s2  }
0x8d: {  	s2 =	sadd.s32 s2, s17  }
0x8e: {  	[smem:$0x3FBE] =	sst s2  }
0x8f: {  	_ = 	snop  }
0x90: {  	s2 =	sld [smem:$0x3FD0];
	(tm) =	ssettm $0x1  }
0x91: {  	s18 =	sld [smem:$0x3FFB];
	_ =	sdelay $0x3  }
0x92: {  	_ =	strace s18  }
0x93: {  	s3 =	sld [smem:$0x3FFC];
	_ =	sdelay $0x3  }
0x94: {  	_ =	strace s3  }
0x95: {  	s3 =	sld [smem:$0x3FFD];
	_ =	sdelay $0x3  }
0x96: {  	_ =	strace s3  }
0x97: {  	_ =	strace $0x8FFFFFFF  }
0x98: {  	s19 =	sld [smem:$0x3FDB];
	_ =	sdelay $0x1  }
0x99: {  	s4 =	simm.s32 $_scs_section_size  }
0x9a: {  	s5 =	simm.s32 $_size__tile_overlayer_lowered;
	s6 =	simm.s32 $_tile_overlayer_lowered  }
0x9b: {  	s22 =	simm.s32 $0x1BFF;
	s21 =	sshll.u32 s6, $0x1;
	s3 =	sadd.s32 s4, s19  }
0x9c: {  	s7 =	simm.s32 $0x0;
	s20 =	sshll.u32 s5, $0x1;
	s5 =	sadd.s32 s21, s3  }
0x9d: {  	[timem:s7], [sflag:s22] =	dma.local [hbm:s5], s20  }
0x9e: {  	_ =	swait.ge [sflag:s22], s20  }
0x9f: {  	s4 =	ssub.s32 $0x0, s20;
	[sflag:s22] =	ssyncset.done $0x0  }
0xa0: {  	[sflag:s22] =	ssyncadd.s32 s4;
	_ =	sdelay $0x1  }
0xa1: {  	s23 =	simm.s32 $0x1B8B  }
0xa2: {  	_ =	swait.ge [sflag:s23], $0x1  }
0xa3: {  	[sflag:s23] =	ssyncset.done $0x0  }
0xa4: {  	s25 =	simm.s32 $0x1B8E;
	s24 =	sld [smem:$0x3FFE];
	[sflag:s23] =	ssyncadd.s32 $0xFFFFFFFF  }
0xa5: {  	s26 =	simm.s32 $execute0_lowered;
	[smem:$0x3FD2] =	sst s25  }
0xa6: {  	s5 =	sshll.u32 s26, $0x1;
	_ =	strace $0x8000004F;
	[dreg:$0x1] =	wrdreg $0xFFFFFFFF  }
0xa7: {  	s28 =	simm.s32 $_size_execute0_lowered;
	s3 =	sadd.s32 s3, s5;
	[dreg:$0x0] =	wrdreg $0x0  }
0xa8: {  	s5 =	sshll.u32 s28, $0x1;
	[dreg:$0x2] =	wrdreg s3  }
0xa9: {  	[dreg:$0x3] =	wrdreg s5  }
0xaa: {  	[dreg:$0x4] =	wrdreg $0xC0  }
0xab: {  	_ =	task [dreg:s7], $0x5FFFF  }
0xac: {  	[dreg:$0x1] =	wrdreg $0xFFFFFFFF  }
0xad: {  	[dreg:$0x0] =	wrdreg $0x60  }
0xae: {  	[dreg:$0x2] =	wrdreg s24  }
0xaf: {  	[dreg:$0x3] =	wrdreg s2  }
0xb0: {  	[dreg:$0x4] =	wrdreg $0xDE400  }
0xb1: {  	[dreg:$0x5] =	wrdreg $0x9  }
0xb2: {  	_ =	task.clear_ibuf [dreg:s7], $0x6FFFF;
	_ =	strace $0x9000004F  }
0xb3: {  	s29 =	simm.s32 $0x9;
	_ =	strace $0x80000051  }
0xb4: {  	_ =	swait.ge [sflag:s29], $0x1  }
0xb5: {  	[sflag:s29] =	ssyncadd.s32 $0xFFFFFFFF  }
0xb6: {  	_ =	strace $0x90000051  }
0xb7: {  	_ =	sfence  }
0xb8: {  	s30 =	sld [smem:$0x0];
	_ =	sdelay $0x2  }
0xb9: {  	s31 =	sshll.u32 s1, $0xD;
	s1 =	sshrl.u32 s1, $0x2  }
0xba: {  	s3 =	sand.u32 $0x4000, s31;
	s1 =	sadd.s32 s1, s30  }
0xbb: {  	s0 =	sor.u32 s3, s0;
	s1 =	sshll.u32 s1, $0x11  }
0xbc: {  	s0 =	sor.u32 s1, s0  }
0xbd: {  	s0 =	sadd.s32 $0x8F2B, s0  }
0xbe: {  	[sflag:s0] =	ssyncadd.remote.s32 $0x1  }
0xbf: {  	_ =	sfence.sel $0xFFFF  }
0xc0: {  	[dreg:$0x0] =	wrdreg $0xFFFFFFFF;
	(pc) =	sbr.abs _section_cstart, $3  }
0xc1: {  	[dreg:$0x1] =	wrdreg $0xFFFFFFFF  }
0xc2: {  	_ =	task.clear_ibuf [dreg:s7], $0x2FFFF;
	_ =	strace $0x9FFFFFFF  }
0xc3: {  	(tm) =	ssettm $0x7FFFFFFF  }
tec
execute0_lowered:
.L_overlay_start_1:
0x0: {  	(tag) =	ssettag $0x1  }
0x1: {  	s0 =	rddreg [dreg:$0x0]  }
0x2: {  	s2 =	rddreg [dreg:$0x2];
	s4 =	simm.s32 $0x0;
	s3 =	stileid.u32  }
0x3: {  	s1 =	srdreg.scid;
	s17 =	simm.s32 $0xCE40;
	s18 =	simm.s32 $0x6  }
0x4: {  	s20 =	simm.s32 $0x50;
	s21 =	simm.s32 $0x9C40;
	s22 =	simm.s32 $0xA640  }
0x5: {  	s28 =	simm.s32 $0xBA40;
	s30 =	simm.s32 $0xC440;
	s31 =	simm.s32 $0x1  }
0x6: {  	s19 =	simm.s32 $0x4;
	s29 =	simm.s32 $0x0;
	s7 =	smul.u32 $0x9C4, s3  }
0x7: {  	[smem:$0x7FF] =	sst s4;
	s5 =	sadd.s32 $0x8DE00, s0;
	s9 =	smul.u32 $0x14000, s3  }
0x8: {  	s1 =	sand.u32 $0x1, s1;
	s6 =	sadd.s32 $0x97C00, s0;
	s11 =	smul.u32 $0xA000, s3  }
0x9: {  	_ =	strace $0x80000050;
	s8 =	ssub.s32 $0x2, s1;
	p0 =	sne.s32 s1, $0x0  }
0xa: {  	s1 =	simm.s32 $0x3;
	s7 =	sadd.s32 s7, s0;
	s10 =	sshrl.u32 s8, $0x1  }
0xb: {  	s0 =	sadd.s32 $0xA1A00, s0;
	s24 =	sshrl.u32 s9, $0x2;
	s12 =	sshrl.u32 s11, $0x1  }
0xc: {  	s11 =	sshrl.u32 s11, $0x4;
	[dreg:$0x4] =	wrdreg s0;
	s23 =	ssub.s32 s8, s10  }
.Ltmp0:
0xd: {  	s8 =	sadd.s32 s24, s2;
	s25 =	sadd.s32 $0x4C00, s7;
	(pc) =	sbr.rel .LBB2_1-.Ltmp0, $4  }
0xe: {  	s10 =	sadd.s32 $0xEA00, s7;
	s26 =	sadd.s32 s12, s2;
	s24 =	simm.s32 $0xB040  }
0xf: {  	s0 =	simm.s32 $0x2;
	s7 =	simm.s32 $0x5;
	[dreg:$0x5] =	wrdreg s25  }
0x10: {  	s12 =	smax.u32 s23, $0x1;
	s13 =	sadd.s32 $0x1000, s8;
	s14 =	sadd.s32 $0x2000, s8  }
0x11: {  	v0 =	vimm.bf16 $0.0e+00;
	s15 =	sadd.s32 $0x3000, s8;
	s16 =	sadd.s32 $0x4000, s8;
	s25 =	sshrl.u32 s26, $0x3  }
.LBB2_9:
0x12: {  	[tilespmem:s30], [sflag:$0x5] =	stream.indirect.gather [hbm4b:s6+s20], $0x20, s26, s20, $0xb8;
	[tilespmem:$0x12E40] =	vst v63  }
0x13: {  	s23 =	rddreg [dreg:$0x4]  }
.LBB2_10:
0x14: {  	_ =	swait.ge [sflag:s31], $0xA00  }
0x15: {  	[sflag:s31] =	ssyncset.done $0x0  }
0x16: {  	s3 =	simm.s32 $0x9AB0;
	[sflag:s31] =	ssyncadd.s32 $0xFFFFF600  }
0x17: {  	[spmem:s2] =	stream.indirect.scatter.add.bf16 [tilespmem:s21], [sflag:$0x6], $0x20, s3, s20, $0xb8;
	[tilespmem:$0x12E40] =	vst v63  }
0x18: {  	_ =	swait.ge [sflag:s18], $0xA00  }
0x19: {  	[sflag:s18] =	ssyncset.done $0x0  }
0x1a: {  	[sflag:s18] =	ssyncadd.s32 $0xFFFFF600  }
0x1b: {  	_ =	swait.ge [sflag:s0], $0xA00  }
0x1c: {  	[sflag:s0] =	ssyncset.done $0x0  }
0x1d: {  	s26 =	simm.s32 $0x9B00;
	[sflag:s0] =	ssyncadd.s32 $0xFFFFF600  }
0x1e: {  	[spmem:s2] =	stream.indirect.scatter.add.bf16 [tilespmem:s22], [sflag:$0x6], $0x20, s26, s20, $0xb8;
	[tilespmem:$0x12E40] =	vst v63  }
0x1f: {  	_ =	swait.ge [sflag:s18], $0xA00  }
0x20: {  	[sflag:s18] =	ssyncset.done $0x0  }
0x21: {  	[sflag:s18] =	ssyncadd.s32 $0xFFFFF600  }
0x22: {  	_ =	swait.ge [sflag:s1], $0xA00  }
0x23: {  	[sflag:s1] =	ssyncset.done $0x0  }
0x24: {  	s9 =	simm.s32 $0x9B50;
	[sflag:s1] =	ssyncadd.s32 $0xFFFFF600  }
0x25: {  	[spmem:s2] =	stream.indirect.scatter.add.bf16 [tilespmem:s24], [sflag:$0x6], $0x20, s9, s20, $0xb8;
	[tilespmem:$0x12E40] =	vst v63  }
0x26: {  	_ =	swait.ge [sflag:s18], $0xA00  }
0x27: {  	[sflag:s18] =	ssyncset.done $0x0  }
0x28: {  	[sflag:s18] =	ssyncadd.s32 $0xFFFFF600  }
0x29: {  	_ =	swait.ge [sflag:s19], $0xA00  }
0x2a: {  	[sflag:s19] =	ssyncset.done $0x0  }
0x2b: {  	s26 =	simm.s32 $0x9BA0;
	[sflag:s19] =	ssyncadd.s32 $0xFFFFF600  }
0x2c: {  	[spmem:s2] =	stream.indirect.scatter.add.bf16 [tilespmem:s28], [sflag:$0x6], $0x20, s26, s20, $0xb8;
	[tilespmem:$0x12E40] =	vst v63  }
0x2d: {  	_ =	swait.ge [sflag:s18], $0xA00  }
0x2e: {  	[sflag:s18] =	ssyncset.done $0x0  }
0x2f: {  	[sflag:s18] =	ssyncadd.s32 $0xFFFFF600  }
0x30: {  	_ =	swait.ge [sflag:s7], $0xA00  }
0x31: {  	[sflag:s7] =	ssyncset.done $0x0  }
0x32: {  	s9 =	simm.s32 $0x9BF0;
	[sflag:s7] =	ssyncadd.s32 $0xFFFFF600  }
0x33: {  	[spmem:s2] =	stream.indirect.scatter.add.bf16 [tilespmem:s30], [sflag:$0x6], $0x20, s9, s20, $0xb8;
	[tilespmem:$0x12E40] =	vst v63  }
0x34: {  	s26 =	stileid.u32;
	_ =	swait.ge [sflag:s18], $0xA00  }
0x35: {  	s29 =	sadd.s32 $0x1, s29;
	s3 =	sshll.u32 s26, $0x6;
	[sflag:s18] =	ssyncset.done $0x0  }
0x36: {  	p1 =	sne.s32 s29, s12;
	s3 =	sor.u32 $0x1C06, s3;
	[sflag:s18] =	ssyncadd.s32 $0xFFFFF600  }
.Ltmp1:
0x37: {  	s9 =	sadd.s32 s23, s11;
	[bflag:$0x0] =	sbarrier.arrive $0xFFFF;
	(pc) =	sbr.rel @!p1 .LBB2_11-.Ltmp1, $4  }
0x38: {  	[hbm:s9], [sflag:s3] =	dma.local [spmem:s25], $0xA00  }
0x39: {  	_ =	swait.ge [sflag:s18], $0xA00  }
0x3a: {  	[sflag:s18] =	ssyncset.done $0x0  }
0x3b: {  	[sflag:s18] =	ssyncadd.s32 $0xFFFFF600  }
.LBB2_1:
0x3c: {  	s23 =	sand.u32 $0x3F80, s4;
	s26 =	sand.u32 $0x20, s4  }
0x3d: {  	s23 =	sshrl.u32 s23, $0x2;
	s26 =	sshrl.u32 s26, $0x1  }
0x3e: {  	s26 =	sor.u32 s26, s23  }
0x3f: {  	s23 =	simm.s32 $0x40;
	[tilespmem:s26+$0xCE40] =	vst v0;
	s26 =	simm.s32 $0x0  }
.LBB2_2:
0x40: {  	p1 =	sne.s32 s23, $0x3FC0  }
.Ltmp2:
0x41: {  	s3 =	sand.u32 $0x3F80, s23;
	s26 =	sadd.s32 $0x20, s26;
	(pc) =	sbr.rel @p1 .LBB2_2-.Ltmp2, $4  }
0x42: {  	s23 =	sadd.s32 $0x40, s23;
	s9 =	sand.u32 $0x20, s26  }
0x43: {  	s3 =	sshrl.u32 s3, $0x2;
	s9 =	sshrl.u32 s9, $0x1  }
0x44: {  	s3 =	sor.u32 s9, s3  }
0x45: {  	[tilespmem:s3+$0xCE40] =	vst v0  }
0x46: {  	[spmem:s8] =	stream.linear.scatter [tilespmem:s17], [sflag:$0x6], $0x1000, $0x38;
	[tilespmem:$0x12E40] =	vst v63  }
0x47: {  	_ =	swait.ge [sflag:s18], $0x1000  }
0x48: {  	[sflag:s18] =	ssyncset.done $0x0  }
0x49: {  	[sflag:s18] =	ssyncadd.s32 $0xFFFFF000  }
0x4a: {  	[spmem:s13] =	stream.linear.scatter [tilespmem:s17], [sflag:$0x6], $0x1000, $0x38;
	[tilespmem:$0x12E40] =	vst v63  }
0x4b: {  	_ =	swait.ge [sflag:s18], $0x1000  }
0x4c: {  	[sflag:s18] =	ssyncset.done $0x0  }
0x4d: {  	[sflag:s18] =	ssyncadd.s32 $0xFFFFF000  }
0x4e: {  	[spmem:s14] =	stream.linear.scatter [tilespmem:s17], [sflag:$0x6], $0x1000, $0x38;
	[tilespmem:$0x12E40] =	vst v63  }
0x4f: {  	_ =	swait.ge [sflag:s18], $0x1000  }
0x50: {  	[sflag:s18] =	ssyncset.done $0x0  }
0x51: {  	[sflag:s18] =	ssyncadd.s32 $0xFFFFF000  }
0x52: {  	[spmem:s15] =	stream.linear.scatter [tilespmem:s17], [sflag:$0x6], $0x1000, $0x38;
	[tilespmem:$0x12E40] =	vst v63  }
0x53: {  	_ =	swait.ge [sflag:s18], $0x1000  }
0x54: {  	[sflag:s18] =	ssyncset.done $0x0  }
0x55: {  	[sflag:s18] =	ssyncadd.s32 $0xFFFFF000  }
0x56: {  	[spmem:s16] =	stream.linear.scatter [tilespmem:s17], [sflag:$0x6], $0x1000, $0x38;
	[tilespmem:$0x12E40] =	vst v63  }
0x57: {  	_ =	swait.ge [sflag:s18], $0x1000  }
0x58: {  	[sflag:s18] =	ssyncset.done $0x0  }
0x59: {  	s3 =	rddreg [dreg:$0x5];
	[sflag:s18] =	ssyncadd.s32 $0xFFFFF000  }
0x5a: {  	[tilespmem:s4], [sflag:$0x6] =	stream.linear.gather [hbm4b:s3+s4], $0x4E20, $0x38;
	[tilespmem:$0x12E40] =	vst v63  }
0x5b: {  	_ =	swait.ge [sflag:s18], $0x4E20  }
0x5c: {  	[sflag:s18] =	ssyncset.done $0x0  }
0x5d: {  	s26 =	simm.s32 $0x4E20;
	[sflag:s18] =	ssyncadd.s32 $0xFFFFB1E0  }
0x5e: {  	[tilespmem:s26], [sflag:$0x6] =	stream.linear.gather [hbm4b:s10+s4], $0x4E20, $0x38;
	[tilespmem:$0x12E40] =	vst v63  }
.Ltmp3:
0x5f: {  	_ =	swait.ge [sflag:s18], $0x4E20;
	(pc) =	sbr.rel @p0 .LBB2_7-.Ltmp3, $4  }
0x60: {  	[sflag:s18] =	ssyncset.done $0x0  }
0x61: {  	[sflag:s18] =	ssyncadd.s32 $0xFFFFB1E0  }
0x62: {  	[bflag:$0x0] =	sbarrier.arrive $0xFFFF  }
0x63: {  	s3 =	simm.s32 $0x0  }
0x64: {  	[tilespmem:s21], [sflag:$0x1] =	stream.indirect.gather [hbm4b:s5+s20], $0x20, s3, s20, $0xb8;
	[tilespmem:$0x12E40] =	vst v63  }
0x65: {  	_ = 	snop  }
0x66: {  	[tilespmem:s22], [sflag:$0x2] =	stream.indirect.gather [hbm4b:s5+s20], $0x20, s20, s20, $0xb8;
	[tilespmem:$0x12E40] =	vst v63  }
0x67: {  	s9 =	simm.s32 $0xA0  }
0x68: {  	[tilespmem:s24], [sflag:$0x3] =	stream.indirect.gather [hbm4b:s5+s20], $0x20, s9, s20, $0xb8;
	[tilespmem:$0x12E40] =	vst v63  }
0x69: {  	s23 =	simm.s32 $0xF0  }
0x6a: {  	[tilespmem:s28], [sflag:$0x4] =	stream.indirect.gather [hbm4b:s5+s20], $0x20, s23, s20, $0xb8;
	[tilespmem:$0x12E40] =	vst v63  }
0x6b: {  	s26 =	simm.s32 $0x140  }
0x6c: {  	[tilespmem:s30], [sflag:$0x5] =	stream.indirect.gather [hbm4b:s5+s20], $0x20, s26, s20, $0xb8;
	[tilespmem:$0x12E40] =	vst v63  }
0x6d: {  	_ =	swait.ge [sflag:s31], $0xA00  }
0x6e: {  	[sflag:s31] =	ssyncset.done $0x0  }
0x6f: {  	s9 =	simm.s32 $0x4E20;
	[sflag:s31] =	ssyncadd.s32 $0xFFFFF600  }
0x70: {  	[spmem:s2] =	stream.indirect.scatter.add.bf16 [tilespmem:s21], [sflag:$0x6], $0x20, s9, s20, $0xb8;
	[tilespmem:$0x12E40] =	vst v63  }
0x71: {  	_ =	swait.ge [sflag:s18], $0xA00  }
0x72: {  	[sflag:s18] =	ssyncset.done $0x0  }
0x73: {  	s23 =	simm.s32 $0x190;
	[sflag:s18] =	ssyncadd.s32 $0xFFFFF600  }
0x74: {  	[tilespmem:s21], [sflag:$0x1] =	stream.indirect.gather [hbm4b:s5+s20], $0x20, s23, s20, $0xb8;
	[tilespmem:$0x12E40] =	vst v63  }
0x75: {  	_ =	swait.ge [sflag:s0], $0xA00  }
0x76: {  	[sflag:s0] =	ssyncset.done $0x0  }
0x77: {  	s26 =	simm.s32 $0x4E70;
	[sflag:s0] =	ssyncadd.s32 $0xFFFFF600  }
0x78: {  	[spmem:s2] =	stream.indirect.scatter.add.bf16 [tilespmem:s22], [sflag:$0x6], $0x20, s26, s20, $0xb8;
	[tilespmem:$0x12E40] =	vst v63  }
0x79: {  	_ =	swait.ge [sflag:s18], $0xA00  }
0x7a: {  	[sflag:s18] =	ssyncset.done $0x0  }
0x7b: {  	s9 =	simm.s32 $0x1E0;
	[sflag:s18] =	ssyncadd.s32 $0xFFFFF600  }
0x7c: {  	[tilespmem:s22], [sflag:$0x2] =	stream.indirect.gather [hbm4b:s5+s20], $0x20, s9, s20, $0xb8;
	[tilespmem:$0x12E40] =	vst v63  }
0x7d: {  	_ =	swait.ge [sflag:s1], $0xA00  }
0x7e: {  	[sflag:s1] =	ssyncset.done $0x0  }
0x7f: {  	s23 =	simm.s32 $0x4EC0;
	[sflag:s1] =	ssyncadd.s32 $0xFFFFF600  }
0x80: {  	[spmem:s2] =	stream.indirect.scatter.add.bf16 [tilespmem:s24], [sflag:$0x6], $0x20, s23, s20, $0xb8;
	[tilespmem:$0x12E40] =	vst v63  }
0x81: {  	_ =	swait.ge [sflag:s18], $0xA00  }
0x82: {  	[sflag:s18] =	ssyncset.done $0x0  }
0x83: {  	s26 =	simm.s32 $0x230;
	[sflag:s18] =	ssyncadd.s32 $0xFFFFF600  }
0x84: {  	[tilespmem:s24], [sflag:$0x3] =	stream.indirect.gather [hbm4b:s5+s20], $0x20, s26, s20, $0xb8;
	[tilespmem:$0x12E40] =	vst v63  }
0x85: {  	_ =	swait.ge [sflag:s19], $0xA00  }
0x86: {  	[sflag:s19] =	ssyncset.done $0x0  }
0x87: {  	s9 =	simm.s32 $0x4F10;
	[sflag:s19] =	ssyncadd.s32 $0xFFFFF600  }
0x88: {  	[spmem:s2] =	stream.indirect.scatter.add.bf16 [tilespmem:s28], [sflag:$0x6], $0x20, s9, s20, $0xb8;
	[tilespmem:$0x12E40] =	vst v63  }
0x89: {  	_ =	swait.ge [sflag:s18], $0xA00  }
0x8a: {  	[sflag:s18] =	ssyncset.done $0x0  }
0x8b: {  	s23 =	simm.s32 $0x280;
	[sflag:s18] =	ssyncadd.s32 $0xFFFFF600  }
0x8c: {  	[tilespmem:s28], [sflag:$0x4] =	stream.indirect.gather [hbm4b:s5+s20], $0x20, s23, s20, $0xb8;
	[tilespmem:$0x12E40] =	vst v63  }
0x8d: {  	_ =	swait.ge [sflag:s7], $0xA00  }
0x8e: {  	[sflag:s7] =	ssyncset.done $0x0  }
0x8f: {  	s26 =	simm.s32 $0x4F60;
	[sflag:s7] =	ssyncadd.s32 $0xFFFFF600  }
0x90: {  	[spmem:s2] =	stream.indirect.scatter.add.bf16 [tilespmem:s30], [sflag:$0x6], $0x20, s26, s20, $0xb8;
	[tilespmem:$0x12E40] =	vst v63  }
0x91: {  	_ =	swait.ge [sflag:s18], $0xA00  }
0x92: {  	[sflag:s18] =	ssyncset.done $0x0  }
0x93: {  	s23 =	simm.s32 $0x640;
	s26 =	simm.s32 $0x2D0;
	[sflag:s18] =	ssyncadd.s32 $0xFFFFF600  }
.LBB2_5:
0x94: {  	[tilespmem:s30], [sflag:$0x5] =	stream.indirect.gather [hbm4b:s5+s20], $0x20, s26, s20, $0xb8;
	[tilespmem:$0x12E40] =	vst v63  }
0x95: {  	s3 =	smov.u32 s23  }
0x96: {  	p1 =	seq.s32 s23, $0x12C00;
	s23 =	sadd.s32 $0x640, s23;
	_ =	swait.ge [sflag:s31], $0xA00  }
0x97: {  	s26 =	sshra.s32 s3, $0x2;
	[sflag:s31] =	ssyncset.done $0x0  }
0x98: {  	s3 =	sadd.s32 $0x4E20, s26;
	[sflag:s31] =	ssyncadd.s32 $0xFFFFF600  }
0x99: {  	[spmem:s2] =	stream.indirect.scatter.add.bf16 [tilespmem:s21], [sflag:$0x6], $0x20, s3, s20, $0xb8;
	[tilespmem:$0x12E40] =	vst v63  }
0x9a: {  	_ =	swait.ge [sflag:s18], $0xA00  }
0x9b: {  	[sflag:s18] =	ssyncset.done $0x0  }
0x9c: {  	s3 =	sadd.s32 $0x190, s26;
	[sflag:s18] =	ssyncadd.s32 $0xFFFFF600  }
0x9d: {  	[tilespmem:s21], [sflag:$0x1] =	stream.indirect.gather [hbm4b:s5+s20], $0x20, s3, s20, $0xb8;
	[tilespmem:$0x12E40] =	vst v63  }
0x9e: {  	_ =	swait.ge [sflag:s0], $0xA00  }
0x9f: {  	[sflag:s0] =	ssyncset.done $0x0  }
0xa0: {  	s3 =	sadd.s32 $0x4E70, s26;
	[sflag:s0] =	ssyncadd.s32 $0xFFFFF600  }
0xa1: {  	[spmem:s2] =	stream.indirect.scatter.add.bf16 [tilespmem:s22], [sflag:$0x6], $0x20, s3, s20, $0xb8;
	[tilespmem:$0x12E40] =	vst v63  }
0xa2: {  	_ =	swait.ge [sflag:s18], $0xA00  }
0xa3: {  	[sflag:s18] =	ssyncset.done $0x0  }
0xa4: {  	s3 =	sadd.s32 $0x1E0, s26;
	[sflag:s18] =	ssyncadd.s32 $0xFFFFF600  }
0xa5: {  	[tilespmem:s22], [sflag:$0x2] =	stream.indirect.gather [hbm4b:s5+s20], $0x20, s3, s20, $0xb8;
	[tilespmem:$0x12E40] =	vst v63  }
0xa6: {  	_ =	swait.ge [sflag:s1], $0xA00  }
0xa7: {  	[sflag:s1] =	ssyncset.done $0x0  }
0xa8: {  	s3 =	sadd.s32 $0x4EC0, s26;
	[sflag:s1] =	ssyncadd.s32 $0xFFFFF600  }
0xa9: {  	[spmem:s2] =	stream.indirect.scatter.add.bf16 [tilespmem:s24], [sflag:$0x6], $0x20, s3, s20, $0xb8;
	[tilespmem:$0x12E40] =	vst v63  }
0xaa: {  	_ =	swait.ge [sflag:s18], $0xA00  }
0xab: {  	[sflag:s18] =	ssyncset.done $0x0  }
0xac: {  	s3 =	sadd.s32 $0x230, s26;
	[sflag:s18] =	ssyncadd.s32 $0xFFFFF600  }
0xad: {  	[tilespmem:s24], [sflag:$0x3] =	stream.indirect.gather [hbm4b:s5+s20], $0x20, s3, s20, $0xb8;
	[tilespmem:$0x12E40] =	vst v63  }
0xae: {  	_ =	swait.ge [sflag:s19], $0xA00  }
0xaf: {  	[sflag:s19] =	ssyncset.done $0x0  }
0xb0: {  	s3 =	sadd.s32 $0x4F10, s26;
	[sflag:s19] =	ssyncadd.s32 $0xFFFFF600  }
0xb1: {  	[spmem:s2] =	stream.indirect.scatter.add.bf16 [tilespmem:s28], [sflag:$0x6], $0x20, s3, s20, $0xb8;
	[tilespmem:$0x12E40] =	vst v63  }
0xb2: {  	_ =	swait.ge [sflag:s18], $0xA00  }
0xb3: {  	[sflag:s18] =	ssyncset.done $0x0  }
0xb4: {  	s3 =	sadd.s32 $0x280, s26;
	[sflag:s18] =	ssyncadd.s32 $0xFFFFF600  }
0xb5: {  	[tilespmem:s28], [sflag:$0x4] =	stream.indirect.gather [hbm4b:s5+s20], $0x20, s3, s20, $0xb8;
	[tilespmem:$0x12E40] =	vst v63  }
0xb6: {  	_ =	swait.ge [sflag:s7], $0xA00  }
0xb7: {  	[sflag:s7] =	ssyncset.done $0x0  }
.Ltmp4:
0xb8: {  	s3 =	sadd.s32 $0x4F60, s26;
	[sflag:s7] =	ssyncadd.s32 $0xFFFFF600;
	(pc) =	sbr.rel @!p1 .LBB2_5-.Ltmp4, $4  }
0xb9: {  	[spmem:s2] =	stream.indirect.scatter.add.bf16 [tilespmem:s30], [sflag:$0x6], $0x20, s3, s20, $0xb8;
	[tilespmem:$0x12E40] =	vst v63  }
0xba: {  	_ =	swait.ge [sflag:s18], $0xA00  }
0xbb: {  	[sflag:s18] =	ssyncset.done $0x0  }
0xbc: {  	s26 =	sadd.s32 $0x2D0, s26;
	[sflag:s18] =	ssyncadd.s32 $0xFFFFF600  }
.Ltmp5:
0xbd: {  	(pc) =	sbr.rel .LBB2_10-.Ltmp5, $3  }
0xbe: {  	_ =	sdelay $0x1  }
0xbf: {  	[tilespmem:s30], [sflag:$0x5] =	stream.indirect.gather [hbm4b:s5+s20], $0x20, s26, s20, $0xb8;
	[tilespmem:$0x12E40] =	vst v63  }
0xc0: {  	s23 =	rddreg [dreg:$0x1]  }
.LBB2_7:
0xc1: {  	[tilespmem:s21], [sflag:$0x1] =	stream.indirect.gather [hbm4b:s6+s20], $0x20, s3, s20, $0xb8;
	[tilespmem:$0x12E40] =	vst v63  }
0xc2: {  	_ = 	snop  }
0xc3: {  	[tilespmem:s22], [sflag:$0x2] =	stream.indirect.gather [hbm4b:s6+s20], $0x20, s20, s20, $0xb8;
	[tilespmem:$0x12E40] =	vst v63  }
0xc4: {  	s9 =	simm.s32 $0xA0  }
0xc5: {  	[tilespmem:s24], [sflag:$0x3] =	stream.indirect.gather [hbm4b:s6+s20], $0x20, s9, s20, $0xb8;
	[tilespmem:$0x12E40] =	vst v63  }
0xc6: {  	s23 =	simm.s32 $0xF0  }
0xc7: {  	[tilespmem:s28], [sflag:$0x4] =	stream.indirect.gather [hbm4b:s6+s20], $0x20, s23, s20, $0xb8;
	[tilespmem:$0x12E40] =	vst v63  }
0xc8: {  	s26 =	simm.s32 $0x140  }
0xc9: {  	[tilespmem:s30], [sflag:$0x5] =	stream.indirect.gather [hbm4b:s6+s20], $0x20, s26, s20, $0xb8;
	[tilespmem:$0x12E40] =	vst v63  }
0xca: {  	_ =	swait.ge [sflag:s31], $0xA00  }
0xcb: {  	[sflag:s31] =	ssyncset.done $0x0  }
0xcc: {  	s9 =	simm.s32 $0x4E20;
	[sflag:s31] =	ssyncadd.s32 $0xFFFFF600  }
0xcd: {  	[spmem:s2] =	stream.indirect.scatter.add.bf16 [tilespmem:s21], [sflag:$0x6], $0x20, s9, s20, $0xb8;
	[tilespmem:$0x12E40] =	vst v63  }
0xce: {  	_ =	swait.ge [sflag:s18], $0xA00  }
0xcf: {  	[sflag:s18] =	ssyncset.done $0x0  }
0xd0: {  	s23 =	simm.s32 $0x190;
	[sflag:s18] =	ssyncadd.s32 $0xFFFFF600  }
0xd1: {  	[tilespmem:s21], [sflag:$0x1] =	stream.indirect.gather [hbm4b:s6+s20], $0x20, s23, s20, $0xb8;
	[tilespmem:$0x12E40] =	vst v63  }
0xd2: {  	_ =	swait.ge [sflag:s0], $0xA00  }
0xd3: {  	[sflag:s0] =	ssyncset.done $0x0  }
0xd4: {  	s26 =	simm.s32 $0x4E70;
	[sflag:s0] =	ssyncadd.s32 $0xFFFFF600  }
0xd5: {  	[spmem:s2] =	stream.indirect.scatter.add.bf16 [tilespmem:s22], [sflag:$0x6], $0x20, s26, s20, $0xb8;
	[tilespmem:$0x12E40] =	vst v63  }
0xd6: {  	_ =	swait.ge [sflag:s18], $0xA00  }
0xd7: {  	[sflag:s18] =	ssyncset.done $0x0  }
0xd8: {  	s9 =	simm.s32 $0x1E0;
	[sflag:s18] =	ssyncadd.s32 $0xFFFFF600  }
0xd9: {  	[tilespmem:s22], [sflag:$0x2] =	stream.indirect.gather [hbm4b:s6+s20], $0x20, s9, s20, $0xb8;
	[tilespmem:$0x12E40] =	vst v63  }
0xda: {  	_ =	swait.ge [sflag:s1], $0xA00  }
0xdb: {  	[sflag:s1] =	ssyncset.done $0x0  }
0xdc: {  	s23 =	simm.s32 $0x4EC0;
	[sflag:s1] =	ssyncadd.s32 $0xFFFFF600  }
0xdd: {  	[spmem:s2] =	stream.indirect.scatter.add.bf16 [tilespmem:s24], [sflag:$0x6], $0x20, s23, s20, $0xb8;
	[tilespmem:$0x12E40] =	vst v63  }
0xde: {  	_ =	swait.ge [sflag:s18], $0xA00  }
0xdf: {  	[sflag:s18] =	ssyncset.done $0x0  }
0xe0: {  	s26 =	simm.s32 $0x230;
	[sflag:s18] =	ssyncadd.s32 $0xFFFFF600  }
0xe1: {  	[tilespmem:s24], [sflag:$0x3] =	stream.indirect.gather [hbm4b:s6+s20], $0x20, s26, s20, $0xb8;
	[tilespmem:$0x12E40] =	vst v63  }
0xe2: {  	_ =	swait.ge [sflag:s19], $0xA00  }
0xe3: {  	[sflag:s19] =	ssyncset.done $0x0  }
0xe4: {  	s9 =	simm.s32 $0x4F10;
	[sflag:s19] =	ssyncadd.s32 $0xFFFFF600  }
0xe5: {  	[spmem:s2] =	stream.indirect.scatter.add.bf16 [tilespmem:s28], [sflag:$0x6], $0x20, s9, s20, $0xb8;
	[tilespmem:$0x12E40] =	vst v63  }
0xe6: {  	_ =	swait.ge [sflag:s18], $0xA00  }
0xe7: {  	[sflag:s18] =	ssyncset.done $0x0  }
0xe8: {  	s23 =	simm.s32 $0x280;
	[sflag:s18] =	ssyncadd.s32 $0xFFFFF600  }
0xe9: {  	[tilespmem:s28], [sflag:$0x4] =	stream.indirect.gather [hbm4b:s6+s20], $0x20, s23, s20, $0xb8;
	[tilespmem:$0x12E40] =	vst v63  }
0xea: {  	_ =	swait.ge [sflag:s7], $0xA00  }
0xeb: {  	[sflag:s7] =	ssyncset.done $0x0  }
0xec: {  	s26 =	simm.s32 $0x4F60;
	[sflag:s7] =	ssyncadd.s32 $0xFFFFF600  }
0xed: {  	[spmem:s2] =	stream.indirect.scatter.add.bf16 [tilespmem:s30], [sflag:$0x6], $0x20, s26, s20, $0xb8;
	[tilespmem:$0x12E40] =	vst v63  }
0xee: {  	_ =	swait.ge [sflag:s18], $0xA00  }
0xef: {  	[sflag:s18] =	ssyncset.done $0x0  }
0xf0: {  	s23 =	simm.s32 $0x640;
	s26 =	simm.s32 $0x2D0;
	[sflag:s18] =	ssyncadd.s32 $0xFFFFF600  }
.LBB2_8:
0xf1: {  	[tilespmem:s30], [sflag:$0x5] =	stream.indirect.gather [hbm4b:s6+s20], $0x20, s26, s20, $0xb8;
	[tilespmem:$0x12E40] =	vst v63  }
0xf2: {  	s3 =	smov.u32 s23  }
0xf3: {  	p1 =	sne.s32 s23, $0x12C00;
	s23 =	sadd.s32 $0x640, s23;
	_ =	swait.ge [sflag:s31], $0xA00  }
0xf4: {  	s26 =	sshra.s32 s3, $0x2;
	[sflag:s31] =	ssyncset.done $0x0  }
0xf5: {  	s3 =	sadd.s32 $0x4E20, s26;
	[sflag:s31] =	ssyncadd.s32 $0xFFFFF600  }
0xf6: {  	[spmem:s2] =	stream.indirect.scatter.add.bf16 [tilespmem:s21], [sflag:$0x6], $0x20, s3, s20, $0xb8;
	[tilespmem:$0x12E40] =	vst v63  }
0xf7: {  	_ =	swait.ge [sflag:s18], $0xA00  }
0xf8: {  	[sflag:s18] =	ssyncset.done $0x0  }
0xf9: {  	s3 =	sadd.s32 $0x190, s26;
	[sflag:s18] =	ssyncadd.s32 $0xFFFFF600  }
0xfa: {  	[tilespmem:s21], [sflag:$0x1] =	stream.indirect.gather [hbm4b:s6+s20], $0x20, s3, s20, $0xb8;
	[tilespmem:$0x12E40] =	vst v63  }
0xfb: {  	_ =	swait.ge [sflag:s0], $0xA00  }
0xfc: {  	[sflag:s0] =	ssyncset.done $0x0  }
0xfd: {  	s3 =	sadd.s32 $0x4E70, s26;
	[sflag:s0] =	ssyncadd.s32 $0xFFFFF600  }
0xfe: {  	[spmem:s2] =	stream.indirect.scatter.add.bf16 [tilespmem:s22], [sflag:$0x6], $0x20, s3, s20, $0xb8;
	[tilespmem:$0x12E40] =	vst v63  }
0xff: {  	_ =	swait.ge [sflag:s18], $0xA00  }
0x100: {  	[sflag:s18] =	ssyncset.done $0x0  }
0x101: {  	s3 =	sadd.s32 $0x1E0, s26;
	[sflag:s18] =	ssyncadd.s32 $0xFFFFF600  }
0x102: {  	[tilespmem:s22], [sflag:$0x2] =	stream.indirect.gather [hbm4b:s6+s20], $0x20, s3, s20, $0xb8;
	[tilespmem:$0x12E40] =	vst v63  }
0x103: {  	_ =	swait.ge [sflag:s1], $0xA00  }
0x104: {  	[sflag:s1] =	ssyncset.done $0x0  }
0x105: {  	s3 =	sadd.s32 $0x4EC0, s26;
	[sflag:s1] =	ssyncadd.s32 $0xFFFFF600  }
0x106: {  	[spmem:s2] =	stream.indirect.scatter.add.bf16 [tilespmem:s24], [sflag:$0x6], $0x20, s3, s20, $0xb8;
	[tilespmem:$0x12E40] =	vst v63  }
0x107: {  	_ =	swait.ge [sflag:s18], $0xA00  }
0x108: {  	[sflag:s18] =	ssyncset.done $0x0  }
0x109: {  	s3 =	sadd.s32 $0x230, s26;
	[sflag:s18] =	ssyncadd.s32 $0xFFFFF600  }
0x10a: {  	[tilespmem:s24], [sflag:$0x3] =	stream.indirect.gather [hbm4b:s6+s20], $0x20, s3, s20, $0xb8;
	[tilespmem:$0x12E40] =	vst v63  }
0x10b: {  	_ =	swait.ge [sflag:s19], $0xA00  }
0x10c: {  	[sflag:s19] =	ssyncset.done $0x0  }
0x10d: {  	s3 =	sadd.s32 $0x4F10, s26;
	[sflag:s19] =	ssyncadd.s32 $0xFFFFF600  }
0x10e: {  	[spmem:s2] =	stream.indirect.scatter.add.bf16 [tilespmem:s28], [sflag:$0x6], $0x20, s3, s20, $0xb8;
	[tilespmem:$0x12E40] =	vst v63  }
0x10f: {  	_ =	swait.ge [sflag:s18], $0xA00  }
0x110: {  	[sflag:s18] =	ssyncset.done $0x0  }
0x111: {  	s3 =	sadd.s32 $0x280, s26;
	[sflag:s18] =	ssyncadd.s32 $0xFFFFF600  }
0x112: {  	[tilespmem:s28], [sflag:$0x4] =	stream.indirect.gather [hbm4b:s6+s20], $0x20, s3, s20, $0xb8;
	[tilespmem:$0x12E40] =	vst v63  }
0x113: {  	_ =	swait.ge [sflag:s7], $0xA00  }
0x114: {  	[sflag:s7] =	ssyncset.done $0x0  }
.Ltmp6:
0x115: {  	s3 =	sadd.s32 $0x4F60, s26;
	[sflag:s7] =	ssyncadd.s32 $0xFFFFF600;
	(pc) =	sbr.rel @p1 .LBB2_8-.Ltmp6, $4  }
0x116: {  	[spmem:s2] =	stream.indirect.scatter.add.bf16 [tilespmem:s30], [sflag:$0x6], $0x20, s3, s20, $0xb8;
	[tilespmem:$0x12E40] =	vst v63  }
0x117: {  	_ =	swait.ge [sflag:s18], $0xA00  }
0x118: {  	[sflag:s18] =	ssyncset.done $0x0  }
0x119: {  	s26 =	sadd.s32 $0x2D0, s26;
	[sflag:s18] =	ssyncadd.s32 $0xFFFFF600  }
.Ltmp7:
0x11a: {  	_ = 	snop;
	(pc) =	sbr.rel .LBB2_9-.Ltmp7, $1  }
0x11b: {  	_ =	sdelay $0x3  }
.LBB2_11:
0x11c: {  	_ =	sfence.sel $0x180000  }
0x11d: {  	[bflag:$0x0] =	sbarrier.arrive $0xFFFF  }
0x11e: {  	_ =	strace $0x90000050  }
0x11f: {  	s0 =	stileid.u32;
	[bflag:$0x2] =	sbarrier.arrive $0xFFFF  }
0x120: {  	p0 =	sne.s32 s0, $0x0;
	s0 =	rddreg [dreg:$0x3]  }
0x121: {  	s0 =	sadd.s32 @!p0 $0x100000, s0  }
0x122: {  	[sflag:s0] =	ssyncadd.tile.s32 @!p0 $0x1;
	_ =	shalt  }
.Lfunc_end2:
_tile_overlayer_lowered:
.L_overlay_start_2:
0x123: {  	(tag) =	ssettag $0x2  }
0x124: {  	s0 =	rddreg [dreg:$0x0];
	s2 =	stileid.u32  }
0x125: {  	s1 =	rddreg [dreg:$0x1];
	p0 =	sne.s32 s2, $0x0  }
0x126: {  	s3 =	rddreg [dreg:$0x2];
	[bflag:$0x3] =	sbarrier.arrive $0xFFFF;
	s2 =	simm.s32 @!p0 $0x1C06  }
0x127: {  	[timem:s3], [sflag:s2] =	dma.local @!p0 [hbm:s0], s1  }
0x128: {  	s0 =	simm.s32 @!p0 $0x6  }
0x129: {  	_ =	swait.ge @!p0 [sflag:s0], s1  }
0x12a: {  	s1 =	ssub.s32 @!p0 $0x0, s1;
	[sflag:s0] =	ssyncset.done @!p0 $0x0  }
0x12b: {  	[sflag:s0] =	ssyncadd.s32 @!p0 s1  }
0x12c: {  	[bflag:$0x3] =	sbarrier.arrive $0xFFFF  }
0x12d: {  	_ =	shalt  }

</sc_bundles>
